<compile_context>
chip_gen: v7x
topology: tpu7x:2x2x1
jax: 0.10.2.dev20260603
libtpu: 0.0.44.dev20260713+nightly
codegen_flags: <defaults>
</compile_context>

<pallas_src>
import functools

import jax
import jax.numpy as jnp
from jax import lax
from jax.experimental import pallas as pl
from jax.experimental.pallas import tpu as pltpu
from jax.experimental.pallas import tpu_sc as plsc

DIM = 64
BATCH = 16384
MARGIN = 1.0

NUM_CORES = 2
NUM_SUBCORES = 16
NUM_WORKERS = NUM_CORES * NUM_SUBCORES
ROWS_PER_W = BATCH // NUM_WORKERS
CHUNK = 128
CHUNKS_PER_HALF = ROWS_PER_W // CHUNK
GROUPS = CHUNK // 16


def _sc_body(idx_hbm, e_hbm, r_hbm, loss_hbm, pos_hbm, neg_hbm,
             idx_v, hbuf, rbuf, tbuf, dist_v, loss_v, sem):
    wid = lax.axis_index("s") * NUM_CORES + lax.axis_index("c")
    base = wid * ROWS_PER_W

    pltpu.sync_copy(idx_hbm.at[pl.ds(wid * CHUNKS_PER_HALF, CHUNKS_PER_HALF)],
                    idx_v)

    lane = lax.iota(jnp.int32, 16)

    def chunk_body(c, _):
        cc = c % CHUNKS_PER_HALF
        kind0 = (c // CHUNKS_PER_HALF) * 3

        dh = pltpu.async_copy(e_hbm.at[idx_v.at[cc, kind0]], hbuf, sem)
        dr = pltpu.async_copy(r_hbm.at[idx_v.at[cc, kind0 + 1]], rbuf, sem)
        dt = pltpu.async_copy(e_hbm.at[idx_v.at[cc, kind0 + 2]], tbuf, sem)
        dh.wait()
        dr.wait()
        dt.wait()

        def group_body(g, _):
            rows = g * 16 + lane
            nh = jnp.zeros((16,), jnp.float32)
            nt = jnp.zeros((16,), jnp.float32)
            for d in range(DIM):
                col = (lane + d) & (DIM - 1)
                nh = nh + jnp.abs(plsc.load_gather(hbuf, [rows, col]))
                nt = nt + jnp.abs(plsc.load_gather(tbuf, [rows, col]))
            inv_nh = 1.0 / nh
            inv_nt = 1.0 / nt
            acc = jnp.zeros((16,), jnp.float32)
            for d in range(DIM):
                col = (lane + d) & (DIM - 1)
                hv = plsc.load_gather(hbuf, [rows, col])
                rv = plsc.load_gather(rbuf, [rows, col])
                tv = plsc.load_gather(tbuf, [rows, col])
                acc = acc + jnp.abs(hv * inv_nh + rv - tv * inv_nt)
            dist_v[pl.ds(c * CHUNK + g * 16, 16)] = acc
            return 0

        lax.fori_loop(0, GROUPS, group_body, 0)
        return 0

    lax.fori_loop(0, 2 * CHUNKS_PER_HALF, chunk_body, 0)

    for v in range(ROWS_PER_W // 16):
        pv = dist_v[pl.ds(v * 16, 16)]
        nv = dist_v[pl.ds(ROWS_PER_W + v * 16, 16)]
        loss_v[pl.ds(v * 16, 16)] = jnp.maximum(pv - nv + MARGIN, 0.0)

    pltpu.sync_copy(loss_v, loss_hbm.at[pl.ds(base, ROWS_PER_W)])
    pltpu.sync_copy(dist_v.at[pl.ds(0, ROWS_PER_W)],
                    pos_hbm.at[pl.ds(base, ROWS_PER_W)])
    pltpu.sync_copy(dist_v.at[pl.ds(ROWS_PER_W, ROWS_PER_W)],
                    neg_hbm.at[pl.ds(base, ROWS_PER_W)])


@functools.partial(
    pl.kernel,
    out_type=(
        jax.ShapeDtypeStruct((BATCH,), jnp.float32),
        jax.ShapeDtypeStruct((BATCH,), jnp.float32),
        jax.ShapeDtypeStruct((BATCH,), jnp.float32),
    ),
    mesh=plsc.VectorSubcoreMesh(core_axis_name="c", subcore_axis_name="s",
                                num_cores=NUM_CORES,
                                num_subcores=NUM_SUBCORES),
    scratch_types=[
        pltpu.VMEM((CHUNKS_PER_HALF, 6, CHUNK), jnp.int32),
        pltpu.VMEM((CHUNK, DIM), jnp.float32),
        pltpu.VMEM((CHUNK, DIM), jnp.float32),
        pltpu.VMEM((CHUNK, DIM), jnp.float32),
        pltpu.VMEM((2 * ROWS_PER_W,), jnp.float32),
        pltpu.VMEM((ROWS_PER_W,), jnp.float32),
        pltpu.SemaphoreType.DMA,
    ],
    compiler_params=pltpu.CompilerParams(needs_layout_passes=False,
                                         use_tc_tiling_on_sc=False),
)
def _transe_sc(idx_hbm, e_hbm, r_hbm, loss_hbm, pos_hbm, neg_hbm,
               idx_v, hbuf, rbuf, tbuf, dist_v, loss_v, sem):
    _sc_body(idx_hbm, e_hbm, r_hbm, loss_hbm, pos_hbm, neg_hbm,
             idx_v, hbuf, rbuf, tbuf, dist_v, loss_v, sem)


def kernel(pos_triplets, neg_triplets, e_table, r_table):
    p = pos_triplets.astype(jnp.int32).reshape(BATCH // CHUNK, CHUNK, 3)
    n = neg_triplets.astype(jnp.int32).reshape(BATCH // CHUNK, CHUNK, 3)
    idx = jnp.concatenate([p.transpose(0, 2, 1), n.transpose(0, 2, 1)],
                          axis=1)
    loss, pos_d, neg_d = _transe_sc(idx, e_table, r_table)
    return (loss, pos_d, neg_d)

# --- scband reference (transcript-rebuilt; emitter-appended) ---
"""Pipeline reference for scband-trans-e-36575941493150 (READ-ONLY COPY).

The authoritative reference and input builder live on the scoring server;
editing this copy changes nothing except your own understanding.
"""

import jax, jax.numpy as jnp
import numpy as np

E_COUNT = 1000000
R_COUNT = 1000000
DIM = 64
NORM = 1
MARGIN = 1.0
BATCH = 16384


def setup_inputs(seed: int = 0) -> dict:
    key = jax.random.key(seed)
    k1, k2, k3, k4 = jax.random.split(key, 4)
    pos_triplets = jax.random.randint(k1, (BATCH, 3), 0, E_COUNT, dtype=jnp.int64) if jax.config.jax_enable_x64 else jax.random.randint(k1, (BATCH, 3), 0, E_COUNT).astype(jnp.int32)
    neg_triplets = jax.random.randint(k2, (BATCH, 3), 0, E_COUNT, dtype=jnp.int64) if jax.config.jax_enable_x64 else jax.random.randint(k2, (BATCH, 3), 0, E_COUNT).astype(jnp.int32)
    # learned parameters: entity and relation embedding tables (with padding row at index -1)
    e_table = jax.random.normal(k3, (E_COUNT + 1, DIM), dtype=jnp.float32)
    r_table = jax.random.normal(k4, (R_COUNT + 1, DIM), dtype=jnp.float32)
    return {"pos_triplets": pos_triplets, "neg_triplets": neg_triplets, "e_table": e_table, "r_table": r_table}


def _lp_norm(x, p):
    if p == 1:
        return jnp.sum(jnp.abs(x), axis=1)
    return jnp.sqrt(jnp.sum(x * x, axis=1))


def reference(pos_triplets, neg_triplets, e_table, r_table):
    # forward first L1-normalizes entity rows (all except padding row), mirroring the in-place div_
    e_norms = jnp.sum(jnp.abs(e_table[:-1, :]), axis=1, keepdims=True)
    e_tab = jnp.concatenate([e_table[:-1, :] / e_norms, e_table[-1:, :]], axis=0)

    def distance(triplets):
        head = jnp.take(e_tab, triplets[:, 0], axis=0)
        relation = jnp.take(r_table, triplets[:, 1], axis=0)
        tail = jnp.take(e_tab, triplets[:, 2], axis=0)
        return _lp_norm(head + relation - tail, NORM)

    pos_distance = distance(pos_triplets)
    neg_distance = distance(neg_triplets)
    # MarginRankingLoss with target = -1, reduction='none':
    # loss = max(0, -target*(x1 - x2) + margin) = max(0, pos - neg + margin)
    loss = jnp.maximum(pos_distance - neg_distance + MARGIN, 0.0)
    return (loss, pos_distance, neg_distance)

if __name__ == "__main__":
    import jax
    _d = setup_inputs()
    print(jax.jit(kernel)(*tuple(_d.values())))

</pallas_src>

<mosaic_0001>
#map = affine_map<(d0, d1) -> (0, 0, 0)>
#map1 = affine_map<(d0, d1) -> (0, 0)>
#map2 = affine_map<(d0, d1) -> (0)>
module attributes {stable_mosaic.version = 14 : i64} {
  func.func @_transe_sc(%arg0: i32, %arg1: i32, %arg2: memref<128x6x128xi32, #tpu.memory_space<hbm>>, %arg3: memref<1000001x64xf32, #tpu.memory_space<hbm>>, %arg4: memref<1000001x64xf32, #tpu.memory_space<hbm>>, %arg5: memref<16384xf32, #tpu.memory_space<hbm>>, %arg6: memref<16384xf32, #tpu.memory_space<hbm>>, %arg7: memref<16384xf32, #tpu.memory_space<hbm>>, %arg8: memref<4x6x128xi32, #tpu.memory_space<vmem>>, %arg9: memref<128x64xf32, #tpu.memory_space<vmem>>, %arg10: memref<128x64xf32, #tpu.memory_space<vmem>>, %arg11: memref<128x64xf32, #tpu.memory_space<vmem>>, %arg12: memref<1024xf32, #tpu.memory_space<vmem>>, %arg13: memref<512xf32, #tpu.memory_space<vmem>>, %arg14: memref<!tpu.dma_semaphore, #tpu.memory_space<semaphore_mem>>) attributes {dimension_semantics = [#tpu.dimension_semantics<core_parallel>, #tpu.dimension_semantics<subcore_parallel>], iteration_bounds = array<i64: 2, 16>, scalar_prefetch = 0 : i64, scratch_operands = 7 : i64, tpu.core_type = #tpu.core_type<sc_vector_subcore>, window_params = [{transform_indices = #map}, {transform_indices = #map1}, {transform_indices = #map1}, {transform_indices = #map2}, {transform_indices = #map2}, {transform_indices = #map2}]} {
    %mul3A = arith.constant 2 : i32
    %mul3A_0 = arith.muli %arg1, %mul3A : i32
    %add3A = arith.addi %mul3A_0, %arg0 : i32
    %mul3A_1 = arith.constant 512 : i32
    %mul3A_2 = arith.muli %add3A, %mul3A_1 : i32
    %mul3A_3 = arith.constant 4 : i32
    %mul3A_4 = arith.muli %add3A, %mul3A_3 : i32
    "tpu.region"() ({
      %run_scoped3A = tpu.sem_alloc : memref<!tpu.dma_semaphore, #tpu.memory_space<semaphore_mem>>
      %dma_start3A = arith.constant 0 : i32
      %dma_start3A_423 = arith.constant 0 : i32
      %dma_start3A_424 = tpu.memref_slice %arg2[%mul3A_4, %dma_start3A, %dma_start3A_423] : memref<128x6x128xi32, #tpu.memory_space<hbm>> -> memref<4x6x128xi32, #tpu.memory_space<hbm>>
      %dma_start3A_425 = arith.constant 0 : i32
      %dma_start3A_426 = arith.constant 0 : i32
      %dma_start3A_427 = tpu.memref_slice %arg2[%mul3A_4, %dma_start3A_425, %dma_start3A_426] : memref<128x6x128xi32, #tpu.memory_space<hbm>> -> memref<4x6x128xi32, #tpu.memory_space<hbm>>
      tpu.enqueue_dma source(%dma_start3A_427 : memref<4x6x128xi32, #tpu.memory_space<hbm>>) target(%arg8 : memref<4x6x128xi32, #tpu.memory_space<vmem>>) target_semaphore(%run_scoped3A : memref<!tpu.dma_semaphore, #tpu.memory_space<semaphore_mem>>)
      %dma_wait3A = arith.constant 0 : i32
      %dma_wait3A_428 = arith.constant 0 : i32
      %dma_wait3A_429 = tpu.memref_slice %arg2[%mul3A_4, %dma_wait3A, %dma_wait3A_428] : memref<128x6x128xi32, #tpu.memory_space<hbm>> -> memref<4x6x128xi32, #tpu.memory_space<hbm>>
      %dma_wait3A_430 = arith.constant 0 : i32
      %dma_wait3A_431 = arith.constant 0 : i32
      %dma_wait3A_432 = tpu.memref_slice %arg2[%mul3A_4, %dma_wait3A_430, %dma_wait3A_431] : memref<128x6x128xi32, #tpu.memory_space<hbm>> -> memref<4x6x128xi32, #tpu.memory_space<hbm>>
      tpu.wait_dma2 semaphore(%run_scoped3A : memref<!tpu.dma_semaphore, #tpu.memory_space<semaphore_mem>>) src(%dma_wait3A_432 : memref<4x6x128xi32, #tpu.memory_space<hbm>>) dst(%arg8 : memref<4x6x128xi32, #tpu.memory_space<vmem>>)
      tpu.yield
    }) : () -> ()
    %iota3A = tpu.iota {dimensions = array<i32: 0>} : vector<16xi32>
    %scan3A = arith.constant 0 : i32
    %scan3A_5 = arith.constant 0 : i32
    %scan3A_6 = arith.constant 8 : i32
    %scan3A_7 = arith.addi %scan3A_5, %scan3A_6 : i32
    %scan3A_8 = arith.constant 1 : i32
    %scan3A_9 = scf.for %scan3A_423 = %scan3A_5 to %scan3A_7 step %scan3A_8 iter_args(%scan3A_424 = %scan3A) -> (i32)  : i32 {
      %jit3A = arith.constant 4 : i32
      %eq3A = arith.constant 0 : i32
      %eq3A_425 = arith.cmpi eq, %jit3A, %eq3A : i32
      %jit3A_426 = arith.constant 1 : i32
      %select_n3A = arith.select %eq3A_425, %jit3A_426, %jit3A : i32
      %rem3A = arith.remsi %scan3A_423, %select_n3A : i32
      %ne3A = arith.constant 0 : i32
      %ne3A_427 = arith.cmpi ne, %rem3A, %ne3A : i32
      %lt3A = arith.constant 0 : i32
      %lt3A_428 = arith.cmpi slt, %rem3A, %lt3A : i32
      %lt3A_429 = arith.constant 0 : i32
      %lt3A_430 = arith.cmpi slt, %select_n3A, %lt3A_429 : i32
      %ne3A_431 = arith.xori %lt3A_428, %lt3A_430 : i1
      %and3A = arith.andi %ne3A_431, %ne3A_427 : i1
      %add3A_432 = arith.addi %rem3A, %select_n3A : i32
      %select_n3A_433 = arith.select %and3A, %add3A_432, %rem3A : i32
      %jit3A_434 = arith.constant 4 : i32
      %div3A = arith.divsi %scan3A_423, %jit3A_434 : i32
      %sign3A = arith.constant 0 : i32
      %sign3A_435 = arith.cmpi sgt, %scan3A_423, %sign3A : i32
      %sign3A_436 = arith.extui %sign3A_435 : i1 to i32
      %sign3A_437 = arith.constant 0 : i32
      %sign3A_438 = arith.cmpi slt, %scan3A_423, %sign3A_437 : i32
      %sign3A_439 = arith.extui %sign3A_438 : i1 to i32
      %sign3A_440 = arith.subi %sign3A_436, %sign3A_439 : i32
      %sign3A_441 = arith.constant 0 : i32
      %sign3A_442 = arith.cmpi sgt, %jit3A_434, %sign3A_441 : i32
      %sign3A_443 = arith.extui %sign3A_442 : i1 to i32
      %sign3A_444 = arith.constant 0 : i32
      %sign3A_445 = arith.cmpi slt, %jit3A_434, %sign3A_444 : i32
      %sign3A_446 = arith.extui %sign3A_445 : i1 to i32
      %sign3A_447 = arith.subi %sign3A_443, %sign3A_446 : i32
      %ne3A_448 = arith.cmpi ne, %sign3A_440, %sign3A_447 : i32
      %rem3A_449 = arith.remsi %scan3A_423, %jit3A_434 : i32
      %ne3A_450 = arith.constant 0 : i32
      %ne3A_451 = arith.cmpi ne, %rem3A_449, %ne3A_450 : i32
      %and3A_452 = arith.andi %ne3A_448, %ne3A_451 : i1
      %sub3A_453 = arith.constant 1 : i32
      %sub3A_454 = arith.subi %div3A, %sub3A_453 : i32
      %select_n3A_455 = arith.select %and3A_452, %sub3A_454, %div3A : i32
      %mul3A_456 = arith.constant 3 : i32
      %mul3A_457 = arith.muli %select_n3A_455, %mul3A_456 : i32
      %dma_start3A = arith.constant 0 : i32
      %dma_start3A_458 = tpu.memref_slice %arg8[%select_n3A_433, %mul3A_457, %dma_start3A] : memref<4x6x128xi32, #tpu.memory_space<vmem>> -> memref<1x1x128xi32, #tpu.memory_space<vmem>>
      %dma_start3A_459 = tpu.memref_squeeze %dma_start3A_458 : memref<1x1x128xi32, #tpu.memory_space<vmem>> -> memref<128xi32, #tpu.memory_space<vmem>>
      %dma_start3A_460 = arith.constant 0 : i32
      %dma_start3A_461 = arith.constant 0 : i32
      %dma_start3A_462 = tpu.memref_slice %arg3[%dma_start3A_460, %dma_start3A_461] : memref<1000001x64xf32, #tpu.memory_space<hbm>> -> memref<1000001x64xf32, #tpu.memory_space<hbm>>
      tpu.enqueue_indirect_dma source(%dma_start3A_462 : memref<1000001x64xf32, #tpu.memory_space<hbm>>) target(%arg9 : memref<128x64xf32, #tpu.memory_space<vmem>>) offsets(%dma_start3A_459 : memref<128xi32, #tpu.memory_space<vmem>>) semaphore(%arg14 : memref<!tpu.dma_semaphore, #tpu.memory_space<semaphore_mem>>)
      %add3A_463 = arith.constant 1 : i32
      %add3A_464 = arith.addi %mul3A_457, %add3A_463 : i32
      %dma_start3A_465 = arith.constant 0 : i32
      %dma_start3A_466 = tpu.memref_slice %arg8[%select_n3A_433, %add3A_464, %dma_start3A_465] : memref<4x6x128xi32, #tpu.memory_space<vmem>> -> memref<1x1x128xi32, #tpu.memory_space<vmem>>
      %dma_start3A_467 = tpu.memref_squeeze %dma_start3A_466 : memref<1x1x128xi32, #tpu.memory_space<vmem>> -> memref<128xi32, #tpu.memory_space<vmem>>
      %dma_start3A_468 = arith.constant 0 : i32
      %dma_start3A_469 = arith.constant 0 : i32
      %dma_start3A_470 = tpu.memref_slice %arg4[%dma_start3A_468, %dma_start3A_469] : memref<1000001x64xf32, #tpu.memory_space<hbm>> -> memref<1000001x64xf32, #tpu.memory_space<hbm>>
      tpu.enqueue_indirect_dma source(%dma_start3A_470 : memref<1000001x64xf32, #tpu.memory_space<hbm>>) target(%arg10 : memref<128x64xf32, #tpu.memory_space<vmem>>) offsets(%dma_start3A_467 : memref<128xi32, #tpu.memory_space<vmem>>) semaphore(%arg14 : memref<!tpu.dma_semaphore, #tpu.memory_space<semaphore_mem>>)
      %add3A_471 = arith.constant 2 : i32
      %add3A_472 = arith.addi %mul3A_457, %add3A_471 : i32
      %dma_start3A_473 = arith.constant 0 : i32
      %dma_start3A_474 = tpu.memref_slice %arg8[%select_n3A_433, %add3A_472, %dma_start3A_473] : memref<4x6x128xi32, #tpu.memory_space<vmem>> -> memref<1x1x128xi32, #tpu.memory_space<vmem>>
      %dma_start3A_475 = tpu.memref_squeeze %dma_start3A_474 : memref<1x1x128xi32, #tpu.memory_space<vmem>> -> memref<128xi32, #tpu.memory_space<vmem>>
      %dma_start3A_476 = arith.constant 0 : i32
      %dma_start3A_477 = arith.constant 0 : i32
      %dma_start3A_478 = tpu.memref_slice %arg3[%dma_start3A_476, %dma_start3A_477] : memref<1000001x64xf32, #tpu.memory_space<hbm>> -> memref<1000001x64xf32, #tpu.memory_space<hbm>>
      tpu.enqueue_indirect_dma source(%dma_start3A_478 : memref<1000001x64xf32, #tpu.memory_space<hbm>>) target(%arg11 : memref<128x64xf32, #tpu.memory_space<vmem>>) offsets(%dma_start3A_475 : memref<128xi32, #tpu.memory_space<vmem>>) semaphore(%arg14 : memref<!tpu.dma_semaphore, #tpu.memory_space<semaphore_mem>>)
      %dma_wait3A = arith.constant 0 : i32
      %dma_wait3A_479 = tpu.memref_slice %arg8[%select_n3A_433, %mul3A_457, %dma_wait3A] : memref<4x6x128xi32, #tpu.memory_space<vmem>> -> memref<1x1x128xi32, #tpu.memory_space<vmem>>
      %dma_wait3A_480 = tpu.memref_squeeze %dma_wait3A_479 : memref<1x1x128xi32, #tpu.memory_space<vmem>> -> memref<128xi32, #tpu.memory_space<vmem>>
      %dma_wait3A_481 = arith.constant 0 : i32
      %dma_wait3A_482 = arith.constant 0 : i32
      %dma_wait3A_483 = tpu.memref_slice %arg3[%dma_wait3A_481, %dma_wait3A_482] : memref<1000001x64xf32, #tpu.memory_space<hbm>> -> memref<1000001x64xf32, #tpu.memory_space<hbm>>
      tpu.wait_indirect_dma semaphore(%arg14 : memref<!tpu.dma_semaphore, #tpu.memory_space<semaphore_mem>>) src(%dma_wait3A_483 : memref<1000001x64xf32, #tpu.memory_space<hbm>>) dst(%arg9 : memref<128x64xf32, #tpu.memory_space<vmem>>)
      %dma_wait3A_484 = arith.constant 0 : i32
      %dma_wait3A_485 = tpu.memref_slice %arg8[%select_n3A_433, %add3A_464, %dma_wait3A_484] : memref<4x6x128xi32, #tpu.memory_space<vmem>> -> memref<1x1x128xi32, #tpu.memory_space<vmem>>
      %dma_wait3A_486 = tpu.memref_squeeze %dma_wait3A_485 : memref<1x1x128xi32, #tpu.memory_space<vmem>> -> memref<128xi32, #tpu.memory_space<vmem>>
      %dma_wait3A_487 = arith.constant 0 : i32
      %dma_wait3A_488 = arith.constant 0 : i32
      %dma_wait3A_489 = tpu.memref_slice %arg4[%dma_wait3A_487, %dma_wait3A_488] : memref<1000001x64xf32, #tpu.memory_space<hbm>> -> memref<1000001x64xf32, #tpu.memory_space<hbm>>
      tpu.wait_indirect_dma semaphore(%arg14 : memref<!tpu.dma_semaphore, #tpu.memory_space<semaphore_mem>>) src(%dma_wait3A_489 : memref<1000001x64xf32, #tpu.memory_space<hbm>>) dst(%arg10 : memref<128x64xf32, #tpu.memory_space<vmem>>)
      %dma_wait3A_490 = arith.constant 0 : i32
      %dma_wait3A_491 = tpu.memref_slice %arg8[%select_n3A_433, %add3A_472, %dma_wait3A_490] : memref<4x6x128xi32, #tpu.memory_space<vmem>> -> memref<1x1x128xi32, #tpu.memory_space<vmem>>
      %dma_wait3A_492 = tpu.memref_squeeze %dma_wait3A_491 : memref<1x1x128xi32, #tpu.memory_space<vmem>> -> memref<128xi32, #tpu.memory_space<vmem>>
      %dma_wait3A_493 = arith.constant 0 : i32
      %dma_wait3A_494 = arith.constant 0 : i32
      %dma_wait3A_495 = tpu.memref_slice %arg3[%dma_wait3A_493, %dma_wait3A_494] : memref<1000001x64xf32, #tpu.memory_space<hbm>> -> memref<1000001x64xf32, #tpu.memory_space<hbm>>
      tpu.wait_indirect_dma semaphore(%arg14 : memref<!tpu.dma_semaphore, #tpu.memory_space<semaphore_mem>>) src(%dma_wait3A_495 : memref<1000001x64xf32, #tpu.memory_space<hbm>>) dst(%arg11 : memref<128x64xf32, #tpu.memory_space<vmem>>)
      %scan3A_496 = arith.constant 0 : i32
      %scan3A_497 = arith.constant 0 : i32
      %scan3A_498 = arith.constant 8 : i32
      %scan3A_499 = arith.addi %scan3A_497, %scan3A_498 : i32
      %scan3A_500 = arith.constant 1 : i32
      %scan3A_501 = scf.for %scan3A_504 = %scan3A_497 to %scan3A_499 step %scan3A_500 iter_args(%scan3A_505 = %scan3A_496) -> (i32)  : i32 {
        %mul3A_506 = arith.constant 16 : i32
        %mul3A_507 = arith.muli %scan3A_504, %mul3A_506 : i32
        %add3A_508 = vector.broadcast %mul3A_507 : i32 to vector<16xi32>
        %add3A_509 = arith.addi %add3A_508, %iota3A : vector<16xi32>
        %broadcast_in_dim3A = arith.constant 0.000000e+00 : f32
        %broadcast_in_dim3A_510 = vector.broadcast %broadcast_in_dim3A : f32 to vector<16xf32>
        %broadcast_in_dim3A_511 = arith.constant 0.000000e+00 : f32
        %broadcast_in_dim3A_512 = vector.broadcast %broadcast_in_dim3A_511 : f32 to vector<16xf32>
        %add3A_513 = arith.constant 0 : i32
        %add3A_514 = vector.broadcast %add3A_513 : i32 to vector<16xi32>
        %add3A_515 = arith.addi %iota3A, %add3A_514 : vector<16xi32>
        %and3A_516 = arith.constant 63 : i32
        %and3A_517 = vector.broadcast %and3A_516 : i32 to vector<16xi32>
        %and3A_518 = arith.andi %add3A_515, %and3A_517 : vector<16xi32>
        %gather3A = tpu.vector_load_idx %arg9[%add3A_509, %and3A_518] : memref<128x64xf32, #tpu.memory_space<vmem>>[vector<16xi32>, vector<16xi32>], vector<16xf32>,
        %abs3A = math.absf %gather3A : vector<16xf32>
        %add3A_519 = arith.addf %broadcast_in_dim3A_510, %abs3A : vector<16xf32>
        %gather3A_520 = tpu.vector_load_idx %arg11[%add3A_509, %and3A_518] : memref<128x64xf32, #tpu.memory_space<vmem>>[vector<16xi32>, vector<16xi32>], vector<16xf32>,
        %abs3A_521 = math.absf %gather3A_520 : vector<16xf32>
        %add3A_522 = arith.addf %broadcast_in_dim3A_512, %abs3A_521 : vector<16xf32>
        %add3A_523 = arith.constant 1 : i32
        %add3A_524 = vector.broadcast %add3A_523 : i32 to vector<16xi32>
        %add3A_525 = arith.addi %iota3A, %add3A_524 : vector<16xi32>
        %and3A_526 = arith.constant 63 : i32
        %and3A_527 = vector.broadcast %and3A_526 : i32 to vector<16xi32>
        %and3A_528 = arith.andi %add3A_525, %and3A_527 : vector<16xi32>
        %gather3A_529 = tpu.vector_load_idx %arg9[%add3A_509, %and3A_528] : memref<128x64xf32, #tpu.memory_space<vmem>>[vector<16xi32>, vector<16xi32>], vector<16xf32>,
        %abs3A_530 = math.absf %gather3A_529 : vector<16xf32>
        %add3A_531 = arith.addf %add3A_519, %abs3A_530 : vector<16xf32>
        %gather3A_532 = tpu.vector_load_idx %arg11[%add3A_509, %and3A_528] : memref<128x64xf32, #tpu.memory_space<vmem>>[vector<16xi32>, vector<16xi32>], vector<16xf32>,
        %abs3A_533 = math.absf %gather3A_532 : vector<16xf32>
        %add3A_534 = arith.addf %add3A_522, %abs3A_533 : vector<16xf32>
        %add3A_535 = arith.constant 2 : i32
        %add3A_536 = vector.broadcast %add3A_535 : i32 to vector<16xi32>
        %add3A_537 = arith.addi %iota3A, %add3A_536 : vector<16xi32>
        %and3A_538 = arith.constant 63 : i32
        %and3A_539 = vector.broadcast %and3A_538 : i32 to vector<16xi32>
        %and3A_540 = arith.andi %add3A_537, %and3A_539 : vector<16xi32>
        %gather3A_541 = tpu.vector_load_idx %arg9[%add3A_509, %and3A_540] : memref<128x64xf32, #tpu.memory_space<vmem>>[vector<16xi32>, vector<16xi32>], vector<16xf32>,
        %abs3A_542 = math.absf %gather3A_541 : vector<16xf32>
        %add3A_543 = arith.addf %add3A_531, %abs3A_542 : vector<16xf32>
        %gather3A_544 = tpu.vector_load_idx %arg11[%add3A_509, %and3A_540] : memref<128x64xf32, #tpu.memory_space<vmem>>[vector<16xi32>, vector<16xi32>], vector<16xf32>,
        %abs3A_545 = math.absf %gather3A_544 : vector<16xf32>
        %add3A_546 = arith.addf %add3A_534, %abs3A_545 : vector<16xf32>
        %add3A_547 = arith.constant 3 : i32
        %add3A_548 = vector.broadcast %add3A_547 : i32 to vector<16xi32>
        %add3A_549 = arith.addi %iota3A, %add3A_548 : vector<16xi32>
        %and3A_550 = arith.constant 63 : i32
        %and3A_551 = vector.broadcast %and3A_550 : i32 to vector<16xi32>
        %and3A_552 = arith.andi %add3A_549, %and3A_551 : vector<16xi32>
        %gather3A_553 = tpu.vector_load_idx %arg9[%add3A_509, %and3A_552] : memref<128x64xf32, #tpu.memory_space<vmem>>[vector<16xi32>, vector<16xi32>], vector<16xf32>,
        %abs3A_554 = math.absf %gather3A_553 : vector<16xf32>
        %add3A_555 = arith.addf %add3A_543, %abs3A_554 : vector<16xf32>
        %gather3A_556 = tpu.vector_load_idx %arg11[%add3A_509, %and3A_552] : memref<128x64xf32, #tpu.memory_space<vmem>>[vector<16xi32>, vector<16xi32>], vector<16xf32>,
        %abs3A_557 = math.absf %gather3A_556 : vector<16xf32>
        %add3A_558 = arith.addf %add3A_546, %abs3A_557 : vector<16xf32>
        %add3A_559 = arith.constant 4 : i32
        %add3A_560 = vector.broadcast %add3A_559 : i32 to vector<16xi32>
        %add3A_561 = arith.addi %iota3A, %add3A_560 : vector<16xi32>
        %and3A_562 = arith.constant 63 : i32
        %and3A_563 = vector.broadcast %and3A_562 : i32 to vector<16xi32>
        %and3A_564 = arith.andi %add3A_561, %and3A_563 : vector<16xi32>
        %gather3A_565 = tpu.vector_load_idx %arg9[%add3A_509, %and3A_564] : memref<128x64xf32, #tpu.memory_space<vmem>>[vector<16xi32>, vector<16xi32>], vector<16xf32>,
        %abs3A_566 = math.absf %gather3A_565 : vector<16xf32>
        %add3A_567 = arith.addf %add3A_555, %abs3A_566 : vector<16xf32>
        %gather3A_568 = tpu.vector_load_idx %arg11[%add3A_509, %and3A_564] : memref<128x64xf32, #tpu.memory_space<vmem>>[vector<16xi32>, vector<16xi32>], vector<16xf32>,
        %abs3A_569 = math.absf %gather3A_568 : vector<16xf32>
        %add3A_570 = arith.addf %add3A_558, %abs3A_569 : vector<16xf32>
        %add3A_571 = arith.constant 5 : i32
        %add3A_572 = vector.broadcast %add3A_571 : i32 to vector<16xi32>
        %add3A_573 = arith.addi %iota3A, %add3A_572 : vector<16xi32>
        %and3A_574 = arith.constant 63 : i32
        %and3A_575 = vector.broadcast %and3A_574 : i32 to vector<16xi32>
        %and3A_576 = arith.andi %add3A_573, %and3A_575 : vector<16xi32>
        %gather3A_577 = tpu.vector_load_idx %arg9[%add3A_509, %and3A_576] : memref<128x64xf32, #tpu.memory_space<vmem>>[vector<16xi32>, vector<16xi32>], vector<16xf32>,
        %abs3A_578 = math.absf %gather3A_577 : vector<16xf32>
        %add3A_579 = arith.addf %add3A_567, %abs3A_578 : vector<16xf32>
        %gather3A_580 = tpu.vector_load_idx %arg11[%add3A_509, %and3A_576] : memref<128x64xf32, #tpu.memory_space<vmem>>[vector<16xi32>, vector<16xi32>], vector<16xf32>,
        %abs3A_581 = math.absf %gather3A_580 : vector<16xf32>
        %add3A_582 = arith.addf %add3A_570, %abs3A_581 : vector<16xf32>
        %add3A_583 = arith.constant 6 : i32
        %add3A_584 = vector.broadcast %add3A_583 : i32 to vector<16xi32>
        %add3A_585 = arith.addi %iota3A, %add3A_584 : vector<16xi32>
        %and3A_586 = arith.constant 63 : i32
        %and3A_587 = vector.broadcast %and3A_586 : i32 to vector<16xi32>
        %and3A_588 = arith.andi %add3A_585, %and3A_587 : vector<16xi32>
        %gather3A_589 = tpu.vector_load_idx %arg9[%add3A_509, %and3A_588] : memref<128x64xf32, #tpu.memory_space<vmem>>[vector<16xi32>, vector<16xi32>], vector<16xf32>,
        %abs3A_590 = math.absf %gather3A_589 : vector<16xf32>
        %add3A_591 = arith.addf %add3A_579, %abs3A_590 : vector<16xf32>
        %gather3A_592 = tpu.vector_load_idx %arg11[%add3A_509, %and3A_588] : memref<128x64xf32, #tpu.memory_space<vmem>>[vector<16xi32>, vector<16xi32>], vector<16xf32>,
        %abs3A_593 = math.absf %gather3A_592 : vector<16xf32>
        %add3A_594 = arith.addf %add3A_582, %abs3A_593 : vector<16xf32>
        %add3A_595 = arith.constant 7 : i32
        %add3A_596 = vector.broadcast %add3A_595 : i32 to vector<16xi32>
        %add3A_597 = arith.addi %iota3A, %add3A_596 : vector<16xi32>
        %and3A_598 = arith.constant 63 : i32
        %and3A_599 = vector.broadcast %and3A_598 : i32 to vector<16xi32>
        %and3A_600 = arith.andi %add3A_597, %and3A_599 : vector<16xi32>
        %gather3A_601 = tpu.vector_load_idx %arg9[%add3A_509, %and3A_600] : memref<128x64xf32, #tpu.memory_space<vmem>>[vector<16xi32>, vector<16xi32>], vector<16xf32>,
        %abs3A_602 = math.absf %gather3A_601 : vector<16xf32>
        %add3A_603 = arith.addf %add3A_591, %abs3A_602 : vector<16xf32>
        %gather3A_604 = tpu.vector_load_idx %arg11[%add3A_509, %and3A_600] : memref<128x64xf32, #tpu.memory_space<vmem>>[vector<16xi32>, vector<16xi32>], vector<16xf32>,
        %abs3A_605 = math.absf %gather3A_604 : vector<16xf32>
        %add3A_606 = arith.addf %add3A_594, %abs3A_605 : vector<16xf32>
        %add3A_607 = arith.constant 8 : i32
        %add3A_608 = vector.broadcast %add3A_607 : i32 to vector<16xi32>
        %add3A_609 = arith.addi %iota3A, %add3A_608 : vector<16xi32>
        %and3A_610 = arith.constant 63 : i32
        %and3A_611 = vector.broadcast %and3A_610 : i32 to vector<16xi32>
        %and3A_612 = arith.andi %add3A_609, %and3A_611 : vector<16xi32>
        %gather3A_613 = tpu.vector_load_idx %arg9[%add3A_509, %and3A_612] : memref<128x64xf32, #tpu.memory_space<vmem>>[vector<16xi32>, vector<16xi32>], vector<16xf32>,
        %abs3A_614 = math.absf %gather3A_613 : vector<16xf32>
        %add3A_615 = arith.addf %add3A_603, %abs3A_614 : vector<16xf32>
        %gather3A_616 = tpu.vector_load_idx %arg11[%add3A_509, %and3A_612] : memref<128x64xf32, #tpu.memory_space<vmem>>[vector<16xi32>, vector<16xi32>], vector<16xf32>,
        %abs3A_617 = math.absf %gather3A_616 : vector<16xf32>
        %add3A_618 = arith.addf %add3A_606, %abs3A_617 : vector<16xf32>
        %add3A_619 = arith.constant 9 : i32
        %add3A_620 = vector.broadcast %add3A_619 : i32 to vector<16xi32>
        %add3A_621 = arith.addi %iota3A, %add3A_620 : vector<16xi32>
        %and3A_622 = arith.constant 63 : i32
        %and3A_623 = vector.broadcast %and3A_622 : i32 to vector<16xi32>
        %and3A_624 = arith.andi %add3A_621, %and3A_623 : vector<16xi32>
        %gather3A_625 = tpu.vector_load_idx %arg9[%add3A_509, %and3A_624] : memref<128x64xf32, #tpu.memory_space<vmem>>[vector<16xi32>, vector<16xi32>], vector<16xf32>,
        %abs3A_626 = math.absf %gather3A_625 : vector<16xf32>
        %add3A_627 = arith.addf %add3A_615, %abs3A_626 : vector<16xf32>
        %gather3A_628 = tpu.vector_load_idx %arg11[%add3A_509, %and3A_624] : memref<128x64xf32, #tpu.memory_space<vmem>>[vector<16xi32>, vector<16xi32>], vector<16xf32>,
        %abs3A_629 = math.absf %gather3A_628 : vector<16xf32>
        %add3A_630 = arith.addf %add3A_618, %abs3A_629 : vector<16xf32>
        %add3A_631 = arith.constant 10 : i32
        %add3A_632 = vector.broadcast %add3A_631 : i32 to vector<16xi32>
        %add3A_633 = arith.addi %iota3A, %add3A_632 : vector<16xi32>
        %and3A_634 = arith.constant 63 : i32
        %and3A_635 = vector.broadcast %and3A_634 : i32 to vector<16xi32>
        %and3A_636 = arith.andi %add3A_633, %and3A_635 : vector<16xi32>
        %gather3A_637 = tpu.vector_load_idx %arg9[%add3A_509, %and3A_636] : memref<128x64xf32, #tpu.memory_space<vmem>>[vector<16xi32>, vector<16xi32>], vector<16xf32>,
        %abs3A_638 = math.absf %gather3A_637 : vector<16xf32>
        %add3A_639 = arith.addf %add3A_627, %abs3A_638 : vector<16xf32>
        %gather3A_640 = tpu.vector_load_idx %arg11[%add3A_509, %and3A_636] : memref<128x64xf32, #tpu.memory_space<vmem>>[vector<16xi32>, vector<16xi32>], vector<16xf32>,
        %abs3A_641 = math.absf %gather3A_640 : vector<16xf32>
        %add3A_642 = arith.addf %add3A_630, %abs3A_641 : vector<16xf32>
        %add3A_643 = arith.constant 11 : i32
        %add3A_644 = vector.broadcast %add3A_643 : i32 to vector<16xi32>
        %add3A_645 = arith.addi %iota3A, %add3A_644 : vector<16xi32>
        %and3A_646 = arith.constant 63 : i32
        %and3A_647 = vector.broadcast %and3A_646 : i32 to vector<16xi32>
        %and3A_648 = arith.andi %add3A_645, %and3A_647 : vector<16xi32>
        %gather3A_649 = tpu.vector_load_idx %arg9[%add3A_509, %and3A_648] : memref<128x64xf32, #tpu.memory_space<vmem>>[vector<16xi32>, vector<16xi32>], vector<16xf32>,
        %abs3A_650 = math.absf %gather3A_649 : vector<16xf32>
        %add3A_651 = arith.addf %add3A_639, %abs3A_650 : vector<16xf32>
        %gather3A_652 = tpu.vector_load_idx %arg11[%add3A_509, %and3A_648] : memref<128x64xf32, #tpu.memory_space<vmem>>[vector<16xi32>, vector<16xi32>], vector<16xf32>,
        %abs3A_653 = math.absf %gather3A_652 : vector<16xf32>
        %add3A_654 = arith.addf %add3A_642, %abs3A_653 : vector<16xf32>
        %add3A_655 = arith.constant 12 : i32
        %add3A_656 = vector.broadcast %add3A_655 : i32 to vector<16xi32>
        %add3A_657 = arith.addi %iota3A, %add3A_656 : vector<16xi32>
        %and3A_658 = arith.constant 63 : i32
        %and3A_659 = vector.broadcast %and3A_658 : i32 to vector<16xi32>
        %and3A_660 = arith.andi %add3A_657, %and3A_659 : vector<16xi32>
        %gather3A_661 = tpu.vector_load_idx %arg9[%add3A_509, %and3A_660] : memref<128x64xf32, #tpu.memory_space<vmem>>[vector<16xi32>, vector<16xi32>], vector<16xf32>,
        %abs3A_662 = math.absf %gather3A_661 : vector<16xf32>
        %add3A_663 = arith.addf %add3A_651, %abs3A_662 : vector<16xf32>
        %gather3A_664 = tpu.vector_load_idx %arg11[%add3A_509, %and3A_660] : memref<128x64xf32, #tpu.memory_space<vmem>>[vector<16xi32>, vector<16xi32>], vector<16xf32>,
        %abs3A_665 = math.absf %gather3A_664 : vector<16xf32>
        %add3A_666 = arith.addf %add3A_654, %abs3A_665 : vector<16xf32>
        %add3A_667 = arith.constant 13 : i32
        %add3A_668 = vector.broadcast %add3A_667 : i32 to vector<16xi32>
        %add3A_669 = arith.addi %iota3A, %add3A_668 : vector<16xi32>
        %and3A_670 = arith.constant 63 : i32
        %and3A_671 = vector.broadcast %and3A_670 : i32 to vector<16xi32>
        %and3A_672 = arith.andi %add3A_669, %and3A_671 : vector<16xi32>
        %gather3A_673 = tpu.vector_load_idx %arg9[%add3A_509, %and3A_672] : memref<128x64xf32, #tpu.memory_space<vmem>>[vector<16xi32>, vector<16xi32>], vector<16xf32>,
        %abs3A_674 = math.absf %gather3A_673 : vector<16xf32>
        %add3A_675 = arith.addf %add3A_663, %abs3A_674 : vector<16xf32>
        %gather3A_676 = tpu.vector_load_idx %arg11[%add3A_509, %and3A_672] : memref<128x64xf32, #tpu.memory_space<vmem>>[vector<16xi32>, vector<16xi32>], vector<16xf32>,
        %abs3A_677 = math.absf %gather3A_676 : vector<16xf32>
        %add3A_678 = arith.addf %add3A_666, %abs3A_677 : vector<16xf32>
        %add3A_679 = arith.constant 14 : i32
        %add3A_680 = vector.broadcast %add3A_679 : i32 to vector<16xi32>
        %add3A_681 = arith.addi %iota3A, %add3A_680 : vector<16xi32>
        %and3A_682 = arith.constant 63 : i32
        %and3A_683 = vector.broadcast %and3A_682 : i32 to vector<16xi32>
        %and3A_684 = arith.andi %add3A_681, %and3A_683 : vector<16xi32>
        %gather3A_685 = tpu.vector_load_idx %arg9[%add3A_509, %and3A_684] : memref<128x64xf32, #tpu.memory_space<vmem>>[vector<16xi32>, vector<16xi32>], vector<16xf32>,
        %abs3A_686 = math.absf %gather3A_685 : vector<16xf32>
        %add3A_687 = arith.addf %add3A_675, %abs3A_686 : vector<16xf32>
        %gather3A_688 = tpu.vector_load_idx %arg11[%add3A_509, %and3A_684] : memref<128x64xf32, #tpu.memory_space<vmem>>[vector<16xi32>, vector<16xi32>], vector<16xf32>,
        %abs3A_689 = math.absf %gather3A_688 : vector<16xf32>
        %add3A_690 = arith.addf %add3A_678, %abs3A_689 : vector<16xf32>
        %add3A_691 = arith.constant 15 : i32
        %add3A_692 = vector.broadcast %add3A_691 : i32 to vector<16xi32>
        %add3A_693 = arith.addi %iota3A, %add3A_692 : vector<16xi32>
        %and3A_694 = arith.constant 63 : i32
        %and3A_695 = vector.broadcast %and3A_694 : i32 to vector<16xi32>
        %and3A_696 = arith.andi %add3A_693, %and3A_695 : vector<16xi32>
        %gather3A_697 = tpu.vector_load_idx %arg9[%add3A_509, %and3A_696] : memref<128x64xf32, #tpu.memory_space<vmem>>[vector<16xi32>, vector<16xi32>], vector<16xf32>,
        %abs3A_698 = math.absf %gather3A_697 : vector<16xf32>
        %add3A_699 = arith.addf %add3A_687, %abs3A_698 : vector<16xf32>
        %gather3A_700 = tpu.vector_load_idx %arg11[%add3A_509, %and3A_696] : memref<128x64xf32, #tpu.memory_space<vmem>>[vector<16xi32>, vector<16xi32>], vector<16xf32>,
        %abs3A_701 = math.absf %gather3A_700 : vector<16xf32>
        %add3A_702 = arith.addf %add3A_690, %abs3A_701 : vector<16xf32>
        %add3A_703 = arith.constant 16 : i32
        %add3A_704 = vector.broadcast %add3A_703 : i32 to vector<16xi32>
        %add3A_705 = arith.addi %iota3A, %add3A_704 : vector<16xi32>
        %and3A_706 = arith.constant 63 : i32
        %and3A_707 = vector.broadcast %and3A_706 : i32 to vector<16xi32>
        %and3A_708 = arith.andi %add3A_705, %and3A_707 : vector<16xi32>
        %gather3A_709 = tpu.vector_load_idx %arg9[%add3A_509, %and3A_708] : memref<128x64xf32, #tpu.memory_space<vmem>>[vector<16xi32>, vector<16xi32>], vector<16xf32>,
        %abs3A_710 = math.absf %gather3A_709 : vector<16xf32>
        %add3A_711 = arith.addf %add3A_699, %abs3A_710 : vector<16xf32>
        %gather3A_712 = tpu.vector_load_idx %arg11[%add3A_509, %and3A_708] : memref<128x64xf32, #tpu.memory_space<vmem>>[vector<16xi32>, vector<16xi32>], vector<16xf32>,
        %abs3A_713 = math.absf %gather3A_712 : vector<16xf32>
        %add3A_714 = arith.addf %add3A_702, %abs3A_713 : vector<16xf32>
        %add3A_715 = arith.constant 17 : i32
        %add3A_716 = vector.broadcast %add3A_715 : i32 to vector<16xi32>
        %add3A_717 = arith.addi %iota3A, %add3A_716 : vector<16xi32>
        %and3A_718 = arith.constant 63 : i32
        %and3A_719 = vector.broadcast %and3A_718 : i32 to vector<16xi32>
        %and3A_720 = arith.andi %add3A_717, %and3A_719 : vector<16xi32>
        %gather3A_721 = tpu.vector_load_idx %arg9[%add3A_509, %and3A_720] : memref<128x64xf32, #tpu.memory_space<vmem>>[vector<16xi32>, vector<16xi32>], vector<16xf32>,
        %abs3A_722 = math.absf %gather3A_721 : vector<16xf32>
        %add3A_723 = arith.addf %add3A_711, %abs3A_722 : vector<16xf32>
        %gather3A_724 = tpu.vector_load_idx %arg11[%add3A_509, %and3A_720] : memref<128x64xf32, #tpu.memory_space<vmem>>[vector<16xi32>, vector<16xi32>], vector<16xf32>,
        %abs3A_725 = math.absf %gather3A_724 : vector<16xf32>
        %add3A_726 = arith.addf %add3A_714, %abs3A_725 : vector<16xf32>
        %add3A_727 = arith.constant 18 : i32
        %add3A_728 = vector.broadcast %add3A_727 : i32 to vector<16xi32>
        %add3A_729 = arith.addi %iota3A, %add3A_728 : vector<16xi32>
        %and3A_730 = arith.constant 63 : i32
        %and3A_731 = vector.broadcast %and3A_730 : i32 to vector<16xi32>
        %and3A_732 = arith.andi %add3A_729, %and3A_731 : vector<16xi32>
        %gather3A_733 = tpu.vector_load_idx %arg9[%add3A_509, %and3A_732] : memref<128x64xf32, #tpu.memory_space<vmem>>[vector<16xi32>, vector<16xi32>], vector<16xf32>,
        %abs3A_734 = math.absf %gather3A_733 : vector<16xf32>
        %add3A_735 = arith.addf %add3A_723, %abs3A_734 : vector<16xf32>
        %gather3A_736 = tpu.vector_load_idx %arg11[%add3A_509, %and3A_732] : memref<128x64xf32, #tpu.memory_space<vmem>>[vector<16xi32>, vector<16xi32>], vector<16xf32>,
        %abs3A_737 = math.absf %gather3A_736 : vector<16xf32>
        %add3A_738 = arith.addf %add3A_726, %abs3A_737 : vector<16xf32>
        %add3A_739 = arith.constant 19 : i32
        %add3A_740 = vector.broadcast %add3A_739 : i32 to vector<16xi32>
        %add3A_741 = arith.addi %iota3A, %add3A_740 : vector<16xi32>
        %and3A_742 = arith.constant 63 : i32
        %and3A_743 = vector.broadcast %and3A_742 : i32 to vector<16xi32>
        %and3A_744 = arith.andi %add3A_741, %and3A_743 : vector<16xi32>
        %gather3A_745 = tpu.vector_load_idx %arg9[%add3A_509, %and3A_744] : memref<128x64xf32, #tpu.memory_space<vmem>>[vector<16xi32>, vector<16xi32>], vector<16xf32>,
        %abs3A_746 = math.absf %gather3A_745 : vector<16xf32>
        %add3A_747 = arith.addf %add3A_735, %abs3A_746 : vector<16xf32>
        %gather3A_748 = tpu.vector_load_idx %arg11[%add3A_509, %and3A_744] : memref<128x64xf32, #tpu.memory_space<vmem>>[vector<16xi32>, vector<16xi32>], vector<16xf32>,
        %abs3A_749 = math.absf %gather3A_748 : vector<16xf32>
        %add3A_750 = arith.addf %add3A_738, %abs3A_749 : vector<16xf32>
        %add3A_751 = arith.constant 20 : i32
        %add3A_752 = vector.broadcast %add3A_751 : i32 to vector<16xi32>
        %add3A_753 = arith.addi %iota3A, %add3A_752 : vector<16xi32>
        %and3A_754 = arith.constant 63 : i32
        %and3A_755 = vector.broadcast %and3A_754 : i32 to vector<16xi32>
        %and3A_756 = arith.andi %add3A_753, %and3A_755 : vector<16xi32>
        %gather3A_757 = tpu.vector_load_idx %arg9[%add3A_509, %and3A_756] : memref<128x64xf32, #tpu.memory_space<vmem>>[vector<16xi32>, vector<16xi32>], vector<16xf32>,
        %abs3A_758 = math.absf %gather3A_757 : vector<16xf32>
        %add3A_759 = arith.addf %add3A_747, %abs3A_758 : vector<16xf32>
        %gather3A_760 = tpu.vector_load_idx %arg11[%add3A_509, %and3A_756] : memref<128x64xf32, #tpu.memory_space<vmem>>[vector<16xi32>, vector<16xi32>], vector<16xf32>,
        %abs3A_761 = math.absf %gather3A_760 : vector<16xf32>
        %add3A_762 = arith.addf %add3A_750, %abs3A_761 : vector<16xf32>
        %add3A_763 = arith.constant 21 : i32
        %add3A_764 = vector.broadcast %add3A_763 : i32 to vector<16xi32>
        %add3A_765 = arith.addi %iota3A, %add3A_764 : vector<16xi32>
        %and3A_766 = arith.constant 63 : i32
        %and3A_767 = vector.broadcast %and3A_766 : i32 to vector<16xi32>
        %and3A_768 = arith.andi %add3A_765, %and3A_767 : vector<16xi32>
        %gather3A_769 = tpu.vector_load_idx %arg9[%add3A_509, %and3A_768] : memref<128x64xf32, #tpu.memory_space<vmem>>[vector<16xi32>, vector<16xi32>], vector<16xf32>,
        %abs3A_770 = math.absf %gather3A_769 : vector<16xf32>
        %add3A_771 = arith.addf %add3A_759, %abs3A_770 : vector<16xf32>
        %gather3A_772 = tpu.vector_load_idx %arg11[%add3A_509, %and3A_768] : memref<128x64xf32, #tpu.memory_space<vmem>>[vector<16xi32>, vector<16xi32>], vector<16xf32>,
        %abs3A_773 = math.absf %gather3A_772 : vector<16xf32>
        %add3A_774 = arith.addf %add3A_762, %abs3A_773 : vector<16xf32>
        %add3A_775 = arith.constant 22 : i32
        %add3A_776 = vector.broadcast %add3A_775 : i32 to vector<16xi32>
        %add3A_777 = arith.addi %iota3A, %add3A_776 : vector<16xi32>
        %and3A_778 = arith.constant 63 : i32
        %and3A_779 = vector.broadcast %and3A_778 : i32 to vector<16xi32>
        %and3A_780 = arith.andi %add3A_777, %and3A_779 : vector<16xi32>
        %gather3A_781 = tpu.vector_load_idx %arg9[%add3A_509, %and3A_780] : memref<128x64xf32, #tpu.memory_space<vmem>>[vector<16xi32>, vector<16xi32>], vector<16xf32>,
        %abs3A_782 = math.absf %gather3A_781 : vector<16xf32>
        %add3A_783 = arith.addf %add3A_771, %abs3A_782 : vector<16xf32>
        %gather3A_784 = tpu.vector_load_idx %arg11[%add3A_509, %and3A_780] : memref<128x64xf32, #tpu.memory_space<vmem>>[vector<16xi32>, vector<16xi32>], vector<16xf32>,
        %abs3A_785 = math.absf %gather3A_784 : vector<16xf32>
        %add3A_786 = arith.addf %add3A_774, %abs3A_785 : vector<16xf32>
        %add3A_787 = arith.constant 23 : i32
        %add3A_788 = vector.broadcast %add3A_787 : i32 to vector<16xi32>
        %add3A_789 = arith.addi %iota3A, %add3A_788 : vector<16xi32>
        %and3A_790 = arith.constant 63 : i32
        %and3A_791 = vector.broadcast %and3A_790 : i32 to vector<16xi32>
        %and3A_792 = arith.andi %add3A_789, %and3A_791 : vector<16xi32>
        %gather3A_793 = tpu.vector_load_idx %arg9[%add3A_509, %and3A_792] : memref<128x64xf32, #tpu.memory_space<vmem>>[vector<16xi32>, vector<16xi32>], vector<16xf32>,
        %abs3A_794 = math.absf %gather3A_793 : vector<16xf32>
        %add3A_795 = arith.addf %add3A_783, %abs3A_794 : vector<16xf32>
        %gather3A_796 = tpu.vector_load_idx %arg11[%add3A_509, %and3A_792] : memref<128x64xf32, #tpu.memory_space<vmem>>[vector<16xi32>, vector<16xi32>], vector<16xf32>,
        %abs3A_797 = math.absf %gather3A_796 : vector<16xf32>
        %add3A_798 = arith.addf %add3A_786, %abs3A_797 : vector<16xf32>
        %add3A_799 = arith.constant 24 : i32
        %add3A_800 = vector.broadcast %add3A_799 : i32 to vector<16xi32>
        %add3A_801 = arith.addi %iota3A, %add3A_800 : vector<16xi32>
        %and3A_802 = arith.constant 63 : i32
        %and3A_803 = vector.broadcast %and3A_802 : i32 to vector<16xi32>
        %and3A_804 = arith.andi %add3A_801, %and3A_803 : vector<16xi32>
        %gather3A_805 = tpu.vector_load_idx %arg9[%add3A_509, %and3A_804] : memref<128x64xf32, #tpu.memory_space<vmem>>[vector<16xi32>, vector<16xi32>], vector<16xf32>,
        %abs3A_806 = math.absf %gather3A_805 : vector<16xf32>
        %add3A_807 = arith.addf %add3A_795, %abs3A_806 : vector<16xf32>
        %gather3A_808 = tpu.vector_load_idx %arg11[%add3A_509, %and3A_804] : memref<128x64xf32, #tpu.memory_space<vmem>>[vector<16xi32>, vector<16xi32>], vector<16xf32>,
        %abs3A_809 = math.absf %gather3A_808 : vector<16xf32>
        %add3A_810 = arith.addf %add3A_798, %abs3A_809 : vector<16xf32>
        %add3A_811 = arith.constant 25 : i32
        %add3A_812 = vector.broadcast %add3A_811 : i32 to vector<16xi32>
        %add3A_813 = arith.addi %iota3A, %add3A_812 : vector<16xi32>
        %and3A_814 = arith.constant 63 : i32
        %and3A_815 = vector.broadcast %and3A_814 : i32 to vector<16xi32>
        %and3A_816 = arith.andi %add3A_813, %and3A_815 : vector<16xi32>
        %gather3A_817 = tpu.vector_load_idx %arg9[%add3A_509, %and3A_816] : memref<128x64xf32, #tpu.memory_space<vmem>>[vector<16xi32>, vector<16xi32>], vector<16xf32>,
        %abs3A_818 = math.absf %gather3A_817 : vector<16xf32>
        %add3A_819 = arith.addf %add3A_807, %abs3A_818 : vector<16xf32>
        %gather3A_820 = tpu.vector_load_idx %arg11[%add3A_509, %and3A_816] : memref<128x64xf32, #tpu.memory_space<vmem>>[vector<16xi32>, vector<16xi32>], vector<16xf32>,
        %abs3A_821 = math.absf %gather3A_820 : vector<16xf32>
        %add3A_822 = arith.addf %add3A_810, %abs3A_821 : vector<16xf32>
        %add3A_823 = arith.constant 26 : i32
        %add3A_824 = vector.broadcast %add3A_823 : i32 to vector<16xi32>
        %add3A_825 = arith.addi %iota3A, %add3A_824 : vector<16xi32>
        %and3A_826 = arith.constant 63 : i32
        %and3A_827 = vector.broadcast %and3A_826 : i32 to vector<16xi32>
        %and3A_828 = arith.andi %add3A_825, %and3A_827 : vector<16xi32>
        %gather3A_829 = tpu.vector_load_idx %arg9[%add3A_509, %and3A_828] : memref<128x64xf32, #tpu.memory_space<vmem>>[vector<16xi32>, vector<16xi32>], vector<16xf32>,
        %abs3A_830 = math.absf %gather3A_829 : vector<16xf32>
        %add3A_831 = arith.addf %add3A_819, %abs3A_830 : vector<16xf32>
        %gather3A_832 = tpu.vector_load_idx %arg11[%add3A_509, %and3A_828] : memref<128x64xf32, #tpu.memory_space<vmem>>[vector<16xi32>, vector<16xi32>], vector<16xf32>,
        %abs3A_833 = math.absf %gather3A_832 : vector<16xf32>
        %add3A_834 = arith.addf %add3A_822, %abs3A_833 : vector<16xf32>
        %add3A_835 = arith.constant 27 : i32
        %add3A_836 = vector.broadcast %add3A_835 : i32 to vector<16xi32>
        %add3A_837 = arith.addi %iota3A, %add3A_836 : vector<16xi32>
        %and3A_838 = arith.constant 63 : i32
        %and3A_839 = vector.broadcast %and3A_838 : i32 to vector<16xi32>
        %and3A_840 = arith.andi %add3A_837, %and3A_839 : vector<16xi32>
        %gather3A_841 = tpu.vector_load_idx %arg9[%add3A_509, %and3A_840] : memref<128x64xf32, #tpu.memory_space<vmem>>[vector<16xi32>, vector<16xi32>], vector<16xf32>,
        %abs3A_842 = math.absf %gather3A_841 : vector<16xf32>
        %add3A_843 = arith.addf %add3A_831, %abs3A_842 : vector<16xf32>
        %gather3A_844 = tpu.vector_load_idx %arg11[%add3A_509, %and3A_840] : memref<128x64xf32, #tpu.memory_space<vmem>>[vector<16xi32>, vector<16xi32>], vector<16xf32>,
        %abs3A_845 = math.absf %gather3A_844 : vector<16xf32>
        %add3A_846 = arith.addf %add3A_834, %abs3A_845 : vector<16xf32>
        %add3A_847 = arith.constant 28 : i32
        %add3A_848 = vector.broadcast %add3A_847 : i32 to vector<16xi32>
        %add3A_849 = arith.addi %iota3A, %add3A_848 : vector<16xi32>
        %and3A_850 = arith.constant 63 : i32
        %and3A_851 = vector.broadcast %and3A_850 : i32 to vector<16xi32>
        %and3A_852 = arith.andi %add3A_849, %and3A_851 : vector<16xi32>
        %gather3A_853 = tpu.vector_load_idx %arg9[%add3A_509, %and3A_852] : memref<128x64xf32, #tpu.memory_space<vmem>>[vector<16xi32>, vector<16xi32>], vector<16xf32>,
        %abs3A_854 = math.absf %gather3A_853 : vector<16xf32>
        %add3A_855 = arith.addf %add3A_843, %abs3A_854 : vector<16xf32>
        %gather3A_856 = tpu.vector_load_idx %arg11[%add3A_509, %and3A_852] : memref<128x64xf32, #tpu.memory_space<vmem>>[vector<16xi32>, vector<16xi32>], vector<16xf32>,
        %abs3A_857 = math.absf %gather3A_856 : vector<16xf32>
        %add3A_858 = arith.addf %add3A_846, %abs3A_857 : vector<16xf32>
        %add3A_859 = arith.constant 29 : i32
        %add3A_860 = vector.broadcast %add3A_859 : i32 to vector<16xi32>
        %add3A_861 = arith.addi %iota3A, %add3A_860 : vector<16xi32>
        %and3A_862 = arith.constant 63 : i32
        %and3A_863 = vector.broadcast %and3A_862 : i32 to vector<16xi32>
        %and3A_864 = arith.andi %add3A_861, %and3A_863 : vector<16xi32>
        %gather3A_865 = tpu.vector_load_idx %arg9[%add3A_509, %and3A_864] : memref<128x64xf32, #tpu.memory_space<vmem>>[vector<16xi32>, vector<16xi32>], vector<16xf32>,
        %abs3A_866 = math.absf %gather3A_865 : vector<16xf32>
        %add3A_867 = arith.addf %add3A_855, %abs3A_866 : vector<16xf32>
        %gather3A_868 = tpu.vector_load_idx %arg11[%add3A_509, %and3A_864] : memref<128x64xf32, #tpu.memory_space<vmem>>[vector<16xi32>, vector<16xi32>], vector<16xf32>,
        %abs3A_869 = math.absf %gather3A_868 : vector<16xf32>
        %add3A_870 = arith.addf %add3A_858, %abs3A_869 : vector<16xf32>
        %add3A_871 = arith.constant 30 : i32
        %add3A_872 = vector.broadcast %add3A_871 : i32 to vector<16xi32>
        %add3A_873 = arith.addi %iota3A, %add3A_872 : vector<16xi32>
        %and3A_874 = arith.constant 63 : i32
        %and3A_875 = vector.broadcast %and3A_874 : i32 to vector<16xi32>
        %and3A_876 = arith.andi %add3A_873, %and3A_875 : vector<16xi32>
        %gather3A_877 = tpu.vector_load_idx %arg9[%add3A_509, %and3A_876] : memref<128x64xf32, #tpu.memory_space<vmem>>[vector<16xi32>, vector<16xi32>], vector<16xf32>,
        %abs3A_878 = math.absf %gather3A_877 : vector<16xf32>
        %add3A_879 = arith.addf %add3A_867, %abs3A_878 : vector<16xf32>
        %gather3A_880 = tpu.vector_load_idx %arg11[%add3A_509, %and3A_876] : memref<128x64xf32, #tpu.memory_space<vmem>>[vector<16xi32>, vector<16xi32>], vector<16xf32>,
        %abs3A_881 = math.absf %gather3A_880 : vector<16xf32>
        %add3A_882 = arith.addf %add3A_870, %abs3A_881 : vector<16xf32>
        %add3A_883 = arith.constant 31 : i32
        %add3A_884 = vector.broadcast %add3A_883 : i32 to vector<16xi32>
        %add3A_885 = arith.addi %iota3A, %add3A_884 : vector<16xi32>
        %and3A_886 = arith.constant 63 : i32
        %and3A_887 = vector.broadcast %and3A_886 : i32 to vector<16xi32>
        %and3A_888 = arith.andi %add3A_885, %and3A_887 : vector<16xi32>
        %gather3A_889 = tpu.vector_load_idx %arg9[%add3A_509, %and3A_888] : memref<128x64xf32, #tpu.memory_space<vmem>>[vector<16xi32>, vector<16xi32>], vector<16xf32>,
        %abs3A_890 = math.absf %gather3A_889 : vector<16xf32>
        %add3A_891 = arith.addf %add3A_879, %abs3A_890 : vector<16xf32>
        %gather3A_892 = tpu.vector_load_idx %arg11[%add3A_509, %and3A_888] : memref<128x64xf32, #tpu.memory_space<vmem>>[vector<16xi32>, vector<16xi32>], vector<16xf32>,
        %abs3A_893 = math.absf %gather3A_892 : vector<16xf32>
        %add3A_894 = arith.addf %add3A_882, %abs3A_893 : vector<16xf32>
        %add3A_895 = arith.constant 32 : i32
        %add3A_896 = vector.broadcast %add3A_895 : i32 to vector<16xi32>
        %add3A_897 = arith.addi %iota3A, %add3A_896 : vector<16xi32>
        %and3A_898 = arith.constant 63 : i32
        %and3A_899 = vector.broadcast %and3A_898 : i32 to vector<16xi32>
        %and3A_900 = arith.andi %add3A_897, %and3A_899 : vector<16xi32>
        %gather3A_901 = tpu.vector_load_idx %arg9[%add3A_509, %and3A_900] : memref<128x64xf32, #tpu.memory_space<vmem>>[vector<16xi32>, vector<16xi32>], vector<16xf32>,
        %abs3A_902 = math.absf %gather3A_901 : vector<16xf32>
        %add3A_903 = arith.addf %add3A_891, %abs3A_902 : vector<16xf32>
        %gather3A_904 = tpu.vector_load_idx %arg11[%add3A_509, %and3A_900] : memref<128x64xf32, #tpu.memory_space<vmem>>[vector<16xi32>, vector<16xi32>], vector<16xf32>,
        %abs3A_905 = math.absf %gather3A_904 : vector<16xf32>
        %add3A_906 = arith.addf %add3A_894, %abs3A_905 : vector<16xf32>
        %add3A_907 = arith.constant 33 : i32
        %add3A_908 = vector.broadcast %add3A_907 : i32 to vector<16xi32>
        %add3A_909 = arith.addi %iota3A, %add3A_908 : vector<16xi32>
        %and3A_910 = arith.constant 63 : i32
        %and3A_911 = vector.broadcast %and3A_910 : i32 to vector<16xi32>
        %and3A_912 = arith.andi %add3A_909, %and3A_911 : vector<16xi32>
        %gather3A_913 = tpu.vector_load_idx %arg9[%add3A_509, %and3A_912] : memref<128x64xf32, #tpu.memory_space<vmem>>[vector<16xi32>, vector<16xi32>], vector<16xf32>,
        %abs3A_914 = math.absf %gather3A_913 : vector<16xf32>
        %add3A_915 = arith.addf %add3A_903, %abs3A_914 : vector<16xf32>
        %gather3A_916 = tpu.vector_load_idx %arg11[%add3A_509, %and3A_912] : memref<128x64xf32, #tpu.memory_space<vmem>>[vector<16xi32>, vector<16xi32>], vector<16xf32>,
        %abs3A_917 = math.absf %gather3A_916 : vector<16xf32>
        %add3A_918 = arith.addf %add3A_906, %abs3A_917 : vector<16xf32>
        %add3A_919 = arith.constant 34 : i32
        %add3A_920 = vector.broadcast %add3A_919 : i32 to vector<16xi32>
        %add3A_921 = arith.addi %iota3A, %add3A_920 : vector<16xi32>
        %and3A_922 = arith.constant 63 : i32
        %and3A_923 = vector.broadcast %and3A_922 : i32 to vector<16xi32>
        %and3A_924 = arith.andi %add3A_921, %and3A_923 : vector<16xi32>
        %gather3A_925 = tpu.vector_load_idx %arg9[%add3A_509, %and3A_924] : memref<128x64xf32, #tpu.memory_space<vmem>>[vector<16xi32>, vector<16xi32>], vector<16xf32>,
        %abs3A_926 = math.absf %gather3A_925 : vector<16xf32>
        %add3A_927 = arith.addf %add3A_915, %abs3A_926 : vector<16xf32>
        %gather3A_928 = tpu.vector_load_idx %arg11[%add3A_509, %and3A_924] : memref<128x64xf32, #tpu.memory_space<vmem>>[vector<16xi32>, vector<16xi32>], vector<16xf32>,
        %abs3A_929 = math.absf %gather3A_928 : vector<16xf32>
        %add3A_930 = arith.addf %add3A_918, %abs3A_929 : vector<16xf32>
        %add3A_931 = arith.constant 35 : i32
        %add3A_932 = vector.broadcast %add3A_931 : i32 to vector<16xi32>
        %add3A_933 = arith.addi %iota3A, %add3A_932 : vector<16xi32>
        %and3A_934 = arith.constant 63 : i32
        %and3A_935 = vector.broadcast %and3A_934 : i32 to vector<16xi32>
        %and3A_936 = arith.andi %add3A_933, %and3A_935 : vector<16xi32>
        %gather3A_937 = tpu.vector_load_idx %arg9[%add3A_509, %and3A_936] : memref<128x64xf32, #tpu.memory_space<vmem>>[vector<16xi32>, vector<16xi32>], vector<16xf32>,
        %abs3A_938 = math.absf %gather3A_937 : vector<16xf32>
        %add3A_939 = arith.addf %add3A_927, %abs3A_938 : vector<16xf32>
        %gather3A_940 = tpu.vector_load_idx %arg11[%add3A_509, %and3A_936] : memref<128x64xf32, #tpu.memory_space<vmem>>[vector<16xi32>, vector<16xi32>], vector<16xf32>,
        %abs3A_941 = math.absf %gather3A_940 : vector<16xf32>
        %add3A_942 = arith.addf %add3A_930, %abs3A_941 : vector<16xf32>
        %add3A_943 = arith.constant 36 : i32
        %add3A_944 = vector.broadcast %add3A_943 : i32 to vector<16xi32>
        %add3A_945 = arith.addi %iota3A, %add3A_944 : vector<16xi32>
        %and3A_946 = arith.constant 63 : i32
        %and3A_947 = vector.broadcast %and3A_946 : i32 to vector<16xi32>
        %and3A_948 = arith.andi %add3A_945, %and3A_947 : vector<16xi32>
        %gather3A_949 = tpu.vector_load_idx %arg9[%add3A_509, %and3A_948] : memref<128x64xf32, #tpu.memory_space<vmem>>[vector<16xi32>, vector<16xi32>], vector<16xf32>,
        %abs3A_950 = math.absf %gather3A_949 : vector<16xf32>
        %add3A_951 = arith.addf %add3A_939, %abs3A_950 : vector<16xf32>
        %gather3A_952 = tpu.vector_load_idx %arg11[%add3A_509, %and3A_948] : memref<128x64xf32, #tpu.memory_space<vmem>>[vector<16xi32>, vector<16xi32>], vector<16xf32>,
        %abs3A_953 = math.absf %gather3A_952 : vector<16xf32>
        %add3A_954 = arith.addf %add3A_942, %abs3A_953 : vector<16xf32>
        %add3A_955 = arith.constant 37 : i32
        %add3A_956 = vector.broadcast %add3A_955 : i32 to vector<16xi32>
        %add3A_957 = arith.addi %iota3A, %add3A_956 : vector<16xi32>
        %and3A_958 = arith.constant 63 : i32
        %and3A_959 = vector.broadcast %and3A_958 : i32 to vector<16xi32>
        %and3A_960 = arith.andi %add3A_957, %and3A_959 : vector<16xi32>
        %gather3A_961 = tpu.vector_load_idx %arg9[%add3A_509, %and3A_960] : memref<128x64xf32, #tpu.memory_space<vmem>>[vector<16xi32>, vector<16xi32>], vector<16xf32>,
        %abs3A_962 = math.absf %gather3A_961 : vector<16xf32>
        %add3A_963 = arith.addf %add3A_951, %abs3A_962 : vector<16xf32>
        %gather3A_964 = tpu.vector_load_idx %arg11[%add3A_509, %and3A_960] : memref<128x64xf32, #tpu.memory_space<vmem>>[vector<16xi32>, vector<16xi32>], vector<16xf32>,
        %abs3A_965 = math.absf %gather3A_964 : vector<16xf32>
        %add3A_966 = arith.addf %add3A_954, %abs3A_965 : vector<16xf32>
        %add3A_967 = arith.constant 38 : i32
        %add3A_968 = vector.broadcast %add3A_967 : i32 to vector<16xi32>
        %add3A_969 = arith.addi %iota3A, %add3A_968 : vector<16xi32>
        %and3A_970 = arith.constant 63 : i32
        %and3A_971 = vector.broadcast %and3A_970 : i32 to vector<16xi32>
        %and3A_972 = arith.andi %add3A_969, %and3A_971 : vector<16xi32>
        %gather3A_973 = tpu.vector_load_idx %arg9[%add3A_509, %and3A_972] : memref<128x64xf32, #tpu.memory_space<vmem>>[vector<16xi32>, vector<16xi32>], vector<16xf32>,
        %abs3A_974 = math.absf %gather3A_973 : vector<16xf32>
        %add3A_975 = arith.addf %add3A_963, %abs3A_974 : vector<16xf32>
        %gather3A_976 = tpu.vector_load_idx %arg11[%add3A_509, %and3A_972] : memref<128x64xf32, #tpu.memory_space<vmem>>[vector<16xi32>, vector<16xi32>], vector<16xf32>,
        %abs3A_977 = math.absf %gather3A_976 : vector<16xf32>
        %add3A_978 = arith.addf %add3A_966, %abs3A_977 : vector<16xf32>
        %add3A_979 = arith.constant 39 : i32
        %add3A_980 = vector.broadcast %add3A_979 : i32 to vector<16xi32>
        %add3A_981 = arith.addi %iota3A, %add3A_980 : vector<16xi32>
        %and3A_982 = arith.constant 63 : i32
        %and3A_983 = vector.broadcast %and3A_982 : i32 to vector<16xi32>
        %and3A_984 = arith.andi %add3A_981, %and3A_983 : vector<16xi32>
        %gather3A_985 = tpu.vector_load_idx %arg9[%add3A_509, %and3A_984] : memref<128x64xf32, #tpu.memory_space<vmem>>[vector<16xi32>, vector<16xi32>], vector<16xf32>,
        %abs3A_986 = math.absf %gather3A_985 : vector<16xf32>
        %add3A_987 = arith.addf %add3A_975, %abs3A_986 : vector<16xf32>
        %gather3A_988 = tpu.vector_load_idx %arg11[%add3A_509, %and3A_984] : memref<128x64xf32, #tpu.memory_space<vmem>>[vector<16xi32>, vector<16xi32>], vector<16xf32>,
        %abs3A_989 = math.absf %gather3A_988 : vector<16xf32>
        %add3A_990 = arith.addf %add3A_978, %abs3A_989 : vector<16xf32>
        %add3A_991 = arith.constant 40 : i32
        %add3A_992 = vector.broadcast %add3A_991 : i32 to vector<16xi32>
        %add3A_993 = arith.addi %iota3A, %add3A_992 : vector<16xi32>
        %and3A_994 = arith.constant 63 : i32
        %and3A_995 = vector.broadcast %and3A_994 : i32 to vector<16xi32>
        %and3A_996 = arith.andi %add3A_993, %and3A_995 : vector<16xi32>
        %gather3A_997 = tpu.vector_load_idx %arg9[%add3A_509, %and3A_996] : memref<128x64xf32, #tpu.memory_space<vmem>>[vector<16xi32>, vector<16xi32>], vector<16xf32>,
        %abs3A_998 = math.absf %gather3A_997 : vector<16xf32>
        %add3A_999 = arith.addf %add3A_987, %abs3A_998 : vector<16xf32>
        %gather3A_1000 = tpu.vector_load_idx %arg11[%add3A_509, %and3A_996] : memref<128x64xf32, #tpu.memory_space<vmem>>[vector<16xi32>, vector<16xi32>], vector<16xf32>,
        %abs3A_1001 = math.absf %gather3A_1000 : vector<16xf32>
        %add3A_1002 = arith.addf %add3A_990, %abs3A_1001 : vector<16xf32>
        %add3A_1003 = arith.constant 41 : i32
        %add3A_1004 = vector.broadcast %add3A_1003 : i32 to vector<16xi32>
        %add3A_1005 = arith.addi %iota3A, %add3A_1004 : vector<16xi32>
        %and3A_1006 = arith.constant 63 : i32
        %and3A_1007 = vector.broadcast %and3A_1006 : i32 to vector<16xi32>
        %and3A_1008 = arith.andi %add3A_1005, %and3A_1007 : vector<16xi32>
        %gather3A_1009 = tpu.vector_load_idx %arg9[%add3A_509, %and3A_1008] : memref<128x64xf32, #tpu.memory_space<vmem>>[vector<16xi32>, vector<16xi32>], vector<16xf32>,
        %abs3A_1010 = math.absf %gather3A_1009 : vector<16xf32>
        %add3A_1011 = arith.addf %add3A_999, %abs3A_1010 : vector<16xf32>
        %gather3A_1012 = tpu.vector_load_idx %arg11[%add3A_509, %and3A_1008] : memref<128x64xf32, #tpu.memory_space<vmem>>[vector<16xi32>, vector<16xi32>], vector<16xf32>,
        %abs3A_1013 = math.absf %gather3A_1012 : vector<16xf32>
        %add3A_1014 = arith.addf %add3A_1002, %abs3A_1013 : vector<16xf32>
        %add3A_1015 = arith.constant 42 : i32
        %add3A_1016 = vector.broadcast %add3A_1015 : i32 to vector<16xi32>
        %add3A_1017 = arith.addi %iota3A, %add3A_1016 : vector<16xi32>
        %and3A_1018 = arith.constant 63 : i32
        %and3A_1019 = vector.broadcast %and3A_1018 : i32 to vector<16xi32>
        %and3A_1020 = arith.andi %add3A_1017, %and3A_1019 : vector<16xi32>
        %gather3A_1021 = tpu.vector_load_idx %arg9[%add3A_509, %and3A_1020] : memref<128x64xf32, #tpu.memory_space<vmem>>[vector<16xi32>, vector<16xi32>], vector<16xf32>,
        %abs3A_1022 = math.absf %gather3A_1021 : vector<16xf32>
        %add3A_1023 = arith.addf %add3A_1011, %abs3A_1022 : vector<16xf32>
        %gather3A_1024 = tpu.vector_load_idx %arg11[%add3A_509, %and3A_1020] : memref<128x64xf32, #tpu.memory_space<vmem>>[vector<16xi32>, vector<16xi32>], vector<16xf32>,
        %abs3A_1025 = math.absf %gather3A_1024 : vector<16xf32>
        %add3A_1026 = arith.addf %add3A_1014, %abs3A_1025 : vector<16xf32>
        %add3A_1027 = arith.constant 43 : i32
        %add3A_1028 = vector.broadcast %add3A_1027 : i32 to vector<16xi32>
        %add3A_1029 = arith.addi %iota3A, %add3A_1028 : vector<16xi32>
        %and3A_1030 = arith.constant 63 : i32
        %and3A_1031 = vector.broadcast %and3A_1030 : i32 to vector<16xi32>
        %and3A_1032 = arith.andi %add3A_1029, %and3A_1031 : vector<16xi32>
        %gather3A_1033 = tpu.vector_load_idx %arg9[%add3A_509, %and3A_1032] : memref<128x64xf32, #tpu.memory_space<vmem>>[vector<16xi32>, vector<16xi32>], vector<16xf32>,
        %abs3A_1034 = math.absf %gather3A_1033 : vector<16xf32>
        %add3A_1035 = arith.addf %add3A_1023, %abs3A_1034 : vector<16xf32>
        %gather3A_1036 = tpu.vector_load_idx %arg11[%add3A_509, %and3A_1032] : memref<128x64xf32, #tpu.memory_space<vmem>>[vector<16xi32>, vector<16xi32>], vector<16xf32>,
        %abs3A_1037 = math.absf %gather3A_1036 : vector<16xf32>
        %add3A_1038 = arith.addf %add3A_1026, %abs3A_1037 : vector<16xf32>
        %add3A_1039 = arith.constant 44 : i32
        %add3A_1040 = vector.broadcast %add3A_1039 : i32 to vector<16xi32>
        %add3A_1041 = arith.addi %iota3A, %add3A_1040 : vector<16xi32>
        %and3A_1042 = arith.constant 63 : i32
        %and3A_1043 = vector.broadcast %and3A_1042 : i32 to vector<16xi32>
        %and3A_1044 = arith.andi %add3A_1041, %and3A_1043 : vector<16xi32>
        %gather3A_1045 = tpu.vector_load_idx %arg9[%add3A_509, %and3A_1044] : memref<128x64xf32, #tpu.memory_space<vmem>>[vector<16xi32>, vector<16xi32>], vector<16xf32>,
        %abs3A_1046 = math.absf %gather3A_1045 : vector<16xf32>
        %add3A_1047 = arith.addf %add3A_1035, %abs3A_1046 : vector<16xf32>
        %gather3A_1048 = tpu.vector_load_idx %arg11[%add3A_509, %and3A_1044] : memref<128x64xf32, #tpu.memory_space<vmem>>[vector<16xi32>, vector<16xi32>], vector<16xf32>,
        %abs3A_1049 = math.absf %gather3A_1048 : vector<16xf32>
        %add3A_1050 = arith.addf %add3A_1038, %abs3A_1049 : vector<16xf32>
        %add3A_1051 = arith.constant 45 : i32
        %add3A_1052 = vector.broadcast %add3A_1051 : i32 to vector<16xi32>
        %add3A_1053 = arith.addi %iota3A, %add3A_1052 : vector<16xi32>
        %and3A_1054 = arith.constant 63 : i32
        %and3A_1055 = vector.broadcast %and3A_1054 : i32 to vector<16xi32>
        %and3A_1056 = arith.andi %add3A_1053, %and3A_1055 : vector<16xi32>
        %gather3A_1057 = tpu.vector_load_idx %arg9[%add3A_509, %and3A_1056] : memref<128x64xf32, #tpu.memory_space<vmem>>[vector<16xi32>, vector<16xi32>], vector<16xf32>,
        %abs3A_1058 = math.absf %gather3A_1057 : vector<16xf32>
        %add3A_1059 = arith.addf %add3A_1047, %abs3A_1058 : vector<16xf32>
        %gather3A_1060 = tpu.vector_load_idx %arg11[%add3A_509, %and3A_1056] : memref<128x64xf32, #tpu.memory_space<vmem>>[vector<16xi32>, vector<16xi32>], vector<16xf32>,
        %abs3A_1061 = math.absf %gather3A_1060 : vector<16xf32>
        %add3A_1062 = arith.addf %add3A_1050, %abs3A_1061 : vector<16xf32>
        %add3A_1063 = arith.constant 46 : i32
        %add3A_1064 = vector.broadcast %add3A_1063 : i32 to vector<16xi32>
        %add3A_1065 = arith.addi %iota3A, %add3A_1064 : vector<16xi32>
        %and3A_1066 = arith.constant 63 : i32
        %and3A_1067 = vector.broadcast %and3A_1066 : i32 to vector<16xi32>
        %and3A_1068 = arith.andi %add3A_1065, %and3A_1067 : vector<16xi32>
        %gather3A_1069 = tpu.vector_load_idx %arg9[%add3A_509, %and3A_1068] : memref<128x64xf32, #tpu.memory_space<vmem>>[vector<16xi32>, vector<16xi32>], vector<16xf32>,
        %abs3A_1070 = math.absf %gather3A_1069 : vector<16xf32>
        %add3A_1071 = arith.addf %add3A_1059, %abs3A_1070 : vector<16xf32>
        %gather3A_1072 = tpu.vector_load_idx %arg11[%add3A_509, %and3A_1068] : memref<128x64xf32, #tpu.memory_space<vmem>>[vector<16xi32>, vector<16xi32>], vector<16xf32>,
        %abs3A_1073 = math.absf %gather3A_1072 : vector<16xf32>
        %add3A_1074 = arith.addf %add3A_1062, %abs3A_1073 : vector<16xf32>
        %add3A_1075 = arith.constant 47 : i32
        %add3A_1076 = vector.broadcast %add3A_1075 : i32 to vector<16xi32>
        %add3A_1077 = arith.addi %iota3A, %add3A_1076 : vector<16xi32>
        %and3A_1078 = arith.constant 63 : i32
        %and3A_1079 = vector.broadcast %and3A_1078 : i32 to vector<16xi32>
        %and3A_1080 = arith.andi %add3A_1077, %and3A_1079 : vector<16xi32>
        %gather3A_1081 = tpu.vector_load_idx %arg9[%add3A_509, %and3A_1080] : memref<128x64xf32, #tpu.memory_space<vmem>>[vector<16xi32>, vector<16xi32>], vector<16xf32>,
        %abs3A_1082 = math.absf %gather3A_1081 : vector<16xf32>
        %add3A_1083 = arith.addf %add3A_1071, %abs3A_1082 : vector<16xf32>
        %gather3A_1084 = tpu.vector_load_idx %arg11[%add3A_509, %and3A_1080] : memref<128x64xf32, #tpu.memory_space<vmem>>[vector<16xi32>, vector<16xi32>], vector<16xf32>,
        %abs3A_1085 = math.absf %gather3A_1084 : vector<16xf32>
        %add3A_1086 = arith.addf %add3A_1074, %abs3A_1085 : vector<16xf32>
        %add3A_1087 = arith.constant 48 : i32
        %add3A_1088 = vector.broadcast %add3A_1087 : i32 to vector<16xi32>
        %add3A_1089 = arith.addi %iota3A, %add3A_1088 : vector<16xi32>
        %and3A_1090 = arith.constant 63 : i32
        %and3A_1091 = vector.broadcast %and3A_1090 : i32 to vector<16xi32>
        %and3A_1092 = arith.andi %add3A_1089, %and3A_1091 : vector<16xi32>
        %gather3A_1093 = tpu.vector_load_idx %arg9[%add3A_509, %and3A_1092] : memref<128x64xf32, #tpu.memory_space<vmem>>[vector<16xi32>, vector<16xi32>], vector<16xf32>,
        %abs3A_1094 = math.absf %gather3A_1093 : vector<16xf32>
        %add3A_1095 = arith.addf %add3A_1083, %abs3A_1094 : vector<16xf32>
        %gather3A_1096 = tpu.vector_load_idx %arg11[%add3A_509, %and3A_1092] : memref<128x64xf32, #tpu.memory_space<vmem>>[vector<16xi32>, vector<16xi32>], vector<16xf32>,
        %abs3A_1097 = math.absf %gather3A_1096 : vector<16xf32>
        %add3A_1098 = arith.addf %add3A_1086, %abs3A_1097 : vector<16xf32>
        %add3A_1099 = arith.constant 49 : i32
        %add3A_1100 = vector.broadcast %add3A_1099 : i32 to vector<16xi32>
        %add3A_1101 = arith.addi %iota3A, %add3A_1100 : vector<16xi32>
        %and3A_1102 = arith.constant 63 : i32
        %and3A_1103 = vector.broadcast %and3A_1102 : i32 to vector<16xi32>
        %and3A_1104 = arith.andi %add3A_1101, %and3A_1103 : vector<16xi32>
        %gather3A_1105 = tpu.vector_load_idx %arg9[%add3A_509, %and3A_1104] : memref<128x64xf32, #tpu.memory_space<vmem>>[vector<16xi32>, vector<16xi32>], vector<16xf32>,
        %abs3A_1106 = math.absf %gather3A_1105 : vector<16xf32>
        %add3A_1107 = arith.addf %add3A_1095, %abs3A_1106 : vector<16xf32>
        %gather3A_1108 = tpu.vector_load_idx %arg11[%add3A_509, %and3A_1104] : memref<128x64xf32, #tpu.memory_space<vmem>>[vector<16xi32>, vector<16xi32>], vector<16xf32>,
        %abs3A_1109 = math.absf %gather3A_1108 : vector<16xf32>
        %add3A_1110 = arith.addf %add3A_1098, %abs3A_1109 : vector<16xf32>
        %add3A_1111 = arith.constant 50 : i32
        %add3A_1112 = vector.broadcast %add3A_1111 : i32 to vector<16xi32>
        %add3A_1113 = arith.addi %iota3A, %add3A_1112 : vector<16xi32>
        %and3A_1114 = arith.constant 63 : i32
        %and3A_1115 = vector.broadcast %and3A_1114 : i32 to vector<16xi32>
        %and3A_1116 = arith.andi %add3A_1113, %and3A_1115 : vector<16xi32>
        %gather3A_1117 = tpu.vector_load_idx %arg9[%add3A_509, %and3A_1116] : memref<128x64xf32, #tpu.memory_space<vmem>>[vector<16xi32>, vector<16xi32>], vector<16xf32>,
        %abs3A_1118 = math.absf %gather3A_1117 : vector<16xf32>
        %add3A_1119 = arith.addf %add3A_1107, %abs3A_1118 : vector<16xf32>
        %gather3A_1120 = tpu.vector_load_idx %arg11[%add3A_509, %and3A_1116] : memref<128x64xf32, #tpu.memory_space<vmem>>[vector<16xi32>, vector<16xi32>], vector<16xf32>,
        %abs3A_1121 = math.absf %gather3A_1120 : vector<16xf32>
        %add3A_1122 = arith.addf %add3A_1110, %abs3A_1121 : vector<16xf32>
        %add3A_1123 = arith.constant 51 : i32
        %add3A_1124 = vector.broadcast %add3A_1123 : i32 to vector<16xi32>
        %add3A_1125 = arith.addi %iota3A, %add3A_1124 : vector<16xi32>
        %and3A_1126 = arith.constant 63 : i32
        %and3A_1127 = vector.broadcast %and3A_1126 : i32 to vector<16xi32>
        %and3A_1128 = arith.andi %add3A_1125, %and3A_1127 : vector<16xi32>
        %gather3A_1129 = tpu.vector_load_idx %arg9[%add3A_509, %and3A_1128] : memref<128x64xf32, #tpu.memory_space<vmem>>[vector<16xi32>, vector<16xi32>], vector<16xf32>,
        %abs3A_1130 = math.absf %gather3A_1129 : vector<16xf32>
        %add3A_1131 = arith.addf %add3A_1119, %abs3A_1130 : vector<16xf32>
        %gather3A_1132 = tpu.vector_load_idx %arg11[%add3A_509, %and3A_1128] : memref<128x64xf32, #tpu.memory_space<vmem>>[vector<16xi32>, vector<16xi32>], vector<16xf32>,
        %abs3A_1133 = math.absf %gather3A_1132 : vector<16xf32>
        %add3A_1134 = arith.addf %add3A_1122, %abs3A_1133 : vector<16xf32>
        %add3A_1135 = arith.constant 52 : i32
        %add3A_1136 = vector.broadcast %add3A_1135 : i32 to vector<16xi32>
        %add3A_1137 = arith.addi %iota3A, %add3A_1136 : vector<16xi32>
        %and3A_1138 = arith.constant 63 : i32
        %and3A_1139 = vector.broadcast %and3A_1138 : i32 to vector<16xi32>
        %and3A_1140 = arith.andi %add3A_1137, %and3A_1139 : vector<16xi32>
        %gather3A_1141 = tpu.vector_load_idx %arg9[%add3A_509, %and3A_1140] : memref<128x64xf32, #tpu.memory_space<vmem>>[vector<16xi32>, vector<16xi32>], vector<16xf32>,
        %abs3A_1142 = math.absf %gather3A_1141 : vector<16xf32>
        %add3A_1143 = arith.addf %add3A_1131, %abs3A_1142 : vector<16xf32>
        %gather3A_1144 = tpu.vector_load_idx %arg11[%add3A_509, %and3A_1140] : memref<128x64xf32, #tpu.memory_space<vmem>>[vector<16xi32>, vector<16xi32>], vector<16xf32>,
        %abs3A_1145 = math.absf %gather3A_1144 : vector<16xf32>
        %add3A_1146 = arith.addf %add3A_1134, %abs3A_1145 : vector<16xf32>
        %add3A_1147 = arith.constant 53 : i32
        %add3A_1148 = vector.broadcast %add3A_1147 : i32 to vector<16xi32>
        %add3A_1149 = arith.addi %iota3A, %add3A_1148 : vector<16xi32>
        %and3A_1150 = arith.constant 63 : i32
        %and3A_1151 = vector.broadcast %and3A_1150 : i32 to vector<16xi32>
        %and3A_1152 = arith.andi %add3A_1149, %and3A_1151 : vector<16xi32>
        %gather3A_1153 = tpu.vector_load_idx %arg9[%add3A_509, %and3A_1152] : memref<128x64xf32, #tpu.memory_space<vmem>>[vector<16xi32>, vector<16xi32>], vector<16xf32>,
        %abs3A_1154 = math.absf %gather3A_1153 : vector<16xf32>
        %add3A_1155 = arith.addf %add3A_1143, %abs3A_1154 : vector<16xf32>
        %gather3A_1156 = tpu.vector_load_idx %arg11[%add3A_509, %and3A_1152] : memref<128x64xf32, #tpu.memory_space<vmem>>[vector<16xi32>, vector<16xi32>], vector<16xf32>,
        %abs3A_1157 = math.absf %gather3A_1156 : vector<16xf32>
        %add3A_1158 = arith.addf %add3A_1146, %abs3A_1157 : vector<16xf32>
        %add3A_1159 = arith.constant 54 : i32
        %add3A_1160 = vector.broadcast %add3A_1159 : i32 to vector<16xi32>
        %add3A_1161 = arith.addi %iota3A, %add3A_1160 : vector<16xi32>
        %and3A_1162 = arith.constant 63 : i32
        %and3A_1163 = vector.broadcast %and3A_1162 : i32 to vector<16xi32>
        %and3A_1164 = arith.andi %add3A_1161, %and3A_1163 : vector<16xi32>
        %gather3A_1165 = tpu.vector_load_idx %arg9[%add3A_509, %and3A_1164] : memref<128x64xf32, #tpu.memory_space<vmem>>[vector<16xi32>, vector<16xi32>], vector<16xf32>,
        %abs3A_1166 = math.absf %gather3A_1165 : vector<16xf32>
        %add3A_1167 = arith.addf %add3A_1155, %abs3A_1166 : vector<16xf32>
        %gather3A_1168 = tpu.vector_load_idx %arg11[%add3A_509, %and3A_1164] : memref<128x64xf32, #tpu.memory_space<vmem>>[vector<16xi32>, vector<16xi32>], vector<16xf32>,
        %abs3A_1169 = math.absf %gather3A_1168 : vector<16xf32>
        %add3A_1170 = arith.addf %add3A_1158, %abs3A_1169 : vector<16xf32>
        %add3A_1171 = arith.constant 55 : i32
        %add3A_1172 = vector.broadcast %add3A_1171 : i32 to vector<16xi32>
        %add3A_1173 = arith.addi %iota3A, %add3A_1172 : vector<16xi32>
        %and3A_1174 = arith.constant 63 : i32
        %and3A_1175 = vector.broadcast %and3A_1174 : i32 to vector<16xi32>
        %and3A_1176 = arith.andi %add3A_1173, %and3A_1175 : vector<16xi32>
        %gather3A_1177 = tpu.vector_load_idx %arg9[%add3A_509, %and3A_1176] : memref<128x64xf32, #tpu.memory_space<vmem>>[vector<16xi32>, vector<16xi32>], vector<16xf32>,
        %abs3A_1178 = math.absf %gather3A_1177 : vector<16xf32>
        %add3A_1179 = arith.addf %add3A_1167, %abs3A_1178 : vector<16xf32>
        %gather3A_1180 = tpu.vector_load_idx %arg11[%add3A_509, %and3A_1176] : memref<128x64xf32, #tpu.memory_space<vmem>>[vector<16xi32>, vector<16xi32>], vector<16xf32>,
        %abs3A_1181 = math.absf %gather3A_1180 : vector<16xf32>
        %add3A_1182 = arith.addf %add3A_1170, %abs3A_1181 : vector<16xf32>
        %add3A_1183 = arith.constant 56 : i32
        %add3A_1184 = vector.broadcast %add3A_1183 : i32 to vector<16xi32>
        %add3A_1185 = arith.addi %iota3A, %add3A_1184 : vector<16xi32>
        %and3A_1186 = arith.constant 63 : i32
        %and3A_1187 = vector.broadcast %and3A_1186 : i32 to vector<16xi32>
        %and3A_1188 = arith.andi %add3A_1185, %and3A_1187 : vector<16xi32>
        %gather3A_1189 = tpu.vector_load_idx %arg9[%add3A_509, %and3A_1188] : memref<128x64xf32, #tpu.memory_space<vmem>>[vector<16xi32>, vector<16xi32>], vector<16xf32>,
        %abs3A_1190 = math.absf %gather3A_1189 : vector<16xf32>
        %add3A_1191 = arith.addf %add3A_1179, %abs3A_1190 : vector<16xf32>
        %gather3A_1192 = tpu.vector_load_idx %arg11[%add3A_509, %and3A_1188] : memref<128x64xf32, #tpu.memory_space<vmem>>[vector<16xi32>, vector<16xi32>], vector<16xf32>,
        %abs3A_1193 = math.absf %gather3A_1192 : vector<16xf32>
        %add3A_1194 = arith.addf %add3A_1182, %abs3A_1193 : vector<16xf32>
        %add3A_1195 = arith.constant 57 : i32
        %add3A_1196 = vector.broadcast %add3A_1195 : i32 to vector<16xi32>
        %add3A_1197 = arith.addi %iota3A, %add3A_1196 : vector<16xi32>
        %and3A_1198 = arith.constant 63 : i32
        %and3A_1199 = vector.broadcast %and3A_1198 : i32 to vector<16xi32>
        %and3A_1200 = arith.andi %add3A_1197, %and3A_1199 : vector<16xi32>
        %gather3A_1201 = tpu.vector_load_idx %arg9[%add3A_509, %and3A_1200] : memref<128x64xf32, #tpu.memory_space<vmem>>[vector<16xi32>, vector<16xi32>], vector<16xf32>,
        %abs3A_1202 = math.absf %gather3A_1201 : vector<16xf32>
        %add3A_1203 = arith.addf %add3A_1191, %abs3A_1202 : vector<16xf32>
        %gather3A_1204 = tpu.vector_load_idx %arg11[%add3A_509, %and3A_1200] : memref<128x64xf32, #tpu.memory_space<vmem>>[vector<16xi32>, vector<16xi32>], vector<16xf32>,
        %abs3A_1205 = math.absf %gather3A_1204 : vector<16xf32>
        %add3A_1206 = arith.addf %add3A_1194, %abs3A_1205 : vector<16xf32>
        %add3A_1207 = arith.constant 58 : i32
        %add3A_1208 = vector.broadcast %add3A_1207 : i32 to vector<16xi32>
        %add3A_1209 = arith.addi %iota3A, %add3A_1208 : vector<16xi32>
        %and3A_1210 = arith.constant 63 : i32
        %and3A_1211 = vector.broadcast %and3A_1210 : i32 to vector<16xi32>
        %and3A_1212 = arith.andi %add3A_1209, %and3A_1211 : vector<16xi32>
        %gather3A_1213 = tpu.vector_load_idx %arg9[%add3A_509, %and3A_1212] : memref<128x64xf32, #tpu.memory_space<vmem>>[vector<16xi32>, vector<16xi32>], vector<16xf32>,
        %abs3A_1214 = math.absf %gather3A_1213 : vector<16xf32>
        %add3A_1215 = arith.addf %add3A_1203, %abs3A_1214 : vector<16xf32>
        %gather3A_1216 = tpu.vector_load_idx %arg11[%add3A_509, %and3A_1212] : memref<128x64xf32, #tpu.memory_space<vmem>>[vector<16xi32>, vector<16xi32>], vector<16xf32>,
        %abs3A_1217 = math.absf %gather3A_1216 : vector<16xf32>
        %add3A_1218 = arith.addf %add3A_1206, %abs3A_1217 : vector<16xf32>
        %add3A_1219 = arith.constant 59 : i32
        %add3A_1220 = vector.broadcast %add3A_1219 : i32 to vector<16xi32>
        %add3A_1221 = arith.addi %iota3A, %add3A_1220 : vector<16xi32>
        %and3A_1222 = arith.constant 63 : i32
        %and3A_1223 = vector.broadcast %and3A_1222 : i32 to vector<16xi32>
        %and3A_1224 = arith.andi %add3A_1221, %and3A_1223 : vector<16xi32>
        %gather3A_1225 = tpu.vector_load_idx %arg9[%add3A_509, %and3A_1224] : memref<128x64xf32, #tpu.memory_space<vmem>>[vector<16xi32>, vector<16xi32>], vector<16xf32>,
        %abs3A_1226 = math.absf %gather3A_1225 : vector<16xf32>
        %add3A_1227 = arith.addf %add3A_1215, %abs3A_1226 : vector<16xf32>
        %gather3A_1228 = tpu.vector_load_idx %arg11[%add3A_509, %and3A_1224] : memref<128x64xf32, #tpu.memory_space<vmem>>[vector<16xi32>, vector<16xi32>], vector<16xf32>,
        %abs3A_1229 = math.absf %gather3A_1228 : vector<16xf32>
        %add3A_1230 = arith.addf %add3A_1218, %abs3A_1229 : vector<16xf32>
        %add3A_1231 = arith.constant 60 : i32
        %add3A_1232 = vector.broadcast %add3A_1231 : i32 to vector<16xi32>
        %add3A_1233 = arith.addi %iota3A, %add3A_1232 : vector<16xi32>
        %and3A_1234 = arith.constant 63 : i32
        %and3A_1235 = vector.broadcast %and3A_1234 : i32 to vector<16xi32>
        %and3A_1236 = arith.andi %add3A_1233, %and3A_1235 : vector<16xi32>
        %gather3A_1237 = tpu.vector_load_idx %arg9[%add3A_509, %and3A_1236] : memref<128x64xf32, #tpu.memory_space<vmem>>[vector<16xi32>, vector<16xi32>], vector<16xf32>,
        %abs3A_1238 = math.absf %gather3A_1237 : vector<16xf32>
        %add3A_1239 = arith.addf %add3A_1227, %abs3A_1238 : vector<16xf32>
        %gather3A_1240 = tpu.vector_load_idx %arg11[%add3A_509, %and3A_1236] : memref<128x64xf32, #tpu.memory_space<vmem>>[vector<16xi32>, vector<16xi32>], vector<16xf32>,
        %abs3A_1241 = math.absf %gather3A_1240 : vector<16xf32>
        %add3A_1242 = arith.addf %add3A_1230, %abs3A_1241 : vector<16xf32>
        %add3A_1243 = arith.constant 61 : i32
        %add3A_1244 = vector.broadcast %add3A_1243 : i32 to vector<16xi32>
        %add3A_1245 = arith.addi %iota3A, %add3A_1244 : vector<16xi32>
        %and3A_1246 = arith.constant 63 : i32
        %and3A_1247 = vector.broadcast %and3A_1246 : i32 to vector<16xi32>
        %and3A_1248 = arith.andi %add3A_1245, %and3A_1247 : vector<16xi32>
        %gather3A_1249 = tpu.vector_load_idx %arg9[%add3A_509, %and3A_1248] : memref<128x64xf32, #tpu.memory_space<vmem>>[vector<16xi32>, vector<16xi32>], vector<16xf32>,
        %abs3A_1250 = math.absf %gather3A_1249 : vector<16xf32>
        %add3A_1251 = arith.addf %add3A_1239, %abs3A_1250 : vector<16xf32>
        %gather3A_1252 = tpu.vector_load_idx %arg11[%add3A_509, %and3A_1248] : memref<128x64xf32, #tpu.memory_space<vmem>>[vector<16xi32>, vector<16xi32>], vector<16xf32>,
        %abs3A_1253 = math.absf %gather3A_1252 : vector<16xf32>
        %add3A_1254 = arith.addf %add3A_1242, %abs3A_1253 : vector<16xf32>
        %add3A_1255 = arith.constant 62 : i32
        %add3A_1256 = vector.broadcast %add3A_1255 : i32 to vector<16xi32>
        %add3A_1257 = arith.addi %iota3A, %add3A_1256 : vector<16xi32>
        %and3A_1258 = arith.constant 63 : i32
        %and3A_1259 = vector.broadcast %and3A_1258 : i32 to vector<16xi32>
        %and3A_1260 = arith.andi %add3A_1257, %and3A_1259 : vector<16xi32>
        %gather3A_1261 = tpu.vector_load_idx %arg9[%add3A_509, %and3A_1260] : memref<128x64xf32, #tpu.memory_space<vmem>>[vector<16xi32>, vector<16xi32>], vector<16xf32>,
        %abs3A_1262 = math.absf %gather3A_1261 : vector<16xf32>
        %add3A_1263 = arith.addf %add3A_1251, %abs3A_1262 : vector<16xf32>
        %gather3A_1264 = tpu.vector_load_idx %arg11[%add3A_509, %and3A_1260] : memref<128x64xf32, #tpu.memory_space<vmem>>[vector<16xi32>, vector<16xi32>], vector<16xf32>,
        %abs3A_1265 = math.absf %gather3A_1264 : vector<16xf32>
        %add3A_1266 = arith.addf %add3A_1254, %abs3A_1265 : vector<16xf32>
        %add3A_1267 = arith.constant 63 : i32
        %add3A_1268 = vector.broadcast %add3A_1267 : i32 to vector<16xi32>
        %add3A_1269 = arith.addi %iota3A, %add3A_1268 : vector<16xi32>
        %and3A_1270 = arith.constant 63 : i32
        %and3A_1271 = vector.broadcast %and3A_1270 : i32 to vector<16xi32>
        %and3A_1272 = arith.andi %add3A_1269, %and3A_1271 : vector<16xi32>
        %gather3A_1273 = tpu.vector_load_idx %arg9[%add3A_509, %and3A_1272] : memref<128x64xf32, #tpu.memory_space<vmem>>[vector<16xi32>, vector<16xi32>], vector<16xf32>,
        %abs3A_1274 = math.absf %gather3A_1273 : vector<16xf32>
        %add3A_1275 = arith.addf %add3A_1263, %abs3A_1274 : vector<16xf32>
        %gather3A_1276 = tpu.vector_load_idx %arg11[%add3A_509, %and3A_1272] : memref<128x64xf32, #tpu.memory_space<vmem>>[vector<16xi32>, vector<16xi32>], vector<16xf32>,
        %abs3A_1277 = math.absf %gather3A_1276 : vector<16xf32>
        %add3A_1278 = arith.addf %add3A_1266, %abs3A_1277 : vector<16xf32>
        %div3A_1279 = arith.constant 1.000000e+00 : f32
        %div3A_1280 = vector.broadcast %div3A_1279 : f32 to vector<16xf32>
        %div3A_1281 = arith.divf %div3A_1280, %add3A_1275 : vector<16xf32>
        %div3A_1282 = arith.constant 1.000000e+00 : f32
        %div3A_1283 = vector.broadcast %div3A_1282 : f32 to vector<16xf32>
        %div3A_1284 = arith.divf %div3A_1283, %add3A_1278 : vector<16xf32>
        %broadcast_in_dim3A_1285 = arith.constant 0.000000e+00 : f32
        %broadcast_in_dim3A_1286 = vector.broadcast %broadcast_in_dim3A_1285 : f32 to vector<16xf32>
        %add3A_1287 = arith.constant 0 : i32
        %add3A_1288 = vector.broadcast %add3A_1287 : i32 to vector<16xi32>
        %add3A_1289 = arith.addi %iota3A, %add3A_1288 : vector<16xi32>
        %and3A_1290 = arith.constant 63 : i32
        %and3A_1291 = vector.broadcast %and3A_1290 : i32 to vector<16xi32>
        %and3A_1292 = arith.andi %add3A_1289, %and3A_1291 : vector<16xi32>
        %gather3A_1293 = tpu.vector_load_idx %arg9[%add3A_509, %and3A_1292] : memref<128x64xf32, #tpu.memory_space<vmem>>[vector<16xi32>, vector<16xi32>], vector<16xf32>,
        %gather3A_1294 = tpu.vector_load_idx %arg10[%add3A_509, %and3A_1292] : memref<128x64xf32, #tpu.memory_space<vmem>>[vector<16xi32>, vector<16xi32>], vector<16xf32>,
        %gather3A_1295 = tpu.vector_load_idx %arg11[%add3A_509, %and3A_1292] : memref<128x64xf32, #tpu.memory_space<vmem>>[vector<16xi32>, vector<16xi32>], vector<16xf32>,
        %mul3A_1296 = arith.mulf %gather3A_1293, %div3A_1281 : vector<16xf32>
        %add3A_1297 = arith.addf %mul3A_1296, %gather3A_1294 : vector<16xf32>
        %mul3A_1298 = arith.mulf %gather3A_1295, %div3A_1284 : vector<16xf32>
        %sub3A_1299 = arith.subf %add3A_1297, %mul3A_1298 : vector<16xf32>
        %abs3A_1300 = math.absf %sub3A_1299 : vector<16xf32>
        %add3A_1301 = arith.addf %broadcast_in_dim3A_1286, %abs3A_1300 : vector<16xf32>
        %add3A_1302 = arith.constant 1 : i32
        %add3A_1303 = vector.broadcast %add3A_1302 : i32 to vector<16xi32>
        %add3A_1304 = arith.addi %iota3A, %add3A_1303 : vector<16xi32>
        %and3A_1305 = arith.constant 63 : i32
        %and3A_1306 = vector.broadcast %and3A_1305 : i32 to vector<16xi32>
        %and3A_1307 = arith.andi %add3A_1304, %and3A_1306 : vector<16xi32>
        %gather3A_1308 = tpu.vector_load_idx %arg9[%add3A_509, %and3A_1307] : memref<128x64xf32, #tpu.memory_space<vmem>>[vector<16xi32>, vector<16xi32>], vector<16xf32>,
        %gather3A_1309 = tpu.vector_load_idx %arg10[%add3A_509, %and3A_1307] : memref<128x64xf32, #tpu.memory_space<vmem>>[vector<16xi32>, vector<16xi32>], vector<16xf32>,
        %gather3A_1310 = tpu.vector_load_idx %arg11[%add3A_509, %and3A_1307] : memref<128x64xf32, #tpu.memory_space<vmem>>[vector<16xi32>, vector<16xi32>], vector<16xf32>,
        %mul3A_1311 = arith.mulf %gather3A_1308, %div3A_1281 : vector<16xf32>
        %add3A_1312 = arith.addf %mul3A_1311, %gather3A_1309 : vector<16xf32>
        %mul3A_1313 = arith.mulf %gather3A_1310, %div3A_1284 : vector<16xf32>
        %sub3A_1314 = arith.subf %add3A_1312, %mul3A_1313 : vector<16xf32>
        %abs3A_1315 = math.absf %sub3A_1314 : vector<16xf32>
        %add3A_1316 = arith.addf %add3A_1301, %abs3A_1315 : vector<16xf32>
        %add3A_1317 = arith.constant 2 : i32
        %add3A_1318 = vector.broadcast %add3A_1317 : i32 to vector<16xi32>
        %add3A_1319 = arith.addi %iota3A, %add3A_1318 : vector<16xi32>
        %and3A_1320 = arith.constant 63 : i32
        %and3A_1321 = vector.broadcast %and3A_1320 : i32 to vector<16xi32>
        %and3A_1322 = arith.andi %add3A_1319, %and3A_1321 : vector<16xi32>
        %gather3A_1323 = tpu.vector_load_idx %arg9[%add3A_509, %and3A_1322] : memref<128x64xf32, #tpu.memory_space<vmem>>[vector<16xi32>, vector<16xi32>], vector<16xf32>,
        %gather3A_1324 = tpu.vector_load_idx %arg10[%add3A_509, %and3A_1322] : memref<128x64xf32, #tpu.memory_space<vmem>>[vector<16xi32>, vector<16xi32>], vector<16xf32>,
        %gather3A_1325 = tpu.vector_load_idx %arg11[%add3A_509, %and3A_1322] : memref<128x64xf32, #tpu.memory_space<vmem>>[vector<16xi32>, vector<16xi32>], vector<16xf32>,
        %mul3A_1326 = arith.mulf %gather3A_1323, %div3A_1281 : vector<16xf32>
        %add3A_1327 = arith.addf %mul3A_1326, %gather3A_1324 : vector<16xf32>
        %mul3A_1328 = arith.mulf %gather3A_1325, %div3A_1284 : vector<16xf32>
        %sub3A_1329 = arith.subf %add3A_1327, %mul3A_1328 : vector<16xf32>
        %abs3A_1330 = math.absf %sub3A_1329 : vector<16xf32>
        %add3A_1331 = arith.addf %add3A_1316, %abs3A_1330 : vector<16xf32>
        %add3A_1332 = arith.constant 3 : i32
        %add3A_1333 = vector.broadcast %add3A_1332 : i32 to vector<16xi32>
        %add3A_1334 = arith.addi %iota3A, %add3A_1333 : vector<16xi32>
        %and3A_1335 = arith.constant 63 : i32
        %and3A_1336 = vector.broadcast %and3A_1335 : i32 to vector<16xi32>
        %and3A_1337 = arith.andi %add3A_1334, %and3A_1336 : vector<16xi32>
        %gather3A_1338 = tpu.vector_load_idx %arg9[%add3A_509, %and3A_1337] : memref<128x64xf32, #tpu.memory_space<vmem>>[vector<16xi32>, vector<16xi32>], vector<16xf32>,
        %gather3A_1339 = tpu.vector_load_idx %arg10[%add3A_509, %and3A_1337] : memref<128x64xf32, #tpu.memory_space<vmem>>[vector<16xi32>, vector<16xi32>], vector<16xf32>,
        %gather3A_1340 = tpu.vector_load_idx %arg11[%add3A_509, %and3A_1337] : memref<128x64xf32, #tpu.memory_space<vmem>>[vector<16xi32>, vector<16xi32>], vector<16xf32>,
        %mul3A_1341 = arith.mulf %gather3A_1338, %div3A_1281 : vector<16xf32>
        %add3A_1342 = arith.addf %mul3A_1341, %gather3A_1339 : vector<16xf32>
        %mul3A_1343 = arith.mulf %gather3A_1340, %div3A_1284 : vector<16xf32>
        %sub3A_1344 = arith.subf %add3A_1342, %mul3A_1343 : vector<16xf32>
        %abs3A_1345 = math.absf %sub3A_1344 : vector<16xf32>
        %add3A_1346 = arith.addf %add3A_1331, %abs3A_1345 : vector<16xf32>
        %add3A_1347 = arith.constant 4 : i32
        %add3A_1348 = vector.broadcast %add3A_1347 : i32 to vector<16xi32>
        %add3A_1349 = arith.addi %iota3A, %add3A_1348 : vector<16xi32>
        %and3A_1350 = arith.constant 63 : i32
        %and3A_1351 = vector.broadcast %and3A_1350 : i32 to vector<16xi32>
        %and3A_1352 = arith.andi %add3A_1349, %and3A_1351 : vector<16xi32>
        %gather3A_1353 = tpu.vector_load_idx %arg9[%add3A_509, %and3A_1352] : memref<128x64xf32, #tpu.memory_space<vmem>>[vector<16xi32>, vector<16xi32>], vector<16xf32>,
        %gather3A_1354 = tpu.vector_load_idx %arg10[%add3A_509, %and3A_1352] : memref<128x64xf32, #tpu.memory_space<vmem>>[vector<16xi32>, vector<16xi32>], vector<16xf32>,
        %gather3A_1355 = tpu.vector_load_idx %arg11[%add3A_509, %and3A_1352] : memref<128x64xf32, #tpu.memory_space<vmem>>[vector<16xi32>, vector<16xi32>], vector<16xf32>,
        %mul3A_1356 = arith.mulf %gather3A_1353, %div3A_1281 : vector<16xf32>
        %add3A_1357 = arith.addf %mul3A_1356, %gather3A_1354 : vector<16xf32>
        %mul3A_1358 = arith.mulf %gather3A_1355, %div3A_1284 : vector<16xf32>
        %sub3A_1359 = arith.subf %add3A_1357, %mul3A_1358 : vector<16xf32>
        %abs3A_1360 = math.absf %sub3A_1359 : vector<16xf32>
        %add3A_1361 = arith.addf %add3A_1346, %abs3A_1360 : vector<16xf32>
        %add3A_1362 = arith.constant 5 : i32
        %add3A_1363 = vector.broadcast %add3A_1362 : i32 to vector<16xi32>
        %add3A_1364 = arith.addi %iota3A, %add3A_1363 : vector<16xi32>
        %and3A_1365 = arith.constant 63 : i32
        %and3A_1366 = vector.broadcast %and3A_1365 : i32 to vector<16xi32>
        %and3A_1367 = arith.andi %add3A_1364, %and3A_1366 : vector<16xi32>
        %gather3A_1368 = tpu.vector_load_idx %arg9[%add3A_509, %and3A_1367] : memref<128x64xf32, #tpu.memory_space<vmem>>[vector<16xi32>, vector<16xi32>], vector<16xf32>,
        %gather3A_1369 = tpu.vector_load_idx %arg10[%add3A_509, %and3A_1367] : memref<128x64xf32, #tpu.memory_space<vmem>>[vector<16xi32>, vector<16xi32>], vector<16xf32>,
        %gather3A_1370 = tpu.vector_load_idx %arg11[%add3A_509, %and3A_1367] : memref<128x64xf32, #tpu.memory_space<vmem>>[vector<16xi32>, vector<16xi32>], vector<16xf32>,
        %mul3A_1371 = arith.mulf %gather3A_1368, %div3A_1281 : vector<16xf32>
        %add3A_1372 = arith.addf %mul3A_1371, %gather3A_1369 : vector<16xf32>
        %mul3A_1373 = arith.mulf %gather3A_1370, %div3A_1284 : vector<16xf32>
        %sub3A_1374 = arith.subf %add3A_1372, %mul3A_1373 : vector<16xf32>
        %abs3A_1375 = math.absf %sub3A_1374 : vector<16xf32>
        %add3A_1376 = arith.addf %add3A_1361, %abs3A_1375 : vector<16xf32>
        %add3A_1377 = arith.constant 6 : i32
        %add3A_1378 = vector.broadcast %add3A_1377 : i32 to vector<16xi32>
        %add3A_1379 = arith.addi %iota3A, %add3A_1378 : vector<16xi32>
        %and3A_1380 = arith.constant 63 : i32
        %and3A_1381 = vector.broadcast %and3A_1380 : i32 to vector<16xi32>
        %and3A_1382 = arith.andi %add3A_1379, %and3A_1381 : vector<16xi32>
        %gather3A_1383 = tpu.vector_load_idx %arg9[%add3A_509, %and3A_1382] : memref<128x64xf32, #tpu.memory_space<vmem>>[vector<16xi32>, vector<16xi32>], vector<16xf32>,
        %gather3A_1384 = tpu.vector_load_idx %arg10[%add3A_509, %and3A_1382] : memref<128x64xf32, #tpu.memory_space<vmem>>[vector<16xi32>, vector<16xi32>], vector<16xf32>,
        %gather3A_1385 = tpu.vector_load_idx %arg11[%add3A_509, %and3A_1382] : memref<128x64xf32, #tpu.memory_space<vmem>>[vector<16xi32>, vector<16xi32>], vector<16xf32>,
        %mul3A_1386 = arith.mulf %gather3A_1383, %div3A_1281 : vector<16xf32>
        %add3A_1387 = arith.addf %mul3A_1386, %gather3A_1384 : vector<16xf32>
        %mul3A_1388 = arith.mulf %gather3A_1385, %div3A_1284 : vector<16xf32>
        %sub3A_1389 = arith.subf %add3A_1387, %mul3A_1388 : vector<16xf32>
        %abs3A_1390 = math.absf %sub3A_1389 : vector<16xf32>
        %add3A_1391 = arith.addf %add3A_1376, %abs3A_1390 : vector<16xf32>
        %add3A_1392 = arith.constant 7 : i32
        %add3A_1393 = vector.broadcast %add3A_1392 : i32 to vector<16xi32>
        %add3A_1394 = arith.addi %iota3A, %add3A_1393 : vector<16xi32>
        %and3A_1395 = arith.constant 63 : i32
        %and3A_1396 = vector.broadcast %and3A_1395 : i32 to vector<16xi32>
        %and3A_1397 = arith.andi %add3A_1394, %and3A_1396 : vector<16xi32>
        %gather3A_1398 = tpu.vector_load_idx %arg9[%add3A_509, %and3A_1397] : memref<128x64xf32, #tpu.memory_space<vmem>>[vector<16xi32>, vector<16xi32>], vector<16xf32>,
        %gather3A_1399 = tpu.vector_load_idx %arg10[%add3A_509, %and3A_1397] : memref<128x64xf32, #tpu.memory_space<vmem>>[vector<16xi32>, vector<16xi32>], vector<16xf32>,
        %gather3A_1400 = tpu.vector_load_idx %arg11[%add3A_509, %and3A_1397] : memref<128x64xf32, #tpu.memory_space<vmem>>[vector<16xi32>, vector<16xi32>], vector<16xf32>,
        %mul3A_1401 = arith.mulf %gather3A_1398, %div3A_1281 : vector<16xf32>
        %add3A_1402 = arith.addf %mul3A_1401, %gather3A_1399 : vector<16xf32>
        %mul3A_1403 = arith.mulf %gather3A_1400, %div3A_1284 : vector<16xf32>
        %sub3A_1404 = arith.subf %add3A_1402, %mul3A_1403 : vector<16xf32>
        %abs3A_1405 = math.absf %sub3A_1404 : vector<16xf32>
        %add3A_1406 = arith.addf %add3A_1391, %abs3A_1405 : vector<16xf32>
        %add3A_1407 = arith.constant 8 : i32
        %add3A_1408 = vector.broadcast %add3A_1407 : i32 to vector<16xi32>
        %add3A_1409 = arith.addi %iota3A, %add3A_1408 : vector<16xi32>
        %and3A_1410 = arith.constant 63 : i32
        %and3A_1411 = vector.broadcast %and3A_1410 : i32 to vector<16xi32>
        %and3A_1412 = arith.andi %add3A_1409, %and3A_1411 : vector<16xi32>
        %gather3A_1413 = tpu.vector_load_idx %arg9[%add3A_509, %and3A_1412] : memref<128x64xf32, #tpu.memory_space<vmem>>[vector<16xi32>, vector<16xi32>], vector<16xf32>,
        %gather3A_1414 = tpu.vector_load_idx %arg10[%add3A_509, %and3A_1412] : memref<128x64xf32, #tpu.memory_space<vmem>>[vector<16xi32>, vector<16xi32>], vector<16xf32>,
        %gather3A_1415 = tpu.vector_load_idx %arg11[%add3A_509, %and3A_1412] : memref<128x64xf32, #tpu.memory_space<vmem>>[vector<16xi32>, vector<16xi32>], vector<16xf32>,
        %mul3A_1416 = arith.mulf %gather3A_1413, %div3A_1281 : vector<16xf32>
        %add3A_1417 = arith.addf %mul3A_1416, %gather3A_1414 : vector<16xf32>
        %mul3A_1418 = arith.mulf %gather3A_1415, %div3A_1284 : vector<16xf32>
        %sub3A_1419 = arith.subf %add3A_1417, %mul3A_1418 : vector<16xf32>
        %abs3A_1420 = math.absf %sub3A_1419 : vector<16xf32>
        %add3A_1421 = arith.addf %add3A_1406, %abs3A_1420 : vector<16xf32>
        %add3A_1422 = arith.constant 9 : i32
        %add3A_1423 = vector.broadcast %add3A_1422 : i32 to vector<16xi32>
        %add3A_1424 = arith.addi %iota3A, %add3A_1423 : vector<16xi32>
        %and3A_1425 = arith.constant 63 : i32
        %and3A_1426 = vector.broadcast %and3A_1425 : i32 to vector<16xi32>
        %and3A_1427 = arith.andi %add3A_1424, %and3A_1426 : vector<16xi32>
        %gather3A_1428 = tpu.vector_load_idx %arg9[%add3A_509, %and3A_1427] : memref<128x64xf32, #tpu.memory_space<vmem>>[vector<16xi32>, vector<16xi32>], vector<16xf32>,
        %gather3A_1429 = tpu.vector_load_idx %arg10[%add3A_509, %and3A_1427] : memref<128x64xf32, #tpu.memory_space<vmem>>[vector<16xi32>, vector<16xi32>], vector<16xf32>,
        %gather3A_1430 = tpu.vector_load_idx %arg11[%add3A_509, %and3A_1427] : memref<128x64xf32, #tpu.memory_space<vmem>>[vector<16xi32>, vector<16xi32>], vector<16xf32>,
        %mul3A_1431 = arith.mulf %gather3A_1428, %div3A_1281 : vector<16xf32>
        %add3A_1432 = arith.addf %mul3A_1431, %gather3A_1429 : vector<16xf32>
        %mul3A_1433 = arith.mulf %gather3A_1430, %div3A_1284 : vector<16xf32>
        %sub3A_1434 = arith.subf %add3A_1432, %mul3A_1433 : vector<16xf32>
        %abs3A_1435 = math.absf %sub3A_1434 : vector<16xf32>
        %add3A_1436 = arith.addf %add3A_1421, %abs3A_1435 : vector<16xf32>
        %add3A_1437 = arith.constant 10 : i32
        %add3A_1438 = vector.broadcast %add3A_1437 : i32 to vector<16xi32>
        %add3A_1439 = arith.addi %iota3A, %add3A_1438 : vector<16xi32>
        %and3A_1440 = arith.constant 63 : i32
        %and3A_1441 = vector.broadcast %and3A_1440 : i32 to vector<16xi32>
        %and3A_1442 = arith.andi %add3A_1439, %and3A_1441 : vector<16xi32>
        %gather3A_1443 = tpu.vector_load_idx %arg9[%add3A_509, %and3A_1442] : memref<128x64xf32, #tpu.memory_space<vmem>>[vector<16xi32>, vector<16xi32>], vector<16xf32>,
        %gather3A_1444 = tpu.vector_load_idx %arg10[%add3A_509, %and3A_1442] : memref<128x64xf32, #tpu.memory_space<vmem>>[vector<16xi32>, vector<16xi32>], vector<16xf32>,
        %gather3A_1445 = tpu.vector_load_idx %arg11[%add3A_509, %and3A_1442] : memref<128x64xf32, #tpu.memory_space<vmem>>[vector<16xi32>, vector<16xi32>], vector<16xf32>,
        %mul3A_1446 = arith.mulf %gather3A_1443, %div3A_1281 : vector<16xf32>
        %add3A_1447 = arith.addf %mul3A_1446, %gather3A_1444 : vector<16xf32>
        %mul3A_1448 = arith.mulf %gather3A_1445, %div3A_1284 : vector<16xf32>
        %sub3A_1449 = arith.subf %add3A_1447, %mul3A_1448 : vector<16xf32>
        %abs3A_1450 = math.absf %sub3A_1449 : vector<16xf32>
        %add3A_1451 = arith.addf %add3A_1436, %abs3A_1450 : vector<16xf32>
        %add3A_1452 = arith.constant 11 : i32
        %add3A_1453 = vector.broadcast %add3A_1452 : i32 to vector<16xi32>
        %add3A_1454 = arith.addi %iota3A, %add3A_1453 : vector<16xi32>
        %and3A_1455 = arith.constant 63 : i32
        %and3A_1456 = vector.broadcast %and3A_1455 : i32 to vector<16xi32>
        %and3A_1457 = arith.andi %add3A_1454, %and3A_1456 : vector<16xi32>
        %gather3A_1458 = tpu.vector_load_idx %arg9[%add3A_509, %and3A_1457] : memref<128x64xf32, #tpu.memory_space<vmem>>[vector<16xi32>, vector<16xi32>], vector<16xf32>,
        %gather3A_1459 = tpu.vector_load_idx %arg10[%add3A_509, %and3A_1457] : memref<128x64xf32, #tpu.memory_space<vmem>>[vector<16xi32>, vector<16xi32>], vector<16xf32>,
        %gather3A_1460 = tpu.vector_load_idx %arg11[%add3A_509, %and3A_1457] : memref<128x64xf32, #tpu.memory_space<vmem>>[vector<16xi32>, vector<16xi32>], vector<16xf32>,
        %mul3A_1461 = arith.mulf %gather3A_1458, %div3A_1281 : vector<16xf32>
        %add3A_1462 = arith.addf %mul3A_1461, %gather3A_1459 : vector<16xf32>
        %mul3A_1463 = arith.mulf %gather3A_1460, %div3A_1284 : vector<16xf32>
        %sub3A_1464 = arith.subf %add3A_1462, %mul3A_1463 : vector<16xf32>
        %abs3A_1465 = math.absf %sub3A_1464 : vector<16xf32>
        %add3A_1466 = arith.addf %add3A_1451, %abs3A_1465 : vector<16xf32>
        %add3A_1467 = arith.constant 12 : i32
        %add3A_1468 = vector.broadcast %add3A_1467 : i32 to vector<16xi32>
        %add3A_1469 = arith.addi %iota3A, %add3A_1468 : vector<16xi32>
        %and3A_1470 = arith.constant 63 : i32
        %and3A_1471 = vector.broadcast %and3A_1470 : i32 to vector<16xi32>
        %and3A_1472 = arith.andi %add3A_1469, %and3A_1471 : vector<16xi32>
        %gather3A_1473 = tpu.vector_load_idx %arg9[%add3A_509, %and3A_1472] : memref<128x64xf32, #tpu.memory_space<vmem>>[vector<16xi32>, vector<16xi32>], vector<16xf32>,
        %gather3A_1474 = tpu.vector_load_idx %arg10[%add3A_509, %and3A_1472] : memref<128x64xf32, #tpu.memory_space<vmem>>[vector<16xi32>, vector<16xi32>], vector<16xf32>,
        %gather3A_1475 = tpu.vector_load_idx %arg11[%add3A_509, %and3A_1472] : memref<128x64xf32, #tpu.memory_space<vmem>>[vector<16xi32>, vector<16xi32>], vector<16xf32>,
        %mul3A_1476 = arith.mulf %gather3A_1473, %div3A_1281 : vector<16xf32>
        %add3A_1477 = arith.addf %mul3A_1476, %gather3A_1474 : vector<16xf32>
        %mul3A_1478 = arith.mulf %gather3A_1475, %div3A_1284 : vector<16xf32>
        %sub3A_1479 = arith.subf %add3A_1477, %mul3A_1478 : vector<16xf32>
        %abs3A_1480 = math.absf %sub3A_1479 : vector<16xf32>
        %add3A_1481 = arith.addf %add3A_1466, %abs3A_1480 : vector<16xf32>
        %add3A_1482 = arith.constant 13 : i32
        %add3A_1483 = vector.broadcast %add3A_1482 : i32 to vector<16xi32>
        %add3A_1484 = arith.addi %iota3A, %add3A_1483 : vector<16xi32>
        %and3A_1485 = arith.constant 63 : i32
        %and3A_1486 = vector.broadcast %and3A_1485 : i32 to vector<16xi32>
        %and3A_1487 = arith.andi %add3A_1484, %and3A_1486 : vector<16xi32>
        %gather3A_1488 = tpu.vector_load_idx %arg9[%add3A_509, %and3A_1487] : memref<128x64xf32, #tpu.memory_space<vmem>>[vector<16xi32>, vector<16xi32>], vector<16xf32>,
        %gather3A_1489 = tpu.vector_load_idx %arg10[%add3A_509, %and3A_1487] : memref<128x64xf32, #tpu.memory_space<vmem>>[vector<16xi32>, vector<16xi32>], vector<16xf32>,
        %gather3A_1490 = tpu.vector_load_idx %arg11[%add3A_509, %and3A_1487] : memref<128x64xf32, #tpu.memory_space<vmem>>[vector<16xi32>, vector<16xi32>], vector<16xf32>,
        %mul3A_1491 = arith.mulf %gather3A_1488, %div3A_1281 : vector<16xf32>
        %add3A_1492 = arith.addf %mul3A_1491, %gather3A_1489 : vector<16xf32>
        %mul3A_1493 = arith.mulf %gather3A_1490, %div3A_1284 : vector<16xf32>
        %sub3A_1494 = arith.subf %add3A_1492, %mul3A_1493 : vector<16xf32>
        %abs3A_1495 = math.absf %sub3A_1494 : vector<16xf32>
        %add3A_1496 = arith.addf %add3A_1481, %abs3A_1495 : vector<16xf32>
        %add3A_1497 = arith.constant 14 : i32
        %add3A_1498 = vector.broadcast %add3A_1497 : i32 to vector<16xi32>
        %add3A_1499 = arith.addi %iota3A, %add3A_1498 : vector<16xi32>
        %and3A_1500 = arith.constant 63 : i32
        %and3A_1501 = vector.broadcast %and3A_1500 : i32 to vector<16xi32>
        %and3A_1502 = arith.andi %add3A_1499, %and3A_1501 : vector<16xi32>
        %gather3A_1503 = tpu.vector_load_idx %arg9[%add3A_509, %and3A_1502] : memref<128x64xf32, #tpu.memory_space<vmem>>[vector<16xi32>, vector<16xi32>], vector<16xf32>,
        %gather3A_1504 = tpu.vector_load_idx %arg10[%add3A_509, %and3A_1502] : memref<128x64xf32, #tpu.memory_space<vmem>>[vector<16xi32>, vector<16xi32>], vector<16xf32>,
        %gather3A_1505 = tpu.vector_load_idx %arg11[%add3A_509, %and3A_1502] : memref<128x64xf32, #tpu.memory_space<vmem>>[vector<16xi32>, vector<16xi32>], vector<16xf32>,
        %mul3A_1506 = arith.mulf %gather3A_1503, %div3A_1281 : vector<16xf32>
        %add3A_1507 = arith.addf %mul3A_1506, %gather3A_1504 : vector<16xf32>
        %mul3A_1508 = arith.mulf %gather3A_1505, %div3A_1284 : vector<16xf32>
        %sub3A_1509 = arith.subf %add3A_1507, %mul3A_1508 : vector<16xf32>
        %abs3A_1510 = math.absf %sub3A_1509 : vector<16xf32>
        %add3A_1511 = arith.addf %add3A_1496, %abs3A_1510 : vector<16xf32>
        %add3A_1512 = arith.constant 15 : i32
        %add3A_1513 = vector.broadcast %add3A_1512 : i32 to vector<16xi32>
        %add3A_1514 = arith.addi %iota3A, %add3A_1513 : vector<16xi32>
        %and3A_1515 = arith.constant 63 : i32
        %and3A_1516 = vector.broadcast %and3A_1515 : i32 to vector<16xi32>
        %and3A_1517 = arith.andi %add3A_1514, %and3A_1516 : vector<16xi32>
        %gather3A_1518 = tpu.vector_load_idx %arg9[%add3A_509, %and3A_1517] : memref<128x64xf32, #tpu.memory_space<vmem>>[vector<16xi32>, vector<16xi32>], vector<16xf32>,
        %gather3A_1519 = tpu.vector_load_idx %arg10[%add3A_509, %and3A_1517] : memref<128x64xf32, #tpu.memory_space<vmem>>[vector<16xi32>, vector<16xi32>], vector<16xf32>,
        %gather3A_1520 = tpu.vector_load_idx %arg11[%add3A_509, %and3A_1517] : memref<128x64xf32, #tpu.memory_space<vmem>>[vector<16xi32>, vector<16xi32>], vector<16xf32>,
        %mul3A_1521 = arith.mulf %gather3A_1518, %div3A_1281 : vector<16xf32>
        %add3A_1522 = arith.addf %mul3A_1521, %gather3A_1519 : vector<16xf32>
        %mul3A_1523 = arith.mulf %gather3A_1520, %div3A_1284 : vector<16xf32>
        %sub3A_1524 = arith.subf %add3A_1522, %mul3A_1523 : vector<16xf32>
        %abs3A_1525 = math.absf %sub3A_1524 : vector<16xf32>
        %add3A_1526 = arith.addf %add3A_1511, %abs3A_1525 : vector<16xf32>
        %add3A_1527 = arith.constant 16 : i32
        %add3A_1528 = vector.broadcast %add3A_1527 : i32 to vector<16xi32>
        %add3A_1529 = arith.addi %iota3A, %add3A_1528 : vector<16xi32>
        %and3A_1530 = arith.constant 63 : i32
        %and3A_1531 = vector.broadcast %and3A_1530 : i32 to vector<16xi32>
        %and3A_1532 = arith.andi %add3A_1529, %and3A_1531 : vector<16xi32>
        %gather3A_1533 = tpu.vector_load_idx %arg9[%add3A_509, %and3A_1532] : memref<128x64xf32, #tpu.memory_space<vmem>>[vector<16xi32>, vector<16xi32>], vector<16xf32>,
        %gather3A_1534 = tpu.vector_load_idx %arg10[%add3A_509, %and3A_1532] : memref<128x64xf32, #tpu.memory_space<vmem>>[vector<16xi32>, vector<16xi32>], vector<16xf32>,
        %gather3A_1535 = tpu.vector_load_idx %arg11[%add3A_509, %and3A_1532] : memref<128x64xf32, #tpu.memory_space<vmem>>[vector<16xi32>, vector<16xi32>], vector<16xf32>,
        %mul3A_1536 = arith.mulf %gather3A_1533, %div3A_1281 : vector<16xf32>
        %add3A_1537 = arith.addf %mul3A_1536, %gather3A_1534 : vector<16xf32>
        %mul3A_1538 = arith.mulf %gather3A_1535, %div3A_1284 : vector<16xf32>
        %sub3A_1539 = arith.subf %add3A_1537, %mul3A_1538 : vector<16xf32>
        %abs3A_1540 = math.absf %sub3A_1539 : vector<16xf32>
        %add3A_1541 = arith.addf %add3A_1526, %abs3A_1540 : vector<16xf32>
        %add3A_1542 = arith.constant 17 : i32
        %add3A_1543 = vector.broadcast %add3A_1542 : i32 to vector<16xi32>
        %add3A_1544 = arith.addi %iota3A, %add3A_1543 : vector<16xi32>
        %and3A_1545 = arith.constant 63 : i32
        %and3A_1546 = vector.broadcast %and3A_1545 : i32 to vector<16xi32>
        %and3A_1547 = arith.andi %add3A_1544, %and3A_1546 : vector<16xi32>
        %gather3A_1548 = tpu.vector_load_idx %arg9[%add3A_509, %and3A_1547] : memref<128x64xf32, #tpu.memory_space<vmem>>[vector<16xi32>, vector<16xi32>], vector<16xf32>,
        %gather3A_1549 = tpu.vector_load_idx %arg10[%add3A_509, %and3A_1547] : memref<128x64xf32, #tpu.memory_space<vmem>>[vector<16xi32>, vector<16xi32>], vector<16xf32>,
        %gather3A_1550 = tpu.vector_load_idx %arg11[%add3A_509, %and3A_1547] : memref<128x64xf32, #tpu.memory_space<vmem>>[vector<16xi32>, vector<16xi32>], vector<16xf32>,
        %mul3A_1551 = arith.mulf %gather3A_1548, %div3A_1281 : vector<16xf32>
        %add3A_1552 = arith.addf %mul3A_1551, %gather3A_1549 : vector<16xf32>
        %mul3A_1553 = arith.mulf %gather3A_1550, %div3A_1284 : vector<16xf32>
        %sub3A_1554 = arith.subf %add3A_1552, %mul3A_1553 : vector<16xf32>
        %abs3A_1555 = math.absf %sub3A_1554 : vector<16xf32>
        %add3A_1556 = arith.addf %add3A_1541, %abs3A_1555 : vector<16xf32>
        %add3A_1557 = arith.constant 18 : i32
        %add3A_1558 = vector.broadcast %add3A_1557 : i32 to vector<16xi32>
        %add3A_1559 = arith.addi %iota3A, %add3A_1558 : vector<16xi32>
        %and3A_1560 = arith.constant 63 : i32
        %and3A_1561 = vector.broadcast %and3A_1560 : i32 to vector<16xi32>
        %and3A_1562 = arith.andi %add3A_1559, %and3A_1561 : vector<16xi32>
        %gather3A_1563 = tpu.vector_load_idx %arg9[%add3A_509, %and3A_1562] : memref<128x64xf32, #tpu.memory_space<vmem>>[vector<16xi32>, vector<16xi32>], vector<16xf32>,
        %gather3A_1564 = tpu.vector_load_idx %arg10[%add3A_509, %and3A_1562] : memref<128x64xf32, #tpu.memory_space<vmem>>[vector<16xi32>, vector<16xi32>], vector<16xf32>,
        %gather3A_1565 = tpu.vector_load_idx %arg11[%add3A_509, %and3A_1562] : memref<128x64xf32, #tpu.memory_space<vmem>>[vector<16xi32>, vector<16xi32>], vector<16xf32>,
        %mul3A_1566 = arith.mulf %gather3A_1563, %div3A_1281 : vector<16xf32>
        %add3A_1567 = arith.addf %mul3A_1566, %gather3A_1564 : vector<16xf32>
        %mul3A_1568 = arith.mulf %gather3A_1565, %div3A_1284 : vector<16xf32>
        %sub3A_1569 = arith.subf %add3A_1567, %mul3A_1568 : vector<16xf32>
        %abs3A_1570 = math.absf %sub3A_1569 : vector<16xf32>
        %add3A_1571 = arith.addf %add3A_1556, %abs3A_1570 : vector<16xf32>
        %add3A_1572 = arith.constant 19 : i32
        %add3A_1573 = vector.broadcast %add3A_1572 : i32 to vector<16xi32>
        %add3A_1574 = arith.addi %iota3A, %add3A_1573 : vector<16xi32>
        %and3A_1575 = arith.constant 63 : i32
        %and3A_1576 = vector.broadcast %and3A_1575 : i32 to vector<16xi32>
        %and3A_1577 = arith.andi %add3A_1574, %and3A_1576 : vector<16xi32>
        %gather3A_1578 = tpu.vector_load_idx %arg9[%add3A_509, %and3A_1577] : memref<128x64xf32, #tpu.memory_space<vmem>>[vector<16xi32>, vector<16xi32>], vector<16xf32>,
        %gather3A_1579 = tpu.vector_load_idx %arg10[%add3A_509, %and3A_1577] : memref<128x64xf32, #tpu.memory_space<vmem>>[vector<16xi32>, vector<16xi32>], vector<16xf32>,
        %gather3A_1580 = tpu.vector_load_idx %arg11[%add3A_509, %and3A_1577] : memref<128x64xf32, #tpu.memory_space<vmem>>[vector<16xi32>, vector<16xi32>], vector<16xf32>,
        %mul3A_1581 = arith.mulf %gather3A_1578, %div3A_1281 : vector<16xf32>
        %add3A_1582 = arith.addf %mul3A_1581, %gather3A_1579 : vector<16xf32>
        %mul3A_1583 = arith.mulf %gather3A_1580, %div3A_1284 : vector<16xf32>
        %sub3A_1584 = arith.subf %add3A_1582, %mul3A_1583 : vector<16xf32>
        %abs3A_1585 = math.absf %sub3A_1584 : vector<16xf32>
        %add3A_1586 = arith.addf %add3A_1571, %abs3A_1585 : vector<16xf32>
        %add3A_1587 = arith.constant 20 : i32
        %add3A_1588 = vector.broadcast %add3A_1587 : i32 to vector<16xi32>
        %add3A_1589 = arith.addi %iota3A, %add3A_1588 : vector<16xi32>
        %and3A_1590 = arith.constant 63 : i32
        %and3A_1591 = vector.broadcast %and3A_1590 : i32 to vector<16xi32>
        %and3A_1592 = arith.andi %add3A_1589, %and3A_1591 : vector<16xi32>
        %gather3A_1593 = tpu.vector_load_idx %arg9[%add3A_509, %and3A_1592] : memref<128x64xf32, #tpu.memory_space<vmem>>[vector<16xi32>, vector<16xi32>], vector<16xf32>,
        %gather3A_1594 = tpu.vector_load_idx %arg10[%add3A_509, %and3A_1592] : memref<128x64xf32, #tpu.memory_space<vmem>>[vector<16xi32>, vector<16xi32>], vector<16xf32>,
        %gather3A_1595 = tpu.vector_load_idx %arg11[%add3A_509, %and3A_1592] : memref<128x64xf32, #tpu.memory_space<vmem>>[vector<16xi32>, vector<16xi32>], vector<16xf32>,
        %mul3A_1596 = arith.mulf %gather3A_1593, %div3A_1281 : vector<16xf32>
        %add3A_1597 = arith.addf %mul3A_1596, %gather3A_1594 : vector<16xf32>
        %mul3A_1598 = arith.mulf %gather3A_1595, %div3A_1284 : vector<16xf32>
        %sub3A_1599 = arith.subf %add3A_1597, %mul3A_1598 : vector<16xf32>
        %abs3A_1600 = math.absf %sub3A_1599 : vector<16xf32>
        %add3A_1601 = arith.addf %add3A_1586, %abs3A_1600 : vector<16xf32>
        %add3A_1602 = arith.constant 21 : i32
        %add3A_1603 = vector.broadcast %add3A_1602 : i32 to vector<16xi32>
        %add3A_1604 = arith.addi %iota3A, %add3A_1603 : vector<16xi32>
        %and3A_1605 = arith.constant 63 : i32
        %and3A_1606 = vector.broadcast %and3A_1605 : i32 to vector<16xi32>
        %and3A_1607 = arith.andi %add3A_1604, %and3A_1606 : vector<16xi32>
        %gather3A_1608 = tpu.vector_load_idx %arg9[%add3A_509, %and3A_1607] : memref<128x64xf32, #tpu.memory_space<vmem>>[vector<16xi32>, vector<16xi32>], vector<16xf32>,
        %gather3A_1609 = tpu.vector_load_idx %arg10[%add3A_509, %and3A_1607] : memref<128x64xf32, #tpu.memory_space<vmem>>[vector<16xi32>, vector<16xi32>], vector<16xf32>,
        %gather3A_1610 = tpu.vector_load_idx %arg11[%add3A_509, %and3A_1607] : memref<128x64xf32, #tpu.memory_space<vmem>>[vector<16xi32>, vector<16xi32>], vector<16xf32>,
        %mul3A_1611 = arith.mulf %gather3A_1608, %div3A_1281 : vector<16xf32>
        %add3A_1612 = arith.addf %mul3A_1611, %gather3A_1609 : vector<16xf32>
        %mul3A_1613 = arith.mulf %gather3A_1610, %div3A_1284 : vector<16xf32>
        %sub3A_1614 = arith.subf %add3A_1612, %mul3A_1613 : vector<16xf32>
        %abs3A_1615 = math.absf %sub3A_1614 : vector<16xf32>
        %add3A_1616 = arith.addf %add3A_1601, %abs3A_1615 : vector<16xf32>
        %add3A_1617 = arith.constant 22 : i32
        %add3A_1618 = vector.broadcast %add3A_1617 : i32 to vector<16xi32>
        %add3A_1619 = arith.addi %iota3A, %add3A_1618 : vector<16xi32>
        %and3A_1620 = arith.constant 63 : i32
        %and3A_1621 = vector.broadcast %and3A_1620 : i32 to vector<16xi32>
        %and3A_1622 = arith.andi %add3A_1619, %and3A_1621 : vector<16xi32>
        %gather3A_1623 = tpu.vector_load_idx %arg9[%add3A_509, %and3A_1622] : memref<128x64xf32, #tpu.memory_space<vmem>>[vector<16xi32>, vector<16xi32>], vector<16xf32>,
        %gather3A_1624 = tpu.vector_load_idx %arg10[%add3A_509, %and3A_1622] : memref<128x64xf32, #tpu.memory_space<vmem>>[vector<16xi32>, vector<16xi32>], vector<16xf32>,
        %gather3A_1625 = tpu.vector_load_idx %arg11[%add3A_509, %and3A_1622] : memref<128x64xf32, #tpu.memory_space<vmem>>[vector<16xi32>, vector<16xi32>], vector<16xf32>,
        %mul3A_1626 = arith.mulf %gather3A_1623, %div3A_1281 : vector<16xf32>
        %add3A_1627 = arith.addf %mul3A_1626, %gather3A_1624 : vector<16xf32>
        %mul3A_1628 = arith.mulf %gather3A_1625, %div3A_1284 : vector<16xf32>
        %sub3A_1629 = arith.subf %add3A_1627, %mul3A_1628 : vector<16xf32>
        %abs3A_1630 = math.absf %sub3A_1629 : vector<16xf32>
        %add3A_1631 = arith.addf %add3A_1616, %abs3A_1630 : vector<16xf32>
        %add3A_1632 = arith.constant 23 : i32
        %add3A_1633 = vector.broadcast %add3A_1632 : i32 to vector<16xi32>
        %add3A_1634 = arith.addi %iota3A, %add3A_1633 : vector<16xi32>
        %and3A_1635 = arith.constant 63 : i32
        %and3A_1636 = vector.broadcast %and3A_1635 : i32 to vector<16xi32>
        %and3A_1637 = arith.andi %add3A_1634, %and3A_1636 : vector<16xi32>
        %gather3A_1638 = tpu.vector_load_idx %arg9[%add3A_509, %and3A_1637] : memref<128x64xf32, #tpu.memory_space<vmem>>[vector<16xi32>, vector<16xi32>], vector<16xf32>,
        %gather3A_1639 = tpu.vector_load_idx %arg10[%add3A_509, %and3A_1637] : memref<128x64xf32, #tpu.memory_space<vmem>>[vector<16xi32>, vector<16xi32>], vector<16xf32>,
        %gather3A_1640 = tpu.vector_load_idx %arg11[%add3A_509, %and3A_1637] : memref<128x64xf32, #tpu.memory_space<vmem>>[vector<16xi32>, vector<16xi32>], vector<16xf32>,
        %mul3A_1641 = arith.mulf %gather3A_1638, %div3A_1281 : vector<16xf32>
        %add3A_1642 = arith.addf %mul3A_1641, %gather3A_1639 : vector<16xf32>
        %mul3A_1643 = arith.mulf %gather3A_1640, %div3A_1284 : vector<16xf32>
        %sub3A_1644 = arith.subf %add3A_1642, %mul3A_1643 : vector<16xf32>
        %abs3A_1645 = math.absf %sub3A_1644 : vector<16xf32>
        %add3A_1646 = arith.addf %add3A_1631, %abs3A_1645 : vector<16xf32>
        %add3A_1647 = arith.constant 24 : i32
        %add3A_1648 = vector.broadcast %add3A_1647 : i32 to vector<16xi32>
        %add3A_1649 = arith.addi %iota3A, %add3A_1648 : vector<16xi32>
        %and3A_1650 = arith.constant 63 : i32
        %and3A_1651 = vector.broadcast %and3A_1650 : i32 to vector<16xi32>
        %and3A_1652 = arith.andi %add3A_1649, %and3A_1651 : vector<16xi32>
        %gather3A_1653 = tpu.vector_load_idx %arg9[%add3A_509, %and3A_1652] : memref<128x64xf32, #tpu.memory_space<vmem>>[vector<16xi32>, vector<16xi32>], vector<16xf32>,
        %gather3A_1654 = tpu.vector_load_idx %arg10[%add3A_509, %and3A_1652] : memref<128x64xf32, #tpu.memory_space<vmem>>[vector<16xi32>, vector<16xi32>], vector<16xf32>,
        %gather3A_1655 = tpu.vector_load_idx %arg11[%add3A_509, %and3A_1652] : memref<128x64xf32, #tpu.memory_space<vmem>>[vector<16xi32>, vector<16xi32>], vector<16xf32>,
        %mul3A_1656 = arith.mulf %gather3A_1653, %div3A_1281 : vector<16xf32>
        %add3A_1657 = arith.addf %mul3A_1656, %gather3A_1654 : vector<16xf32>
        %mul3A_1658 = arith.mulf %gather3A_1655, %div3A_1284 : vector<16xf32>
        %sub3A_1659 = arith.subf %add3A_1657, %mul3A_1658 : vector<16xf32>
        %abs3A_1660 = math.absf %sub3A_1659 : vector<16xf32>
        %add3A_1661 = arith.addf %add3A_1646, %abs3A_1660 : vector<16xf32>
        %add3A_1662 = arith.constant 25 : i32
        %add3A_1663 = vector.broadcast %add3A_1662 : i32 to vector<16xi32>
        %add3A_1664 = arith.addi %iota3A, %add3A_1663 : vector<16xi32>
        %and3A_1665 = arith.constant 63 : i32
        %and3A_1666 = vector.broadcast %and3A_1665 : i32 to vector<16xi32>
        %and3A_1667 = arith.andi %add3A_1664, %and3A_1666 : vector<16xi32>
        %gather3A_1668 = tpu.vector_load_idx %arg9[%add3A_509, %and3A_1667] : memref<128x64xf32, #tpu.memory_space<vmem>>[vector<16xi32>, vector<16xi32>], vector<16xf32>,
        %gather3A_1669 = tpu.vector_load_idx %arg10[%add3A_509, %and3A_1667] : memref<128x64xf32, #tpu.memory_space<vmem>>[vector<16xi32>, vector<16xi32>], vector<16xf32>,
        %gather3A_1670 = tpu.vector_load_idx %arg11[%add3A_509, %and3A_1667] : memref<128x64xf32, #tpu.memory_space<vmem>>[vector<16xi32>, vector<16xi32>], vector<16xf32>,
        %mul3A_1671 = arith.mulf %gather3A_1668, %div3A_1281 : vector<16xf32>
        %add3A_1672 = arith.addf %mul3A_1671, %gather3A_1669 : vector<16xf32>
        %mul3A_1673 = arith.mulf %gather3A_1670, %div3A_1284 : vector<16xf32>
        %sub3A_1674 = arith.subf %add3A_1672, %mul3A_1673 : vector<16xf32>
        %abs3A_1675 = math.absf %sub3A_1674 : vector<16xf32>
        %add3A_1676 = arith.addf %add3A_1661, %abs3A_1675 : vector<16xf32>
        %add3A_1677 = arith.constant 26 : i32
        %add3A_1678 = vector.broadcast %add3A_1677 : i32 to vector<16xi32>
        %add3A_1679 = arith.addi %iota3A, %add3A_1678 : vector<16xi32>
        %and3A_1680 = arith.constant 63 : i32
        %and3A_1681 = vector.broadcast %and3A_1680 : i32 to vector<16xi32>
        %and3A_1682 = arith.andi %add3A_1679, %and3A_1681 : vector<16xi32>
        %gather3A_1683 = tpu.vector_load_idx %arg9[%add3A_509, %and3A_1682] : memref<128x64xf32, #tpu.memory_space<vmem>>[vector<16xi32>, vector<16xi32>], vector<16xf32>,
        %gather3A_1684 = tpu.vector_load_idx %arg10[%add3A_509, %and3A_1682] : memref<128x64xf32, #tpu.memory_space<vmem>>[vector<16xi32>, vector<16xi32>], vector<16xf32>,
        %gather3A_1685 = tpu.vector_load_idx %arg11[%add3A_509, %and3A_1682] : memref<128x64xf32, #tpu.memory_space<vmem>>[vector<16xi32>, vector<16xi32>], vector<16xf32>,
        %mul3A_1686 = arith.mulf %gather3A_1683, %div3A_1281 : vector<16xf32>
        %add3A_1687 = arith.addf %mul3A_1686, %gather3A_1684 : vector<16xf32>
        %mul3A_1688 = arith.mulf %gather3A_1685, %div3A_1284 : vector<16xf32>
        %sub3A_1689 = arith.subf %add3A_1687, %mul3A_1688 : vector<16xf32>
        %abs3A_1690 = math.absf %sub3A_1689 : vector<16xf32>
        %add3A_1691 = arith.addf %add3A_1676, %abs3A_1690 : vector<16xf32>
        %add3A_1692 = arith.constant 27 : i32
        %add3A_1693 = vector.broadcast %add3A_1692 : i32 to vector<16xi32>
        %add3A_1694 = arith.addi %iota3A, %add3A_1693 : vector<16xi32>
        %and3A_1695 = arith.constant 63 : i32
        %and3A_1696 = vector.broadcast %and3A_1695 : i32 to vector<16xi32>
        %and3A_1697 = arith.andi %add3A_1694, %and3A_1696 : vector<16xi32>
        %gather3A_1698 = tpu.vector_load_idx %arg9[%add3A_509, %and3A_1697] : memref<128x64xf32, #tpu.memory_space<vmem>>[vector<16xi32>, vector<16xi32>], vector<16xf32>,
        %gather3A_1699 = tpu.vector_load_idx %arg10[%add3A_509, %and3A_1697] : memref<128x64xf32, #tpu.memory_space<vmem>>[vector<16xi32>, vector<16xi32>], vector<16xf32>,
        %gather3A_1700 = tpu.vector_load_idx %arg11[%add3A_509, %and3A_1697] : memref<128x64xf32, #tpu.memory_space<vmem>>[vector<16xi32>, vector<16xi32>], vector<16xf32>,
        %mul3A_1701 = arith.mulf %gather3A_1698, %div3A_1281 : vector<16xf32>
        %add3A_1702 = arith.addf %mul3A_1701, %gather3A_1699 : vector<16xf32>
        %mul3A_1703 = arith.mulf %gather3A_1700, %div3A_1284 : vector<16xf32>
        %sub3A_1704 = arith.subf %add3A_1702, %mul3A_1703 : vector<16xf32>
        %abs3A_1705 = math.absf %sub3A_1704 : vector<16xf32>
        %add3A_1706 = arith.addf %add3A_1691, %abs3A_1705 : vector<16xf32>
        %add3A_1707 = arith.constant 28 : i32
        %add3A_1708 = vector.broadcast %add3A_1707 : i32 to vector<16xi32>
        %add3A_1709 = arith.addi %iota3A, %add3A_1708 : vector<16xi32>
        %and3A_1710 = arith.constant 63 : i32
        %and3A_1711 = vector.broadcast %and3A_1710 : i32 to vector<16xi32>
        %and3A_1712 = arith.andi %add3A_1709, %and3A_1711 : vector<16xi32>
        %gather3A_1713 = tpu.vector_load_idx %arg9[%add3A_509, %and3A_1712] : memref<128x64xf32, #tpu.memory_space<vmem>>[vector<16xi32>, vector<16xi32>], vector<16xf32>,
        %gather3A_1714 = tpu.vector_load_idx %arg10[%add3A_509, %and3A_1712] : memref<128x64xf32, #tpu.memory_space<vmem>>[vector<16xi32>, vector<16xi32>], vector<16xf32>,
        %gather3A_1715 = tpu.vector_load_idx %arg11[%add3A_509, %and3A_1712] : memref<128x64xf32, #tpu.memory_space<vmem>>[vector<16xi32>, vector<16xi32>], vector<16xf32>,
        %mul3A_1716 = arith.mulf %gather3A_1713, %div3A_1281 : vector<16xf32>
        %add3A_1717 = arith.addf %mul3A_1716, %gather3A_1714 : vector<16xf32>
        %mul3A_1718 = arith.mulf %gather3A_1715, %div3A_1284 : vector<16xf32>
        %sub3A_1719 = arith.subf %add3A_1717, %mul3A_1718 : vector<16xf32>
        %abs3A_1720 = math.absf %sub3A_1719 : vector<16xf32>
        %add3A_1721 = arith.addf %add3A_1706, %abs3A_1720 : vector<16xf32>
        %add3A_1722 = arith.constant 29 : i32
        %add3A_1723 = vector.broadcast %add3A_1722 : i32 to vector<16xi32>
        %add3A_1724 = arith.addi %iota3A, %add3A_1723 : vector<16xi32>
        %and3A_1725 = arith.constant 63 : i32
        %and3A_1726 = vector.broadcast %and3A_1725 : i32 to vector<16xi32>
        %and3A_1727 = arith.andi %add3A_1724, %and3A_1726 : vector<16xi32>
        %gather3A_1728 = tpu.vector_load_idx %arg9[%add3A_509, %and3A_1727] : memref<128x64xf32, #tpu.memory_space<vmem>>[vector<16xi32>, vector<16xi32>], vector<16xf32>,
        %gather3A_1729 = tpu.vector_load_idx %arg10[%add3A_509, %and3A_1727] : memref<128x64xf32, #tpu.memory_space<vmem>>[vector<16xi32>, vector<16xi32>], vector<16xf32>,
        %gather3A_1730 = tpu.vector_load_idx %arg11[%add3A_509, %and3A_1727] : memref<128x64xf32, #tpu.memory_space<vmem>>[vector<16xi32>, vector<16xi32>], vector<16xf32>,
        %mul3A_1731 = arith.mulf %gather3A_1728, %div3A_1281 : vector<16xf32>
        %add3A_1732 = arith.addf %mul3A_1731, %gather3A_1729 : vector<16xf32>
        %mul3A_1733 = arith.mulf %gather3A_1730, %div3A_1284 : vector<16xf32>
        %sub3A_1734 = arith.subf %add3A_1732, %mul3A_1733 : vector<16xf32>
        %abs3A_1735 = math.absf %sub3A_1734 : vector<16xf32>
        %add3A_1736 = arith.addf %add3A_1721, %abs3A_1735 : vector<16xf32>
        %add3A_1737 = arith.constant 30 : i32
        %add3A_1738 = vector.broadcast %add3A_1737 : i32 to vector<16xi32>
        %add3A_1739 = arith.addi %iota3A, %add3A_1738 : vector<16xi32>
        %and3A_1740 = arith.constant 63 : i32
        %and3A_1741 = vector.broadcast %and3A_1740 : i32 to vector<16xi32>
        %and3A_1742 = arith.andi %add3A_1739, %and3A_1741 : vector<16xi32>
        %gather3A_1743 = tpu.vector_load_idx %arg9[%add3A_509, %and3A_1742] : memref<128x64xf32, #tpu.memory_space<vmem>>[vector<16xi32>, vector<16xi32>], vector<16xf32>,
        %gather3A_1744 = tpu.vector_load_idx %arg10[%add3A_509, %and3A_1742] : memref<128x64xf32, #tpu.memory_space<vmem>>[vector<16xi32>, vector<16xi32>], vector<16xf32>,
        %gather3A_1745 = tpu.vector_load_idx %arg11[%add3A_509, %and3A_1742] : memref<128x64xf32, #tpu.memory_space<vmem>>[vector<16xi32>, vector<16xi32>], vector<16xf32>,
        %mul3A_1746 = arith.mulf %gather3A_1743, %div3A_1281 : vector<16xf32>
        %add3A_1747 = arith.addf %mul3A_1746, %gather3A_1744 : vector<16xf32>
        %mul3A_1748 = arith.mulf %gather3A_1745, %div3A_1284 : vector<16xf32>
        %sub3A_1749 = arith.subf %add3A_1747, %mul3A_1748 : vector<16xf32>
        %abs3A_1750 = math.absf %sub3A_1749 : vector<16xf32>
        %add3A_1751 = arith.addf %add3A_1736, %abs3A_1750 : vector<16xf32>
        %add3A_1752 = arith.constant 31 : i32
        %add3A_1753 = vector.broadcast %add3A_1752 : i32 to vector<16xi32>
        %add3A_1754 = arith.addi %iota3A, %add3A_1753 : vector<16xi32>
        %and3A_1755 = arith.constant 63 : i32
        %and3A_1756 = vector.broadcast %and3A_1755 : i32 to vector<16xi32>
        %and3A_1757 = arith.andi %add3A_1754, %and3A_1756 : vector<16xi32>
        %gather3A_1758 = tpu.vector_load_idx %arg9[%add3A_509, %and3A_1757] : memref<128x64xf32, #tpu.memory_space<vmem>>[vector<16xi32>, vector<16xi32>], vector<16xf32>,
        %gather3A_1759 = tpu.vector_load_idx %arg10[%add3A_509, %and3A_1757] : memref<128x64xf32, #tpu.memory_space<vmem>>[vector<16xi32>, vector<16xi32>], vector<16xf32>,
        %gather3A_1760 = tpu.vector_load_idx %arg11[%add3A_509, %and3A_1757] : memref<128x64xf32, #tpu.memory_space<vmem>>[vector<16xi32>, vector<16xi32>], vector<16xf32>,
        %mul3A_1761 = arith.mulf %gather3A_1758, %div3A_1281 : vector<16xf32>
        %add3A_1762 = arith.addf %mul3A_1761, %gather3A_1759 : vector<16xf32>
        %mul3A_1763 = arith.mulf %gather3A_1760, %div3A_1284 : vector<16xf32>
        %sub3A_1764 = arith.subf %add3A_1762, %mul3A_1763 : vector<16xf32>
        %abs3A_1765 = math.absf %sub3A_1764 : vector<16xf32>
        %add3A_1766 = arith.addf %add3A_1751, %abs3A_1765 : vector<16xf32>
        %add3A_1767 = arith.constant 32 : i32
        %add3A_1768 = vector.broadcast %add3A_1767 : i32 to vector<16xi32>
        %add3A_1769 = arith.addi %iota3A, %add3A_1768 : vector<16xi32>
        %and3A_1770 = arith.constant 63 : i32
        %and3A_1771 = vector.broadcast %and3A_1770 : i32 to vector<16xi32>
        %and3A_1772 = arith.andi %add3A_1769, %and3A_1771 : vector<16xi32>
        %gather3A_1773 = tpu.vector_load_idx %arg9[%add3A_509, %and3A_1772] : memref<128x64xf32, #tpu.memory_space<vmem>>[vector<16xi32>, vector<16xi32>], vector<16xf32>,
        %gather3A_1774 = tpu.vector_load_idx %arg10[%add3A_509, %and3A_1772] : memref<128x64xf32, #tpu.memory_space<vmem>>[vector<16xi32>, vector<16xi32>], vector<16xf32>,
        %gather3A_1775 = tpu.vector_load_idx %arg11[%add3A_509, %and3A_1772] : memref<128x64xf32, #tpu.memory_space<vmem>>[vector<16xi32>, vector<16xi32>], vector<16xf32>,
        %mul3A_1776 = arith.mulf %gather3A_1773, %div3A_1281 : vector<16xf32>
        %add3A_1777 = arith.addf %mul3A_1776, %gather3A_1774 : vector<16xf32>
        %mul3A_1778 = arith.mulf %gather3A_1775, %div3A_1284 : vector<16xf32>
        %sub3A_1779 = arith.subf %add3A_1777, %mul3A_1778 : vector<16xf32>
        %abs3A_1780 = math.absf %sub3A_1779 : vector<16xf32>
        %add3A_1781 = arith.addf %add3A_1766, %abs3A_1780 : vector<16xf32>
        %add3A_1782 = arith.constant 33 : i32
        %add3A_1783 = vector.broadcast %add3A_1782 : i32 to vector<16xi32>
        %add3A_1784 = arith.addi %iota3A, %add3A_1783 : vector<16xi32>
        %and3A_1785 = arith.constant 63 : i32
        %and3A_1786 = vector.broadcast %and3A_1785 : i32 to vector<16xi32>
        %and3A_1787 = arith.andi %add3A_1784, %and3A_1786 : vector<16xi32>
        %gather3A_1788 = tpu.vector_load_idx %arg9[%add3A_509, %and3A_1787] : memref<128x64xf32, #tpu.memory_space<vmem>>[vector<16xi32>, vector<16xi32>], vector<16xf32>,
        %gather3A_1789 = tpu.vector_load_idx %arg10[%add3A_509, %and3A_1787] : memref<128x64xf32, #tpu.memory_space<vmem>>[vector<16xi32>, vector<16xi32>], vector<16xf32>,
        %gather3A_1790 = tpu.vector_load_idx %arg11[%add3A_509, %and3A_1787] : memref<128x64xf32, #tpu.memory_space<vmem>>[vector<16xi32>, vector<16xi32>], vector<16xf32>,
        %mul3A_1791 = arith.mulf %gather3A_1788, %div3A_1281 : vector<16xf32>
        %add3A_1792 = arith.addf %mul3A_1791, %gather3A_1789 : vector<16xf32>
        %mul3A_1793 = arith.mulf %gather3A_1790, %div3A_1284 : vector<16xf32>
        %sub3A_1794 = arith.subf %add3A_1792, %mul3A_1793 : vector<16xf32>
        %abs3A_1795 = math.absf %sub3A_1794 : vector<16xf32>
        %add3A_1796 = arith.addf %add3A_1781, %abs3A_1795 : vector<16xf32>
        %add3A_1797 = arith.constant 34 : i32
        %add3A_1798 = vector.broadcast %add3A_1797 : i32 to vector<16xi32>
        %add3A_1799 = arith.addi %iota3A, %add3A_1798 : vector<16xi32>
        %and3A_1800 = arith.constant 63 : i32
        %and3A_1801 = vector.broadcast %and3A_1800 : i32 to vector<16xi32>
        %and3A_1802 = arith.andi %add3A_1799, %and3A_1801 : vector<16xi32>
        %gather3A_1803 = tpu.vector_load_idx %arg9[%add3A_509, %and3A_1802] : memref<128x64xf32, #tpu.memory_space<vmem>>[vector<16xi32>, vector<16xi32>], vector<16xf32>,
        %gather3A_1804 = tpu.vector_load_idx %arg10[%add3A_509, %and3A_1802] : memref<128x64xf32, #tpu.memory_space<vmem>>[vector<16xi32>, vector<16xi32>], vector<16xf32>,
        %gather3A_1805 = tpu.vector_load_idx %arg11[%add3A_509, %and3A_1802] : memref<128x64xf32, #tpu.memory_space<vmem>>[vector<16xi32>, vector<16xi32>], vector<16xf32>,
        %mul3A_1806 = arith.mulf %gather3A_1803, %div3A_1281 : vector<16xf32>
        %add3A_1807 = arith.addf %mul3A_1806, %gather3A_1804 : vector<16xf32>
        %mul3A_1808 = arith.mulf %gather3A_1805, %div3A_1284 : vector<16xf32>
        %sub3A_1809 = arith.subf %add3A_1807, %mul3A_1808 : vector<16xf32>
        %abs3A_1810 = math.absf %sub3A_1809 : vector<16xf32>
        %add3A_1811 = arith.addf %add3A_1796, %abs3A_1810 : vector<16xf32>
        %add3A_1812 = arith.constant 35 : i32
        %add3A_1813 = vector.broadcast %add3A_1812 : i32 to vector<16xi32>
        %add3A_1814 = arith.addi %iota3A, %add3A_1813 : vector<16xi32>
        %and3A_1815 = arith.constant 63 : i32
        %and3A_1816 = vector.broadcast %and3A_1815 : i32 to vector<16xi32>
        %and3A_1817 = arith.andi %add3A_1814, %and3A_1816 : vector<16xi32>
        %gather3A_1818 = tpu.vector_load_idx %arg9[%add3A_509, %and3A_1817] : memref<128x64xf32, #tpu.memory_space<vmem>>[vector<16xi32>, vector<16xi32>], vector<16xf32>,
        %gather3A_1819 = tpu.vector_load_idx %arg10[%add3A_509, %and3A_1817] : memref<128x64xf32, #tpu.memory_space<vmem>>[vector<16xi32>, vector<16xi32>], vector<16xf32>,
        %gather3A_1820 = tpu.vector_load_idx %arg11[%add3A_509, %and3A_1817] : memref<128x64xf32, #tpu.memory_space<vmem>>[vector<16xi32>, vector<16xi32>], vector<16xf32>,
        %mul3A_1821 = arith.mulf %gather3A_1818, %div3A_1281 : vector<16xf32>
        %add3A_1822 = arith.addf %mul3A_1821, %gather3A_1819 : vector<16xf32>
        %mul3A_1823 = arith.mulf %gather3A_1820, %div3A_1284 : vector<16xf32>
        %sub3A_1824 = arith.subf %add3A_1822, %mul3A_1823 : vector<16xf32>
        %abs3A_1825 = math.absf %sub3A_1824 : vector<16xf32>
        %add3A_1826 = arith.addf %add3A_1811, %abs3A_1825 : vector<16xf32>
        %add3A_1827 = arith.constant 36 : i32
        %add3A_1828 = vector.broadcast %add3A_1827 : i32 to vector<16xi32>
        %add3A_1829 = arith.addi %iota3A, %add3A_1828 : vector<16xi32>
        %and3A_1830 = arith.constant 63 : i32
        %and3A_1831 = vector.broadcast %and3A_1830 : i32 to vector<16xi32>
        %and3A_1832 = arith.andi %add3A_1829, %and3A_1831 : vector<16xi32>
        %gather3A_1833 = tpu.vector_load_idx %arg9[%add3A_509, %and3A_1832] : memref<128x64xf32, #tpu.memory_space<vmem>>[vector<16xi32>, vector<16xi32>], vector<16xf32>,
        %gather3A_1834 = tpu.vector_load_idx %arg10[%add3A_509, %and3A_1832] : memref<128x64xf32, #tpu.memory_space<vmem>>[vector<16xi32>, vector<16xi32>], vector<16xf32>,
        %gather3A_1835 = tpu.vector_load_idx %arg11[%add3A_509, %and3A_1832] : memref<128x64xf32, #tpu.memory_space<vmem>>[vector<16xi32>, vector<16xi32>], vector<16xf32>,
        %mul3A_1836 = arith.mulf %gather3A_1833, %div3A_1281 : vector<16xf32>
        %add3A_1837 = arith.addf %mul3A_1836, %gather3A_1834 : vector<16xf32>
        %mul3A_1838 = arith.mulf %gather3A_1835, %div3A_1284 : vector<16xf32>
        %sub3A_1839 = arith.subf %add3A_1837, %mul3A_1838 : vector<16xf32>
        %abs3A_1840 = math.absf %sub3A_1839 : vector<16xf32>
        %add3A_1841 = arith.addf %add3A_1826, %abs3A_1840 : vector<16xf32>
        %add3A_1842 = arith.constant 37 : i32
        %add3A_1843 = vector.broadcast %add3A_1842 : i32 to vector<16xi32>
        %add3A_1844 = arith.addi %iota3A, %add3A_1843 : vector<16xi32>
        %and3A_1845 = arith.constant 63 : i32
        %and3A_1846 = vector.broadcast %and3A_1845 : i32 to vector<16xi32>
        %and3A_1847 = arith.andi %add3A_1844, %and3A_1846 : vector<16xi32>
        %gather3A_1848 = tpu.vector_load_idx %arg9[%add3A_509, %and3A_1847] : memref<128x64xf32, #tpu.memory_space<vmem>>[vector<16xi32>, vector<16xi32>], vector<16xf32>,
        %gather3A_1849 = tpu.vector_load_idx %arg10[%add3A_509, %and3A_1847] : memref<128x64xf32, #tpu.memory_space<vmem>>[vector<16xi32>, vector<16xi32>], vector<16xf32>,
        %gather3A_1850 = tpu.vector_load_idx %arg11[%add3A_509, %and3A_1847] : memref<128x64xf32, #tpu.memory_space<vmem>>[vector<16xi32>, vector<16xi32>], vector<16xf32>,
        %mul3A_1851 = arith.mulf %gather3A_1848, %div3A_1281 : vector<16xf32>
        %add3A_1852 = arith.addf %mul3A_1851, %gather3A_1849 : vector<16xf32>
        %mul3A_1853 = arith.mulf %gather3A_1850, %div3A_1284 : vector<16xf32>
        %sub3A_1854 = arith.subf %add3A_1852, %mul3A_1853 : vector<16xf32>
        %abs3A_1855 = math.absf %sub3A_1854 : vector<16xf32>
        %add3A_1856 = arith.addf %add3A_1841, %abs3A_1855 : vector<16xf32>
        %add3A_1857 = arith.constant 38 : i32
        %add3A_1858 = vector.broadcast %add3A_1857 : i32 to vector<16xi32>
        %add3A_1859 = arith.addi %iota3A, %add3A_1858 : vector<16xi32>
        %and3A_1860 = arith.constant 63 : i32
        %and3A_1861 = vector.broadcast %and3A_1860 : i32 to vector<16xi32>
        %and3A_1862 = arith.andi %add3A_1859, %and3A_1861 : vector<16xi32>
        %gather3A_1863 = tpu.vector_load_idx %arg9[%add3A_509, %and3A_1862] : memref<128x64xf32, #tpu.memory_space<vmem>>[vector<16xi32>, vector<16xi32>], vector<16xf32>,
        %gather3A_1864 = tpu.vector_load_idx %arg10[%add3A_509, %and3A_1862] : memref<128x64xf32, #tpu.memory_space<vmem>>[vector<16xi32>, vector<16xi32>], vector<16xf32>,
        %gather3A_1865 = tpu.vector_load_idx %arg11[%add3A_509, %and3A_1862] : memref<128x64xf32, #tpu.memory_space<vmem>>[vector<16xi32>, vector<16xi32>], vector<16xf32>,
        %mul3A_1866 = arith.mulf %gather3A_1863, %div3A_1281 : vector<16xf32>
        %add3A_1867 = arith.addf %mul3A_1866, %gather3A_1864 : vector<16xf32>
        %mul3A_1868 = arith.mulf %gather3A_1865, %div3A_1284 : vector<16xf32>
        %sub3A_1869 = arith.subf %add3A_1867, %mul3A_1868 : vector<16xf32>
        %abs3A_1870 = math.absf %sub3A_1869 : vector<16xf32>
        %add3A_1871 = arith.addf %add3A_1856, %abs3A_1870 : vector<16xf32>
        %add3A_1872 = arith.constant 39 : i32
        %add3A_1873 = vector.broadcast %add3A_1872 : i32 to vector<16xi32>
        %add3A_1874 = arith.addi %iota3A, %add3A_1873 : vector<16xi32>
        %and3A_1875 = arith.constant 63 : i32
        %and3A_1876 = vector.broadcast %and3A_1875 : i32 to vector<16xi32>
        %and3A_1877 = arith.andi %add3A_1874, %and3A_1876 : vector<16xi32>
        %gather3A_1878 = tpu.vector_load_idx %arg9[%add3A_509, %and3A_1877] : memref<128x64xf32, #tpu.memory_space<vmem>>[vector<16xi32>, vector<16xi32>], vector<16xf32>,
        %gather3A_1879 = tpu.vector_load_idx %arg10[%add3A_509, %and3A_1877] : memref<128x64xf32, #tpu.memory_space<vmem>>[vector<16xi32>, vector<16xi32>], vector<16xf32>,
        %gather3A_1880 = tpu.vector_load_idx %arg11[%add3A_509, %and3A_1877] : memref<128x64xf32, #tpu.memory_space<vmem>>[vector<16xi32>, vector<16xi32>], vector<16xf32>,
        %mul3A_1881 = arith.mulf %gather3A_1878, %div3A_1281 : vector<16xf32>
        %add3A_1882 = arith.addf %mul3A_1881, %gather3A_1879 : vector<16xf32>
        %mul3A_1883 = arith.mulf %gather3A_1880, %div3A_1284 : vector<16xf32>
        %sub3A_1884 = arith.subf %add3A_1882, %mul3A_1883 : vector<16xf32>
        %abs3A_1885 = math.absf %sub3A_1884 : vector<16xf32>
        %add3A_1886 = arith.addf %add3A_1871, %abs3A_1885 : vector<16xf32>
        %add3A_1887 = arith.constant 40 : i32
        %add3A_1888 = vector.broadcast %add3A_1887 : i32 to vector<16xi32>
        %add3A_1889 = arith.addi %iota3A, %add3A_1888 : vector<16xi32>
        %and3A_1890 = arith.constant 63 : i32
        %and3A_1891 = vector.broadcast %and3A_1890 : i32 to vector<16xi32>
        %and3A_1892 = arith.andi %add3A_1889, %and3A_1891 : vector<16xi32>
        %gather3A_1893 = tpu.vector_load_idx %arg9[%add3A_509, %and3A_1892] : memref<128x64xf32, #tpu.memory_space<vmem>>[vector<16xi32>, vector<16xi32>], vector<16xf32>,
        %gather3A_1894 = tpu.vector_load_idx %arg10[%add3A_509, %and3A_1892] : memref<128x64xf32, #tpu.memory_space<vmem>>[vector<16xi32>, vector<16xi32>], vector<16xf32>,
        %gather3A_1895 = tpu.vector_load_idx %arg11[%add3A_509, %and3A_1892] : memref<128x64xf32, #tpu.memory_space<vmem>>[vector<16xi32>, vector<16xi32>], vector<16xf32>,
        %mul3A_1896 = arith.mulf %gather3A_1893, %div3A_1281 : vector<16xf32>
        %add3A_1897 = arith.addf %mul3A_1896, %gather3A_1894 : vector<16xf32>
        %mul3A_1898 = arith.mulf %gather3A_1895, %div3A_1284 : vector<16xf32>
        %sub3A_1899 = arith.subf %add3A_1897, %mul3A_1898 : vector<16xf32>
        %abs3A_1900 = math.absf %sub3A_1899 : vector<16xf32>
        %add3A_1901 = arith.addf %add3A_1886, %abs3A_1900 : vector<16xf32>
        %add3A_1902 = arith.constant 41 : i32
        %add3A_1903 = vector.broadcast %add3A_1902 : i32 to vector<16xi32>
        %add3A_1904 = arith.addi %iota3A, %add3A_1903 : vector<16xi32>
        %and3A_1905 = arith.constant 63 : i32
        %and3A_1906 = vector.broadcast %and3A_1905 : i32 to vector<16xi32>
        %and3A_1907 = arith.andi %add3A_1904, %and3A_1906 : vector<16xi32>
        %gather3A_1908 = tpu.vector_load_idx %arg9[%add3A_509, %and3A_1907] : memref<128x64xf32, #tpu.memory_space<vmem>>[vector<16xi32>, vector<16xi32>], vector<16xf32>,
        %gather3A_1909 = tpu.vector_load_idx %arg10[%add3A_509, %and3A_1907] : memref<128x64xf32, #tpu.memory_space<vmem>>[vector<16xi32>, vector<16xi32>], vector<16xf32>,
        %gather3A_1910 = tpu.vector_load_idx %arg11[%add3A_509, %and3A_1907] : memref<128x64xf32, #tpu.memory_space<vmem>>[vector<16xi32>, vector<16xi32>], vector<16xf32>,
        %mul3A_1911 = arith.mulf %gather3A_1908, %div3A_1281 : vector<16xf32>
        %add3A_1912 = arith.addf %mul3A_1911, %gather3A_1909 : vector<16xf32>
        %mul3A_1913 = arith.mulf %gather3A_1910, %div3A_1284 : vector<16xf32>
        %sub3A_1914 = arith.subf %add3A_1912, %mul3A_1913 : vector<16xf32>
        %abs3A_1915 = math.absf %sub3A_1914 : vector<16xf32>
        %add3A_1916 = arith.addf %add3A_1901, %abs3A_1915 : vector<16xf32>
        %add3A_1917 = arith.constant 42 : i32
        %add3A_1918 = vector.broadcast %add3A_1917 : i32 to vector<16xi32>
        %add3A_1919 = arith.addi %iota3A, %add3A_1918 : vector<16xi32>
        %and3A_1920 = arith.constant 63 : i32
        %and3A_1921 = vector.broadcast %and3A_1920 : i32 to vector<16xi32>
        %and3A_1922 = arith.andi %add3A_1919, %and3A_1921 : vector<16xi32>
        %gather3A_1923 = tpu.vector_load_idx %arg9[%add3A_509, %and3A_1922] : memref<128x64xf32, #tpu.memory_space<vmem>>[vector<16xi32>, vector<16xi32>], vector<16xf32>,
        %gather3A_1924 = tpu.vector_load_idx %arg10[%add3A_509, %and3A_1922] : memref<128x64xf32, #tpu.memory_space<vmem>>[vector<16xi32>, vector<16xi32>], vector<16xf32>,
        %gather3A_1925 = tpu.vector_load_idx %arg11[%add3A_509, %and3A_1922] : memref<128x64xf32, #tpu.memory_space<vmem>>[vector<16xi32>, vector<16xi32>], vector<16xf32>,
        %mul3A_1926 = arith.mulf %gather3A_1923, %div3A_1281 : vector<16xf32>
        %add3A_1927 = arith.addf %mul3A_1926, %gather3A_1924 : vector<16xf32>
        %mul3A_1928 = arith.mulf %gather3A_1925, %div3A_1284 : vector<16xf32>
        %sub3A_1929 = arith.subf %add3A_1927, %mul3A_1928 : vector<16xf32>
        %abs3A_1930 = math.absf %sub3A_1929 : vector<16xf32>
        %add3A_1931 = arith.addf %add3A_1916, %abs3A_1930 : vector<16xf32>
        %add3A_1932 = arith.constant 43 : i32
        %add3A_1933 = vector.broadcast %add3A_1932 : i32 to vector<16xi32>
        %add3A_1934 = arith.addi %iota3A, %add3A_1933 : vector<16xi32>
        %and3A_1935 = arith.constant 63 : i32
        %and3A_1936 = vector.broadcast %and3A_1935 : i32 to vector<16xi32>
        %and3A_1937 = arith.andi %add3A_1934, %and3A_1936 : vector<16xi32>
        %gather3A_1938 = tpu.vector_load_idx %arg9[%add3A_509, %and3A_1937] : memref<128x64xf32, #tpu.memory_space<vmem>>[vector<16xi32>, vector<16xi32>], vector<16xf32>,
        %gather3A_1939 = tpu.vector_load_idx %arg10[%add3A_509, %and3A_1937] : memref<128x64xf32, #tpu.memory_space<vmem>>[vector<16xi32>, vector<16xi32>], vector<16xf32>,
        %gather3A_1940 = tpu.vector_load_idx %arg11[%add3A_509, %and3A_1937] : memref<128x64xf32, #tpu.memory_space<vmem>>[vector<16xi32>, vector<16xi32>], vector<16xf32>,
        %mul3A_1941 = arith.mulf %gather3A_1938, %div3A_1281 : vector<16xf32>
        %add3A_1942 = arith.addf %mul3A_1941, %gather3A_1939 : vector<16xf32>
        %mul3A_1943 = arith.mulf %gather3A_1940, %div3A_1284 : vector<16xf32>
        %sub3A_1944 = arith.subf %add3A_1942, %mul3A_1943 : vector<16xf32>
        %abs3A_1945 = math.absf %sub3A_1944 : vector<16xf32>
        %add3A_1946 = arith.addf %add3A_1931, %abs3A_1945 : vector<16xf32>
        %add3A_1947 = arith.constant 44 : i32
        %add3A_1948 = vector.broadcast %add3A_1947 : i32 to vector<16xi32>
        %add3A_1949 = arith.addi %iota3A, %add3A_1948 : vector<16xi32>
        %and3A_1950 = arith.constant 63 : i32
        %and3A_1951 = vector.broadcast %and3A_1950 : i32 to vector<16xi32>
        %and3A_1952 = arith.andi %add3A_1949, %and3A_1951 : vector<16xi32>
        %gather3A_1953 = tpu.vector_load_idx %arg9[%add3A_509, %and3A_1952] : memref<128x64xf32, #tpu.memory_space<vmem>>[vector<16xi32>, vector<16xi32>], vector<16xf32>,
        %gather3A_1954 = tpu.vector_load_idx %arg10[%add3A_509, %and3A_1952] : memref<128x64xf32, #tpu.memory_space<vmem>>[vector<16xi32>, vector<16xi32>], vector<16xf32>,
        %gather3A_1955 = tpu.vector_load_idx %arg11[%add3A_509, %and3A_1952] : memref<128x64xf32, #tpu.memory_space<vmem>>[vector<16xi32>, vector<16xi32>], vector<16xf32>,
        %mul3A_1956 = arith.mulf %gather3A_1953, %div3A_1281 : vector<16xf32>
        %add3A_1957 = arith.addf %mul3A_1956, %gather3A_1954 : vector<16xf32>
        %mul3A_1958 = arith.mulf %gather3A_1955, %div3A_1284 : vector<16xf32>
        %sub3A_1959 = arith.subf %add3A_1957, %mul3A_1958 : vector<16xf32>
        %abs3A_1960 = math.absf %sub3A_1959 : vector<16xf32>
        %add3A_1961 = arith.addf %add3A_1946, %abs3A_1960 : vector<16xf32>
        %add3A_1962 = arith.constant 45 : i32
        %add3A_1963 = vector.broadcast %add3A_1962 : i32 to vector<16xi32>
        %add3A_1964 = arith.addi %iota3A, %add3A_1963 : vector<16xi32>
        %and3A_1965 = arith.constant 63 : i32
        %and3A_1966 = vector.broadcast %and3A_1965 : i32 to vector<16xi32>
        %and3A_1967 = arith.andi %add3A_1964, %and3A_1966 : vector<16xi32>
        %gather3A_1968 = tpu.vector_load_idx %arg9[%add3A_509, %and3A_1967] : memref<128x64xf32, #tpu.memory_space<vmem>>[vector<16xi32>, vector<16xi32>], vector<16xf32>,
        %gather3A_1969 = tpu.vector_load_idx %arg10[%add3A_509, %and3A_1967] : memref<128x64xf32, #tpu.memory_space<vmem>>[vector<16xi32>, vector<16xi32>], vector<16xf32>,
        %gather3A_1970 = tpu.vector_load_idx %arg11[%add3A_509, %and3A_1967] : memref<128x64xf32, #tpu.memory_space<vmem>>[vector<16xi32>, vector<16xi32>], vector<16xf32>,
        %mul3A_1971 = arith.mulf %gather3A_1968, %div3A_1281 : vector<16xf32>
        %add3A_1972 = arith.addf %mul3A_1971, %gather3A_1969 : vector<16xf32>
        %mul3A_1973 = arith.mulf %gather3A_1970, %div3A_1284 : vector<16xf32>
        %sub3A_1974 = arith.subf %add3A_1972, %mul3A_1973 : vector<16xf32>
        %abs3A_1975 = math.absf %sub3A_1974 : vector<16xf32>
        %add3A_1976 = arith.addf %add3A_1961, %abs3A_1975 : vector<16xf32>
        %add3A_1977 = arith.constant 46 : i32
        %add3A_1978 = vector.broadcast %add3A_1977 : i32 to vector<16xi32>
        %add3A_1979 = arith.addi %iota3A, %add3A_1978 : vector<16xi32>
        %and3A_1980 = arith.constant 63 : i32
        %and3A_1981 = vector.broadcast %and3A_1980 : i32 to vector<16xi32>
        %and3A_1982 = arith.andi %add3A_1979, %and3A_1981 : vector<16xi32>
        %gather3A_1983 = tpu.vector_load_idx %arg9[%add3A_509, %and3A_1982] : memref<128x64xf32, #tpu.memory_space<vmem>>[vector<16xi32>, vector<16xi32>], vector<16xf32>,
        %gather3A_1984 = tpu.vector_load_idx %arg10[%add3A_509, %and3A_1982] : memref<128x64xf32, #tpu.memory_space<vmem>>[vector<16xi32>, vector<16xi32>], vector<16xf32>,
        %gather3A_1985 = tpu.vector_load_idx %arg11[%add3A_509, %and3A_1982] : memref<128x64xf32, #tpu.memory_space<vmem>>[vector<16xi32>, vector<16xi32>], vector<16xf32>,
        %mul3A_1986 = arith.mulf %gather3A_1983, %div3A_1281 : vector<16xf32>
        %add3A_1987 = arith.addf %mul3A_1986, %gather3A_1984 : vector<16xf32>
        %mul3A_1988 = arith.mulf %gather3A_1985, %div3A_1284 : vector<16xf32>
        %sub3A_1989 = arith.subf %add3A_1987, %mul3A_1988 : vector<16xf32>
        %abs3A_1990 = math.absf %sub3A_1989 : vector<16xf32>
        %add3A_1991 = arith.addf %add3A_1976, %abs3A_1990 : vector<16xf32>
        %add3A_1992 = arith.constant 47 : i32
        %add3A_1993 = vector.broadcast %add3A_1992 : i32 to vector<16xi32>
        %add3A_1994 = arith.addi %iota3A, %add3A_1993 : vector<16xi32>
        %and3A_1995 = arith.constant 63 : i32
        %and3A_1996 = vector.broadcast %and3A_1995 : i32 to vector<16xi32>
        %and3A_1997 = arith.andi %add3A_1994, %and3A_1996 : vector<16xi32>
        %gather3A_1998 = tpu.vector_load_idx %arg9[%add3A_509, %and3A_1997] : memref<128x64xf32, #tpu.memory_space<vmem>>[vector<16xi32>, vector<16xi32>], vector<16xf32>,
        %gather3A_1999 = tpu.vector_load_idx %arg10[%add3A_509, %and3A_1997] : memref<128x64xf32, #tpu.memory_space<vmem>>[vector<16xi32>, vector<16xi32>], vector<16xf32>,
        %gather3A_2000 = tpu.vector_load_idx %arg11[%add3A_509, %and3A_1997] : memref<128x64xf32, #tpu.memory_space<vmem>>[vector<16xi32>, vector<16xi32>], vector<16xf32>,
        %mul3A_2001 = arith.mulf %gather3A_1998, %div3A_1281 : vector<16xf32>
        %add3A_2002 = arith.addf %mul3A_2001, %gather3A_1999 : vector<16xf32>
        %mul3A_2003 = arith.mulf %gather3A_2000, %div3A_1284 : vector<16xf32>
        %sub3A_2004 = arith.subf %add3A_2002, %mul3A_2003 : vector<16xf32>
        %abs3A_2005 = math.absf %sub3A_2004 : vector<16xf32>
        %add3A_2006 = arith.addf %add3A_1991, %abs3A_2005 : vector<16xf32>
        %add3A_2007 = arith.constant 48 : i32
        %add3A_2008 = vector.broadcast %add3A_2007 : i32 to vector<16xi32>
        %add3A_2009 = arith.addi %iota3A, %add3A_2008 : vector<16xi32>
        %and3A_2010 = arith.constant 63 : i32
        %and3A_2011 = vector.broadcast %and3A_2010 : i32 to vector<16xi32>
        %and3A_2012 = arith.andi %add3A_2009, %and3A_2011 : vector<16xi32>
        %gather3A_2013 = tpu.vector_load_idx %arg9[%add3A_509, %and3A_2012] : memref<128x64xf32, #tpu.memory_space<vmem>>[vector<16xi32>, vector<16xi32>], vector<16xf32>,
        %gather3A_2014 = tpu.vector_load_idx %arg10[%add3A_509, %and3A_2012] : memref<128x64xf32, #tpu.memory_space<vmem>>[vector<16xi32>, vector<16xi32>], vector<16xf32>,
        %gather3A_2015 = tpu.vector_load_idx %arg11[%add3A_509, %and3A_2012] : memref<128x64xf32, #tpu.memory_space<vmem>>[vector<16xi32>, vector<16xi32>], vector<16xf32>,
        %mul3A_2016 = arith.mulf %gather3A_2013, %div3A_1281 : vector<16xf32>
        %add3A_2017 = arith.addf %mul3A_2016, %gather3A_2014 : vector<16xf32>
        %mul3A_2018 = arith.mulf %gather3A_2015, %div3A_1284 : vector<16xf32>
        %sub3A_2019 = arith.subf %add3A_2017, %mul3A_2018 : vector<16xf32>
        %abs3A_2020 = math.absf %sub3A_2019 : vector<16xf32>
        %add3A_2021 = arith.addf %add3A_2006, %abs3A_2020 : vector<16xf32>
        %add3A_2022 = arith.constant 49 : i32
        %add3A_2023 = vector.broadcast %add3A_2022 : i32 to vector<16xi32>
        %add3A_2024 = arith.addi %iota3A, %add3A_2023 : vector<16xi32>
        %and3A_2025 = arith.constant 63 : i32
        %and3A_2026 = vector.broadcast %and3A_2025 : i32 to vector<16xi32>
        %and3A_2027 = arith.andi %add3A_2024, %and3A_2026 : vector<16xi32>
        %gather3A_2028 = tpu.vector_load_idx %arg9[%add3A_509, %and3A_2027] : memref<128x64xf32, #tpu.memory_space<vmem>>[vector<16xi32>, vector<16xi32>], vector<16xf32>,
        %gather3A_2029 = tpu.vector_load_idx %arg10[%add3A_509, %and3A_2027] : memref<128x64xf32, #tpu.memory_space<vmem>>[vector<16xi32>, vector<16xi32>], vector<16xf32>,
        %gather3A_2030 = tpu.vector_load_idx %arg11[%add3A_509, %and3A_2027] : memref<128x64xf32, #tpu.memory_space<vmem>>[vector<16xi32>, vector<16xi32>], vector<16xf32>,
        %mul3A_2031 = arith.mulf %gather3A_2028, %div3A_1281 : vector<16xf32>
        %add3A_2032 = arith.addf %mul3A_2031, %gather3A_2029 : vector<16xf32>
        %mul3A_2033 = arith.mulf %gather3A_2030, %div3A_1284 : vector<16xf32>
        %sub3A_2034 = arith.subf %add3A_2032, %mul3A_2033 : vector<16xf32>
        %abs3A_2035 = math.absf %sub3A_2034 : vector<16xf32>
        %add3A_2036 = arith.addf %add3A_2021, %abs3A_2035 : vector<16xf32>
        %add3A_2037 = arith.constant 50 : i32
        %add3A_2038 = vector.broadcast %add3A_2037 : i32 to vector<16xi32>
        %add3A_2039 = arith.addi %iota3A, %add3A_2038 : vector<16xi32>
        %and3A_2040 = arith.constant 63 : i32
        %and3A_2041 = vector.broadcast %and3A_2040 : i32 to vector<16xi32>
        %and3A_2042 = arith.andi %add3A_2039, %and3A_2041 : vector<16xi32>
        %gather3A_2043 = tpu.vector_load_idx %arg9[%add3A_509, %and3A_2042] : memref<128x64xf32, #tpu.memory_space<vmem>>[vector<16xi32>, vector<16xi32>], vector<16xf32>,
        %gather3A_2044 = tpu.vector_load_idx %arg10[%add3A_509, %and3A_2042] : memref<128x64xf32, #tpu.memory_space<vmem>>[vector<16xi32>, vector<16xi32>], vector<16xf32>,
        %gather3A_2045 = tpu.vector_load_idx %arg11[%add3A_509, %and3A_2042] : memref<128x64xf32, #tpu.memory_space<vmem>>[vector<16xi32>, vector<16xi32>], vector<16xf32>,
        %mul3A_2046 = arith.mulf %gather3A_2043, %div3A_1281 : vector<16xf32>
        %add3A_2047 = arith.addf %mul3A_2046, %gather3A_2044 : vector<16xf32>
        %mul3A_2048 = arith.mulf %gather3A_2045, %div3A_1284 : vector<16xf32>
        %sub3A_2049 = arith.subf %add3A_2047, %mul3A_2048 : vector<16xf32>
        %abs3A_2050 = math.absf %sub3A_2049 : vector<16xf32>
        %add3A_2051 = arith.addf %add3A_2036, %abs3A_2050 : vector<16xf32>
        %add3A_2052 = arith.constant 51 : i32
        %add3A_2053 = vector.broadcast %add3A_2052 : i32 to vector<16xi32>
        %add3A_2054 = arith.addi %iota3A, %add3A_2053 : vector<16xi32>
        %and3A_2055 = arith.constant 63 : i32
        %and3A_2056 = vector.broadcast %and3A_2055 : i32 to vector<16xi32>
        %and3A_2057 = arith.andi %add3A_2054, %and3A_2056 : vector<16xi32>
        %gather3A_2058 = tpu.vector_load_idx %arg9[%add3A_509, %and3A_2057] : memref<128x64xf32, #tpu.memory_space<vmem>>[vector<16xi32>, vector<16xi32>], vector<16xf32>,
        %gather3A_2059 = tpu.vector_load_idx %arg10[%add3A_509, %and3A_2057] : memref<128x64xf32, #tpu.memory_space<vmem>>[vector<16xi32>, vector<16xi32>], vector<16xf32>,
        %gather3A_2060 = tpu.vector_load_idx %arg11[%add3A_509, %and3A_2057] : memref<128x64xf32, #tpu.memory_space<vmem>>[vector<16xi32>, vector<16xi32>], vector<16xf32>,
        %mul3A_2061 = arith.mulf %gather3A_2058, %div3A_1281 : vector<16xf32>
        %add3A_2062 = arith.addf %mul3A_2061, %gather3A_2059 : vector<16xf32>
        %mul3A_2063 = arith.mulf %gather3A_2060, %div3A_1284 : vector<16xf32>
        %sub3A_2064 = arith.subf %add3A_2062, %mul3A_2063 : vector<16xf32>
        %abs3A_2065 = math.absf %sub3A_2064 : vector<16xf32>
        %add3A_2066 = arith.addf %add3A_2051, %abs3A_2065 : vector<16xf32>
        %add3A_2067 = arith.constant 52 : i32
        %add3A_2068 = vector.broadcast %add3A_2067 : i32 to vector<16xi32>
        %add3A_2069 = arith.addi %iota3A, %add3A_2068 : vector<16xi32>
        %and3A_2070 = arith.constant 63 : i32
        %and3A_2071 = vector.broadcast %and3A_2070 : i32 to vector<16xi32>
        %and3A_2072 = arith.andi %add3A_2069, %and3A_2071 : vector<16xi32>
        %gather3A_2073 = tpu.vector_load_idx %arg9[%add3A_509, %and3A_2072] : memref<128x64xf32, #tpu.memory_space<vmem>>[vector<16xi32>, vector<16xi32>], vector<16xf32>,
        %gather3A_2074 = tpu.vector_load_idx %arg10[%add3A_509, %and3A_2072] : memref<128x64xf32, #tpu.memory_space<vmem>>[vector<16xi32>, vector<16xi32>], vector<16xf32>,
        %gather3A_2075 = tpu.vector_load_idx %arg11[%add3A_509, %and3A_2072] : memref<128x64xf32, #tpu.memory_space<vmem>>[vector<16xi32>, vector<16xi32>], vector<16xf32>,
        %mul3A_2076 = arith.mulf %gather3A_2073, %div3A_1281 : vector<16xf32>
        %add3A_2077 = arith.addf %mul3A_2076, %gather3A_2074 : vector<16xf32>
        %mul3A_2078 = arith.mulf %gather3A_2075, %div3A_1284 : vector<16xf32>
        %sub3A_2079 = arith.subf %add3A_2077, %mul3A_2078 : vector<16xf32>
        %abs3A_2080 = math.absf %sub3A_2079 : vector<16xf32>
        %add3A_2081 = arith.addf %add3A_2066, %abs3A_2080 : vector<16xf32>
        %add3A_2082 = arith.constant 53 : i32
        %add3A_2083 = vector.broadcast %add3A_2082 : i32 to vector<16xi32>
        %add3A_2084 = arith.addi %iota3A, %add3A_2083 : vector<16xi32>
        %and3A_2085 = arith.constant 63 : i32
        %and3A_2086 = vector.broadcast %and3A_2085 : i32 to vector<16xi32>
        %and3A_2087 = arith.andi %add3A_2084, %and3A_2086 : vector<16xi32>
        %gather3A_2088 = tpu.vector_load_idx %arg9[%add3A_509, %and3A_2087] : memref<128x64xf32, #tpu.memory_space<vmem>>[vector<16xi32>, vector<16xi32>], vector<16xf32>,
        %gather3A_2089 = tpu.vector_load_idx %arg10[%add3A_509, %and3A_2087] : memref<128x64xf32, #tpu.memory_space<vmem>>[vector<16xi32>, vector<16xi32>], vector<16xf32>,
        %gather3A_2090 = tpu.vector_load_idx %arg11[%add3A_509, %and3A_2087] : memref<128x64xf32, #tpu.memory_space<vmem>>[vector<16xi32>, vector<16xi32>], vector<16xf32>,
        %mul3A_2091 = arith.mulf %gather3A_2088, %div3A_1281 : vector<16xf32>
        %add3A_2092 = arith.addf %mul3A_2091, %gather3A_2089 : vector<16xf32>
        %mul3A_2093 = arith.mulf %gather3A_2090, %div3A_1284 : vector<16xf32>
        %sub3A_2094 = arith.subf %add3A_2092, %mul3A_2093 : vector<16xf32>
        %abs3A_2095 = math.absf %sub3A_2094 : vector<16xf32>
        %add3A_2096 = arith.addf %add3A_2081, %abs3A_2095 : vector<16xf32>
        %add3A_2097 = arith.constant 54 : i32
        %add3A_2098 = vector.broadcast %add3A_2097 : i32 to vector<16xi32>
        %add3A_2099 = arith.addi %iota3A, %add3A_2098 : vector<16xi32>
        %and3A_2100 = arith.constant 63 : i32
        %and3A_2101 = vector.broadcast %and3A_2100 : i32 to vector<16xi32>
        %and3A_2102 = arith.andi %add3A_2099, %and3A_2101 : vector<16xi32>
        %gather3A_2103 = tpu.vector_load_idx %arg9[%add3A_509, %and3A_2102] : memref<128x64xf32, #tpu.memory_space<vmem>>[vector<16xi32>, vector<16xi32>], vector<16xf32>,
        %gather3A_2104 = tpu.vector_load_idx %arg10[%add3A_509, %and3A_2102] : memref<128x64xf32, #tpu.memory_space<vmem>>[vector<16xi32>, vector<16xi32>], vector<16xf32>,
        %gather3A_2105 = tpu.vector_load_idx %arg11[%add3A_509, %and3A_2102] : memref<128x64xf32, #tpu.memory_space<vmem>>[vector<16xi32>, vector<16xi32>], vector<16xf32>,
        %mul3A_2106 = arith.mulf %gather3A_2103, %div3A_1281 : vector<16xf32>
        %add3A_2107 = arith.addf %mul3A_2106, %gather3A_2104 : vector<16xf32>
        %mul3A_2108 = arith.mulf %gather3A_2105, %div3A_1284 : vector<16xf32>
        %sub3A_2109 = arith.subf %add3A_2107, %mul3A_2108 : vector<16xf32>
        %abs3A_2110 = math.absf %sub3A_2109 : vector<16xf32>
        %add3A_2111 = arith.addf %add3A_2096, %abs3A_2110 : vector<16xf32>
        %add3A_2112 = arith.constant 55 : i32
        %add3A_2113 = vector.broadcast %add3A_2112 : i32 to vector<16xi32>
        %add3A_2114 = arith.addi %iota3A, %add3A_2113 : vector<16xi32>
        %and3A_2115 = arith.constant 63 : i32
        %and3A_2116 = vector.broadcast %and3A_2115 : i32 to vector<16xi32>
        %and3A_2117 = arith.andi %add3A_2114, %and3A_2116 : vector<16xi32>
        %gather3A_2118 = tpu.vector_load_idx %arg9[%add3A_509, %and3A_2117] : memref<128x64xf32, #tpu.memory_space<vmem>>[vector<16xi32>, vector<16xi32>], vector<16xf32>,
        %gather3A_2119 = tpu.vector_load_idx %arg10[%add3A_509, %and3A_2117] : memref<128x64xf32, #tpu.memory_space<vmem>>[vector<16xi32>, vector<16xi32>], vector<16xf32>,
        %gather3A_2120 = tpu.vector_load_idx %arg11[%add3A_509, %and3A_2117] : memref<128x64xf32, #tpu.memory_space<vmem>>[vector<16xi32>, vector<16xi32>], vector<16xf32>,
        %mul3A_2121 = arith.mulf %gather3A_2118, %div3A_1281 : vector<16xf32>
        %add3A_2122 = arith.addf %mul3A_2121, %gather3A_2119 : vector<16xf32>
        %mul3A_2123 = arith.mulf %gather3A_2120, %div3A_1284 : vector<16xf32>
        %sub3A_2124 = arith.subf %add3A_2122, %mul3A_2123 : vector<16xf32>
        %abs3A_2125 = math.absf %sub3A_2124 : vector<16xf32>
        %add3A_2126 = arith.addf %add3A_2111, %abs3A_2125 : vector<16xf32>
        %add3A_2127 = arith.constant 56 : i32
        %add3A_2128 = vector.broadcast %add3A_2127 : i32 to vector<16xi32>
        %add3A_2129 = arith.addi %iota3A, %add3A_2128 : vector<16xi32>
        %and3A_2130 = arith.constant 63 : i32
        %and3A_2131 = vector.broadcast %and3A_2130 : i32 to vector<16xi32>
        %and3A_2132 = arith.andi %add3A_2129, %and3A_2131 : vector<16xi32>
        %gather3A_2133 = tpu.vector_load_idx %arg9[%add3A_509, %and3A_2132] : memref<128x64xf32, #tpu.memory_space<vmem>>[vector<16xi32>, vector<16xi32>], vector<16xf32>,
        %gather3A_2134 = tpu.vector_load_idx %arg10[%add3A_509, %and3A_2132] : memref<128x64xf32, #tpu.memory_space<vmem>>[vector<16xi32>, vector<16xi32>], vector<16xf32>,
        %gather3A_2135 = tpu.vector_load_idx %arg11[%add3A_509, %and3A_2132] : memref<128x64xf32, #tpu.memory_space<vmem>>[vector<16xi32>, vector<16xi32>], vector<16xf32>,
        %mul3A_2136 = arith.mulf %gather3A_2133, %div3A_1281 : vector<16xf32>
        %add3A_2137 = arith.addf %mul3A_2136, %gather3A_2134 : vector<16xf32>
        %mul3A_2138 = arith.mulf %gather3A_2135, %div3A_1284 : vector<16xf32>
        %sub3A_2139 = arith.subf %add3A_2137, %mul3A_2138 : vector<16xf32>
        %abs3A_2140 = math.absf %sub3A_2139 : vector<16xf32>
        %add3A_2141 = arith.addf %add3A_2126, %abs3A_2140 : vector<16xf32>
        %add3A_2142 = arith.constant 57 : i32
        %add3A_2143 = vector.broadcast %add3A_2142 : i32 to vector<16xi32>
        %add3A_2144 = arith.addi %iota3A, %add3A_2143 : vector<16xi32>
        %and3A_2145 = arith.constant 63 : i32
        %and3A_2146 = vector.broadcast %and3A_2145 : i32 to vector<16xi32>
        %and3A_2147 = arith.andi %add3A_2144, %and3A_2146 : vector<16xi32>
        %gather3A_2148 = tpu.vector_load_idx %arg9[%add3A_509, %and3A_2147] : memref<128x64xf32, #tpu.memory_space<vmem>>[vector<16xi32>, vector<16xi32>], vector<16xf32>,
        %gather3A_2149 = tpu.vector_load_idx %arg10[%add3A_509, %and3A_2147] : memref<128x64xf32, #tpu.memory_space<vmem>>[vector<16xi32>, vector<16xi32>], vector<16xf32>,
        %gather3A_2150 = tpu.vector_load_idx %arg11[%add3A_509, %and3A_2147] : memref<128x64xf32, #tpu.memory_space<vmem>>[vector<16xi32>, vector<16xi32>], vector<16xf32>,
        %mul3A_2151 = arith.mulf %gather3A_2148, %div3A_1281 : vector<16xf32>
        %add3A_2152 = arith.addf %mul3A_2151, %gather3A_2149 : vector<16xf32>
        %mul3A_2153 = arith.mulf %gather3A_2150, %div3A_1284 : vector<16xf32>
        %sub3A_2154 = arith.subf %add3A_2152, %mul3A_2153 : vector<16xf32>
        %abs3A_2155 = math.absf %sub3A_2154 : vector<16xf32>
        %add3A_2156 = arith.addf %add3A_2141, %abs3A_2155 : vector<16xf32>
        %add3A_2157 = arith.constant 58 : i32
        %add3A_2158 = vector.broadcast %add3A_2157 : i32 to vector<16xi32>
        %add3A_2159 = arith.addi %iota3A, %add3A_2158 : vector<16xi32>
        %and3A_2160 = arith.constant 63 : i32
        %and3A_2161 = vector.broadcast %and3A_2160 : i32 to vector<16xi32>
        %and3A_2162 = arith.andi %add3A_2159, %and3A_2161 : vector<16xi32>
        %gather3A_2163 = tpu.vector_load_idx %arg9[%add3A_509, %and3A_2162] : memref<128x64xf32, #tpu.memory_space<vmem>>[vector<16xi32>, vector<16xi32>], vector<16xf32>,
        %gather3A_2164 = tpu.vector_load_idx %arg10[%add3A_509, %and3A_2162] : memref<128x64xf32, #tpu.memory_space<vmem>>[vector<16xi32>, vector<16xi32>], vector<16xf32>,
        %gather3A_2165 = tpu.vector_load_idx %arg11[%add3A_509, %and3A_2162] : memref<128x64xf32, #tpu.memory_space<vmem>>[vector<16xi32>, vector<16xi32>], vector<16xf32>,
        %mul3A_2166 = arith.mulf %gather3A_2163, %div3A_1281 : vector<16xf32>
        %add3A_2167 = arith.addf %mul3A_2166, %gather3A_2164 : vector<16xf32>
        %mul3A_2168 = arith.mulf %gather3A_2165, %div3A_1284 : vector<16xf32>
        %sub3A_2169 = arith.subf %add3A_2167, %mul3A_2168 : vector<16xf32>
        %abs3A_2170 = math.absf %sub3A_2169 : vector<16xf32>
        %add3A_2171 = arith.addf %add3A_2156, %abs3A_2170 : vector<16xf32>
        %add3A_2172 = arith.constant 59 : i32
        %add3A_2173 = vector.broadcast %add3A_2172 : i32 to vector<16xi32>
        %add3A_2174 = arith.addi %iota3A, %add3A_2173 : vector<16xi32>
        %and3A_2175 = arith.constant 63 : i32
        %and3A_2176 = vector.broadcast %and3A_2175 : i32 to vector<16xi32>
        %and3A_2177 = arith.andi %add3A_2174, %and3A_2176 : vector<16xi32>
        %gather3A_2178 = tpu.vector_load_idx %arg9[%add3A_509, %and3A_2177] : memref<128x64xf32, #tpu.memory_space<vmem>>[vector<16xi32>, vector<16xi32>], vector<16xf32>,
        %gather3A_2179 = tpu.vector_load_idx %arg10[%add3A_509, %and3A_2177] : memref<128x64xf32, #tpu.memory_space<vmem>>[vector<16xi32>, vector<16xi32>], vector<16xf32>,
        %gather3A_2180 = tpu.vector_load_idx %arg11[%add3A_509, %and3A_2177] : memref<128x64xf32, #tpu.memory_space<vmem>>[vector<16xi32>, vector<16xi32>], vector<16xf32>,
        %mul3A_2181 = arith.mulf %gather3A_2178, %div3A_1281 : vector<16xf32>
        %add3A_2182 = arith.addf %mul3A_2181, %gather3A_2179 : vector<16xf32>
        %mul3A_2183 = arith.mulf %gather3A_2180, %div3A_1284 : vector<16xf32>
        %sub3A_2184 = arith.subf %add3A_2182, %mul3A_2183 : vector<16xf32>
        %abs3A_2185 = math.absf %sub3A_2184 : vector<16xf32>
        %add3A_2186 = arith.addf %add3A_2171, %abs3A_2185 : vector<16xf32>
        %add3A_2187 = arith.constant 60 : i32
        %add3A_2188 = vector.broadcast %add3A_2187 : i32 to vector<16xi32>
        %add3A_2189 = arith.addi %iota3A, %add3A_2188 : vector<16xi32>
        %and3A_2190 = arith.constant 63 : i32
        %and3A_2191 = vector.broadcast %and3A_2190 : i32 to vector<16xi32>
        %and3A_2192 = arith.andi %add3A_2189, %and3A_2191 : vector<16xi32>
        %gather3A_2193 = tpu.vector_load_idx %arg9[%add3A_509, %and3A_2192] : memref<128x64xf32, #tpu.memory_space<vmem>>[vector<16xi32>, vector<16xi32>], vector<16xf32>,
        %gather3A_2194 = tpu.vector_load_idx %arg10[%add3A_509, %and3A_2192] : memref<128x64xf32, #tpu.memory_space<vmem>>[vector<16xi32>, vector<16xi32>], vector<16xf32>,
        %gather3A_2195 = tpu.vector_load_idx %arg11[%add3A_509, %and3A_2192] : memref<128x64xf32, #tpu.memory_space<vmem>>[vector<16xi32>, vector<16xi32>], vector<16xf32>,
        %mul3A_2196 = arith.mulf %gather3A_2193, %div3A_1281 : vector<16xf32>
        %add3A_2197 = arith.addf %mul3A_2196, %gather3A_2194 : vector<16xf32>
        %mul3A_2198 = arith.mulf %gather3A_2195, %div3A_1284 : vector<16xf32>
        %sub3A_2199 = arith.subf %add3A_2197, %mul3A_2198 : vector<16xf32>
        %abs3A_2200 = math.absf %sub3A_2199 : vector<16xf32>
        %add3A_2201 = arith.addf %add3A_2186, %abs3A_2200 : vector<16xf32>
        %add3A_2202 = arith.constant 61 : i32
        %add3A_2203 = vector.broadcast %add3A_2202 : i32 to vector<16xi32>
        %add3A_2204 = arith.addi %iota3A, %add3A_2203 : vector<16xi32>
        %and3A_2205 = arith.constant 63 : i32
        %and3A_2206 = vector.broadcast %and3A_2205 : i32 to vector<16xi32>
        %and3A_2207 = arith.andi %add3A_2204, %and3A_2206 : vector<16xi32>
        %gather3A_2208 = tpu.vector_load_idx %arg9[%add3A_509, %and3A_2207] : memref<128x64xf32, #tpu.memory_space<vmem>>[vector<16xi32>, vector<16xi32>], vector<16xf32>,
        %gather3A_2209 = tpu.vector_load_idx %arg10[%add3A_509, %and3A_2207] : memref<128x64xf32, #tpu.memory_space<vmem>>[vector<16xi32>, vector<16xi32>], vector<16xf32>,
        %gather3A_2210 = tpu.vector_load_idx %arg11[%add3A_509, %and3A_2207] : memref<128x64xf32, #tpu.memory_space<vmem>>[vector<16xi32>, vector<16xi32>], vector<16xf32>,
        %mul3A_2211 = arith.mulf %gather3A_2208, %div3A_1281 : vector<16xf32>
        %add3A_2212 = arith.addf %mul3A_2211, %gather3A_2209 : vector<16xf32>
        %mul3A_2213 = arith.mulf %gather3A_2210, %div3A_1284 : vector<16xf32>
        %sub3A_2214 = arith.subf %add3A_2212, %mul3A_2213 : vector<16xf32>
        %abs3A_2215 = math.absf %sub3A_2214 : vector<16xf32>
        %add3A_2216 = arith.addf %add3A_2201, %abs3A_2215 : vector<16xf32>
        %add3A_2217 = arith.constant 62 : i32
        %add3A_2218 = vector.broadcast %add3A_2217 : i32 to vector<16xi32>
        %add3A_2219 = arith.addi %iota3A, %add3A_2218 : vector<16xi32>
        %and3A_2220 = arith.constant 63 : i32
        %and3A_2221 = vector.broadcast %and3A_2220 : i32 to vector<16xi32>
        %and3A_2222 = arith.andi %add3A_2219, %and3A_2221 : vector<16xi32>
        %gather3A_2223 = tpu.vector_load_idx %arg9[%add3A_509, %and3A_2222] : memref<128x64xf32, #tpu.memory_space<vmem>>[vector<16xi32>, vector<16xi32>], vector<16xf32>,
        %gather3A_2224 = tpu.vector_load_idx %arg10[%add3A_509, %and3A_2222] : memref<128x64xf32, #tpu.memory_space<vmem>>[vector<16xi32>, vector<16xi32>], vector<16xf32>,
        %gather3A_2225 = tpu.vector_load_idx %arg11[%add3A_509, %and3A_2222] : memref<128x64xf32, #tpu.memory_space<vmem>>[vector<16xi32>, vector<16xi32>], vector<16xf32>,
        %mul3A_2226 = arith.mulf %gather3A_2223, %div3A_1281 : vector<16xf32>
        %add3A_2227 = arith.addf %mul3A_2226, %gather3A_2224 : vector<16xf32>
        %mul3A_2228 = arith.mulf %gather3A_2225, %div3A_1284 : vector<16xf32>
        %sub3A_2229 = arith.subf %add3A_2227, %mul3A_2228 : vector<16xf32>
        %abs3A_2230 = math.absf %sub3A_2229 : vector<16xf32>
        %add3A_2231 = arith.addf %add3A_2216, %abs3A_2230 : vector<16xf32>
        %add3A_2232 = arith.constant 63 : i32
        %add3A_2233 = vector.broadcast %add3A_2232 : i32 to vector<16xi32>
        %add3A_2234 = arith.addi %iota3A, %add3A_2233 : vector<16xi32>
        %and3A_2235 = arith.constant 63 : i32
        %and3A_2236 = vector.broadcast %and3A_2235 : i32 to vector<16xi32>
        %and3A_2237 = arith.andi %add3A_2234, %and3A_2236 : vector<16xi32>
        %gather3A_2238 = tpu.vector_load_idx %arg9[%add3A_509, %and3A_2237] : memref<128x64xf32, #tpu.memory_space<vmem>>[vector<16xi32>, vector<16xi32>], vector<16xf32>,
        %gather3A_2239 = tpu.vector_load_idx %arg10[%add3A_509, %and3A_2237] : memref<128x64xf32, #tpu.memory_space<vmem>>[vector<16xi32>, vector<16xi32>], vector<16xf32>,
        %gather3A_2240 = tpu.vector_load_idx %arg11[%add3A_509, %and3A_2237] : memref<128x64xf32, #tpu.memory_space<vmem>>[vector<16xi32>, vector<16xi32>], vector<16xf32>,
        %mul3A_2241 = arith.mulf %gather3A_2238, %div3A_1281 : vector<16xf32>
        %add3A_2242 = arith.addf %mul3A_2241, %gather3A_2239 : vector<16xf32>
        %mul3A_2243 = arith.mulf %gather3A_2240, %div3A_1284 : vector<16xf32>
        %sub3A_2244 = arith.subf %add3A_2242, %mul3A_2243 : vector<16xf32>
        %abs3A_2245 = math.absf %sub3A_2244 : vector<16xf32>
        %add3A_2246 = arith.addf %add3A_2231, %abs3A_2245 : vector<16xf32>
        %mul3A_2247 = arith.constant 128 : i32
        %mul3A_2248 = arith.muli %scan3A_423, %mul3A_2247 : i32
        %mul3A_2249 = arith.constant 16 : i32
        %mul3A_2250 = arith.muli %scan3A_504, %mul3A_2249 : i32
        %add3A_2251 = arith.addi %mul3A_2248, %mul3A_2250 : i32
        %swap3A_2252 = arith.index_cast %add3A_2251 : i32 to index
        %swap3A_2253 = tpu.vector_load %arg12[%swap3A_2252] {strides = array<i32>} : memref<1024xf32, #tpu.memory_space<vmem>>, vector<16xf32>,
        tpu.vector_store %arg12[%swap3A_2252], %add3A_2246 {strides = array<i32>} : memref<1024xf32, #tpu.memory_space<vmem>>, vector<16xf32>,
        %scan3A_2254 = arith.constant 0 : i32
        scf.yield %scan3A_2254 : i32
      }
      %scan3A_502 = arith.constant 8 : i32
      %scan3A_503 = arith.constant 0 : i32
      scf.yield %scan3A_503 : i32
    }
    %scan3A_10 = arith.constant 8 : i32
    %get3A = arith.constant 0 : index
    %get3A_11 = tpu.vector_load %arg12[%get3A] {strides = array<i32>} : memref<1024xf32, #tpu.memory_space<vmem>>, vector<16xf32>,
    %get3A_12 = arith.constant 512 : index
    %get3A_13 = tpu.vector_load %arg12[%get3A_12] {strides = array<i32>} : memref<1024xf32, #tpu.memory_space<vmem>>, vector<16xf32>,
    %sub3A = arith.subf %get3A_11, %get3A_13 : vector<16xf32>
    %add3A_14 = arith.constant 1.000000e+00 : f32
    %add3A_15 = vector.broadcast %add3A_14 : f32 to vector<16xf32>
    %add3A_16 = arith.addf %sub3A, %add3A_15 : vector<16xf32>
    %max3A = arith.constant 0.000000e+00 : f32
    %max3A_17 = vector.broadcast %max3A : f32 to vector<16xf32>
    %max3A_18 = arith.maximumf %add3A_16, %max3A_17 : vector<16xf32>
    %swap3A = arith.constant 0 : index
    %swap3A_19 = tpu.vector_load %arg13[%swap3A] {strides = array<i32>} : memref<512xf32, #tpu.memory_space<vmem>>, vector<16xf32>,
    tpu.vector_store %arg13[%swap3A], %max3A_18 {strides = array<i32>} : memref<512xf32, #tpu.memory_space<vmem>>, vector<16xf32>,
    %get3A_20 = arith.constant 16 : index
    %get3A_21 = tpu.vector_load %arg12[%get3A_20] {strides = array<i32>} : memref<1024xf32, #tpu.memory_space<vmem>>, vector<16xf32>,
    %get3A_22 = arith.constant 528 : index
    %get3A_23 = tpu.vector_load %arg12[%get3A_22] {strides = array<i32>} : memref<1024xf32, #tpu.memory_space<vmem>>, vector<16xf32>,
    %sub3A_24 = arith.subf %get3A_21, %get3A_23 : vector<16xf32>
    %add3A_25 = arith.constant 1.000000e+00 : f32
    %add3A_26 = vector.broadcast %add3A_25 : f32 to vector<16xf32>
    %add3A_27 = arith.addf %sub3A_24, %add3A_26 : vector<16xf32>
    %max3A_28 = arith.constant 0.000000e+00 : f32
    %max3A_29 = vector.broadcast %max3A_28 : f32 to vector<16xf32>
    %max3A_30 = arith.maximumf %add3A_27, %max3A_29 : vector<16xf32>
    %swap3A_31 = arith.constant 16 : index
    %swap3A_32 = tpu.vector_load %arg13[%swap3A_31] {strides = array<i32>} : memref<512xf32, #tpu.memory_space<vmem>>, vector<16xf32>,
    tpu.vector_store %arg13[%swap3A_31], %max3A_30 {strides = array<i32>} : memref<512xf32, #tpu.memory_space<vmem>>, vector<16xf32>,
    %get3A_33 = arith.constant 32 : index
    %get3A_34 = tpu.vector_load %arg12[%get3A_33] {strides = array<i32>} : memref<1024xf32, #tpu.memory_space<vmem>>, vector<16xf32>,
    %get3A_35 = arith.constant 544 : index
    %get3A_36 = tpu.vector_load %arg12[%get3A_35] {strides = array<i32>} : memref<1024xf32, #tpu.memory_space<vmem>>, vector<16xf32>,
    %sub3A_37 = arith.subf %get3A_34, %get3A_36 : vector<16xf32>
    %add3A_38 = arith.constant 1.000000e+00 : f32
    %add3A_39 = vector.broadcast %add3A_38 : f32 to vector<16xf32>
    %add3A_40 = arith.addf %sub3A_37, %add3A_39 : vector<16xf32>
    %max3A_41 = arith.constant 0.000000e+00 : f32
    %max3A_42 = vector.broadcast %max3A_41 : f32 to vector<16xf32>
    %max3A_43 = arith.maximumf %add3A_40, %max3A_42 : vector<16xf32>
    %swap3A_44 = arith.constant 32 : index
    %swap3A_45 = tpu.vector_load %arg13[%swap3A_44] {strides = array<i32>} : memref<512xf32, #tpu.memory_space<vmem>>, vector<16xf32>,
    tpu.vector_store %arg13[%swap3A_44], %max3A_43 {strides = array<i32>} : memref<512xf32, #tpu.memory_space<vmem>>, vector<16xf32>,
    %get3A_46 = arith.constant 48 : index
    %get3A_47 = tpu.vector_load %arg12[%get3A_46] {strides = array<i32>} : memref<1024xf32, #tpu.memory_space<vmem>>, vector<16xf32>,
    %get3A_48 = arith.constant 560 : index
    %get3A_49 = tpu.vector_load %arg12[%get3A_48] {strides = array<i32>} : memref<1024xf32, #tpu.memory_space<vmem>>, vector<16xf32>,
    %sub3A_50 = arith.subf %get3A_47, %get3A_49 : vector<16xf32>
    %add3A_51 = arith.constant 1.000000e+00 : f32
    %add3A_52 = vector.broadcast %add3A_51 : f32 to vector<16xf32>
    %add3A_53 = arith.addf %sub3A_50, %add3A_52 : vector<16xf32>
    %max3A_54 = arith.constant 0.000000e+00 : f32
    %max3A_55 = vector.broadcast %max3A_54 : f32 to vector<16xf32>
    %max3A_56 = arith.maximumf %add3A_53, %max3A_55 : vector<16xf32>
    %swap3A_57 = arith.constant 48 : index
    %swap3A_58 = tpu.vector_load %arg13[%swap3A_57] {strides = array<i32>} : memref<512xf32, #tpu.memory_space<vmem>>, vector<16xf32>,
    tpu.vector_store %arg13[%swap3A_57], %max3A_56 {strides = array<i32>} : memref<512xf32, #tpu.memory_space<vmem>>, vector<16xf32>,
    %get3A_59 = arith.constant 64 : index
    %get3A_60 = tpu.vector_load %arg12[%get3A_59] {strides = array<i32>} : memref<1024xf32, #tpu.memory_space<vmem>>, vector<16xf32>,
    %get3A_61 = arith.constant 576 : index
    %get3A_62 = tpu.vector_load %arg12[%get3A_61] {strides = array<i32>} : memref<1024xf32, #tpu.memory_space<vmem>>, vector<16xf32>,
    %sub3A_63 = arith.subf %get3A_60, %get3A_62 : vector<16xf32>
    %add3A_64 = arith.constant 1.000000e+00 : f32
    %add3A_65 = vector.broadcast %add3A_64 : f32 to vector<16xf32>
    %add3A_66 = arith.addf %sub3A_63, %add3A_65 : vector<16xf32>
    %max3A_67 = arith.constant 0.000000e+00 : f32
    %max3A_68 = vector.broadcast %max3A_67 : f32 to vector<16xf32>
    %max3A_69 = arith.maximumf %add3A_66, %max3A_68 : vector<16xf32>
    %swap3A_70 = arith.constant 64 : index
    %swap3A_71 = tpu.vector_load %arg13[%swap3A_70] {strides = array<i32>} : memref<512xf32, #tpu.memory_space<vmem>>, vector<16xf32>,
    tpu.vector_store %arg13[%swap3A_70], %max3A_69 {strides = array<i32>} : memref<512xf32, #tpu.memory_space<vmem>>, vector<16xf32>,
    %get3A_72 = arith.constant 80 : index
    %get3A_73 = tpu.vector_load %arg12[%get3A_72] {strides = array<i32>} : memref<1024xf32, #tpu.memory_space<vmem>>, vector<16xf32>,
    %get3A_74 = arith.constant 592 : index
    %get3A_75 = tpu.vector_load %arg12[%get3A_74] {strides = array<i32>} : memref<1024xf32, #tpu.memory_space<vmem>>, vector<16xf32>,
    %sub3A_76 = arith.subf %get3A_73, %get3A_75 : vector<16xf32>
    %add3A_77 = arith.constant 1.000000e+00 : f32
    %add3A_78 = vector.broadcast %add3A_77 : f32 to vector<16xf32>
    %add3A_79 = arith.addf %sub3A_76, %add3A_78 : vector<16xf32>
    %max3A_80 = arith.constant 0.000000e+00 : f32
    %max3A_81 = vector.broadcast %max3A_80 : f32 to vector<16xf32>
    %max3A_82 = arith.maximumf %add3A_79, %max3A_81 : vector<16xf32>
    %swap3A_83 = arith.constant 80 : index
    %swap3A_84 = tpu.vector_load %arg13[%swap3A_83] {strides = array<i32>} : memref<512xf32, #tpu.memory_space<vmem>>, vector<16xf32>,
    tpu.vector_store %arg13[%swap3A_83], %max3A_82 {strides = array<i32>} : memref<512xf32, #tpu.memory_space<vmem>>, vector<16xf32>,
    %get3A_85 = arith.constant 96 : index
    %get3A_86 = tpu.vector_load %arg12[%get3A_85] {strides = array<i32>} : memref<1024xf32, #tpu.memory_space<vmem>>, vector<16xf32>,
    %get3A_87 = arith.constant 608 : index
    %get3A_88 = tpu.vector_load %arg12[%get3A_87] {strides = array<i32>} : memref<1024xf32, #tpu.memory_space<vmem>>, vector<16xf32>,
    %sub3A_89 = arith.subf %get3A_86, %get3A_88 : vector<16xf32>
    %add3A_90 = arith.constant 1.000000e+00 : f32
    %add3A_91 = vector.broadcast %add3A_90 : f32 to vector<16xf32>
    %add3A_92 = arith.addf %sub3A_89, %add3A_91 : vector<16xf32>
    %max3A_93 = arith.constant 0.000000e+00 : f32
    %max3A_94 = vector.broadcast %max3A_93 : f32 to vector<16xf32>
    %max3A_95 = arith.maximumf %add3A_92, %max3A_94 : vector<16xf32>
    %swap3A_96 = arith.constant 96 : index
    %swap3A_97 = tpu.vector_load %arg13[%swap3A_96] {strides = array<i32>} : memref<512xf32, #tpu.memory_space<vmem>>, vector<16xf32>,
    tpu.vector_store %arg13[%swap3A_96], %max3A_95 {strides = array<i32>} : memref<512xf32, #tpu.memory_space<vmem>>, vector<16xf32>,
    %get3A_98 = arith.constant 112 : index
    %get3A_99 = tpu.vector_load %arg12[%get3A_98] {strides = array<i32>} : memref<1024xf32, #tpu.memory_space<vmem>>, vector<16xf32>,
    %get3A_100 = arith.constant 624 : index
    %get3A_101 = tpu.vector_load %arg12[%get3A_100] {strides = array<i32>} : memref<1024xf32, #tpu.memory_space<vmem>>, vector<16xf32>,
    %sub3A_102 = arith.subf %get3A_99, %get3A_101 : vector<16xf32>
    %add3A_103 = arith.constant 1.000000e+00 : f32
    %add3A_104 = vector.broadcast %add3A_103 : f32 to vector<16xf32>
    %add3A_105 = arith.addf %sub3A_102, %add3A_104 : vector<16xf32>
    %max3A_106 = arith.constant 0.000000e+00 : f32
    %max3A_107 = vector.broadcast %max3A_106 : f32 to vector<16xf32>
    %max3A_108 = arith.maximumf %add3A_105, %max3A_107 : vector<16xf32>
    %swap3A_109 = arith.constant 112 : index
    %swap3A_110 = tpu.vector_load %arg13[%swap3A_109] {strides = array<i32>} : memref<512xf32, #tpu.memory_space<vmem>>, vector<16xf32>,
    tpu.vector_store %arg13[%swap3A_109], %max3A_108 {strides = array<i32>} : memref<512xf32, #tpu.memory_space<vmem>>, vector<16xf32>,
    %get3A_111 = arith.constant 128 : index
    %get3A_112 = tpu.vector_load %arg12[%get3A_111] {strides = array<i32>} : memref<1024xf32, #tpu.memory_space<vmem>>, vector<16xf32>,
    %get3A_113 = arith.constant 640 : index
    %get3A_114 = tpu.vector_load %arg12[%get3A_113] {strides = array<i32>} : memref<1024xf32, #tpu.memory_space<vmem>>, vector<16xf32>,
    %sub3A_115 = arith.subf %get3A_112, %get3A_114 : vector<16xf32>
    %add3A_116 = arith.constant 1.000000e+00 : f32
    %add3A_117 = vector.broadcast %add3A_116 : f32 to vector<16xf32>
    %add3A_118 = arith.addf %sub3A_115, %add3A_117 : vector<16xf32>
    %max3A_119 = arith.constant 0.000000e+00 : f32
    %max3A_120 = vector.broadcast %max3A_119 : f32 to vector<16xf32>
    %max3A_121 = arith.maximumf %add3A_118, %max3A_120 : vector<16xf32>
    %swap3A_122 = arith.constant 128 : index
    %swap3A_123 = tpu.vector_load %arg13[%swap3A_122] {strides = array<i32>} : memref<512xf32, #tpu.memory_space<vmem>>, vector<16xf32>,
    tpu.vector_store %arg13[%swap3A_122], %max3A_121 {strides = array<i32>} : memref<512xf32, #tpu.memory_space<vmem>>, vector<16xf32>,
    %get3A_124 = arith.constant 144 : index
    %get3A_125 = tpu.vector_load %arg12[%get3A_124] {strides = array<i32>} : memref<1024xf32, #tpu.memory_space<vmem>>, vector<16xf32>,
    %get3A_126 = arith.constant 656 : index
    %get3A_127 = tpu.vector_load %arg12[%get3A_126] {strides = array<i32>} : memref<1024xf32, #tpu.memory_space<vmem>>, vector<16xf32>,
    %sub3A_128 = arith.subf %get3A_125, %get3A_127 : vector<16xf32>
    %add3A_129 = arith.constant 1.000000e+00 : f32
    %add3A_130 = vector.broadcast %add3A_129 : f32 to vector<16xf32>
    %add3A_131 = arith.addf %sub3A_128, %add3A_130 : vector<16xf32>
    %max3A_132 = arith.constant 0.000000e+00 : f32
    %max3A_133 = vector.broadcast %max3A_132 : f32 to vector<16xf32>
    %max3A_134 = arith.maximumf %add3A_131, %max3A_133 : vector<16xf32>
    %swap3A_135 = arith.constant 144 : index
    %swap3A_136 = tpu.vector_load %arg13[%swap3A_135] {strides = array<i32>} : memref<512xf32, #tpu.memory_space<vmem>>, vector<16xf32>,
    tpu.vector_store %arg13[%swap3A_135], %max3A_134 {strides = array<i32>} : memref<512xf32, #tpu.memory_space<vmem>>, vector<16xf32>,
    %get3A_137 = arith.constant 160 : index
    %get3A_138 = tpu.vector_load %arg12[%get3A_137] {strides = array<i32>} : memref<1024xf32, #tpu.memory_space<vmem>>, vector<16xf32>,
    %get3A_139 = arith.constant 672 : index
    %get3A_140 = tpu.vector_load %arg12[%get3A_139] {strides = array<i32>} : memref<1024xf32, #tpu.memory_space<vmem>>, vector<16xf32>,
    %sub3A_141 = arith.subf %get3A_138, %get3A_140 : vector<16xf32>
    %add3A_142 = arith.constant 1.000000e+00 : f32
    %add3A_143 = vector.broadcast %add3A_142 : f32 to vector<16xf32>
    %add3A_144 = arith.addf %sub3A_141, %add3A_143 : vector<16xf32>
    %max3A_145 = arith.constant 0.000000e+00 : f32
    %max3A_146 = vector.broadcast %max3A_145 : f32 to vector<16xf32>
    %max3A_147 = arith.maximumf %add3A_144, %max3A_146 : vector<16xf32>
    %swap3A_148 = arith.constant 160 : index
    %swap3A_149 = tpu.vector_load %arg13[%swap3A_148] {strides = array<i32>} : memref<512xf32, #tpu.memory_space<vmem>>, vector<16xf32>,
    tpu.vector_store %arg13[%swap3A_148], %max3A_147 {strides = array<i32>} : memref<512xf32, #tpu.memory_space<vmem>>, vector<16xf32>,
    %get3A_150 = arith.constant 176 : index
    %get3A_151 = tpu.vector_load %arg12[%get3A_150] {strides = array<i32>} : memref<1024xf32, #tpu.memory_space<vmem>>, vector<16xf32>,
    %get3A_152 = arith.constant 688 : index
    %get3A_153 = tpu.vector_load %arg12[%get3A_152] {strides = array<i32>} : memref<1024xf32, #tpu.memory_space<vmem>>, vector<16xf32>,
    %sub3A_154 = arith.subf %get3A_151, %get3A_153 : vector<16xf32>
    %add3A_155 = arith.constant 1.000000e+00 : f32
    %add3A_156 = vector.broadcast %add3A_155 : f32 to vector<16xf32>
    %add3A_157 = arith.addf %sub3A_154, %add3A_156 : vector<16xf32>
    %max3A_158 = arith.constant 0.000000e+00 : f32
    %max3A_159 = vector.broadcast %max3A_158 : f32 to vector<16xf32>
    %max3A_160 = arith.maximumf %add3A_157, %max3A_159 : vector<16xf32>
    %swap3A_161 = arith.constant 176 : index
    %swap3A_162 = tpu.vector_load %arg13[%swap3A_161] {strides = array<i32>} : memref<512xf32, #tpu.memory_space<vmem>>, vector<16xf32>,
    tpu.vector_store %arg13[%swap3A_161], %max3A_160 {strides = array<i32>} : memref<512xf32, #tpu.memory_space<vmem>>, vector<16xf32>,
    %get3A_163 = arith.constant 192 : index
    %get3A_164 = tpu.vector_load %arg12[%get3A_163] {strides = array<i32>} : memref<1024xf32, #tpu.memory_space<vmem>>, vector<16xf32>,
    %get3A_165 = arith.constant 704 : index
    %get3A_166 = tpu.vector_load %arg12[%get3A_165] {strides = array<i32>} : memref<1024xf32, #tpu.memory_space<vmem>>, vector<16xf32>,
    %sub3A_167 = arith.subf %get3A_164, %get3A_166 : vector<16xf32>
    %add3A_168 = arith.constant 1.000000e+00 : f32
    %add3A_169 = vector.broadcast %add3A_168 : f32 to vector<16xf32>
    %add3A_170 = arith.addf %sub3A_167, %add3A_169 : vector<16xf32>
    %max3A_171 = arith.constant 0.000000e+00 : f32
    %max3A_172 = vector.broadcast %max3A_171 : f32 to vector<16xf32>
    %max3A_173 = arith.maximumf %add3A_170, %max3A_172 : vector<16xf32>
    %swap3A_174 = arith.constant 192 : index
    %swap3A_175 = tpu.vector_load %arg13[%swap3A_174] {strides = array<i32>} : memref<512xf32, #tpu.memory_space<vmem>>, vector<16xf32>,
    tpu.vector_store %arg13[%swap3A_174], %max3A_173 {strides = array<i32>} : memref<512xf32, #tpu.memory_space<vmem>>, vector<16xf32>,
    %get3A_176 = arith.constant 208 : index
    %get3A_177 = tpu.vector_load %arg12[%get3A_176] {strides = array<i32>} : memref<1024xf32, #tpu.memory_space<vmem>>, vector<16xf32>,
    %get3A_178 = arith.constant 720 : index
    %get3A_179 = tpu.vector_load %arg12[%get3A_178] {strides = array<i32>} : memref<1024xf32, #tpu.memory_space<vmem>>, vector<16xf32>,
    %sub3A_180 = arith.subf %get3A_177, %get3A_179 : vector<16xf32>
    %add3A_181 = arith.constant 1.000000e+00 : f32
    %add3A_182 = vector.broadcast %add3A_181 : f32 to vector<16xf32>
    %add3A_183 = arith.addf %sub3A_180, %add3A_182 : vector<16xf32>
    %max3A_184 = arith.constant 0.000000e+00 : f32
    %max3A_185 = vector.broadcast %max3A_184 : f32 to vector<16xf32>
    %max3A_186 = arith.maximumf %add3A_183, %max3A_185 : vector<16xf32>
    %swap3A_187 = arith.constant 208 : index
    %swap3A_188 = tpu.vector_load %arg13[%swap3A_187] {strides = array<i32>} : memref<512xf32, #tpu.memory_space<vmem>>, vector<16xf32>,
    tpu.vector_store %arg13[%swap3A_187], %max3A_186 {strides = array<i32>} : memref<512xf32, #tpu.memory_space<vmem>>, vector<16xf32>,
    %get3A_189 = arith.constant 224 : index
    %get3A_190 = tpu.vector_load %arg12[%get3A_189] {strides = array<i32>} : memref<1024xf32, #tpu.memory_space<vmem>>, vector<16xf32>,
    %get3A_191 = arith.constant 736 : index
    %get3A_192 = tpu.vector_load %arg12[%get3A_191] {strides = array<i32>} : memref<1024xf32, #tpu.memory_space<vmem>>, vector<16xf32>,
    %sub3A_193 = arith.subf %get3A_190, %get3A_192 : vector<16xf32>
    %add3A_194 = arith.constant 1.000000e+00 : f32
    %add3A_195 = vector.broadcast %add3A_194 : f32 to vector<16xf32>
    %add3A_196 = arith.addf %sub3A_193, %add3A_195 : vector<16xf32>
    %max3A_197 = arith.constant 0.000000e+00 : f32
    %max3A_198 = vector.broadcast %max3A_197 : f32 to vector<16xf32>
    %max3A_199 = arith.maximumf %add3A_196, %max3A_198 : vector<16xf32>
    %swap3A_200 = arith.constant 224 : index
    %swap3A_201 = tpu.vector_load %arg13[%swap3A_200] {strides = array<i32>} : memref<512xf32, #tpu.memory_space<vmem>>, vector<16xf32>,
    tpu.vector_store %arg13[%swap3A_200], %max3A_199 {strides = array<i32>} : memref<512xf32, #tpu.memory_space<vmem>>, vector<16xf32>,
    %get3A_202 = arith.constant 240 : index
    %get3A_203 = tpu.vector_load %arg12[%get3A_202] {strides = array<i32>} : memref<1024xf32, #tpu.memory_space<vmem>>, vector<16xf32>,
    %get3A_204 = arith.constant 752 : index
    %get3A_205 = tpu.vector_load %arg12[%get3A_204] {strides = array<i32>} : memref<1024xf32, #tpu.memory_space<vmem>>, vector<16xf32>,
    %sub3A_206 = arith.subf %get3A_203, %get3A_205 : vector<16xf32>
    %add3A_207 = arith.constant 1.000000e+00 : f32
    %add3A_208 = vector.broadcast %add3A_207 : f32 to vector<16xf32>
    %add3A_209 = arith.addf %sub3A_206, %add3A_208 : vector<16xf32>
    %max3A_210 = arith.constant 0.000000e+00 : f32
    %max3A_211 = vector.broadcast %max3A_210 : f32 to vector<16xf32>
    %max3A_212 = arith.maximumf %add3A_209, %max3A_211 : vector<16xf32>
    %swap3A_213 = arith.constant 240 : index
    %swap3A_214 = tpu.vector_load %arg13[%swap3A_213] {strides = array<i32>} : memref<512xf32, #tpu.memory_space<vmem>>, vector<16xf32>,
    tpu.vector_store %arg13[%swap3A_213], %max3A_212 {strides = array<i32>} : memref<512xf32, #tpu.memory_space<vmem>>, vector<16xf32>,
    %get3A_215 = arith.constant 256 : index
    %get3A_216 = tpu.vector_load %arg12[%get3A_215] {strides = array<i32>} : memref<1024xf32, #tpu.memory_space<vmem>>, vector<16xf32>,
    %get3A_217 = arith.constant 768 : index
    %get3A_218 = tpu.vector_load %arg12[%get3A_217] {strides = array<i32>} : memref<1024xf32, #tpu.memory_space<vmem>>, vector<16xf32>,
    %sub3A_219 = arith.subf %get3A_216, %get3A_218 : vector<16xf32>
    %add3A_220 = arith.constant 1.000000e+00 : f32
    %add3A_221 = vector.broadcast %add3A_220 : f32 to vector<16xf32>
    %add3A_222 = arith.addf %sub3A_219, %add3A_221 : vector<16xf32>
    %max3A_223 = arith.constant 0.000000e+00 : f32
    %max3A_224 = vector.broadcast %max3A_223 : f32 to vector<16xf32>
    %max3A_225 = arith.maximumf %add3A_222, %max3A_224 : vector<16xf32>
    %swap3A_226 = arith.constant 256 : index
    %swap3A_227 = tpu.vector_load %arg13[%swap3A_226] {strides = array<i32>} : memref<512xf32, #tpu.memory_space<vmem>>, vector<16xf32>,
    tpu.vector_store %arg13[%swap3A_226], %max3A_225 {strides = array<i32>} : memref<512xf32, #tpu.memory_space<vmem>>, vector<16xf32>,
    %get3A_228 = arith.constant 272 : index
    %get3A_229 = tpu.vector_load %arg12[%get3A_228] {strides = array<i32>} : memref<1024xf32, #tpu.memory_space<vmem>>, vector<16xf32>,
    %get3A_230 = arith.constant 784 : index
    %get3A_231 = tpu.vector_load %arg12[%get3A_230] {strides = array<i32>} : memref<1024xf32, #tpu.memory_space<vmem>>, vector<16xf32>,
    %sub3A_232 = arith.subf %get3A_229, %get3A_231 : vector<16xf32>
    %add3A_233 = arith.constant 1.000000e+00 : f32
    %add3A_234 = vector.broadcast %add3A_233 : f32 to vector<16xf32>
    %add3A_235 = arith.addf %sub3A_232, %add3A_234 : vector<16xf32>
    %max3A_236 = arith.constant 0.000000e+00 : f32
    %max3A_237 = vector.broadcast %max3A_236 : f32 to vector<16xf32>
    %max3A_238 = arith.maximumf %add3A_235, %max3A_237 : vector<16xf32>
    %swap3A_239 = arith.constant 272 : index
    %swap3A_240 = tpu.vector_load %arg13[%swap3A_239] {strides = array<i32>} : memref<512xf32, #tpu.memory_space<vmem>>, vector<16xf32>,
    tpu.vector_store %arg13[%swap3A_239], %max3A_238 {strides = array<i32>} : memref<512xf32, #tpu.memory_space<vmem>>, vector<16xf32>,
    %get3A_241 = arith.constant 288 : index
    %get3A_242 = tpu.vector_load %arg12[%get3A_241] {strides = array<i32>} : memref<1024xf32, #tpu.memory_space<vmem>>, vector<16xf32>,
    %get3A_243 = arith.constant 800 : index
    %get3A_244 = tpu.vector_load %arg12[%get3A_243] {strides = array<i32>} : memref<1024xf32, #tpu.memory_space<vmem>>, vector<16xf32>,
    %sub3A_245 = arith.subf %get3A_242, %get3A_244 : vector<16xf32>
    %add3A_246 = arith.constant 1.000000e+00 : f32
    %add3A_247 = vector.broadcast %add3A_246 : f32 to vector<16xf32>
    %add3A_248 = arith.addf %sub3A_245, %add3A_247 : vector<16xf32>
    %max3A_249 = arith.constant 0.000000e+00 : f32
    %max3A_250 = vector.broadcast %max3A_249 : f32 to vector<16xf32>
    %max3A_251 = arith.maximumf %add3A_248, %max3A_250 : vector<16xf32>
    %swap3A_252 = arith.constant 288 : index
    %swap3A_253 = tpu.vector_load %arg13[%swap3A_252] {strides = array<i32>} : memref<512xf32, #tpu.memory_space<vmem>>, vector<16xf32>,
    tpu.vector_store %arg13[%swap3A_252], %max3A_251 {strides = array<i32>} : memref<512xf32, #tpu.memory_space<vmem>>, vector<16xf32>,
    %get3A_254 = arith.constant 304 : index
    %get3A_255 = tpu.vector_load %arg12[%get3A_254] {strides = array<i32>} : memref<1024xf32, #tpu.memory_space<vmem>>, vector<16xf32>,
    %get3A_256 = arith.constant 816 : index
    %get3A_257 = tpu.vector_load %arg12[%get3A_256] {strides = array<i32>} : memref<1024xf32, #tpu.memory_space<vmem>>, vector<16xf32>,
    %sub3A_258 = arith.subf %get3A_255, %get3A_257 : vector<16xf32>
    %add3A_259 = arith.constant 1.000000e+00 : f32
    %add3A_260 = vector.broadcast %add3A_259 : f32 to vector<16xf32>
    %add3A_261 = arith.addf %sub3A_258, %add3A_260 : vector<16xf32>
    %max3A_262 = arith.constant 0.000000e+00 : f32
    %max3A_263 = vector.broadcast %max3A_262 : f32 to vector<16xf32>
    %max3A_264 = arith.maximumf %add3A_261, %max3A_263 : vector<16xf32>
    %swap3A_265 = arith.constant 304 : index
    %swap3A_266 = tpu.vector_load %arg13[%swap3A_265] {strides = array<i32>} : memref<512xf32, #tpu.memory_space<vmem>>, vector<16xf32>,
    tpu.vector_store %arg13[%swap3A_265], %max3A_264 {strides = array<i32>} : memref<512xf32, #tpu.memory_space<vmem>>, vector<16xf32>,
    %get3A_267 = arith.constant 320 : index
    %get3A_268 = tpu.vector_load %arg12[%get3A_267] {strides = array<i32>} : memref<1024xf32, #tpu.memory_space<vmem>>, vector<16xf32>,
    %get3A_269 = arith.constant 832 : index
    %get3A_270 = tpu.vector_load %arg12[%get3A_269] {strides = array<i32>} : memref<1024xf32, #tpu.memory_space<vmem>>, vector<16xf32>,
    %sub3A_271 = arith.subf %get3A_268, %get3A_270 : vector<16xf32>
    %add3A_272 = arith.constant 1.000000e+00 : f32
    %add3A_273 = vector.broadcast %add3A_272 : f32 to vector<16xf32>
    %add3A_274 = arith.addf %sub3A_271, %add3A_273 : vector<16xf32>
    %max3A_275 = arith.constant 0.000000e+00 : f32
    %max3A_276 = vector.broadcast %max3A_275 : f32 to vector<16xf32>
    %max3A_277 = arith.maximumf %add3A_274, %max3A_276 : vector<16xf32>
    %swap3A_278 = arith.constant 320 : index
    %swap3A_279 = tpu.vector_load %arg13[%swap3A_278] {strides = array<i32>} : memref<512xf32, #tpu.memory_space<vmem>>, vector<16xf32>,
    tpu.vector_store %arg13[%swap3A_278], %max3A_277 {strides = array<i32>} : memref<512xf32, #tpu.memory_space<vmem>>, vector<16xf32>,
    %get3A_280 = arith.constant 336 : index
    %get3A_281 = tpu.vector_load %arg12[%get3A_280] {strides = array<i32>} : memref<1024xf32, #tpu.memory_space<vmem>>, vector<16xf32>,
    %get3A_282 = arith.constant 848 : index
    %get3A_283 = tpu.vector_load %arg12[%get3A_282] {strides = array<i32>} : memref<1024xf32, #tpu.memory_space<vmem>>, vector<16xf32>,
    %sub3A_284 = arith.subf %get3A_281, %get3A_283 : vector<16xf32>
    %add3A_285 = arith.constant 1.000000e+00 : f32
    %add3A_286 = vector.broadcast %add3A_285 : f32 to vector<16xf32>
    %add3A_287 = arith.addf %sub3A_284, %add3A_286 : vector<16xf32>
    %max3A_288 = arith.constant 0.000000e+00 : f32
    %max3A_289 = vector.broadcast %max3A_288 : f32 to vector<16xf32>
    %max3A_290 = arith.maximumf %add3A_287, %max3A_289 : vector<16xf32>
    %swap3A_291 = arith.constant 336 : index
    %swap3A_292 = tpu.vector_load %arg13[%swap3A_291] {strides = array<i32>} : memref<512xf32, #tpu.memory_space<vmem>>, vector<16xf32>,
    tpu.vector_store %arg13[%swap3A_291], %max3A_290 {strides = array<i32>} : memref<512xf32, #tpu.memory_space<vmem>>, vector<16xf32>,
    %get3A_293 = arith.constant 352 : index
    %get3A_294 = tpu.vector_load %arg12[%get3A_293] {strides = array<i32>} : memref<1024xf32, #tpu.memory_space<vmem>>, vector<16xf32>,
    %get3A_295 = arith.constant 864 : index
    %get3A_296 = tpu.vector_load %arg12[%get3A_295] {strides = array<i32>} : memref<1024xf32, #tpu.memory_space<vmem>>, vector<16xf32>,
    %sub3A_297 = arith.subf %get3A_294, %get3A_296 : vector<16xf32>
    %add3A_298 = arith.constant 1.000000e+00 : f32
    %add3A_299 = vector.broadcast %add3A_298 : f32 to vector<16xf32>
    %add3A_300 = arith.addf %sub3A_297, %add3A_299 : vector<16xf32>
    %max3A_301 = arith.constant 0.000000e+00 : f32
    %max3A_302 = vector.broadcast %max3A_301 : f32 to vector<16xf32>
    %max3A_303 = arith.maximumf %add3A_300, %max3A_302 : vector<16xf32>
    %swap3A_304 = arith.constant 352 : index
    %swap3A_305 = tpu.vector_load %arg13[%swap3A_304] {strides = array<i32>} : memref<512xf32, #tpu.memory_space<vmem>>, vector<16xf32>,
    tpu.vector_store %arg13[%swap3A_304], %max3A_303 {strides = array<i32>} : memref<512xf32, #tpu.memory_space<vmem>>, vector<16xf32>,
    %get3A_306 = arith.constant 368 : index
    %get3A_307 = tpu.vector_load %arg12[%get3A_306] {strides = array<i32>} : memref<1024xf32, #tpu.memory_space<vmem>>, vector<16xf32>,
    %get3A_308 = arith.constant 880 : index
    %get3A_309 = tpu.vector_load %arg12[%get3A_308] {strides = array<i32>} : memref<1024xf32, #tpu.memory_space<vmem>>, vector<16xf32>,
    %sub3A_310 = arith.subf %get3A_307, %get3A_309 : vector<16xf32>
    %add3A_311 = arith.constant 1.000000e+00 : f32
    %add3A_312 = vector.broadcast %add3A_311 : f32 to vector<16xf32>
    %add3A_313 = arith.addf %sub3A_310, %add3A_312 : vector<16xf32>
    %max3A_314 = arith.constant 0.000000e+00 : f32
    %max3A_315 = vector.broadcast %max3A_314 : f32 to vector<16xf32>
    %max3A_316 = arith.maximumf %add3A_313, %max3A_315 : vector<16xf32>
    %swap3A_317 = arith.constant 368 : index
    %swap3A_318 = tpu.vector_load %arg13[%swap3A_317] {strides = array<i32>} : memref<512xf32, #tpu.memory_space<vmem>>, vector<16xf32>,
    tpu.vector_store %arg13[%swap3A_317], %max3A_316 {strides = array<i32>} : memref<512xf32, #tpu.memory_space<vmem>>, vector<16xf32>,
    %get3A_319 = arith.constant 384 : index
    %get3A_320 = tpu.vector_load %arg12[%get3A_319] {strides = array<i32>} : memref<1024xf32, #tpu.memory_space<vmem>>, vector<16xf32>,
    %get3A_321 = arith.constant 896 : index
    %get3A_322 = tpu.vector_load %arg12[%get3A_321] {strides = array<i32>} : memref<1024xf32, #tpu.memory_space<vmem>>, vector<16xf32>,
    %sub3A_323 = arith.subf %get3A_320, %get3A_322 : vector<16xf32>
    %add3A_324 = arith.constant 1.000000e+00 : f32
    %add3A_325 = vector.broadcast %add3A_324 : f32 to vector<16xf32>
    %add3A_326 = arith.addf %sub3A_323, %add3A_325 : vector<16xf32>
    %max3A_327 = arith.constant 0.000000e+00 : f32
    %max3A_328 = vector.broadcast %max3A_327 : f32 to vector<16xf32>
    %max3A_329 = arith.maximumf %add3A_326, %max3A_328 : vector<16xf32>
    %swap3A_330 = arith.constant 384 : index
    %swap3A_331 = tpu.vector_load %arg13[%swap3A_330] {strides = array<i32>} : memref<512xf32, #tpu.memory_space<vmem>>, vector<16xf32>,
    tpu.vector_store %arg13[%swap3A_330], %max3A_329 {strides = array<i32>} : memref<512xf32, #tpu.memory_space<vmem>>, vector<16xf32>,
    %get3A_332 = arith.constant 400 : index
    %get3A_333 = tpu.vector_load %arg12[%get3A_332] {strides = array<i32>} : memref<1024xf32, #tpu.memory_space<vmem>>, vector<16xf32>,
    %get3A_334 = arith.constant 912 : index
    %get3A_335 = tpu.vector_load %arg12[%get3A_334] {strides = array<i32>} : memref<1024xf32, #tpu.memory_space<vmem>>, vector<16xf32>,
    %sub3A_336 = arith.subf %get3A_333, %get3A_335 : vector<16xf32>
    %add3A_337 = arith.constant 1.000000e+00 : f32
    %add3A_338 = vector.broadcast %add3A_337 : f32 to vector<16xf32>
    %add3A_339 = arith.addf %sub3A_336, %add3A_338 : vector<16xf32>
    %max3A_340 = arith.constant 0.000000e+00 : f32
    %max3A_341 = vector.broadcast %max3A_340 : f32 to vector<16xf32>
    %max3A_342 = arith.maximumf %add3A_339, %max3A_341 : vector<16xf32>
    %swap3A_343 = arith.constant 400 : index
    %swap3A_344 = tpu.vector_load %arg13[%swap3A_343] {strides = array<i32>} : memref<512xf32, #tpu.memory_space<vmem>>, vector<16xf32>,
    tpu.vector_store %arg13[%swap3A_343], %max3A_342 {strides = array<i32>} : memref<512xf32, #tpu.memory_space<vmem>>, vector<16xf32>,
    %get3A_345 = arith.constant 416 : index
    %get3A_346 = tpu.vector_load %arg12[%get3A_345] {strides = array<i32>} : memref<1024xf32, #tpu.memory_space<vmem>>, vector<16xf32>,
    %get3A_347 = arith.constant 928 : index
    %get3A_348 = tpu.vector_load %arg12[%get3A_347] {strides = array<i32>} : memref<1024xf32, #tpu.memory_space<vmem>>, vector<16xf32>,
    %sub3A_349 = arith.subf %get3A_346, %get3A_348 : vector<16xf32>
    %add3A_350 = arith.constant 1.000000e+00 : f32
    %add3A_351 = vector.broadcast %add3A_350 : f32 to vector<16xf32>
    %add3A_352 = arith.addf %sub3A_349, %add3A_351 : vector<16xf32>
    %max3A_353 = arith.constant 0.000000e+00 : f32
    %max3A_354 = vector.broadcast %max3A_353 : f32 to vector<16xf32>
    %max3A_355 = arith.maximumf %add3A_352, %max3A_354 : vector<16xf32>
    %swap3A_356 = arith.constant 416 : index
    %swap3A_357 = tpu.vector_load %arg13[%swap3A_356] {strides = array<i32>} : memref<512xf32, #tpu.memory_space<vmem>>, vector<16xf32>,
    tpu.vector_store %arg13[%swap3A_356], %max3A_355 {strides = array<i32>} : memref<512xf32, #tpu.memory_space<vmem>>, vector<16xf32>,
    %get3A_358 = arith.constant 432 : index
    %get3A_359 = tpu.vector_load %arg12[%get3A_358] {strides = array<i32>} : memref<1024xf32, #tpu.memory_space<vmem>>, vector<16xf32>,
    %get3A_360 = arith.constant 944 : index
    %get3A_361 = tpu.vector_load %arg12[%get3A_360] {strides = array<i32>} : memref<1024xf32, #tpu.memory_space<vmem>>, vector<16xf32>,
    %sub3A_362 = arith.subf %get3A_359, %get3A_361 : vector<16xf32>
    %add3A_363 = arith.constant 1.000000e+00 : f32
    %add3A_364 = vector.broadcast %add3A_363 : f32 to vector<16xf32>
    %add3A_365 = arith.addf %sub3A_362, %add3A_364 : vector<16xf32>
    %max3A_366 = arith.constant 0.000000e+00 : f32
    %max3A_367 = vector.broadcast %max3A_366 : f32 to vector<16xf32>
    %max3A_368 = arith.maximumf %add3A_365, %max3A_367 : vector<16xf32>
    %swap3A_369 = arith.constant 432 : index
    %swap3A_370 = tpu.vector_load %arg13[%swap3A_369] {strides = array<i32>} : memref<512xf32, #tpu.memory_space<vmem>>, vector<16xf32>,
    tpu.vector_store %arg13[%swap3A_369], %max3A_368 {strides = array<i32>} : memref<512xf32, #tpu.memory_space<vmem>>, vector<16xf32>,
    %get3A_371 = arith.constant 448 : index
    %get3A_372 = tpu.vector_load %arg12[%get3A_371] {strides = array<i32>} : memref<1024xf32, #tpu.memory_space<vmem>>, vector<16xf32>,
    %get3A_373 = arith.constant 960 : index
    %get3A_374 = tpu.vector_load %arg12[%get3A_373] {strides = array<i32>} : memref<1024xf32, #tpu.memory_space<vmem>>, vector<16xf32>,
    %sub3A_375 = arith.subf %get3A_372, %get3A_374 : vector<16xf32>
    %add3A_376 = arith.constant 1.000000e+00 : f32
    %add3A_377 = vector.broadcast %add3A_376 : f32 to vector<16xf32>
    %add3A_378 = arith.addf %sub3A_375, %add3A_377 : vector<16xf32>
    %max3A_379 = arith.constant 0.000000e+00 : f32
    %max3A_380 = vector.broadcast %max3A_379 : f32 to vector<16xf32>
    %max3A_381 = arith.maximumf %add3A_378, %max3A_380 : vector<16xf32>
    %swap3A_382 = arith.constant 448 : index
    %swap3A_383 = tpu.vector_load %arg13[%swap3A_382] {strides = array<i32>} : memref<512xf32, #tpu.memory_space<vmem>>, vector<16xf32>,
    tpu.vector_store %arg13[%swap3A_382], %max3A_381 {strides = array<i32>} : memref<512xf32, #tpu.memory_space<vmem>>, vector<16xf32>,
    %get3A_384 = arith.constant 464 : index
    %get3A_385 = tpu.vector_load %arg12[%get3A_384] {strides = array<i32>} : memref<1024xf32, #tpu.memory_space<vmem>>, vector<16xf32>,
    %get3A_386 = arith.constant 976 : index
    %get3A_387 = tpu.vector_load %arg12[%get3A_386] {strides = array<i32>} : memref<1024xf32, #tpu.memory_space<vmem>>, vector<16xf32>,
    %sub3A_388 = arith.subf %get3A_385, %get3A_387 : vector<16xf32>
    %add3A_389 = arith.constant 1.000000e+00 : f32
    %add3A_390 = vector.broadcast %add3A_389 : f32 to vector<16xf32>
    %add3A_391 = arith.addf %sub3A_388, %add3A_390 : vector<16xf32>
    %max3A_392 = arith.constant 0.000000e+00 : f32
    %max3A_393 = vector.broadcast %max3A_392 : f32 to vector<16xf32>
    %max3A_394 = arith.maximumf %add3A_391, %max3A_393 : vector<16xf32>
    %swap3A_395 = arith.constant 464 : index
    %swap3A_396 = tpu.vector_load %arg13[%swap3A_395] {strides = array<i32>} : memref<512xf32, #tpu.memory_space<vmem>>, vector<16xf32>,
    tpu.vector_store %arg13[%swap3A_395], %max3A_394 {strides = array<i32>} : memref<512xf32, #tpu.memory_space<vmem>>, vector<16xf32>,
    %get3A_397 = arith.constant 480 : index
    %get3A_398 = tpu.vector_load %arg12[%get3A_397] {strides = array<i32>} : memref<1024xf32, #tpu.memory_space<vmem>>, vector<16xf32>,
    %get3A_399 = arith.constant 992 : index
    %get3A_400 = tpu.vector_load %arg12[%get3A_399] {strides = array<i32>} : memref<1024xf32, #tpu.memory_space<vmem>>, vector<16xf32>,
    %sub3A_401 = arith.subf %get3A_398, %get3A_400 : vector<16xf32>
    %add3A_402 = arith.constant 1.000000e+00 : f32
    %add3A_403 = vector.broadcast %add3A_402 : f32 to vector<16xf32>
    %add3A_404 = arith.addf %sub3A_401, %add3A_403 : vector<16xf32>
    %max3A_405 = arith.constant 0.000000e+00 : f32
    %max3A_406 = vector.broadcast %max3A_405 : f32 to vector<16xf32>
    %max3A_407 = arith.maximumf %add3A_404, %max3A_406 : vector<16xf32>
    %swap3A_408 = arith.constant 480 : index
    %swap3A_409 = tpu.vector_load %arg13[%swap3A_408] {strides = array<i32>} : memref<512xf32, #tpu.memory_space<vmem>>, vector<16xf32>,
    tpu.vector_store %arg13[%swap3A_408], %max3A_407 {strides = array<i32>} : memref<512xf32, #tpu.memory_space<vmem>>, vector<16xf32>,
    %get3A_410 = arith.constant 496 : index
    %get3A_411 = tpu.vector_load %arg12[%get3A_410] {strides = array<i32>} : memref<1024xf32, #tpu.memory_space<vmem>>, vector<16xf32>,
    %get3A_412 = arith.constant 1008 : index
    %get3A_413 = tpu.vector_load %arg12[%get3A_412] {strides = array<i32>} : memref<1024xf32, #tpu.memory_space<vmem>>, vector<16xf32>,
    %sub3A_414 = arith.subf %get3A_411, %get3A_413 : vector<16xf32>
    %add3A_415 = arith.constant 1.000000e+00 : f32
    %add3A_416 = vector.broadcast %add3A_415 : f32 to vector<16xf32>
    %add3A_417 = arith.addf %sub3A_414, %add3A_416 : vector<16xf32>
    %max3A_418 = arith.constant 0.000000e+00 : f32
    %max3A_419 = vector.broadcast %max3A_418 : f32 to vector<16xf32>
    %max3A_420 = arith.maximumf %add3A_417, %max3A_419 : vector<16xf32>
    %swap3A_421 = arith.constant 496 : index
    %swap3A_422 = tpu.vector_load %arg13[%swap3A_421] {strides = array<i32>} : memref<512xf32, #tpu.memory_space<vmem>>, vector<16xf32>,
    tpu.vector_store %arg13[%swap3A_421], %max3A_420 {strides = array<i32>} : memref<512xf32, #tpu.memory_space<vmem>>, vector<16xf32>,
    "tpu.region"() ({
      %run_scoped3A = tpu.sem_alloc : memref<!tpu.dma_semaphore, #tpu.memory_space<semaphore_mem>>
      %dma_start3A = tpu.memref_slice %arg5[%mul3A_2] : memref<16384xf32, #tpu.memory_space<hbm>> -> memref<512xf32, #tpu.memory_space<hbm>>
      %dma_start3A_423 = tpu.memref_slice %arg5[%mul3A_2] : memref<16384xf32, #tpu.memory_space<hbm>> -> memref<512xf32, #tpu.memory_space<hbm>>
      tpu.enqueue_dma source(%arg13 : memref<512xf32, #tpu.memory_space<vmem>>) target(%dma_start3A_423 : memref<512xf32, #tpu.memory_space<hbm>>) target_semaphore(%run_scoped3A : memref<!tpu.dma_semaphore, #tpu.memory_space<semaphore_mem>>)
      %dma_wait3A = tpu.memref_slice %arg5[%mul3A_2] : memref<16384xf32, #tpu.memory_space<hbm>> -> memref<512xf32, #tpu.memory_space<hbm>>
      %dma_wait3A_424 = tpu.memref_slice %arg5[%mul3A_2] : memref<16384xf32, #tpu.memory_space<hbm>> -> memref<512xf32, #tpu.memory_space<hbm>>
      tpu.wait_dma2 semaphore(%run_scoped3A : memref<!tpu.dma_semaphore, #tpu.memory_space<semaphore_mem>>) src(%arg13 : memref<512xf32, #tpu.memory_space<vmem>>) dst(%dma_wait3A_424 : memref<512xf32, #tpu.memory_space<hbm>>)
      tpu.yield
    }) : () -> ()
    "tpu.region"() ({
      %run_scoped3A = tpu.sem_alloc : memref<!tpu.dma_semaphore, #tpu.memory_space<semaphore_mem>>
      %dma_start3A = arith.constant 0 : i32
      %dma_start3A_423 = tpu.memref_slice %arg12[%dma_start3A] : memref<1024xf32, #tpu.memory_space<vmem>> -> memref<512xf32, #tpu.memory_space<vmem>>
      %dma_start3A_424 = tpu.memref_slice %arg6[%mul3A_2] : memref<16384xf32, #tpu.memory_space<hbm>> -> memref<512xf32, #tpu.memory_space<hbm>>
      %dma_start3A_425 = tpu.memref_slice %arg6[%mul3A_2] : memref<16384xf32, #tpu.memory_space<hbm>> -> memref<512xf32, #tpu.memory_space<hbm>>
      %dma_start3A_426 = arith.constant 0 : i32
      %dma_start3A_427 = tpu.memref_slice %arg12[%dma_start3A_426] : memref<1024xf32, #tpu.memory_space<vmem>> -> memref<512xf32, #tpu.memory_space<vmem>>
      tpu.enqueue_dma source(%dma_start3A_427 : memref<512xf32, #tpu.memory_space<vmem>>) target(%dma_start3A_425 : memref<512xf32, #tpu.memory_space<hbm>>) target_semaphore(%run_scoped3A : memref<!tpu.dma_semaphore, #tpu.memory_space<semaphore_mem>>)
      %dma_wait3A = arith.constant 0 : i32
      %dma_wait3A_428 = tpu.memref_slice %arg12[%dma_wait3A] : memref<1024xf32, #tpu.memory_space<vmem>> -> memref<512xf32, #tpu.memory_space<vmem>>
      %dma_wait3A_429 = tpu.memref_slice %arg6[%mul3A_2] : memref<16384xf32, #tpu.memory_space<hbm>> -> memref<512xf32, #tpu.memory_space<hbm>>
      %dma_wait3A_430 = tpu.memref_slice %arg6[%mul3A_2] : memref<16384xf32, #tpu.memory_space<hbm>> -> memref<512xf32, #tpu.memory_space<hbm>>
      %dma_wait3A_431 = arith.constant 0 : i32
      %dma_wait3A_432 = tpu.memref_slice %arg12[%dma_wait3A_431] : memref<1024xf32, #tpu.memory_space<vmem>> -> memref<512xf32, #tpu.memory_space<vmem>>
      tpu.wait_dma2 semaphore(%run_scoped3A : memref<!tpu.dma_semaphore, #tpu.memory_space<semaphore_mem>>) src(%dma_wait3A_432 : memref<512xf32, #tpu.memory_space<vmem>>) dst(%dma_wait3A_430 : memref<512xf32, #tpu.memory_space<hbm>>)
      tpu.yield
    }) : () -> ()
    "tpu.region"() ({
      %run_scoped3A = tpu.sem_alloc : memref<!tpu.dma_semaphore, #tpu.memory_space<semaphore_mem>>
      %dma_start3A = arith.constant 512 : i32
      %dma_start3A_423 = tpu.memref_slice %arg12[%dma_start3A] : memref<1024xf32, #tpu.memory_space<vmem>> -> memref<512xf32, #tpu.memory_space<vmem>>
      %dma_start3A_424 = tpu.memref_slice %arg7[%mul3A_2] : memref<16384xf32, #tpu.memory_space<hbm>> -> memref<512xf32, #tpu.memory_space<hbm>>
      %dma_start3A_425 = tpu.memref_slice %arg7[%mul3A_2] : memref<16384xf32, #tpu.memory_space<hbm>> -> memref<512xf32, #tpu.memory_space<hbm>>
      %dma_start3A_426 = arith.constant 512 : i32
      %dma_start3A_427 = tpu.memref_slice %arg12[%dma_start3A_426] : memref<1024xf32, #tpu.memory_space<vmem>> -> memref<512xf32, #tpu.memory_space<vmem>>
      tpu.enqueue_dma source(%dma_start3A_427 : memref<512xf32, #tpu.memory_space<vmem>>) target(%dma_start3A_425 : memref<512xf32, #tpu.memory_space<hbm>>) target_semaphore(%run_scoped3A : memref<!tpu.dma_semaphore, #tpu.memory_space<semaphore_mem>>)
      %dma_wait3A = arith.constant 512 : i32
      %dma_wait3A_428 = tpu.memref_slice %arg12[%dma_wait3A] : memref<1024xf32, #tpu.memory_space<vmem>> -> memref<512xf32, #tpu.memory_space<vmem>>
      %dma_wait3A_429 = tpu.memref_slice %arg7[%mul3A_2] : memref<16384xf32, #tpu.memory_space<hbm>> -> memref<512xf32, #tpu.memory_space<hbm>>
      %dma_wait3A_430 = tpu.memref_slice %arg7[%mul3A_2] : memref<16384xf32, #tpu.memory_space<hbm>> -> memref<512xf32, #tpu.memory_space<hbm>>
      %dma_wait3A_431 = arith.constant 512 : i32
      %dma_wait3A_432 = tpu.memref_slice %arg12[%dma_wait3A_431] : memref<1024xf32, #tpu.memory_space<vmem>> -> memref<512xf32, #tpu.memory_space<vmem>>
      tpu.wait_dma2 semaphore(%run_scoped3A : memref<!tpu.dma_semaphore, #tpu.memory_space<semaphore_mem>>) src(%dma_wait3A_432 : memref<512xf32, #tpu.memory_space<vmem>>) dst(%dma_wait3A_430 : memref<512xf32, #tpu.memory_space<hbm>>)
      tpu.yield
    }) : () -> ()
    return
  }
}

</mosaic_0001>

<sc_bundles>
// kernel: kernel.3.cloned.1.call-start
scs
__scs_entry_jumppad:
0x0: {  	(pc) =	sbr.rel $0x88, $3  }
0x1: {  	(tag) =	ssettag $0x0;
	lr =	simm.s32 $0x1  }
0x2: {  	[smem:$0x3F9D] =	sst lr;
	_ =	strace $0xD0000000  }
0x3: {  	_ = 	snop  }
0x4: {  	_ = 	snop  }
0x5: {  	_ = 	snop  }
0x6: {  	_ = 	snop  }
0x7: {  	_ = 	snop  }
__scs_overlays_trampoline_lowered:
0x8: {  	[smem:$0x3FAC] =	sst s0  }
0x9: {  	[smem:$0x3FAD] =	sst s1  }
0xa: {  	[smem:$0x3FAE] =	sst s2  }
0xb: {  	[smem:$0x3FAF] =	sst s3  }
0xc: {  	[smem:$0x3FB0] =	sst s4  }
0xd: {  	[smem:$0x3FB1] =	sst s5  }
0xe: {  	[smem:$0x3FB2] =	sst s6  }
0xf: {  	[smem:$0x3FB3] =	sst s7  }
0x10: {  	[smem:$0x3FB4] =	sst s8  }
0x11: {  	[smem:$0x3FB5] =	sst s9;
	s0 =	simm.s32 @!p0 $0x0  }
0x12: {  	s1 =	sld [smem:$0x3F9B];
	s0 =	simm.s32 @p0 $0x1  }
0x13: {  	[smem:$0x3FB6] =	sst s0;
	s0 =	simm.s32 @!p1 $0x0  }
0x14: {  	s2 =	sld [smem:$0x3F9A];
	s0 =	simm.s32 @p1 $0x1  }
0x15: {  	[smem:$0x3FB7] =	sst s0;
	s0 =	simm.s32 @!p2 $0x0  }
0x16: {  	s3 =	sld [smem:$0x3FDB];
	s0 =	simm.s32 @p2 $0x1  }
0x17: {  	s4 =	simm.s32 $0x1BF5;
	[smem:$0x3FB9] =	sst s0  }
0x18: {  	s0 =	sld [smem:$0x3F9C];
	_ =	swait.ge [sflag:s4], $0x0  }
0x19: {  	s7 =	sld [smem:$0x3F9D]  }
0x1a: {  	s8 =	sadd.s32 $0xFFFFE003, lr  }
0x1b: {  	s9 =	sadd.s32 $0xFFFFFEF7, lr;
	s5 =	simm.s32 $0xFFFFFFFF;
	p2 =	slt.u32 s8, $0xFFFFF086  }
0x1c: {  	p1 =	slt.u32 s9, $0xF7A;
	s5 =	simm.s32 @!p2 $0x0  }
0x1d: {  	s5 =	simm.s32 @p1 $0x1;
	p0 =	seq.s32 s7, s2  }
0x1e: {  	s7 =	smul.u32 @!p0 $0xF7A, s2;
	p2 =	seq.s32 @!p0 s5, $0x0  }
0x1f: {  	s9 =	smul.u32 $0xF7A, s1;
	s8 =	simm.s32 @!p0 $0x1BF5;
	p2 =	por !p2, p0  }
0x20: {  	[sflag:s8] =	ssyncset.s32 @!p0 $0xFFFFF086;
	s6 =	sadd.s32 @!p0 s3, s7;
	s7 =	simm.s32 @!p0 $0x108  }
0x21: {  	s3 =	sadd.s32 s3, s9;
	s6 =	sadd.s32 @!p0 $0x88, s6;
	s7 =	simm.s32 @p2 $0x1082  }
0x22: {  	[simem:s7], [sflag:s8] =	dma.local @!p0 [hbm:s6], $0xF7A  }
0x23: {  	s9 =	sor.u32 $0xD0000000, s2;
	s6 =	simm.s32 $0x108;
	_ =	swait.ge @!p0 [sflag:s8], $0x0  }
0x24: {  	s3 =	sadd.s32 $0x88, s3;
	s6 =	simm.s32 @!p1 $0x1082;
	[sflag:s4] =	ssyncset.s32 $0xFFFFF086  }
0x25: {  	[simem:s6], [sflag:s4] =	dma.local [hbm:s3], $0xF7A  }
0x26: {  	[smem:$0x3F9D] =	sst s1;
	(tag) =	ssettag s2;
	_ =	strace s9  }
0x27: {  	s1 =	sld [smem:$0x3FAD]  }
0x28: {  	s2 =	sld [smem:$0x3FAE]  }
0x29: {  	s4 =	sld [smem:$0x3FB0]  }
0x2a: {  	p0 =	seq.s32 s5, $0x0;
	s5 =	sld [smem:$0x3FB1]  }
0x2b: {  	s6 =	sld [smem:$0x3FB2]  }
0x2c: {  	s7 =	sld [smem:$0x3FB3]  }
0x2d: {  	s3 =	simm.s32 $0x108;
	s8 =	sld [smem:$0x3FB4]  }
0x2e: {  	s3 =	simm.s32 @!p0 $0x1082;
	s9 =	sld [smem:$0x3FB5]  }
0x2f: {  	lr =	sadd.s32 s0, s3;
	s0 =	sld [smem:$0x3FAC]  }
0x30: {  	s3 =	sld [smem:$0x3FAF]  }
0x31: {  	[smem:$0x3FB8] =	sst s10  }
0x32: {  	s10 =	sld [smem:$0x3FB6];
	_ =	sdelay $0x3  }
0x33: {  	p0 =	seq.s32 s10, $0x1;
	s10 =	sld [smem:$0x3FB8];
	_ =	sdelay $0x3  }
0x34: {  	[smem:$0x3FB8] =	sst s10  }
0x35: {  	s10 =	sld [smem:$0x3FB7];
	_ =	sdelay $0x3  }
0x36: {  	p1 =	seq.s32 s10, $0x1;
	s10 =	sld [smem:$0x3FB8];
	_ =	sdelay $0x3  }
0x37: {  	[smem:$0x3FB8] =	sst s10  }
0x38: {  	s10 =	sld [smem:$0x3FB9]  }
0x39: {  	_ = 	snop;
	(pc) =	sbr.ind lr, $3  }
0x3a: {  	_ = 	snop  }
0x3b: {  	_ = 	snop  }
0x3c: {  	p2 =	seq.s32 s10, $0x1;
	s10 =	sld [smem:$0x3FB8]  }
0x3d: {  	_ =	shalt  }
0x3e: {  	_ =	shalt  }
0x3f: {  	_ =	shalt  }
0x40: {  	_ =	shalt  }
0x41: {  	_ =	shalt  }
0x42: {  	_ =	shalt  }
0x43: {  	_ =	shalt  }
0x44: {  	_ =	shalt  }
0x45: {  	_ =	shalt  }
0x46: {  	_ =	shalt  }
0x47: {  	_ =	shalt  }
0x48: {  	_ =	shalt  }
0x49: {  	_ =	shalt  }
0x4a: {  	_ =	shalt  }
0x4b: {  	_ =	shalt  }
0x4c: {  	_ =	shalt  }
0x4d: {  	_ =	shalt  }
0x4e: {  	_ =	shalt  }
0x4f: {  	_ =	shalt  }
0x50: {  	_ =	shalt  }
0x51: {  	_ =	shalt  }
0x52: {  	_ =	shalt  }
0x53: {  	_ =	shalt  }
0x54: {  	_ =	shalt  }
0x55: {  	_ =	shalt  }
0x56: {  	_ =	shalt  }
0x57: {  	_ =	shalt  }
0x58: {  	_ =	shalt  }
0x59: {  	_ =	shalt  }
0x5a: {  	_ =	shalt  }
0x5b: {  	_ =	shalt  }
0x5c: {  	_ =	shalt  }
0x5d: {  	_ =	shalt  }
0x5e: {  	_ =	shalt  }
0x5f: {  	_ =	shalt  }
0x60: {  	_ =	shalt  }
0x61: {  	_ =	shalt  }
0x62: {  	_ =	shalt  }
0x63: {  	_ =	shalt  }
0x64: {  	_ =	shalt  }
0x65: {  	_ =	shalt  }
0x66: {  	_ =	shalt  }
0x67: {  	_ =	shalt  }
0x68: {  	_ =	shalt  }
0x69: {  	_ =	shalt  }
0x6a: {  	_ =	shalt  }
0x6b: {  	_ =	shalt  }
0x6c: {  	_ =	shalt  }
0x6d: {  	_ =	shalt  }
0x6e: {  	_ =	shalt  }
0x6f: {  	_ =	shalt  }
0x70: {  	_ =	shalt  }
0x71: {  	_ =	shalt  }
0x72: {  	_ =	shalt  }
0x73: {  	_ =	shalt  }
0x74: {  	_ =	shalt  }
0x75: {  	_ =	shalt  }
0x76: {  	_ =	shalt  }
0x77: {  	_ =	shalt  }
0x78: {  	_ =	shalt  }
0x79: {  	_ =	shalt  }
0x7a: {  	_ =	shalt  }
0x7b: {  	_ =	shalt  }
0x7c: {  	_ =	shalt  }
0x7d: {  	_ =	shalt  }
0x7e: {  	_ =	shalt  }
0x7f: {  	_ =	shalt  }
0x80: {  	_ =	shalt  }
0x81: {  	_ =	shalt  }
0x82: {  	_ =	shalt  }
0x83: {  	_ =	shalt  }
0x84: {  	_ =	shalt  }
0x85: {  	_ =	shalt  }
0x86: {  	_ =	shalt  }
0x87: {  	_ =	shalt  }
.Lfunc_end0:
.L_simem_size_0:
called_computation_lowered:
.L_overlay_start_0:
0x88: {  	s2 =	sld [smem:$0x3FD9]  }
0x89: {  	s3 =	sld [smem:$0x3FFE];
	_ =	sdelay $0x1  }
0x8a: {  	s1 =	srdreg.scid  }
0x8b: {  	s0 =	sand.u32 $0x1, s1  }
0x8c: {  	s14 =	sshll.u32 s0, $0xA;
	s2 =	sadd.s32 s3, s2  }
0x8d: {  	s2 =	sadd.s32 s2, s14  }
0x8e: {  	[smem:$0x3FC4] =	sst s2  }
0x8f: {  	_ = 	snop  }
0x90: {  	s2 =	sld [smem:$0x3FD0];
	_ =	sdelay $0x2  }
0x91: {  	s15 =	simm.s32 $0xA;
	s4 =	simm.s32 $0x10  }
0x92: {  	[smem:s4], [sflag:s15] =	dma.local [hbm:s2], $0x1  }
0x93: {  	_ =	swait.eq [sflag:s15], $0x1  }
0x94: {  	s16 =	sld [smem:$0x10];
	[sflag:s15] =	ssyncset.done $0x0  }
0x95: {  	s17 =	sld [smem:$0x11];
	[sflag:s15] =	ssyncadd.s32 $0xFFFFFFFF  }
0x96: {  	s18 =	sld [smem:$0x12];
	(tm) =	ssettm $0x1  }
0x97: {  	s5 =	sld [smem:$0x3FFB];
	_ =	sdelay $0x3  }
0x98: {  	_ =	strace s5  }
0x99: {  	s5 =	sld [smem:$0x3FFC];
	_ =	sdelay $0x3  }
0x9a: {  	_ =	strace s5  }
0x9b: {  	s5 =	sld [smem:$0x3FFD];
	_ =	sdelay $0x3  }
0x9c: {  	_ =	strace s5  }
0x9d: {  	_ =	strace $0x8FFFFFFF  }
0x9e: {  	s19 =	sld [smem:$0x3FDB];
	_ =	sdelay $0x1  }
0x9f: {  	s6 =	simm.s32 $_scs_section_size  }
0xa0: {  	s7 =	simm.s32 $_size__tile_overlayer_lowered;
	s8 =	simm.s32 $_tile_overlayer_lowered  }
0xa1: {  	s22 =	simm.s32 $0x1BFF;
	s21 =	sshll.u32 s8, $0x1;
	s5 =	sadd.s32 s6, s19  }
0xa2: {  	s9 =	simm.s32 $0x0;
	s20 =	sshll.u32 s7, $0x1;
	s7 =	sadd.s32 s21, s5  }
0xa3: {  	[timem:s9], [sflag:s22] =	dma.local [hbm:s7], s20  }
0xa4: {  	_ =	swait.ge [sflag:s22], s20  }
0xa5: {  	s6 =	ssub.s32 $0x0, s20;
	[sflag:s22] =	ssyncset.done $0x0  }
0xa6: {  	[sflag:s22] =	ssyncadd.s32 s6;
	_ =	sdelay $0x1  }
0xa7: {  	s23 =	simm.s32 $0x1B8B  }
0xa8: {  	_ =	swait.ge [sflag:s23], $0x1  }
0xa9: {  	[sflag:s23] =	ssyncset.done $0x0  }
0xaa: {  	s25 =	simm.s32 $0x1B8E;
	s24 =	sld [smem:$0x3FFE];
	[sflag:s23] =	ssyncadd.s32 $0xFFFFFFFF  }
0xab: {  	s26 =	simm.s32 $execute0_lowered;
	[smem:$0x3FD2] =	sst s25  }
0xac: {  	s7 =	sshll.u32 s26, $0x1;
	_ =	strace $0x80000046;
	[dreg:$0x1] =	wrdreg $0xFFFFFFFF  }
0xad: {  	s28 =	simm.s32 $_size_execute0_lowered;
	s5 =	sadd.s32 s5, s7;
	[dreg:$0x0] =	wrdreg $0x0  }
0xae: {  	s7 =	sshll.u32 s28, $0x1;
	[dreg:$0x2] =	wrdreg s5  }
0xaf: {  	[dreg:$0x3] =	wrdreg s7  }
0xb0: {  	[dreg:$0x4] =	wrdreg $0xC0  }
0xb1: {  	_ =	task [dreg:s9], $0x5FFFF  }
0xb2: {  	[dreg:$0x1] =	wrdreg $0xFFFFFFFF  }
0xb3: {  	[dreg:$0x0] =	wrdreg $0x60  }
0xb4: {  	[dreg:$0x2] =	wrdreg s24  }
0xb5: {  	[dreg:$0x3] =	wrdreg s16  }
0xb6: {  	[dreg:$0x4] =	wrdreg s17  }
0xb7: {  	[dreg:$0x5] =	wrdreg s18  }
0xb8: {  	[dreg:$0x6] =	wrdreg $0x9  }
0xb9: {  	_ =	task.clear_ibuf [dreg:s9], $0x7FFFF;
	_ =	strace $0x90000046  }
0xba: {  	s29 =	simm.s32 $0x9;
	_ =	strace $0x80000048  }
0xbb: {  	_ =	swait.ge [sflag:s29], $0x1  }
0xbc: {  	[sflag:s29] =	ssyncadd.s32 $0xFFFFFFFF  }
0xbd: {  	_ =	strace $0x90000048  }
0xbe: {  	_ =	sfence  }
0xbf: {  	s30 =	sld [smem:$0x0];
	_ =	sdelay $0x2  }
0xc0: {  	s31 =	sshll.u32 s1, $0xD;
	s1 =	sshrl.u32 s1, $0x2  }
0xc1: {  	s3 =	sand.u32 $0x4000, s31;
	s1 =	sadd.s32 s1, s30  }
0xc2: {  	s0 =	sor.u32 s3, s0;
	s1 =	sshll.u32 s1, $0x11  }
0xc3: {  	s0 =	sor.u32 s1, s0  }
0xc4: {  	s0 =	sadd.s32 $0x8F2B, s0  }
0xc5: {  	[sflag:s0] =	ssyncadd.remote.s32 $0x1  }
0xc6: {  	_ =	sfence.sel $0xFFFF  }
0xc7: {  	[dreg:$0x0] =	wrdreg $0xFFFFFFFF;
	(pc) =	sbr.abs _section_cstart, $3  }
0xc8: {  	[dreg:$0x1] =	wrdreg $0xFFFFFFFF  }
0xc9: {  	_ =	task.clear_ibuf [dreg:s9], $0x2FFFF;
	_ =	strace $0x9FFFFFFF  }
0xca: {  	(tm) =	ssettm $0x7FFFFFFF  }
0xcb: {  	_ =	shalt  }
tec
execute0_lowered:
.L_overlay_start_1:
0x0: {  	(tag) =	ssettag $0x1  }
0x1: {  	v37 =	vlaneseq.u32  }
0x2: {  	v0 =	vadd.s32 $0x16, v37  }
0x3: {  	v56 =	vadd.s32 $0x17, v37;
	[tilespmem:$0x1FB70] =	vst v0  }
0x4: {  	v57 =	vadd.s32 $0x18, v37;
	[tilespmem:$0x1FB80] =	vst v56  }
0x5: {  	v58 =	vadd.s32 $0x19, v37;
	[tilespmem:$0x1FB90] =	vst v57  }
0x6: {  	v11 =	vimm.s32 $0x34333231;
	v59 =	vadd.s32 $0x1A, v37;
	[tilespmem:$0x1FBA0] =	vst v58  }
0x7: {  	v13 =	vimm.s32 $0x38373635;
	v2 =	vimm.s32 $0x3C3B3A39;
	v4 =	vadd.s32 $0x1B, v37;
	[tilespmem:$0x1FBB0] =	vst v59  }
0x8: {  	v3 =	vimm.s32 $0x3F3E3D;
	vm0 =	vcmask $0x1F10;
	v5 =	vadd.s32 $0x1C, v37;
	[tilespmem:$0x1FBC0] =	vst v4  }
0x9: {  	v15 =	vimm.s32 $0x35343332;
	v16 =	vimm.s32 $0x39383736;
	v6 =	vadd.s32 $0x1D, v37;
	[tilespmem:$0x1FBD0] =	vst v5  }
0xa: {  	v17 =	vimm.s32 $0x3D3C3B3A;
	v23 =	vimm.s32 $0x3020100;
	v7 =	vadd.s32 $0x1E, v37;
	[tilespmem:$0x1FBE0] =	vst v6  }
0xb: {  	v24 =	vimm.s32 $0x3A393837;
	v29 =	vimm.s32 $0x87654321;
	v8 =	vadd.s32 $0x1F, v37;
	[tilespmem:$0x1FBF0] =	vst v7  }
0xc: {  	v31 =	vimm.s32 $0x4030201;
	v32 =	vimm.s32 $0x32107654;
	v9 =	vor.u32 $0x20, v37;
	[tilespmem:$0x1FC00] =	vst v8  }
0xd: {  	v33 =	vimm.s32 $0x5040302;
	v34 =	vimm.s32 $0x98765432;
	v10 =	vadd.s32 $0x21, v37;
	[tilespmem:$0x1FC10] =	vst v9  }
0xe: {  	vm1 =	vcmask $0x2F10;
	vm2 =	vcmask $0x3F30;
	v1 =	vadd.s32 $0x22, v37;
	[tilespmem:$0x1FC20] =	vst v10  }
0xf: {  	v12 =	vadd.s32 $0x23, v37;
	v14 =	vadd.s32 $0x24, v37;
	v18 =	vadd.s32 $0x25, v37;
	[tilespmem:$0x1FC30] =	vst v1  }
0x10: {  	v19 =	vadd.s32 $0x26, v37;
	[tilespmem:$0x1FC40] =	vst v12;
	v0 =	vunpack.c.0.s8.s32 v11;
	v4 =	vunpack.c.0.s8.s32 v13  }
0x11: {  	v5 =	vunpack.c.0.s8.s32 v2;
	v1 =	vunpack.c.0.s8.s32 v3;
	[tilespmem:$0x1FC50] =	vst v14;
	v2 =	vunpack.c.0.s8.s32 v15  }
0x12: {  	v6 =	vimm.s32 $0x1003F3E;
	v7 =	vunpack.c.0.s8.s32 v16;
	[tilespmem:$0x1FC80] =	vst v18;
	v8 =	vimm.s32 $0x3F3E3D3C  }
0x13: {  	v9 =	vimm.s32 $0x37363534;
	v10 =	vimm.s32 $0x3B3A3938;
	v57 =	vimm.s32 $0x43218765  }
0x14: {  	v11 =	vunpack.c.0.s8.s32 v8;
	v26 =	vunpack.c.0.s8.s32 v9;
	[tilespmem:$0x1FC60] =	vst v4;
	v0 =	vsel vm0, v4, v0  }
0x15: {  	[tilespmem:$0x1FC70] =	vst v5;
	v3 =	vsel vm0, v1, v5;
	v5 =	vunpack.c.0.s8.s32 v17;
	v4 =	vunpack.c.0.s8.s32 v6  }
0x16: {  	[tilespmem:$0x1FC90] =	vst v19;
	v27 =	vunpack.c.0.s8.s32 v10;
	v8 =	vunpack.c.0.s8.s32 v33;
	v9 =	vunpack.c.l.s4.s8 v34  }
0x17: {  	v6 =	vunpack.c.l.s4.s8 v29;
	[tilespmem:$0x1FCC0] =	vst v5;
	v21 =	vsel vm0, v4, v5;
	v5 =	vunpack.c.0.s8.s32 v23  }
0x18: {  	[tilespmem:$0x1FCB0] =	vst v7;
	v20 =	vsel vm0, v7, v2;
	v7 =	vunpack.c.l.s4.s8 v32;
	v0 =	vcombine.low v0, v3  }
0x19: {  	[tilespmem:$0x1FCE0] =	vst v27;
	v30 =	vsel vm0, v27, v26;
	v6 =	vunpack.c.0.s8.s32 v6;
	v5 =	vsel vm0, v5, v11  }
0x1a: {  	v58 =	vimm.s32 $0xB0A0908;
	v36 =	vunpack.c.0.s8.s32 v9;
	[tilespmem:$0x1FD30] =	vst v11;
	v5 =	vcombine.low v30, v5  }
0x1b: {  	v7 =	vunpack.c.0.s8.s32 v7;
	v35 =	vsel vm0, v8, v4;
	[tilespmem:$0x1FCA0] =	vst v0;
	v6 =	vand.u32 $0xF, v6  }
0x1c: {  	v3 =	vcombine.low v3, v6;
	v6 =	vunpack.c.l.s4.s8 v57;
	[tilespmem:$0x1FCF0] =	vst v5;
	v5 =	vunpack.c.0.s8.s32 v31  }
0x1d: {  	v0 =	vcombine.low v20, v21;
	[tilespmem:$0x1FD10] =	vst v35;
	v56 =	vand.u32 $0xF, v7;
	v7 =	vunpack.c.0.s8.s32 v58  }
0x1e: {  	[tilespmem:$0x1FD20] =	vst v3;
	v3 =	vand.u32 $0xF, v36;
	v6 =	vunpack.c.0.s8.s32 v6;
	v5 =	vsel vm0, v5, v1  }
0x1f: {  	s4 =	rddreg [dreg:$0x0];
	v16 =	vimm.s32 $0xC0B0A09;
	v2 =	vcombine.low v21, v3;
	[tilespmem:$0x1FD00] =	vst v5;
	v5 =	vsel vm1, v56, v11  }
0x20: {  	s6 =	rddreg [dreg:$0x1];
	[tilespmem:$0x1FCD0] =	vst v0;
	v15 =	vand.u32 $0xF, v6;
	v13 =	vsel vm2, v7, v5;
	v5 =	vunpack.c.0.s8.s32 v16  }
0x21: {  	v22 =	vimm.s32 $0x36353433;
	s7 =	rddreg [dreg:$0x2];
	v28 =	vunpack.c.0.s8.s32 v24;
	[tilespmem:$0x1FD40] =	vst v2;
	v1 =	vsel vm1, v15, v1  }
0x22: {  	s8 =	rddreg [dreg:$0x3];
	s2 =	simm.s32 $0x0;
	v19 =	vimm.s32 $0xA9876543;
	v0 =	vunpack.c.0.s8.s32 v22;
	[tilespmem:$0x1FD50] =	vst v13;
	v1 =	vsel vm2, v5, v1  }
0x23: {  	s1 =	srdreg.scid;
	[smem:$0x7FF] =	sst s2;
	v26 =	vimm.s32 $0x3E3D3C3B;
	v3 =	vunpack.c.l.s4.s8 v19;
	[tilespmem:$0x1FD60] =	vst v1  }
0x24: {  	v25 =	vimm.s32 $0x201003F;
	s3 =	sand.u32 $0x1, s1;
	s1 =	rddreg [dreg:$0x4];
	v27 =	vunpack.c.0.s8.s32 v26;
	v0 =	vsel vm0, v28, v0;
	_ =	strace $0x80000047;
	[tilespmem:$0x1FD90] =	vst v28  }
0x25: {  	v12 =	vunpack.c.0.s8.s32 v25;
	v3 =	vunpack.c.0.s8.s32 v3;
	[tilespmem:$0x1FDA0] =	vst v0  }
0x26: {  	[tilespmem:$0x1FDB0] =	vst v27  }
0x27: {  	v30 =	vand.u32 $0xF, v3;
	[tilespmem:$0x1FDC0] =	vst v12  }
0x28: {  	v31 =	vadd.s32 $0x27, v37;
	[tilespmem:$0x1FDF0] =	vst v30  }
0x29: {  	v32 =	vadd.s32 $0x28, v37;
	[tilespmem:$0x1FE00] =	vst v31  }
0x2a: {  	v33 =	vadd.s32 $0x29, v37;
	[tilespmem:$0x1FE10] =	vst v32  }
0x2b: {  	v34 =	vadd.s32 $0x2A, v37;
	[tilespmem:$0x1FE20] =	vst v33  }
0x2c: {  	v35 =	vadd.s32 $0x2B, v37;
	[tilespmem:$0x1FE30] =	vst v34  }
0x2d: {  	v36 =	vadd.s32 $0x2C, v37;
	[tilespmem:$0x1FE40] =	vst v35  }
0x2e: {  	v56 =	vadd.s32 $0x2D, v37;
	[tilespmem:$0x1FE50] =	vst v36  }
0x2f: {  	v57 =	vadd.s32 $0x2E, v37;
	[tilespmem:$0x1FE60] =	vst v56  }
0x30: {  	v59 =	vimm.s32 $0x54329876;
	v58 =	vadd.s32 $0x2F, v37;
	[tilespmem:$0x1FE70] =	vst v57  }
0x31: {  	v14 =	vunpack.c.l.s4.s8 v59;
	v59 =	vor.u32 $0x30, v37;
	[tilespmem:$0x1FE80] =	vst v58  }
0x32: {  	v41 =	vadd.s32 $0x3, v37;
	[tilespmem:$0x1FE90] =	vst v59  }
0x33: {  	v42 =	vadd.s32 $0x4, v37;
	[tilespmem:$0x1FEA0] =	vst v41  }
0x34: {  	v43 =	vadd.s32 $0x5, v37;
	[tilespmem:$0x1FEB0] =	vst v42  }
0x35: {  	v44 =	vadd.s32 $0x6, v37;
	[tilespmem:$0x1FEC0] =	vst v43  }
0x36: {  	v45 =	vadd.s32 $0x7, v37;
	[tilespmem:$0x1FED0] =	vst v44  }
0x37: {  	v60 =	vadd.s32 $0x12, v37;
	[tilespmem:$0x1FEE0] =	vst v45  }
0x38: {  	v46 =	vadd.s32 $0x8, v37;
	[tilespmem:$0x1FEF0] =	vst v60  }
0x39: {  	v61 =	vadd.s32 $0x13, v37;
	[tilespmem:$0x1FF00] =	vst v46  }
0x3a: {  	v47 =	vadd.s32 $0x9, v37;
	[tilespmem:$0x1FF10] =	vst v61  }
0x3b: {  	v62 =	vadd.s32 $0x14, v37;
	[tilespmem:$0x1FF20] =	vst v47  }
0x3c: {  	v48 =	vadd.s32 $0xA, v37;
	[tilespmem:$0x1FF30] =	vst v62  }
0x3d: {  	v49 =	vadd.s32 $0xB, v37;
	[tilespmem:$0x1FF40] =	vst v48  }
0x3e: {  	v50 =	vadd.s32 $0xC, v37;
	[tilespmem:$0x1FF50] =	vst v49  }
0x3f: {  	v51 =	vadd.s32 $0xD, v37;
	[tilespmem:$0x1FF60] =	vst v50  }
0x40: {  	v52 =	vadd.s32 $0xE, v37;
	[tilespmem:$0x1FF70] =	vst v51  }
0x41: {  	v38 =	vmul.u32 $0x40, v37;
	v39 =	vadd.s32 $0x1, v37;
	v53 =	vadd.s32 $0xF, v37;
	[tilespmem:$0x1FF80] =	vst v52  }
0x42: {  	v40 =	vadd.s32 $0x2, v37;
	v17 =	vimm.s32 $0x6543A987;
	v2 =	vunpack.c.0.s8.s32 v14;
	[tilespmem:$0x1FF90] =	vst v53  }
0x43: {  	s12 =	simm.s32 $0xC00;
	s13 =	simm.s32 $0x2C00;
	s14 =	simm.s32 $0x4C00;
	v54 =	vor.u32 $0x10, v37;
	v55 =	vadd.s32 $0x11, v37;
	v6 =	vunpack.c.l.s4.s8 v17;
	[tilespmem:$0x1FFA0] =	vst v38  }
0x44: {  	v18 =	vimm.s32 $0x6050403;
	v22 =	vimm.s32 $0xD0C0B0A;
	v20 =	vand.u32 $0xF, v2;
	[tilespmem:$0x1FFB0] =	vst v39  }
0x45: {  	s16 =	simm.s32 $0x7000;
	s17 =	simm.s32 $0x6C00;
	s18 =	simm.s32 $0x6E00;
	v21 =	vunpack.c.0.s8.s32 v6;
	v1 =	vsel vm1, v20, v4;
	v4 =	vunpack.c.0.s8.s32 v22;
	[tilespmem:$0x1FFC0] =	vst v54  }
0x46: {  	s0 =	stileid.u32;
	s15 =	simm.s32 $0x1;
	v63 =	vadd.s32 $0x15, v37;
	v25 =	vimm.s32 $0x76543210;
	v23 =	vimm.s32 $0xE0D0C0B;
	[tilespmem:$0x1FFD0] =	vst v40  }
0x47: {  	s19 =	simm.s32 $0x0;
	s5 =	sshll.u32 s0, $0x1;
	s10 =	ssub.s32 $0x2, s3;
	v2 =	vand.u32 $0xF, v21;
	v5 =	vunpack.c.0.s8.s32 v23;
	[tilespmem:$0x1FFE0] =	vst v55;
	v1 =	vsel vm2, v4, v1  }
0x48: {  	s5 =	sor.u32 s3, s5;
	s3 =	sadd.s32 $0x16E4600, s4;
	v24 =	vunpack.c.0.s8.s32 v18;
	s11 =	sshrl.u32 s10, $0x1;
	v2 =	vsel vm1, v2, v12;
	[tilespmem:$0x1FD70] =	vst v1;
	v1 =	vunpack.c.l.s4.s8 v25  }
0x49: {  	s9 =	smul.u32 $0x180, s5;
	s31 =	sshll.u32 s5, $0x6;
	s10 =	ssub.s32 s10, s11;
	v2 =	vsel vm2, v5, v2;
	[tilespmem:$0x1FFF0] =	vst v63  }
0x4a: {  	s6 =	sadd.s32 s6, s31;
	s7 =	sadd.s32 s7, s31;
	s8 =	sadd.s32 s8, s31;
	v28 =	vsel vm0, v24, v12;
	[tilespmem:$0x1FD80] =	vst v2;
	v29 =	vunpack.c.0.s8.s32 v1  }
0x4b: {  	s11 =	simm.s32 $0x80;
	s9 =	sadd.s32 s9, s4;
	s4 =	sadd.s32 $0xF43200, s4;
	[tilespmem:$0x1FDD0] =	vst v28  }
0x4c: {  	s5 =	sadd.s32 $0xC00, s9;
	s9 =	smax.u32 s10, $0x1;
	s10 =	simm.s32 $0x2;
	[tilespmem:$0x1FDE0] =	vst v29  }
.LBB2_1:
0x4d: {  	[tilespmem:s2], [sflag:$0x2] =	stream.linear.gather [hbm4b:s5+s2], $0xC00, $0x38;
	[tilespmem:$0x7200] =	vst v63  }
0x4e: {  	_ =	swait.ge [sflag:s10], $0xC00  }
0x4f: {  	[sflag:s10] =	ssyncset.done $0x0  }
0x50: {  	s20 =	simm.s32 $0x6C00;
	s21 =	simm.s32 $0x0;
	[sflag:s10] =	ssyncadd.s32 $0xFFFFF400  }
.LBB2_2:
0x51: {  	s22 =	sand.u32 $0x3, s21  }
0x52: {  	s23 =	sshrl.u32 s21, $0x2;
	s22 =	smul.u32 $0xC00, s22  }
0x53: {  	s23 =	smul.u32 $0x600, s23;
	_ =	sdelay $0x1  }
0x54: {  	s22 =	sshrl.u32 s22, $0x2;
	s23 =	sshra.s32 s23, $0x2  }
0x55: {  	s22 =	sadd.s32 s23, s22  }
0x56: {  	[tilespmem:s12], [sflag:$0x1] =	stream.indirect.gather [hbm4b:s3+s11], $0x40, s22, s11, $0xb8;
	[tilespmem:$0x7200] =	vst v63  }
0x57: {  	s23 =	sadd.s32 $0x80, s22  }
0x58: {  	[tilespmem:s13], [sflag:$0x1] =	stream.indirect.gather [hbm4b:s4+s11], $0x40, s23, s11, $0xb8;
	[tilespmem:$0x7200] =	vst v63  }
0x59: {  	s22 =	sadd.s32 $0x100, s22  }
0x5a: {  	[tilespmem:s14], [sflag:$0x1] =	stream.indirect.gather [hbm4b:s3+s11], $0x40, s22, s11, $0xb8;
	[tilespmem:$0x7200] =	vst v63  }
0x5b: {  	s29 =	simm.s32 $0x0;
	_ =	swait.ge [sflag:s15], $0x2000  }
0x5c: {  	v0 =	vmov s29;
	[sflag:s15] =	ssyncset.done $0x0  }
0x5d: {  	v0 =	vshll.u32 v0, $0x6;
	[sflag:s15] =	ssyncadd.s32 $0xFFFFE000  }
0x5e: {  	v13 =	vor.u32 v38, v0;
	_ =	swait.ge [sflag:s15], $0x2000  }
0x5f: {  	v19 =	vor.u32 v39, v13;
	[sflag:s15] =	ssyncset.done $0x0  }
0x60: {  	[sflag:s15] =	ssyncadd.s32 $0xFFFFE000  }
0x61: {  	v14 =	vor.u32 v37, v13;
	_ =	swait.ge [sflag:s15], $0x2000  }
0x62: {  	[sflag:s15] =	ssyncset.done $0x0  }
0x63: {  	v18 =	vor.u32 v40, v13;
	[sflag:s15] =	ssyncadd.s32 $0xFFFFE000  }
0x64: {  	v2 =	vld.idx.msk [tilespmem:v19+s14+$0x0], $0xffff  }
0x65: {  	v17 =	vor.u32 v41, v13;
	v0 =	vld.idx.msk [tilespmem:v19+s12+$0x0], $0xffff  }
0x66: {  	v3 =	vld.idx.msk [tilespmem:v14+s12+$0x0], $0xffff  }
0x67: {  	v20 =	vor.u32 v42, v13;
	v5 =	vld.idx.msk [tilespmem:v14+s14+$0x0], $0xffff  }
0x68: {  	v57 =	vor.u32 v43, v13;
	v6 =	vld.idx.msk [tilespmem:v18+s12+$0x0], $0xffff  }
0x69: {  	v33 =	vor.u32 v44, v13;
	v1 =	vld.idx.msk [tilespmem:v18+s14+$0x0], $0xffff;
	[tilespmem:$0x1EA10] =	vst v2  }
0x6a: {  	v10 =	vld.idx.msk [tilespmem:v17+s12+$0x0], $0xffff;
	[tilespmem:$0x1E9E0] =	vst v0  }
0x6b: {  	v41 =	vor.u32 v46, v13;
	v8 =	vld.idx.msk [tilespmem:v17+s14+$0x0], $0xffff;
	[tilespmem:$0x1E9D0] =	vst v3  }
0x6c: {  	v42 =	vor.u32 v47, v13;
	v15 =	vld.idx.msk [tilespmem:v20+s12+$0x0], $0xffff;
	[tilespmem:$0x1EA00] =	vst v5  }
0x6d: {  	v9 =	vld.idx.msk [tilespmem:v57+s12+$0x0], $0xffff;
	[tilespmem:$0x1E9F0] =	vst v6  }
0x6e: {  	v25 =	vor.u32 v48, v13;
	v11 =	vld.idx.msk [tilespmem:v33+s12+$0x0], $0xffff;
	[tilespmem:$0x1EA40] =	vst v1  }
0x6f: {  	v7 =	vld.idx.msk [tilespmem:v33+s14+$0x0], $0xffff;
	[tilespmem:$0x1EA20] =	vst v10  }
0x70: {  	v16 =	vld.idx.msk [tilespmem:v41+s12+$0x0], $0xffff;
	[tilespmem:$0x1EA50] =	vst v8  }
0x71: {  	v24 =	vld.idx.msk [tilespmem:v42+s12+$0x0], $0xffff;
	[tilespmem:$0x1EA30] =	vst v15  }
0x72: {  	v43 =	vor.u32 v50, v13;
	v26 =	vld.idx.msk [tilespmem:v42+s14+$0x0], $0xffff;
	v3 =	vand.u32 $0x7FFFFFFF, v3;
	v4 =	vand.u32 $0x7FFFFFFF, v0;
	[tilespmem:$0x1EA60] =	vst v9  }
0x73: {  	v28 =	vld.idx.msk [tilespmem:v25+s12+$0x0], $0xffff;
	[tilespmem:$0x1EA80] =	vst v11;
	v3 =	vadd.f32 v4, v3;
	v4 =	vand.u32 $0x7FFFFFFF, v5;
	v5 =	vand.u32 $0x7FFFFFFF, v2  }
0x74: {  	v0 =	vor.u32 v45, v13;
	v6 =	vand.u32 $0x7FFFFFFF, v6;
	[tilespmem:$0x1EAC0] =	vst v7;
	v2 =	vld.idx.msk [tilespmem:v20+s14+$0x0], $0xffff;
	v4 =	vadd.f32 v5, v4  }
0x75: {  	[tilespmem:$0x1EAD0] =	vst v16;
	v5 =	vand.u32 $0x7FFFFFFF, v1;
	v1 =	vld.idx.msk [tilespmem:v57+s14+$0x0], $0xffff;
	v3 =	vadd.f32 v6, v3  }
0x76: {  	v58 =	vand.u32 $0x7FFFFFFF, v10;
	[tilespmem:$0x1EAF0] =	vst v24;
	v4 =	vadd.f32 v5, v4  }
0x77: {  	v44 =	vor.u32 v53, v13;
	v32 =	vld.idx.msk [tilespmem:v43+s12+$0x0], $0xffff;
	[tilespmem:$0x1EB30] =	vst v26;
	v5 =	vand.u32 $0x7FFFFFFF, v8;
	v3 =	vadd.f32 v58, v3  }
0x78: {  	v34 =	vld.idx.msk [tilespmem:v43+s14+$0x0], $0xffff;
	v59 =	vand.u32 $0x7FFFFFFF, v15;
	[tilespmem:$0x1EB10] =	vst v28;
	v4 =	vadd.f32 v5, v4  }
0x79: {  	v15 =	vand.u32 $0x7FFFFFFF, v9;
	[tilespmem:$0x1EA70] =	vst v2;
	v5 =	vand.u32 $0x7FFFFFFF, v2;
	v2 =	vld.idx.msk [tilespmem:v0+s14+$0x0], $0xffff;
	v3 =	vadd.f32 v59, v3  }
0x7a: {  	v12 =	vld.idx.msk [tilespmem:v0+s12+$0x0], $0xffff;
	[tilespmem:$0x1EAA0] =	vst v1;
	v4 =	vadd.f32 v5, v4;
	v5 =	vand.u32 $0x7FFFFFFF, v1;
	v1 =	vor.u32 v49, v13  }
0x7b: {  	[tilespmem:$0x1EA90] =	vst v0;
	v0 =	vld.idx.msk [tilespmem:v41+s14+$0x0], $0xffff;
	v3 =	vadd.f32 v15, v3  }
0x7c: {  	v40 =	vld.idx.msk [tilespmem:v44+s12+$0x0], $0xffff;
	v23 =	vand.u32 $0x7FFFFFFF, v11;
	[tilespmem:$0x1EB60] =	vst v32;
	v4 =	vadd.f32 v5, v4  }
0x7d: {  	[tilespmem:$0x1EBA0] =	vst v34;
	v5 =	vand.u32 $0x7FFFFFFF, v7;
	v3 =	vadd.f32 v23, v3;
	v23 =	vor.u32 v51, v13  }
0x7e: {  	[tilespmem:$0x1EAE0] =	vst v2;
	v4 =	vadd.f32 v5, v4;
	v5 =	vand.u32 $0x7FFFFFFF, v2;
	v2 =	vld.idx.msk [tilespmem:v25+s14+$0x0], $0xffff  }
0x7f: {  	[tilespmem:$0x1EB20] =	vst v1;
	v30 =	vld.idx.msk [tilespmem:v1+s12+$0x0], $0xffff  }
0x80: {  	[tilespmem:$0x1EB00] =	vst v0;
	v4 =	vadd.f32 v5, v4;
	v5 =	vand.u32 $0x7FFFFFFF, v0;
	v0 =	vld.idx.msk [tilespmem:v1+s14+$0x0], $0xffff;
	v1 =	vor.u32 v52, v13  }
0x81: {  	[tilespmem:$0x1EBD0] =	vst v40  }
0x82: {  	[tilespmem:$0x1EAB0] =	vst v12;
	v4 =	vadd.f32 v5, v4;
	v36 =	vld.idx.msk [tilespmem:v23+s12+$0x0], $0xffff  }
0x83: {  	[tilespmem:$0x1EB90] =	vst v1;
	v5 =	vand.u32 $0x7FFFFFFF, v26  }
0x84: {  	[tilespmem:$0x1EB50] =	vst v2;
	v4 =	vadd.f32 v5, v4;
	v5 =	vand.u32 $0x7FFFFFFF, v2;
	v2 =	vld.idx.msk [tilespmem:v23+s14+$0x0], $0xffff  }
0x85: {  	[tilespmem:$0x1EB40] =	vst v30;
	v38 =	vld.idx.msk [tilespmem:v1+s12+$0x0], $0xffff  }
0x86: {  	[tilespmem:$0x1EB70] =	vst v0;
	v4 =	vadd.f32 v5, v4;
	v5 =	vand.u32 $0x7FFFFFFF, v0;
	v0 =	vld.idx.msk [tilespmem:v1+s14+$0x0], $0xffff  }
0x87: {  	v48 =	vld.idx.msk [tilespmem:v44+s14+$0x0], $0xffff;
	v27 =	vand.u32 $0x7FFFFFFF, v12;
	v1 =	vor.u32 v55, v13;
	[tilespmem:$0x1EB80] =	vst v36  }
0x88: {  	v3 =	vadd.f32 v27, v3;
	v27 =	vor.u32 v54, v13;
	[tilespmem:$0x1EC00] =	vst v1  }
0x89: {  	[tilespmem:$0x1EBC0] =	vst v2  }
0x8a: {  	[tilespmem:$0x1EBB0] =	vst v38  }
0x8b: {  	[tilespmem:$0x1EBE0] =	vst v0  }
0x8c: {  	v45 =	vor.u32 v60, v13;
	v4 =	vadd.f32 v5, v4;
	[tilespmem:$0x1EC10] =	vst v48  }
0x8d: {  	v5 =	vand.u32 $0x7FFFFFFF, v34;
	v50 =	vld.idx.msk [tilespmem:v27+s12+$0x0], $0xffff  }
0x8e: {  	v59 =	vor.u32 v61, v13;
	v4 =	vadd.f32 v5, v4;
	v5 =	vand.u32 $0x7FFFFFFF, v2;
	v2 =	vld.idx.msk [tilespmem:v27+s14+$0x0], $0xffff  }
0x8f: {  	v52 =	vld.idx.msk [tilespmem:v1+s12+$0x0], $0xffff  }
0x90: {  	v4 =	vadd.f32 v5, v4;
	v5 =	vand.u32 $0x7FFFFFFF, v0;
	v0 =	vld.idx.msk [tilespmem:v1+s14+$0x0], $0xffff  }
0x91: {  	v46 =	vor.u32 v63, v13;
	v54 =	vld.idx.msk [tilespmem:v45+s12+$0x0], $0xffff  }
0x92: {  	v55 =	vld.idx.msk [tilespmem:v45+s14+$0x0], $0xffff  }
0x93: {  	v58 =	vld.idx.msk [tilespmem:v59+s12+$0x0], $0xffff  }
0x94: {  	v11 =	vld [tilespmem:$0x1FB70]  }
0x95: {  	v29 =	vand.u32 $0x7FFFFFFF, v16;
	v16 =	vld [tilespmem:$0x1FB80]  }
0x96: {  	v22 =	vld.idx.msk [tilespmem:v46+s12+$0x0], $0xffff  }
0x97: {  	v35 =	vand.u32 $0x7FFFFFFF, v28;
	v28 =	vld.idx.msk [tilespmem:v46+s14+$0x0], $0xffff  }
0x98: {  	v3 =	vadd.f32 v29, v3;
	v29 =	vld [tilespmem:$0x1FB90]  }
0x99: {  	v31 =	vand.u32 $0x7FFFFFFF, v24;
	v39 =	vand.u32 $0x7FFFFFFF, v32;
	v32 =	vld [tilespmem:$0x1FBA0]  }
0x9a: {  	v3 =	vadd.f32 v31, v3;
	v51 =	vand.u32 $0x7FFFFFFF, v38;
	v1 =	vor.u32 v62, v13;
	v38 =	vld [tilespmem:$0x1FBB0]  }
0x9b: {  	v60 =	vld [tilespmem:$0x1FBE0]  }
0x9c: {  	v3 =	vadd.f32 v35, v3;
	v49 =	vand.u32 $0x7FFFFFFF, v36;
	v36 =	vld [tilespmem:$0x1FC20];
	v4 =	vadd.f32 v5, v4  }
0x9d: {  	v37 =	vand.u32 $0x7FFFFFFF, v30;
	v9 =	vld [tilespmem:$0x1FDB0];
	v5 =	vand.u32 $0x7FFFFFFF, v48  }
0x9e: {  	v3 =	vadd.f32 v37, v3;
	v4 =	vadd.f32 v5, v4;
	[tilespmem:$0x1EC30] =	vst v2;
	v5 =	vand.u32 $0x7FFFFFFF, v2;
	v2 =	vld.idx.msk [tilespmem:v59+s14+$0x0], $0xffff  }
0x9f: {  	v15 =	vld.idx.msk [tilespmem:v1+s12+$0x0], $0xffff  }
0xa0: {  	v3 =	vadd.f32 v39, v3;
	[tilespmem:$0x1EC20] =	vst v52;
	v12 =	vand.u32 $0x7FFFFFFF, v52;
	v52 =	vld [tilespmem:$0x1FBC0]  }
0xa1: {  	v24 =	vor.u32 v11, v13;
	v61 =	vor.u32 v16, v13;
	v16 =	vld [tilespmem:$0x1FBF0]  }
0xa2: {  	v3 =	vadd.f32 v49, v3;
	v63 =	vor.u32 v60, v13;
	v60 =	vld [tilespmem:$0x1FC40]  }
0xa3: {  	[tilespmem:$0x1EBF0] =	vst v50;
	v56 =	vand.u32 $0x7FFFFFFF, v50;
	v50 =	vor.u32 v36, v13;
	v36 =	vld [tilespmem:$0x1FE00];
	v4 =	vadd.f32 v5, v4  }
0xa4: {  	v3 =	vadd.f32 v51, v3;
	[tilespmem:$0x1EC50] =	vst v0;
	v47 =	vor.u32 v29, v13;
	v5 =	vand.u32 $0x7FFFFFFF, v0;
	v0 =	vld.idx.msk [tilespmem:v1+s14+$0x0], $0xffff  }
0xa5: {  	v53 =	vand.u32 $0x7FFFFFFF, v40;
	[tilespmem:$0x1EC80] =	vst v55;
	v4 =	vadd.f32 v5, v4;
	v5 =	vand.u32 $0x7FFFFFFF, v55;
	v55 =	vld [tilespmem:$0x1FBD0]  }
0xa6: {  	v3 =	vadd.f32 v53, v3;
	v26 =	vor.u32 v32, v13;
	v31 =	vld.idx.msk [tilespmem:v24+s12+$0x0], $0xffff  }
0xa7: {  	[tilespmem:$0x1EC70] =	vst v1;
	v62 =	vor.u32 v38, v13;
	v1 =	vld.idx.msk [tilespmem:v24+s14+$0x0], $0xffff  }
0xa8: {  	v3 =	vadd.f32 v56, v3;
	v35 =	vld.idx.msk [tilespmem:v61+s12+$0x0], $0xffff  }
0xa9: {  	v40 =	vld.idx.msk [tilespmem:v47+s12+$0x0], $0xffff  }
0xaa: {  	v3 =	vadd.f32 v12, v3;
	[tilespmem:$0x1ECA0] =	vst v2;
	v4 =	vadd.f32 v5, v4;
	v5 =	vand.u32 $0x7FFFFFFF, v2;
	v2 =	vld.idx.msk [tilespmem:v47+s14+$0x0], $0xffff  }
0xab: {  	[tilespmem:$0x1EC40] =	vst v54;
	v21 =	vand.u32 $0x7FFFFFFF, v54;
	v48 =	vor.u32 v52, v13;
	v54 =	vld.idx.msk [tilespmem:v26+s12+$0x0], $0xffff  }
0xac: {  	[tilespmem:$0x1EC60] =	vst v58;
	v30 =	vand.u32 $0x7FFFFFFF, v58;
	v3 =	vadd.f32 v21, v3;
	v58 =	vld.idx.msk [tilespmem:v62+s12+$0x0], $0xffff  }
0xad: {  	v49 =	vor.u32 v16, v13;
	[tilespmem:$0x1ECC0] =	vst v0;
	v4 =	vadd.f32 v5, v4;
	v5 =	vand.u32 $0x7FFFFFFF, v0;
	v0 =	vld.idx.msk [tilespmem:v61+s14+$0x0], $0xffff  }
0xae: {  	[tilespmem:$0x1ECE0] =	vst v28;
	v3 =	vadd.f32 v30, v3;
	v30 =	vld.idx.msk [tilespmem:v63+s12+$0x0], $0xffff  }
0xaf: {  	[tilespmem:$0x1EC90] =	vst v15;
	v4 =	vadd.f32 v5, v4;
	v5 =	vand.u32 $0x7FFFFFFF, v28;
	v28 =	vld [tilespmem:$0x1FC00]  }
0xb0: {  	v34 =	vand.u32 $0x7FFFFFFF, v15;
	[tilespmem:$0x1ECD0] =	vst v31;
	v15 =	vld.idx.msk [tilespmem:v48+s12+$0x0], $0xffff  }
0xb1: {  	v37 =	vor.u32 v55, v13;
	[tilespmem:$0x1ED00] =	vst v1;
	v53 =	vand.u32 $0x7FFFFFFF, v31;
	v31 =	vld [tilespmem:$0x1FC10]  }
0xb2: {  	[tilespmem:$0x1ECF0] =	vst v35;
	v56 =	vand.u32 $0x7FFFFFFF, v35;
	v35 =	vld.idx.msk [tilespmem:v49+s12+$0x0], $0xffff  }
0xb3: {  	v3 =	vadd.f32 v34, v3;
	[tilespmem:$0x1ED30] =	vst v54;
	v4 =	vadd.f32 v5, v4;
	v5 =	vand.u32 $0x7FFFFFFF, v1;
	v1 =	vld.idx.msk [tilespmem:v26+s14+$0x0], $0xffff  }
0xb4: {  	v39 =	vand.u32 $0x7FFFFFFF, v22;
	v21 =	vand.u32 $0x7FFFFFFF, v54;
	[tilespmem:$0x1EDC0] =	vst v30;
	v54 =	vand.u32 $0x7FFFFFFF, v30;
	v30 =	vld [tilespmem:$0x1FC90]  }
0xb5: {  	v3 =	vadd.f32 v39, v3;
	[tilespmem:$0x1ED20] =	vst v0;
	v4 =	vadd.f32 v5, v4;
	v5 =	vand.u32 $0x7FFFFFFF, v0;
	v0 =	vld.idx.msk [tilespmem:v62+s14+$0x0], $0xffff  }
0xb6: {  	[tilespmem:$0x1ECB0] =	vst v22;
	v22 =	vld.idx.msk [tilespmem:v37+s12+$0x0], $0xffff  }
0xb7: {  	v3 =	vadd.f32 v53, v3;
	v53 =	vld [tilespmem:$0x1FC30]  }
0xb8: {  	[tilespmem:$0x1ED40] =	vst v2;
	v12 =	vand.u32 $0x7FFFFFFF, v40;
	v4 =	vadd.f32 v5, v4;
	v5 =	vand.u32 $0x7FFFFFFF, v2;
	v2 =	vld.idx.msk [tilespmem:v48+s14+$0x0], $0xffff  }
0xb9: {  	v39 =	vor.u32 v28, v13;
	v3 =	vadd.f32 v56, v3;
	[tilespmem:$0x1ED70] =	vst v15;
	v34 =	vand.u32 $0x7FFFFFFF, v15;
	v15 =	vld [tilespmem:$0x1FC50]  }
0xba: {  	v32 =	vor.u32 v31, v13;
	[tilespmem:$0x1ED60] =	vst v1;
	v4 =	vadd.f32 v5, v4;
	v5 =	vand.u32 $0x7FFFFFFF, v1;
	v1 =	vld.idx.msk [tilespmem:v37+s14+$0x0], $0xffff  }
0xbb: {  	[tilespmem:$0x1EDA0] =	vst v63;
	v3 =	vadd.f32 v12, v3;
	v12 =	vld.idx.msk [tilespmem:v50+s12+$0x0], $0xffff  }
0xbc: {  	[tilespmem:$0x1ED90] =	vst v22;
	v38 =	vand.u32 $0x7FFFFFFF, v22;
	v22 =	vld [tilespmem:$0x1FC80]  }
0xbd: {  	[tilespmem:$0x1ED80] =	vst v0;
	v56 =	vor.u32 v53, v13;
	v4 =	vadd.f32 v5, v4;
	v5 =	vand.u32 $0x7FFFFFFF, v0;
	v0 =	vld.idx.msk [tilespmem:v63+s14+$0x0], $0xffff  }
0xbe: {  	[tilespmem:$0x1ED10] =	vst v40;
	v40 =	vld.idx.msk [tilespmem:v39+s12+$0x0], $0xffff;
	v63 =	vor.u32 v60, v13  }
0xbf: {  	v55 =	vld.idx.msk [tilespmem:v32+s12+$0x0], $0xffff;
	v4 =	vadd.f32 v5, v4  }
0xc0: {  	[tilespmem:$0x1EDB0] =	vst v2;
	v51 =	vor.u32 v15, v13;
	v5 =	vand.u32 $0x7FFFFFFF, v2;
	v2 =	vld.idx.msk [tilespmem:v49+s14+$0x0], $0xffff  }
0xc1: {  	v3 =	vadd.f32 v21, v3;
	[tilespmem:$0x1EDD0] =	vst v1;
	v4 =	vadd.f32 v5, v4;
	v5 =	vand.u32 $0x7FFFFFFF, v1;
	v1 =	vld.idx.msk [tilespmem:v39+s14+$0x0], $0xffff  }
0xc2: {  	v29 =	vand.u32 $0x7FFFFFFF, v58;
	v21 =	vld.idx.msk [tilespmem:v56+s12+$0x0], $0xffff  }
0xc3: {  	[tilespmem:$0x1ED50] =	vst v58;
	v3 =	vadd.f32 v29, v3;
	v29 =	vld.idx.msk [tilespmem:v63+s12+$0x0], $0xffff  }
0xc4: {  	[tilespmem:$0x1EDF0] =	vst v0;
	v4 =	vadd.f32 v5, v4;
	v5 =	vand.u32 $0x7FFFFFFF, v0;
	v0 =	vld.idx.msk [tilespmem:v32+s14+$0x0], $0xffff  }
0xc5: {  	[tilespmem:$0x1EDE0] =	vst v35;
	v3 =	vadd.f32 v34, v3;
	v34 =	vld.idx.msk [tilespmem:v51+s12+$0x0], $0xffff  }
0xc6: {  	v11 =	vand.u32 $0x7FFFFFFF, v35;
	[tilespmem:$0x1EE10] =	vst v32;
	v58 =	vor.u32 v22, v13;
	v35 =	vld.idx.msk [tilespmem:v51+s14+$0x0], $0xffff;
	v4 =	vadd.f32 v5, v4  }
0xc7: {  	[tilespmem:$0x1EE50] =	vst v12;
	v3 =	vadd.f32 v38, v3;
	v32 =	vand.u32 $0x7FFFFFFF, v12;
	v12 =	vld [tilespmem:$0x1FE20];
	v5 =	vand.u32 $0x7FFFFFFF, v2  }
0xc8: {  	[tilespmem:$0x1EE20] =	vst v2;
	v2 =	vld.idx.msk [tilespmem:v50+s14+$0x0], $0xffff;
	v4 =	vadd.f32 v5, v4  }
0xc9: {  	[tilespmem:$0x1EE00] =	vst v40;
	v3 =	vadd.f32 v54, v3;
	v54 =	vld [tilespmem:$0x1FE10];
	v5 =	vand.u32 $0x7FFFFFFF, v1  }
0xca: {  	[tilespmem:$0x1EE40] =	vst v1;
	v1 =	vld.idx.msk [tilespmem:v56+s14+$0x0], $0xffff;
	v4 =	vadd.f32 v5, v4  }
0xcb: {  	v16 =	vand.u32 $0x7FFFFFFF, v40;
	[tilespmem:$0x1EE30] =	vst v55;
	v40 =	vld.idx.msk [tilespmem:v58+s12+$0x0], $0xffff;
	v5 =	vand.u32 $0x7FFFFFFF, v0  }
0xcc: {  	v31 =	vor.u32 v30, v13;
	[tilespmem:$0x1EE60] =	vst v0;
	v0 =	vld.idx.msk [tilespmem:v63+s14+$0x0], $0xffff;
	v4 =	vadd.f32 v5, v4  }
0xcd: {  	v52 =	vor.u32 v36, v13;
	[tilespmem:$0x1EE70] =	vst v21;
	v38 =	vand.u32 $0x7FFFFFFF, v21;
	v21 =	vld [tilespmem:$0x1FE30];
	v5 =	vand.u32 $0x7FFFFFFF, v2  }
0xce: {  	v28 =	vand.u32 $0x7FFFFFFF, v55;
	[tilespmem:$0x1EEA0] =	vst v29;
	v55 =	vand.u32 $0x7FFFFFFF, v29;
	v29 =	vld [tilespmem:$0x1FE40];
	v4 =	vadd.f32 v5, v4  }
0xcf: {  	v3 =	vadd.f32 v11, v3;
	v11 =	vld [tilespmem:$0x1FCC0];
	v5 =	vand.u32 $0x7FFFFFFF, v1  }
0xd0: {  	[tilespmem:$0x1EE90] =	vst v2;
	v2 =	vld.idx.msk [tilespmem:v58+s14+$0x0], $0xffff;
	v4 =	vadd.f32 v5, v4  }
0xd1: {  	[tilespmem:$0x1EE80] =	vst v63;
	v3 =	vadd.f32 v16, v3;
	v63 =	vld.idx.msk [tilespmem:v31+s12+$0x0], $0xffff;
	v60 =	vor.u32 v54, v13;
	v5 =	vand.u32 $0x7FFFFFFF, v0  }
0xd2: {  	[tilespmem:$0x1EEB0] =	vst v1;
	v1 =	vld.idx.msk [tilespmem:v31+s14+$0x0], $0xffff;
	v4 =	vadd.f32 v5, v4  }
0xd3: {  	v16 =	vld.idx.msk [tilespmem:v52+s14+$0x0], $0xffff;
	v3 =	vadd.f32 v28, v3;
	[tilespmem:$0x1EED0] =	vst v0;
	v0 =	vor.u32 v12, v13;
	v5 =	vand.u32 $0x7FFFFFFF, v35  }
0xd4: {  	v54 =	vld [tilespmem:$0x1FE60];
	v4 =	vadd.f32 v5, v4  }
0xd5: {  	v53 =	vor.u32 v21, v13;
	v3 =	vadd.f32 v32, v3;
	v32 =	vld [tilespmem:$0x1FE50];
	v5 =	vand.u32 $0x7FFFFFFF, v2  }
0xd6: {  	[tilespmem:$0x1EF20] =	vst v2;
	v2 =	vld.idx.msk [tilespmem:v60+s14+$0x0], $0xffff;
	v4 =	vadd.f32 v5, v4  }
0xd7: {  	v3 =	vadd.f32 v38, v3;
	v12 =	vld.idx.msk [tilespmem:v52+s12+$0x0], $0xffff;
	v5 =	vand.u32 $0x7FFFFFFF, v1  }
0xd8: {  	[tilespmem:$0x1EF40] =	vst v1;
	v1 =	vld.idx.msk [tilespmem:v0+s14+$0x0], $0xffff;
	v4 =	vadd.f32 v5, v4  }
0xd9: {  	v28 =	vld.idx.msk [tilespmem:v60+s12+$0x0], $0xffff;
	v3 =	vadd.f32 v55, v3;
	v5 =	vand.u32 $0x7FFFFFFF, v16  }
0xda: {  	[tilespmem:$0x1EEC0] =	vst v34;
	v15 =	vand.u32 $0x7FFFFFFF, v34;
	v38 =	vor.u32 v29, v13;
	v36 =	vld.idx.msk [tilespmem:v53+s14+$0x0], $0xffff;
	v4 =	vadd.f32 v5, v4  }
0xdb: {  	[tilespmem:$0x1EF00] =	vst v35;
	v54 =	vor.u32 v54, v13;
	v35 =	vld.idx.msk [tilespmem:v53+s12+$0x0], $0xffff;
	v3 =	vadd.f32 v15, v3;
	v5 =	vand.u32 $0x7FFFFFFF, v2  }
0xdc: {  	v22 =	vand.u32 $0x7FFFFFFF, v40;
	[tilespmem:$0x1EF30] =	vst v12;
	v34 =	vand.u32 $0x7FFFFFFF, v12;
	v12 =	vld [tilespmem:$0x1FE70];
	v4 =	vadd.f32 v5, v4  }
0xdd: {  	[tilespmem:$0x1EEF0] =	vst v31;
	v31 =	vld.idx.msk [tilespmem:v0+s12+$0x0], $0xffff;
	v3 =	vadd.f32 v22, v3;
	v5 =	vand.u32 $0x7FFFFFFF, v1  }
0xde: {  	v30 =	vand.u32 $0x7FFFFFFF, v63;
	[tilespmem:$0x1EF60] =	vst v0;
	v0 =	vor.u32 v32, v13;
	v4 =	vadd.f32 v5, v4;
	v5 =	vld [tilespmem:$0x1FE80]  }
0xdf: {  	[tilespmem:$0x1EF10] =	vst v63;
	v63 =	vld.idx.msk [tilespmem:v38+s12+$0x0], $0xffff;
	v3 =	vadd.f32 v30, v3  }
0xe0: {  	[tilespmem:$0x1EF50] =	vst v28;
	v55 =	vand.u32 $0x7FFFFFFF, v28;
	v28 =	vld.idx.msk [tilespmem:v54+s12+$0x0], $0xffff  }
0xe1: {  	[tilespmem:$0x1EEE0] =	vst v40;
	v32 =	vld [tilespmem:$0x1FCA0];
	v3 =	vadd.f32 v34, v3;
	v40 =	vor.u32 v12, v13  }
0xe2: {  	[tilespmem:$0x1EF90] =	vst v2;
	v2 =	vld.idx.msk [tilespmem:v38+s14+$0x0], $0xffff  }
0xe3: {  	[tilespmem:$0x1EF70] =	vst v16;
	v16 =	vld.idx.msk [tilespmem:v0+s12+$0x0], $0xffff;
	v3 =	vadd.f32 v55, v3;
	v55 =	vor.u32 v5, v13;
	v5 =	vand.u32 $0x7FFFFFFF, v36  }
0xe4: {  	v15 =	vand.u32 $0x7FFFFFFF, v31;
	v4 =	vadd.f32 v5, v4;
	v5 =	vld [tilespmem:$0x1FE90]  }
0xe5: {  	[tilespmem:$0x1EFD0] =	vst v0;
	v0 =	vld.idx.msk [tilespmem:v0+s14+$0x0], $0xffff;
	v3 =	vadd.f32 v15, v3  }
0xe6: {  	v22 =	vand.u32 $0x7FFFFFFF, v35;
	[tilespmem:$0x1EF80] =	vst v31;
	v30 =	vld.idx.msk [tilespmem:v40+s12+$0x0], $0xffff  }
0xe7: {  	[tilespmem:$0x1EFB0] =	vst v1;
	v1 =	vld.idx.msk [tilespmem:v54+s14+$0x0], $0xffff;
	v3 =	vadd.f32 v22, v3  }
0xe8: {  	v29 =	vand.u32 $0x7FFFFFFF, v63;
	[tilespmem:$0x1EFF0] =	vst v16;
	v31 =	vand.u32 $0x7FFFFFFF, v16;
	v16 =	vld [tilespmem:$0x1FCD0]  }
0xe9: {  	[tilespmem:$0x1EFE0] =	vst v36;
	v3 =	vadd.f32 v29, v3;
	v36 =	vld [tilespmem:$0x1FDA0];
	v22 =	vor.u32 v5, v13;
	v5 =	vand.u32 $0x7FFFFFFF, v2  }
0xea: {  	v4 =	vadd.f32 v5, v4;
	v5 =	vld [tilespmem:$0x1FDC0]  }
0xeb: {  	[tilespmem:$0x1F030] =	vst v30;
	v3 =	vadd.f32 v31, v3;
	v29 =	vand.u32 $0x7FFFFFFF, v30;
	v30 =	vld [tilespmem:$0x1FC60]  }
0xec: {  	[tilespmem:$0x1EFA0] =	vst v35;
	v35 =	vand.u32 $0x7FFFFFFF, v28;
	v31 =	vld [tilespmem:$0x1FC70]  }
0xed: {  	v3 =	vadd.f32 v35, v3;
	v35 =	vld [tilespmem:$0x1FD00]  }
0xee: {  	[tilespmem:$0x1EFC0] =	vst v63;
	v15 =	vld.idx.msk [tilespmem:v55+s12+$0x0], $0xffff  }
0xef: {  	[tilespmem:$0x1F020] =	vst v0;
	v34 =	vand.u32 $0x7FFFFFFF, v0;
	v0 =	vld.idx.msk [tilespmem:v55+s14+$0x0], $0xffff;
	v5 =	vsel vm0, v5, v9  }
0xf0: {  	[tilespmem:$0x1F000] =	vst v2;
	v2 =	vld.idx.msk [tilespmem:v40+s14+$0x0], $0xffff;
	v63 =	vcombine.low v36, v5  }
0xf1: {  	[tilespmem:$0x1F010] =	vst v28;
	v6 =	vsel vm0, v31, v30;
	v31 =	vld [tilespmem:$0x1FD10]  }
0xf2: {  	v4 =	vadd.f32 v34, v4;
	[tilespmem:$0x1F270] =	vst v63;
	v34 =	vor.u32 v63, v13;
	v63 =	vld [tilespmem:$0x1FCB0]  }
0xf3: {  	v21 =	vor.u32 v32, v13;
	v3 =	vadd.f32 v29, v3;
	[tilespmem:$0x1F050] =	vst v15;
	v29 =	vand.u32 $0x7FFFFFFF, v15;
	v15 =	vld [tilespmem:$0x1FD30]  }
0xf4: {  	[tilespmem:$0x1F040] =	vst v1;
	v28 =	vand.u32 $0x7FFFFFFF, v1;
	v1 =	vld.idx.msk [tilespmem:v22+s12+$0x0], $0xffff  }
0xf5: {  	v12 =	vld.idx.msk [tilespmem:v22+s14+$0x0], $0xffff;
	v36 =	vor.u32 v16, v13  }
0xf6: {  	v16 =	vld [tilespmem:$0x1FCF0]  }
0xf7: {  	v10 =	vcombine.low v6, v35;
	v6 =	vsel vm0, v11, v63;
	v63 =	vld [tilespmem:$0x1FD90]  }
0xf8: {  	v4 =	vadd.f32 v28, v4;
	v28 =	vld.idx.msk [tilespmem:v21+s12+$0x0], $0xffff  }
0xf9: {  	v32 =	vand.u32 $0x7FFFFFFF, v2;
	v3 =	vadd.f32 v29, v3;
	v29 =	vld [tilespmem:$0x1FCE0]  }
0xfa: {  	[tilespmem:$0x1F080] =	vst v0;
	v30 =	vand.u32 $0x7FFFFFFF, v0;
	v4 =	vadd.f32 v32, v4;
	v0 =	vld.idx.msk [tilespmem:v36+s12+$0x0], $0xffff  }
0xfb: {  	[tilespmem:$0x1F280] =	vst v10;
	v35 =	vor.u32 v16, v13;
	v16 =	vor.u32 v10, v13;
	v10 =	vld [tilespmem:$0x1FDD0];
	v32 =	vcombine.low v6, v31  }
0xfc: {  	v11 =	vld.idx.msk [tilespmem:v36+s14+$0x0], $0xffff;
	v6 =	vsel vm0, v9, v63;
	v9 =	vand.u32 $0x7FFFFFFF, v1  }
0xfd: {  	[tilespmem:$0x1F290] =	vst v32;
	v3 =	vadd.f32 v9, v3;
	v9 =	vor.u32 v32, v13;
	v32 =	vld [tilespmem:$0x1FDE0]  }
0xfe: {  	v4 =	vadd.f32 v30, v4;
	[tilespmem:$0x1F070] =	vst v1;
	v1 =	vld.idx.msk [tilespmem:v34+s12+$0x0], $0xffff  }
0xff: {  	v30 =	vand.u32 $0x7FFFFFFF, v12;
	v31 =	vand.u32 $0x7FFFFFFF, v28  }
0x100: {  	v4 =	vadd.f32 v30, v4;
	v3 =	vadd.f32 v31, v3  }
0x101: {  	[tilespmem:$0x1F060] =	vst v2;
	v30 =	vand.u32 $0x7FFFFFFF, v0;
	v10 =	vcombine.low v6, v10;
	v6 =	vsel vm0, v15, v29  }
0x102: {  	v2 =	vld.idx.msk [tilespmem:v21+s14+$0x0], $0xffff;
	[tilespmem:$0x1F0A0] =	vst v12;
	v3 =	vadd.f32 v30, v3;
	v63 =	vcombine.low v6, v32  }
0x103: {  	v12 =	vld.idx.msk [tilespmem:v34+s14+$0x0], $0xffff;
	[tilespmem:$0x1F0E0] =	vst v11;
	v32 =	vand.u32 $0x7FFFFFFF, v1  }
0x104: {  	v31 =	vand.u32 $0x7FFFFFFF, v11;
	[tilespmem:$0x1F2B0] =	vst v63;
	v11 =	vor.u32 v63, v13;
	v63 =	vadd.f32 v32, v3;
	v3 =	vld [tilespmem:$0x1FD20];
	_ =	sdelay $0x3  }
0x105: {  	[tilespmem:$0x1F090] =	vst v28  }
0x106: {  	[tilespmem:$0x1F100] =	vst v12;
	v28 =	vand.u32 $0x7FFFFFFF, v12;
	v29 =	vand.u32 $0x7FFFFFFF, v2;
	v12 =	vor.u32 v3, v13;
	v3 =	vld [tilespmem:$0x1FDF0]  }
0x107: {  	v15 =	vld.idx.msk [tilespmem:v35+s12+$0x0], $0xffff;
	v4 =	vadd.f32 v29, v4  }
0x108: {  	[tilespmem:$0x1F0C0] =	vst v2;
	v2 =	vld.idx.msk [tilespmem:v16+s12+$0x0], $0xffff  }
0x109: {  	v29 =	vld.idx.msk [tilespmem:v35+s14+$0x0], $0xffff;
	v4 =	vadd.f32 v31, v4  }
0x10a: {  	v30 =	vld.idx.msk [tilespmem:v16+s14+$0x0], $0xffff  }
0x10b: {  	[tilespmem:$0x1F0D0] =	vst v1;
	v1 =	vadd.f32 v28, v4;
	v4 =	vld [tilespmem:$0x1FD40];
	v3 =	vcombine.low v5, v3  }
0x10c: {  	[tilespmem:$0x1F2A0] =	vst v10;
	v10 =	vor.u32 v10, v13;
	v31 =	vld.idx.msk [tilespmem:v9+s12+$0x0], $0xffff;
	v32 =	vand.u32 $0x7FFFFFFF, v15  }
0x10d: {  	v6 =	vadd.f32 v32, v63;
	[tilespmem:$0x1F2C0] =	vst v3;
	v28 =	vor.u32 v3, v13;
	v3 =	vld [tilespmem:$0x1FD50]  }
0x10e: {  	[tilespmem:$0x1F0B0] =	vst v0;
	v5 =	vand.u32 $0x7FFFFFFF, v2  }
0x10f: {  	[tilespmem:$0x1F0F0] =	vst v15;
	v6 =	vadd.f32 v5, v6;
	v5 =	vand.u32 $0x7FFFFFFF, v29  }
0x110: {  	v0 =	vld.idx.msk [tilespmem:v9+s14+$0x0], $0xffff;
	[tilespmem:$0x1F120] =	vst v29;
	v15 =	vor.u32 v4, v13;
	v4 =	vadd.f32 v5, v1  }
0x111: {  	[tilespmem:$0x1F140] =	vst v30;
	v63 =	vld.idx.msk [tilespmem:v10+s12+$0x0], $0xffff;
	v30 =	vand.u32 $0x7FFFFFFF, v30;
	v29 =	vand.u32 $0x7FFFFFFF, v31  }
0x112: {  	v8 =	vadd.f32 v29, v6;
	v29 =	vadd.f32 v30, v4;
	v30 =	vor.u32 v3, v13;
	v3 =	vld [tilespmem:$0x1FD60];
	_ =	sdelay $0x2  }
0x113: {  	[tilespmem:$0x1F110] =	vst v2;
	v7 =	vld.idx.msk [tilespmem:v15+s12+$0x0], $0xffff  }
0x114: {  	[tilespmem:$0x1F130] =	vst v31;
	v32 =	vand.u32 $0x7FFFFFFF, v0;
	v2 =	vld.idx.msk [tilespmem:v11+s12+$0x0], $0xffff  }
0x115: {  	[tilespmem:$0x1F150] =	vst v63;
	v31 =	vand.u32 $0x7FFFFFFF, v63;
	v63 =	vadd.f32 v32, v29;
	v32 =	vor.u32 v3, v13;
	v3 =	vld [tilespmem:$0x1FD70]  }
0x116: {  	[tilespmem:$0x1F160] =	vst v0;
	v0 =	vld.idx.msk [tilespmem:v12+s14+$0x0], $0xffff  }
0x117: {  	v1 =	vld.idx.msk [tilespmem:v10+s14+$0x0], $0xffff  }
0x118: {  	v5 =	vld.idx.msk [tilespmem:v12+s12+$0x0], $0xffff;
	v8 =	vadd.f32 v31, v8  }
0x119: {  	v4 =	vld.idx.msk [tilespmem:v11+s14+$0x0], $0xffff;
	v6 =	vand.u32 $0x7FFFFFFF, v2  }
0x11a: {  	v29 =	vadd.f32 v6, v8;
	v8 =	vor.u32 v3, v13;
	v3 =	vld [tilespmem:$0x1FD80]  }
0x11b: {  	[tilespmem:$0x1F170] =	vst v2;
	v2 =	vld.idx.msk [tilespmem:v28+s12+$0x0], $0xffff  }
0x11c: {  	v31 =	vand.u32 $0x7FFFFFFF, v1  }
0x11d: {  	[tilespmem:$0x1F1B0] =	vst v7;
	v6 =	vld.idx.msk [tilespmem:v15+s14+$0x0], $0xffff;
	v63 =	vadd.f32 v31, v63;
	v31 =	vand.u32 $0x7FFFFFFF, v5  }
0x11e: {  	[tilespmem:$0x1F180] =	vst v1;
	v29 =	vadd.f32 v31, v29;
	v31 =	vand.u32 $0x7FFFFFFF, v4;
	v1 =	vld.idx.msk [tilespmem:v30+s12+$0x0], $0xffff  }
0x11f: {  	v7 =	vand.u32 $0x7FFFFFFF, v7;
	[tilespmem:$0x1F1A0] =	vst v4;
	v4 =	vld.idx.msk [tilespmem:v28+s14+$0x0], $0xffff;
	v31 =	vadd.f32 v31, v63;
	v13 =	vor.u32 v3, v13  }
0x120: {  	[tilespmem:$0x1F190] =	vst v5;
	v63 =	vand.u32 $0x7FFFFFFF, v0;
	v29 =	vadd.f32 v7, v29;
	v7 =	vand.u32 $0x7FFFFFFF, v2;
	v5 =	vld.idx.msk [tilespmem:v32+s12+$0x0], $0xffff  }
0x121: {  	[tilespmem:$0x1F1C0] =	vst v0;
	v31 =	vadd.f32 v63, v31;
	v0 =	vld.idx.msk [tilespmem:v30+s14+$0x0], $0xffff  }
0x122: {  	[tilespmem:$0x1F1D0] =	vst v2;
	v63 =	vand.u32 $0x7FFFFFFF, v6;
	v29 =	vadd.f32 v7, v29;
	v2 =	vld.idx.msk [tilespmem:v8+s12+$0x0], $0xffff  }
0x123: {  	v31 =	vadd.f32 v63, v31;
	v7 =	vmov v6;
	v6 =	vand.u32 $0x7FFFFFFF, v1;
	v3 =	vld.idx.msk [tilespmem:v32+s14+$0x0], $0xffff  }
0x124: {  	[tilespmem:$0x1F1E0] =	vst v1;
	v29 =	vadd.f32 v6, v29;
	v6 =	vand.u32 $0x7FFFFFFF, v4;
	v1 =	vld.idx.msk [tilespmem:v13+s12+$0x0], $0xffff  }
0x125: {  	v31 =	vadd.f32 v6, v31;
	v6 =	vand.u32 $0x7FFFFFFF, v5  }
0x126: {  	v29 =	vadd.f32 v6, v29;
	v6 =	vand.u32 $0x7FFFFFFF, v0  }
0x127: {  	v31 =	vadd.f32 v6, v31;
	v6 =	vand.u32 $0x7FFFFFFF, v2  }
0x128: {  	v29 =	vadd.f32 v6, v29;
	v6 =	vand.u32 $0x7FFFFFFF, v3  }
0x129: {  	[tilespmem:$0x1F1F0] =	vst v4;
	v4 =	vld.idx.msk [tilespmem:v8+s14+$0x0], $0xffff;
	v31 =	vadd.f32 v6, v31;
	v6 =	vand.u32 $0x7FFFFFFF, v1  }
0x12a: {  	v29 =	vadd.f32 v6, v29  }
0x12b: {  	[tilespmem:$0x1F210] =	vst v0;
	v0 =	vld.idx.msk [tilespmem:v13+s14+$0x0], $0xffff  }
0x12c: {  	(erf) = vrcp.f32 v29;
	_ =	sdelay $0x1  }
0x12d: {  	v6 =	vand.u32 $0x7FFFFFFF, v4  }
0x12e: {  	v31 =	vadd.f32 v6, v31  }
0x12f: {  	v6 =	vand.u32 $0x7FFFFFFF, v0  }
0x130: {  	[tilespmem:$0x1F260] =	vst v0;
	v0 =	vld [tilespmem:$0x1E9D0];
	v29 =	vadd.f32 v6, v31;
	_ =	sdelay $0x1  }
0x131: {  	(erf) = vrcp.f32 v29;
	v29 =	vld.idx.msk [tilespmem:v14+s13+$0x0], $0xffff;
	_ =	sdelay $0x1  }
0x132: {  	[tilespmem:$0x1F220] =	vst v2;
	v2 =	vpop (erf)  }
0x133: {  	[tilespmem:$0x1F200] =	vst v5;
	v5 =	vld [tilespmem:$0x1EA20];
	v0 =	vmul.f32 v2, v0  }
0x134: {  	[tilespmem:$0x1F240] =	vst v1;
	v1 =	vld [tilespmem:$0x1E9E0]  }
0x135: {  	v29 =	vadd.f32 v0, v29;
	v0 =	vld [tilespmem:$0x1E9F0]  }
0x136: {  	v14 =	vld.idx.msk [tilespmem:v19+s13+$0x0], $0xffff  }
0x137: {  	v19 =	vld.idx.msk [tilespmem:v18+s13+$0x0], $0xffff;
	_ =	sdelay $0x2  }
0x138: {  	v18 =	vmul.f32 v2, v1;
	v1 =	vmul.f32 v2, v0;
	_ =	sdelay $0x1  }
0x139: {  	v1 =	vadd.f32 v19, v1;
	v19 =	vmul.f32 v2, v5;
	v5 =	vld [tilespmem:$0x1EA30];
	_ =	sdelay $0x3  }
0x13a: {  	v14 =	vadd.f32 v18, v14;
	v18 =	vld.idx.msk [tilespmem:v20+s13+$0x0], $0xffff  }
0x13b: {  	v20 =	vmul.f32 v2, v5;
	v5 =	vld [tilespmem:$0x1EA40];
	_ =	sdelay $0x2  }
0x13c: {  	[tilespmem:$0x1F230] =	vst v3;
	v3 =	vld [tilespmem:$0x1EA00]  }
0x13d: {  	[tilespmem:$0x1F250] =	vst v4;
	v4 =	vld.idx.msk [tilespmem:v17+s13+$0x0], $0xffff;
	v0 =	vpop (erf)  }
0x13e: {  	v17 =	vmul.f32 v0, v5;
	v5 =	vld [tilespmem:$0x1EA50];
	_ =	sdelay $0x2  }
0x13f: {  	v63 =	vmul.f32 v0, v3;
	v3 =	vld [tilespmem:$0x1EA10];
	_ =	sdelay $0x1  }
0x140: {  	v4 =	vadd.f32 v4, v19;
	v19 =	vmul.f32 v0, v5;
	v5 =	vld [tilespmem:$0x1EA60];
	_ =	sdelay $0x2  }
0x141: {  	v3 =	vmul.f32 v0, v3  }
0x142: {  	v29 =	vsub.f32 v29, v63  }
0x143: {  	v3 =	vsub.f32 v14, v3;
	v14 =	vadd.f32 v18, v20;
	v18 =	vmul.f32 v2, v5;
	v5 =	vld [tilespmem:$0x1EA70];
	_ =	sdelay $0x1  }
0x144: {  	v29 =	vand.u32 $0x7FFFFFFF, v29;
	v3 =	vand.u32 $0x7FFFFFFF, v3  }
0x145: {  	v3 =	vadd.f32 v3, v29;
	v29 =	vld.idx.msk [tilespmem:v33+s13+$0x0], $0xffff  }
0x146: {  	v33 =	vld [tilespmem:$0x1EA90]  }
0x147: {  	v20 =	vmul.f32 v0, v5;
	v5 =	vld [tilespmem:$0x1EAB0];
	_ =	sdelay $0x3  }
0x148: {  	v1 =	vsub.f32 v1, v17  }
0x149: {  	v4 =	vsub.f32 v4, v19;
	v19 =	vmul.f32 v2, v5;
	v5 =	vld [tilespmem:$0x1EAC0]  }
0x14a: {  	v1 =	vand.u32 $0x7FFFFFFF, v1  }
0x14b: {  	v57 =	vld.idx.msk [tilespmem:v57+s13+$0x0], $0xffff;
	v1 =	vadd.f32 v3, v1  }
0x14c: {  	v63 =	vld.idx.msk [tilespmem:v33+s13+$0x0], $0xffff;
	v4 =	vand.u32 $0x7FFFFFFF, v4  }
0x14d: {  	v1 =	vadd.f32 v1, v4;
	v4 =	vld [tilespmem:$0x1EAA0]  }
0x14e: {  	v14 =	vsub.f32 v14, v20;
	v20 =	vmul.f32 v0, v5;
	v5 =	vld [tilespmem:$0x1EAD0];
	_ =	sdelay $0x3  }
0x14f: {  	v3 =	vld [tilespmem:$0x1EA80];
	v18 =	vadd.f32 v57, v18;
	v4 =	vmul.f32 v0, v4  }
0x150: {  	v57 =	vadd.f32 v63, v19;
	v63 =	vmul.f32 v2, v5;
	v5 =	vld [tilespmem:$0x1EAE0]  }
0x151: {  	v4 =	vsub.f32 v18, v4;
	v14 =	vand.u32 $0x7FFFFFFF, v14  }
0x152: {  	v1 =	vadd.f32 v1, v14  }
0x153: {  	v31 =	vld.idx.msk [tilespmem:v41+s13+$0x0], $0xffff;
	v4 =	vand.u32 $0x7FFFFFFF, v4  }
0x154: {  	v3 =	vmul.f32 v2, v3;
	v1 =	vadd.f32 v1, v4;
	v4 =	vld [tilespmem:$0x1EAF0]  }
0x155: {  	v41 =	vmul.f32 v0, v5;
	v5 =	vld [tilespmem:$0x1EB10]  }
0x156: {  	v42 =	vld.idx.msk [tilespmem:v42+s13+$0x0], $0xffff;
	v3 =	vadd.f32 v29, v3;
	_ =	sdelay $0x1  }
0x157: {  	v3 =	vsub.f32 v3, v20  }
0x158: {  	v4 =	vmul.f32 v2, v4  }
0x159: {  	v3 =	vand.u32 $0x7FFFFFFF, v3;
	v14 =	vmul.f32 v2, v5;
	v5 =	vld [tilespmem:$0x1EB30]  }
0x15a: {  	v1 =	vadd.f32 v1, v3;
	v3 =	vadd.f32 v42, v4;
	v42 =	vld [tilespmem:$0x1EB20];
	_ =	sdelay $0x3  }
0x15b: {  	v29 =	vadd.f32 v31, v63;
	v63 =	vmul.f32 v0, v5;
	v5 =	vld [tilespmem:$0x1EB40];
	_ =	sdelay $0x3  }
0x15c: {  	v18 =	vsub.f32 v57, v41;
	v57 =	vld.idx.msk [tilespmem:v42+s13+$0x0], $0xffff  }
0x15d: {  	v42 =	vmul.f32 v2, v5;
	v5 =	vld [tilespmem:$0x1EB50];
	_ =	sdelay $0x2  }
0x15e: {  	v25 =	vld.idx.msk [tilespmem:v25+s13+$0x0], $0xffff  }
0x15f: {  	v41 =	vld.idx.msk [tilespmem:v43+s13+$0x0], $0xffff  }
0x160: {  	v43 =	vmul.f32 v0, v5;
	v5 =	vld [tilespmem:$0x1EB80];
	_ =	sdelay $0x4  }
0x161: {  	v14 =	vadd.f32 v25, v14;
	v25 =	vadd.f32 v57, v42;
	v57 =	vmul.f32 v2, v5;
	v5 =	vld [tilespmem:$0x1EB90];
	_ =	sdelay $0x7  }
0x162: {  	v3 =	vsub.f32 v3, v63;
	v63 =	vld.idx.msk [tilespmem:v5+s13+$0x0], $0xffff  }
0x163: {  	v5 =	vld [tilespmem:$0x1EBA0];
	_ =	sdelay $0x1  }
0x164: {  	v4 =	vld [tilespmem:$0x1EB00];
	_ =	sdelay $0x2  }
0x165: {  	v33 =	vmul.f32 v0, v5;
	v5 =	vld [tilespmem:$0x1EBB0];
	_ =	sdelay $0x1  }
0x166: {  	v4 =	vmul.f32 v0, v4;
	_ =	sdelay $0x1  }
0x167: {  	v4 =	vsub.f32 v29, v4;
	v18 =	vand.u32 $0x7FFFFFFF, v18  }
0x168: {  	v1 =	vadd.f32 v1, v18;
	v42 =	vmul.f32 v2, v5;
	v5 =	vld [tilespmem:$0x1EBC0]  }
0x169: {  	v4 =	vand.u32 $0x7FFFFFFF, v4  }
0x16a: {  	v1 =	vadd.f32 v1, v4;
	v4 =	vld [tilespmem:$0x1EB60];
	_ =	sdelay $0x2  }
0x16b: {  	v14 =	vsub.f32 v14, v43;
	v43 =	vmul.f32 v0, v5;
	v5 =	vld [tilespmem:$0x1EBF0];
	_ =	sdelay $0x1  }
0x16c: {  	v4 =	vmul.f32 v2, v4  }
0x16d: {  	v3 =	vand.u32 $0x7FFFFFFF, v3  }
0x16e: {  	v1 =	vadd.f32 v1, v3;
	v3 =	vadd.f32 v41, v4;
	v41 =	vld.idx.msk [tilespmem:v44+s13+$0x0], $0xffff  }
0x16f: {  	v44 =	vmul.f32 v2, v5;
	v5 =	vld [tilespmem:$0x1EC00];
	_ =	sdelay $0x1  }
0x170: {  	v4 =	vld [tilespmem:$0x1EB70]  }
0x171: {  	v23 =	vld.idx.msk [tilespmem:v23+s13+$0x0], $0xffff;
	_ =	sdelay $0x3  }
0x172: {  	v4 =	vmul.f32 v0, v4  }
0x173: {  	v18 =	vadd.f32 v23, v57;
	v57 =	vld.idx.msk [tilespmem:v5+s13+$0x0], $0xffff  }
0x174: {  	v4 =	vsub.f32 v25, v4;
	v14 =	vand.u32 $0x7FFFFFFF, v14;
	v5 =	vld [tilespmem:$0x1EC10]  }
0x175: {  	v1 =	vadd.f32 v1, v14  }
0x176: {  	v4 =	vand.u32 $0x7FFFFFFF, v4  }
0x177: {  	v1 =	vadd.f32 v1, v4;
	v4 =	vld [tilespmem:$0x1EBD0];
	_ =	sdelay $0x1  }
0x178: {  	v23 =	vadd.f32 v63, v42;
	v63 =	vmul.f32 v0, v5;
	v5 =	vld [tilespmem:$0x1EC20];
	_ =	sdelay $0x1  }
0x179: {  	v3 =	vsub.f32 v3, v33  }
0x17a: {  	v4 =	vmul.f32 v2, v4  }
0x17b: {  	v3 =	vand.u32 $0x7FFFFFFF, v3  }
0x17c: {  	v1 =	vadd.f32 v1, v3;
	v3 =	vadd.f32 v41, v4;
	v41 =	vmul.f32 v2, v5;
	v5 =	vld [tilespmem:$0x1EC30];
	_ =	sdelay $0x3  }
0x17d: {  	v27 =	vld.idx.msk [tilespmem:v27+s13+$0x0], $0xffff  }
0x17e: {  	v42 =	vmul.f32 v0, v5;
	v5 =	vld [tilespmem:$0x1EC60];
	_ =	sdelay $0x4  }
0x17f: {  	v14 =	vadd.f32 v27, v44;
	v44 =	vmul.f32 v2, v5;
	v5 =	vld [tilespmem:$0x1EC70];
	_ =	sdelay $0x5  }
0x180: {  	v33 =	vld.idx.msk [tilespmem:v45+s13+$0x0], $0xffff  }
0x181: {  	v4 =	vld [tilespmem:$0x1EBE0]  }
0x182: {  	v45 =	vld.idx.msk [tilespmem:v5+s13+$0x0], $0xffff  }
0x183: {  	v5 =	vld [tilespmem:$0x1EC80];
	_ =	sdelay $0x2  }
0x184: {  	v4 =	vmul.f32 v0, v4;
	_ =	sdelay $0x1  }
0x185: {  	v4 =	vsub.f32 v23, v4;
	v23 =	vadd.f32 v57, v41;
	v57 =	vmul.f32 v0, v5;
	v5 =	vld [tilespmem:$0x1EC90];
	_ =	sdelay $0x4  }
0x186: {  	v3 =	vsub.f32 v3, v63;
	v63 =	vmul.f32 v2, v5;
	v5 =	vld [tilespmem:$0x1ECA0];
	_ =	sdelay $0x4  }
0x187: {  	v20 =	vmul.f32 v0, v5;
	v5 =	vld [tilespmem:$0x1ECD0];
	_ =	sdelay $0x3  }
0x188: {  	v18 =	vsub.f32 v18, v43  }
0x189: {  	v31 =	vmul.f32 v2, v5;
	v5 =	vld [tilespmem:$0x1ECE0]  }
0x18a: {  	v18 =	vand.u32 $0x7FFFFFFF, v18  }
0x18b: {  	v1 =	vadd.f32 v1, v18  }
0x18c: {  	v43 =	vld.idx.msk [tilespmem:v59+s13+$0x0], $0xffff;
	v4 =	vand.u32 $0x7FFFFFFF, v4  }
0x18d: {  	v1 =	vadd.f32 v1, v4;
	v4 =	vld [tilespmem:$0x1EC40]  }
0x18e: {  	v41 =	vmul.f32 v0, v5;
	v5 =	vld [tilespmem:$0x1ECF0];
	_ =	sdelay $0x4  }
0x18f: {  	v4 =	vmul.f32 v2, v4;
	v18 =	vadd.f32 v43, v44;
	v43 =	vmul.f32 v2, v5;
	v5 =	vld [tilespmem:$0x1ED00]  }
0x190: {  	v3 =	vand.u32 $0x7FFFFFFF, v3  }
0x191: {  	v1 =	vadd.f32 v1, v3;
	v3 =	vadd.f32 v33, v4;
	v4 =	vld [tilespmem:$0x1EC50];
	_ =	sdelay $0x2  }
0x192: {  	v44 =	vmul.f32 v0, v5;
	v5 =	vld [tilespmem:$0x1ED30];
	_ =	sdelay $0x1  }
0x193: {  	v4 =	vmul.f32 v0, v4  }
0x194: {  	v14 =	vsub.f32 v14, v42  }
0x195: {  	v4 =	vsub.f32 v23, v4  }
0x196: {  	v14 =	vand.u32 $0x7FFFFFFF, v14;
	v23 =	vadd.f32 v45, v63;
	v45 =	vmul.f32 v2, v5;
	v5 =	vld [tilespmem:$0x1ED40]  }
0x197: {  	v1 =	vadd.f32 v1, v14  }
0x198: {  	v59 =	vld.idx.msk [tilespmem:v46+s13+$0x0], $0xffff;
	v4 =	vand.u32 $0x7FFFFFFF, v4  }
0x199: {  	v1 =	vadd.f32 v1, v4;
	v4 =	vld [tilespmem:$0x1ECB0]  }
0x19a: {  	v42 =	vld.idx.msk [tilespmem:v47+s13+$0x0], $0xffff  }
0x19b: {  	v47 =	vmul.f32 v0, v5;
	v5 =	vld [tilespmem:$0x1ED50];
	_ =	sdelay $0x1  }
0x19c: {  	v3 =	vsub.f32 v3, v57  }
0x19d: {  	v4 =	vmul.f32 v2, v4  }
0x19e: {  	v3 =	vand.u32 $0x7FFFFFFF, v3  }
0x19f: {  	v1 =	vadd.f32 v1, v3;
	v3 =	vadd.f32 v59, v4;
	v59 =	vmul.f32 v2, v5;
	v5 =	vld [tilespmem:$0x1ED60];
	_ =	sdelay $0x3  }
0x1a0: {  	v33 =	vld.idx.msk [tilespmem:v61+s13+$0x0], $0xffff  }
0x1a1: {  	v61 =	vmul.f32 v0, v5;
	v5 =	vld [tilespmem:$0x1ED90];
	_ =	sdelay $0x4  }
0x1a2: {  	v63 =	vmul.f32 v2, v5;
	v5 =	vld [tilespmem:$0x1EDB0];
	_ =	sdelay $0x1  }
0x1a3: {  	v4 =	vld [tilespmem:$0x1ECC0];
	_ =	sdelay $0x2  }
0x1a4: {  	v29 =	vmul.f32 v0, v5;
	v5 =	vld [tilespmem:$0x1EDC0];
	_ =	sdelay $0x1  }
0x1a5: {  	v4 =	vmul.f32 v0, v4  }
0x1a6: {  	v18 =	vsub.f32 v18, v20  }
0x1a7: {  	v4 =	vsub.f32 v23, v4  }
0x1a8: {  	v18 =	vand.u32 $0x7FFFFFFF, v18;
	v23 =	vadd.f32 v33, v43;
	v33 =	vmul.f32 v2, v5;
	v5 =	vld [tilespmem:$0x1EDD0]  }
0x1a9: {  	v1 =	vadd.f32 v1, v18  }
0x1aa: {  	v46 =	vld.idx.msk [tilespmem:v62+s13+$0x0], $0xffff;
	v4 =	vand.u32 $0x7FFFFFFF, v4  }
0x1ab: {  	v1 =	vadd.f32 v1, v4;
	v4 =	vld [tilespmem:$0x1ED10]  }
0x1ac: {  	v62 =	vld.idx.msk [tilespmem:v37+s13+$0x0], $0xffff  }
0x1ad: {  	v37 =	vmul.f32 v0, v5;
	v5 =	vld [tilespmem:$0x1EE00];
	_ =	sdelay $0x1  }
0x1ae: {  	v3 =	vsub.f32 v3, v41  }
0x1af: {  	v24 =	vld.idx.msk [tilespmem:v24+s13+$0x0], $0xffff;
	v4 =	vmul.f32 v2, v4  }
0x1b0: {  	v3 =	vand.u32 $0x7FFFFFFF, v3  }
0x1b1: {  	v1 =	vadd.f32 v1, v3;
	v3 =	vadd.f32 v42, v4;
	v42 =	vmul.f32 v2, v5;
	v5 =	vld [tilespmem:$0x1EE20];
	_ =	sdelay $0x2  }
0x1b2: {  	v14 =	vadd.f32 v24, v31;
	v4 =	vld [tilespmem:$0x1ED20];
	_ =	sdelay $0x1  }
0x1b3: {  	v14 =	vsub.f32 v14, v44;
	v44 =	vmul.f32 v0, v5;
	v5 =	vld [tilespmem:$0x1EE30];
	_ =	sdelay $0x2  }
0x1b4: {  	v4 =	vmul.f32 v0, v4;
	_ =	sdelay $0x1  }
0x1b5: {  	v4 =	vsub.f32 v23, v4;
	v23 =	vadd.f32 v46, v59;
	v46 =	vmul.f32 v2, v5;
	v5 =	vld [tilespmem:$0x1EE40];
	_ =	sdelay $0x4  }
0x1b6: {  	v3 =	vsub.f32 v3, v47;
	v47 =	vmul.f32 v0, v5;
	v5 =	vld [tilespmem:$0x1EE70];
	_ =	sdelay $0x3  }
0x1b7: {  	v31 =	vld.idx.msk [tilespmem:v49+s13+$0x0], $0xffff;
	v14 =	vand.u32 $0x7FFFFFFF, v14  }
0x1b8: {  	v1 =	vadd.f32 v1, v14;
	v49 =	vmul.f32 v2, v5;
	v5 =	vld [tilespmem:$0x1EE90]  }
0x1b9: {  	v4 =	vand.u32 $0x7FFFFFFF, v4  }
0x1ba: {  	v1 =	vadd.f32 v1, v4;
	v4 =	vld [tilespmem:$0x1ED70]  }
0x1bb: {  	v57 =	vld.idx.msk [tilespmem:v48+s13+$0x0], $0xffff  }
0x1bc: {  	v48 =	vld.idx.msk [tilespmem:v56+s13+$0x0], $0xffff  }
0x1bd: {  	v56 =	vmul.f32 v0, v5;
	v5 =	vld [tilespmem:$0x1EEA0];
	_ =	sdelay $0x1  }
0x1be: {  	v26 =	vld.idx.msk [tilespmem:v26+s13+$0x0], $0xffff;
	v4 =	vmul.f32 v2, v4  }
0x1bf: {  	v3 =	vand.u32 $0x7FFFFFFF, v3  }
0x1c0: {  	v1 =	vadd.f32 v1, v3;
	v3 =	vadd.f32 v57, v4;
	v4 =	vld [tilespmem:$0x1ED80]  }
0x1c1: {  	v59 =	vmul.f32 v2, v5;
	v5 =	vld [tilespmem:$0x1EEB0];
	_ =	sdelay $0x1  }
0x1c2: {  	v18 =	vadd.f32 v26, v45;
	_ =	sdelay $0x1  }
0x1c3: {  	v4 =	vmul.f32 v0, v4;
	v18 =	vsub.f32 v18, v61  }
0x1c4: {  	v61 =	vmul.f32 v0, v5;
	v5 =	vld [tilespmem:$0x1EEE0]  }
0x1c5: {  	v20 =	vld [tilespmem:$0x1EDA0];
	v4 =	vsub.f32 v23, v4;
	v18 =	vand.u32 $0x7FFFFFFF, v18  }
0x1c6: {  	v1 =	vadd.f32 v1, v18  }
0x1c7: {  	v4 =	vand.u32 $0x7FFFFFFF, v4  }
0x1c8: {  	v1 =	vadd.f32 v1, v4;
	v4 =	vld [tilespmem:$0x1EDE0]  }
0x1c9: {  	v14 =	vadd.f32 v62, v63;
	v63 =	vmul.f32 v2, v5;
	v5 =	vld [tilespmem:$0x1EF00];
	_ =	sdelay $0x3  }
0x1ca: {  	v24 =	vld.idx.msk [tilespmem:v20+s13+$0x0], $0xffff;
	v3 =	vsub.f32 v3, v29  }
0x1cb: {  	v4 =	vmul.f32 v2, v4;
	v29 =	vmul.f32 v0, v5;
	v5 =	vld [tilespmem:$0x1EF10]  }
0x1cc: {  	v3 =	vand.u32 $0x7FFFFFFF, v3  }
0x1cd: {  	v1 =	vadd.f32 v1, v3;
	v3 =	vadd.f32 v31, v4;
	v4 =	vld [tilespmem:$0x1EDF0];
	_ =	sdelay $0x2  }
0x1ce: {  	v23 =	vadd.f32 v24, v33;
	v33 =	vmul.f32 v2, v5;
	v5 =	vld [tilespmem:$0x1EF20];
	_ =	sdelay $0x1  }
0x1cf: {  	v4 =	vmul.f32 v0, v4;
	v14 =	vsub.f32 v14, v37  }
0x1d0: {  	v41 =	vld.idx.msk [tilespmem:v39+s13+$0x0], $0xffff  }
0x1d1: {  	v43 =	vld [tilespmem:$0x1EE10];
	v4 =	vsub.f32 v23, v4;
	v14 =	vand.u32 $0x7FFFFFFF, v14  }
0x1d2: {  	v1 =	vadd.f32 v1, v14;
	v37 =	vmul.f32 v0, v5;
	v5 =	vld [tilespmem:$0x1EF50]  }
0x1d3: {  	v4 =	vand.u32 $0x7FFFFFFF, v4  }
0x1d4: {  	v1 =	vadd.f32 v1, v4;
	v4 =	vld [tilespmem:$0x1EE50];
	_ =	sdelay $0x1  }
0x1d5: {  	v45 =	vld.idx.msk [tilespmem:v50+s13+$0x0], $0xffff  }
0x1d6: {  	v18 =	vadd.f32 v41, v42;
	v41 =	vmul.f32 v2, v5;
	v5 =	vld [tilespmem:$0x1EF70]  }
0x1d7: {  	v3 =	vsub.f32 v3, v44  }
0x1d8: {  	v4 =	vmul.f32 v2, v4  }
0x1d9: {  	v24 =	vld.idx.msk [tilespmem:v43+s13+$0x0], $0xffff;
	v3 =	vand.u32 $0x7FFFFFFF, v3  }
0x1da: {  	v1 =	vadd.f32 v1, v3;
	v3 =	vadd.f32 v45, v4;
	v4 =	vld [tilespmem:$0x1EE60]  }
0x1db: {  	v44 =	vmul.f32 v0, v5;
	v5 =	vld [tilespmem:$0x1EF80];
	_ =	sdelay $0x3  }
0x1dc: {  	v23 =	vadd.f32 v24, v46;
	v4 =	vmul.f32 v0, v4;
	v18 =	vsub.f32 v18, v47  }
0x1dd: {  	v46 =	vmul.f32 v2, v5;
	v5 =	vld [tilespmem:$0x1EF90]  }
0x1de: {  	v4 =	vsub.f32 v23, v4;
	v18 =	vand.u32 $0x7FFFFFFF, v18  }
0x1df: {  	v1 =	vadd.f32 v1, v18  }
0x1e0: {  	v50 =	vld [tilespmem:$0x1EE80];
	v4 =	vand.u32 $0x7FFFFFFF, v4  }
0x1e1: {  	v1 =	vadd.f32 v1, v4;
	v4 =	vld [tilespmem:$0x1EEC0]  }
0x1e2: {  	v47 =	vmul.f32 v0, v5;
	v5 =	vld [tilespmem:$0x1EFC0];
	_ =	sdelay $0x1  }
0x1e3: {  	v57 =	vld.idx.msk [tilespmem:v51+s13+$0x0], $0xffff;
	_ =	sdelay $0x1  }
0x1e4: {  	v3 =	vsub.f32 v3, v56  }
0x1e5: {  	v14 =	vadd.f32 v48, v49;
	v4 =	vmul.f32 v2, v4;
	v49 =	vmul.f32 v2, v5;
	v5 =	vld [tilespmem:$0x1EFE0]  }
0x1e6: {  	v24 =	vld.idx.msk [tilespmem:v50+s13+$0x0], $0xffff;
	v3 =	vand.u32 $0x7FFFFFFF, v3  }
0x1e7: {  	v1 =	vadd.f32 v1, v3;
	v3 =	vadd.f32 v57, v4;
	v4 =	vld [tilespmem:$0x1EED0];
	_ =	sdelay $0x1  }
0x1e8: {  	v31 =	vld.idx.msk [tilespmem:v52+s13+$0x0], $0xffff  }
0x1e9: {  	v52 =	vmul.f32 v0, v5;
	v5 =	vld [tilespmem:$0x1EFF0];
	_ =	sdelay $0x1  }
0x1ea: {  	v20 =	vld [tilespmem:$0x1EEF0];
	v23 =	vadd.f32 v24, v59;
	v4 =	vmul.f32 v0, v4;
	v14 =	vsub.f32 v14, v61  }
0x1eb: {  	v45 =	vld.idx.msk [tilespmem:v53+s13+$0x0], $0xffff  }
0x1ec: {  	v53 =	vld.idx.msk [tilespmem:v54+s13+$0x0], $0xffff;
	v4 =	vsub.f32 v23, v4;
	v14 =	vand.u32 $0x7FFFFFFF, v14  }
0x1ed: {  	v1 =	vadd.f32 v1, v14;
	v54 =	vmul.f32 v2, v5;
	v5 =	vld [tilespmem:$0x1F000]  }
0x1ee: {  	v4 =	vand.u32 $0x7FFFFFFF, v4  }
0x1ef: {  	v1 =	vadd.f32 v1, v4;
	v4 =	vld [tilespmem:$0x1EF30];
	_ =	sdelay $0x2  }
0x1f0: {  	v56 =	vmul.f32 v0, v5;
	v5 =	vld [tilespmem:$0x1F030]  }
0x1f1: {  	v3 =	vsub.f32 v3, v29  }
0x1f2: {  	v62 =	vld.idx.msk [tilespmem:v58+s13+$0x0], $0xffff;
	v4 =	vmul.f32 v2, v4  }
0x1f3: {  	v24 =	vld.idx.msk [tilespmem:v20+s13+$0x0], $0xffff;
	v3 =	vand.u32 $0x7FFFFFFF, v3  }
0x1f4: {  	v1 =	vadd.f32 v1, v3;
	v3 =	vadd.f32 v31, v4;
	v4 =	vld [tilespmem:$0x1EF40]  }
0x1f5: {  	v58 =	vmul.f32 v2, v5;
	v5 =	vld [tilespmem:$0x1F040];
	_ =	sdelay $0x1  }
0x1f6: {  	v18 =	vadd.f32 v62, v63;
	_ =	sdelay $0x1  }
0x1f7: {  	v39 =	vld.idx.msk [tilespmem:v60+s13+$0x0], $0xffff;
	v23 =	vadd.f32 v24, v33;
	v4 =	vmul.f32 v0, v4;
	v18 =	vsub.f32 v18, v37  }
0x1f8: {  	v60 =	vmul.f32 v0, v5;
	v5 =	vld [tilespmem:$0x1F050]  }
0x1f9: {  	v4 =	vsub.f32 v23, v4;
	v18 =	vand.u32 $0x7FFFFFFF, v18  }
0x1fa: {  	v1 =	vadd.f32 v1, v18  }
0x1fb: {  	v42 =	vld [tilespmem:$0x1EF60];
	v4 =	vand.u32 $0x7FFFFFFF, v4  }
0x1fc: {  	v1 =	vadd.f32 v1, v4;
	v4 =	vld [tilespmem:$0x1EFA0]  }
0x1fd: {  	v62 =	vmul.f32 v2, v5;
	v5 =	vld [tilespmem:$0x1F060];
	_ =	sdelay $0x3  }
0x1fe: {  	v3 =	vsub.f32 v3, v44  }
0x1ff: {  	v4 =	vmul.f32 v2, v4;
	v63 =	vmul.f32 v0, v5;
	v5 =	vld [tilespmem:$0x1F070]  }
0x200: {  	v43 =	vld.idx.msk [tilespmem:v42+s13+$0x0], $0xffff;
	v3 =	vand.u32 $0x7FFFFFFF, v3  }
0x201: {  	v1 =	vadd.f32 v1, v3;
	v3 =	vadd.f32 v45, v4;
	v4 =	vld [tilespmem:$0x1EFB0];
	_ =	sdelay $0x2  }
0x202: {  	v14 =	vadd.f32 v39, v41;
	v17 =	vmul.f32 v2, v5;
	v5 =	vld [tilespmem:$0x1F090];
	_ =	sdelay $0x1  }
0x203: {  	v23 =	vadd.f32 v43, v46;
	v4 =	vmul.f32 v0, v4;
	v14 =	vsub.f32 v14, v47;
	_ =	sdelay $0x1  }
0x204: {  	v50 =	vld [tilespmem:$0x1EFD0];
	v4 =	vsub.f32 v23, v4;
	v14 =	vand.u32 $0x7FFFFFFF, v14  }
0x205: {  	v1 =	vadd.f32 v1, v14;
	v24 =	vmul.f32 v2, v5;
	v5 =	vld [tilespmem:$0x1F0B0]  }
0x206: {  	v4 =	vand.u32 $0x7FFFFFFF, v4  }
0x207: {  	v1 =	vadd.f32 v1, v4;
	v4 =	vld [tilespmem:$0x1F010];
	_ =	sdelay $0x2  }
0x208: {  	v27 =	vmul.f32 v2, v5;
	v5 =	vld [tilespmem:$0x1F0C0]  }
0x209: {  	v3 =	vsub.f32 v3, v52  }
0x20a: {  	v48 =	vld.idx.msk [tilespmem:v38+s13+$0x0], $0xffff;
	v4 =	vmul.f32 v2, v4  }
0x20b: {  	v51 =	vld.idx.msk [tilespmem:v50+s13+$0x0], $0xffff;
	v3 =	vand.u32 $0x7FFFFFFF, v3  }
0x20c: {  	v1 =	vadd.f32 v1, v3;
	v3 =	vadd.f32 v53, v4;
	v4 =	vld [tilespmem:$0x1F020]  }
0x20d: {  	v31 =	vmul.f32 v0, v5;
	v5 =	vld [tilespmem:$0x1F0D0];
	_ =	sdelay $0x1  }
0x20e: {  	v18 =	vadd.f32 v48, v49;
	_ =	sdelay $0x1  }
0x20f: {  	v29 =	vld.idx.msk [tilespmem:v34+s13+$0x0], $0xffff;
	v23 =	vadd.f32 v51, v54;
	v4 =	vmul.f32 v0, v4;
	v18 =	vsub.f32 v18, v56  }
0x210: {  	v34 =	vmul.f32 v2, v5;
	v5 =	vld [tilespmem:$0x1F0F0]  }
0x211: {  	v4 =	vsub.f32 v23, v4;
	v18 =	vand.u32 $0x7FFFFFFF, v18  }
0x212: {  	v57 =	vld.idx.msk [tilespmem:v40+s13+$0x0], $0xffff;
	v1 =	vadd.f32 v1, v18  }
0x213: {  	v59 =	vld.idx.msk [tilespmem:v55+s13+$0x0], $0xffff;
	v4 =	vand.u32 $0x7FFFFFFF, v4  }
0x214: {  	v1 =	vadd.f32 v1, v4;
	v4 =	vld [tilespmem:$0x1F080]  }
0x215: {  	v3 =	vsub.f32 v3, v60;
	v37 =	vmul.f32 v2, v5;
	v5 =	vld [tilespmem:$0x1F110];
	_ =	sdelay $0x1  }
0x216: {  	v61 =	vld.idx.msk [tilespmem:v22+s13+$0x0], $0xffff;
	v14 =	vadd.f32 v57, v58;
	v3 =	vand.u32 $0x7FFFFFFF, v3  }
0x217: {  	v1 =	vadd.f32 v1, v3;
	v3 =	vld [tilespmem:$0x1F0A0]  }
0x218: {  	v4 =	vmul.f32 v0, v4;
	v22 =	vadd.f32 v59, v62;
	v14 =	vsub.f32 v14, v63  }
0x219: {  	v39 =	vmul.f32 v2, v5;
	v5 =	vld [tilespmem:$0x1F120]  }
0x21a: {  	v4 =	vsub.f32 v22, v4;
	v14 =	vand.u32 $0x7FFFFFFF, v14  }
0x21b: {  	v21 =	vld.idx.msk [tilespmem:v21+s13+$0x0], $0xffff;
	v1 =	vadd.f32 v1, v14  }
0x21c: {  	v26 =	vld.idx.msk [tilespmem:v36+s13+$0x0], $0xffff;
	v3 =	vmul.f32 v0, v3;
	v4 =	vand.u32 $0x7FFFFFFF, v4;
	v18 =	vadd.f32 v61, v17  }
0x21d: {  	v1 =	vadd.f32 v1, v4;
	v4 =	vld [tilespmem:$0x1F0E0]  }
0x21e: {  	v3 =	vsub.f32 v18, v3;
	v40 =	vmul.f32 v0, v5;
	v5 =	vld [tilespmem:$0x1F130];
	_ =	sdelay $0x1  }
0x21f: {  	v3 =	vand.u32 $0x7FFFFFFF, v3;
	v33 =	vadd.f32 v21, v24  }
0x220: {  	v1 =	vadd.f32 v1, v3;
	v3 =	vld [tilespmem:$0x1F100]  }
0x221: {  	v4 =	vmul.f32 v0, v4;
	v36 =	vadd.f32 v26, v27;
	v14 =	vsub.f32 v33, v31  }
0x222: {  	v41 =	vmul.f32 v2, v5;
	v5 =	vld [tilespmem:$0x1F150]  }
0x223: {  	v4 =	vsub.f32 v36, v4;
	v14 =	vand.u32 $0x7FFFFFFF, v14  }
0x224: {  	v35 =	vld.idx.msk [tilespmem:v35+s13+$0x0], $0xffff;
	v1 =	vadd.f32 v1, v14  }
0x225: {  	v16 =	vld.idx.msk [tilespmem:v16+s13+$0x0], $0xffff;
	v3 =	vmul.f32 v0, v3;
	v4 =	vand.u32 $0x7FFFFFFF, v4;
	v38 =	vadd.f32 v29, v34  }
0x226: {  	v1 =	vadd.f32 v1, v4;
	v4 =	vld [tilespmem:$0x1F140]  }
0x227: {  	v3 =	vsub.f32 v38, v3;
	v42 =	vmul.f32 v2, v5;
	v5 =	vld [tilespmem:$0x1F170];
	_ =	sdelay $0x1  }
0x228: {  	v9 =	vld.idx.msk [tilespmem:v9+s13+$0x0], $0xffff;
	v3 =	vand.u32 $0x7FFFFFFF, v3;
	v17 =	vadd.f32 v35, v37  }
0x229: {  	v1 =	vadd.f32 v1, v3;
	v3 =	vld [tilespmem:$0x1F160]  }
0x22a: {  	v4 =	vmul.f32 v0, v4;
	v16 =	vadd.f32 v16, v39;
	v14 =	vsub.f32 v17, v40  }
0x22b: {  	v43 =	vmul.f32 v2, v5;
	v5 =	vld [tilespmem:$0x1F180]  }
0x22c: {  	v4 =	vsub.f32 v16, v4;
	v14 =	vand.u32 $0x7FFFFFFF, v14  }
0x22d: {  	v10 =	vld.idx.msk [tilespmem:v10+s13+$0x0], $0xffff;
	v1 =	vadd.f32 v1, v14  }
0x22e: {  	v11 =	vld.idx.msk [tilespmem:v11+s13+$0x0], $0xffff;
	v3 =	vmul.f32 v0, v3;
	v4 =	vand.u32 $0x7FFFFFFF, v4;
	v9 =	vadd.f32 v9, v41  }
0x22f: {  	v1 =	vadd.f32 v1, v4;
	v4 =	vld [tilespmem:$0x1F1A0]  }
0x230: {  	v3 =	vsub.f32 v9, v3;
	v44 =	vmul.f32 v0, v5;
	v5 =	vld [tilespmem:$0x1F190];
	_ =	sdelay $0x1  }
0x231: {  	v12 =	vld.idx.msk [tilespmem:v12+s13+$0x0], $0xffff;
	v3 =	vand.u32 $0x7FFFFFFF, v3;
	v45 =	vadd.f32 v10, v42  }
0x232: {  	v15 =	vld.idx.msk [tilespmem:v15+s13+$0x0], $0xffff;
	v1 =	vadd.f32 v1, v3  }
0x233: {  	v4 =	vmul.f32 v0, v4;
	v3 =	vld [tilespmem:$0x1F1C0];
	v11 =	vadd.f32 v11, v43;
	v9 =	vsub.f32 v45, v44  }
0x234: {  	v46 =	vmul.f32 v2, v5;
	v5 =	vld [tilespmem:$0x1F1B0]  }
0x235: {  	v8 =	vld.idx.msk [tilespmem:v8+s13+$0x0], $0xffff;
	v4 =	vsub.f32 v11, v4;
	v9 =	vand.u32 $0x7FFFFFFF, v9  }
0x236: {  	v48 =	vld [tilespmem:$0x1F1D0];
	v1 =	vadd.f32 v1, v9  }
0x237: {  	v50 =	vld.idx.msk [tilespmem:v30+s13+$0x0], $0xffff;
	v4 =	vand.u32 $0x7FFFFFFF, v4  }
0x238: {  	v3 =	vmul.f32 v0, v3;
	v10 =	vadd.f32 v12, v46;
	v1 =	vadd.f32 v1, v4;
	v4 =	vld [tilespmem:$0x1F1F0]  }
0x239: {  	v47 =	vmul.f32 v2, v5;
	v5 =	vld.idx.msk [tilespmem:v28+s13+$0x0], $0xffff  }
0x23a: {  	v55 =	vld.idx.msk [tilespmem:v32+s13+$0x0], $0xffff;
	v3 =	vsub.f32 v10, v3  }
0x23b: {  	v49 =	vmul.f32 v2, v48;
	v53 =	vld [tilespmem:$0x1F1E0]  }
0x23c: {  	v51 =	vmul.f32 v0, v7;
	v56 =	vld [tilespmem:$0x1F200];
	v3 =	vand.u32 $0x7FFFFFFF, v3;
	v52 =	vadd.f32 v15, v47  }
0x23d: {  	v1 =	vadd.f32 v1, v3;
	v3 =	vld [tilespmem:$0x1F210]  }
0x23e: {  	v57 =	vld [tilespmem:$0x1F220];
	v4 =	vmul.f32 v0, v4;
	v9 =	vsub.f32 v52, v51;
	v5 =	vadd.f32 v5, v49  }
0x23f: {  	v59 =	vld [tilespmem:$0x1F230]  }
0x240: {  	v54 =	vmul.f32 v2, v53;
	v60 =	vld [tilespmem:$0x1F240];
	v9 =	vand.u32 $0x7FFFFFFF, v9;
	v4 =	vsub.f32 v5, v4  }
0x241: {  	v58 =	vld.idx.msk [tilespmem:v13+s13+$0x0], $0xffff;
	v10 =	vmul.f32 v2, v56;
	v1 =	vadd.f32 v1, v9  }
0x242: {  	v61 =	vld [tilespmem:$0x1F260];
	v3 =	vmul.f32 v0, v3;
	v5 =	vadd.f32 v50, v54;
	v4 =	vand.u32 $0x7FFFFFFF, v4  }
0x243: {  	v6 =	vmul.f32 v2, v57;
	v1 =	vadd.f32 v1, v4;
	v4 =	vld [tilespmem:$0x1F250]  }
0x244: {  	v9 =	vmul.f32 v0, v59;
	v3 =	vsub.f32 v5, v3;
	v5 =	vadd.f32 v55, v10  }
0x245: {  	v2 =	vmul.f32 v2, v60  }
0x246: {  	v6 =	vadd.f32 v8, v6;
	v3 =	vand.u32 $0x7FFFFFFF, v3;
	v5 =	vsub.f32 v5, v9  }
0x247: {  	v2 =	vadd.f32 v58, v2;
	v1 =	vadd.f32 v1, v3  }
0x248: {  	v3 =	vand.u32 $0x7FFFFFFF, v5;
	v4 =	vmul.f32 v0, v4;
	v0 =	vmul.f32 v0, v61  }
0x249: {  	v1 =	vadd.f32 v1, v3;
	v3 =	vld [tilespmem:$0x1FFA0]  }
0x24a: {  	v4 =	vsub.f32 v6, v4;
	v0 =	vsub.f32 v2, v0;
	v2 =	vld [tilespmem:$0x1FFB0]  }
0x24b: {  	s30 =	simm.s32 $0x10  }
0x24c: {  	v62 =	vmov s30;
	v4 =	vand.u32 $0x7FFFFFFF, v4  }
0x24d: {  	v5 =	vshll.u32 v62, $0x6;
	v1 =	vadd.f32 v1, v4;
	v4 =	vld [tilespmem:$0x1FEB0]  }
0x24e: {  	v62 =	vor.u32 v3, v5  }
0x24f: {  	v32 =	vor.u32 v2, v62;
	v2 =	vand.u32 $0x7FFFFFFF, v0  }
0x250: {  	v0 =	vlaneseq.u32;
	v2 =	vadd.f32 v1, v2;
	v1 =	vld [tilespmem:$0x1FFD0]  }
0x251: {  	v31 =	vor.u32 v0, v62  }
0x252: {  	v33 =	vor.u32 v4, v62;
	v4 =	vld [tilespmem:$0x1FEC0]  }
0x253: {  	[tilespmem:s20+$0x0] =	vst v2;
	v2 =	vld [tilespmem:$0x1FEA0]  }
0x254: {  	v63 =	vld.idx.msk [tilespmem:v32+s14+$0x0], $0xffff  }
0x255: {  	v29 =	vor.u32 v1, v62;
	v1 =	vld.idx.msk [tilespmem:v32+s12+$0x0], $0xffff  }
0x256: {  	v5 =	vld.idx.msk [tilespmem:v31+s12+$0x0], $0xffff  }
0x257: {  	v58 =	vor.u32 v4, v62;
	v4 =	vld [tilespmem:$0x1FED0]  }
0x258: {  	v30 =	vor.u32 v2, v62;
	v2 =	vld.idx.msk [tilespmem:v31+s14+$0x0], $0xffff  }
0x259: {  	v18 =	vld.idx.msk [tilespmem:v33+s12+$0x0], $0xffff  }
0x25a: {  	v22 =	vld.idx.msk [tilespmem:v33+s14+$0x0], $0xffff  }
0x25b: {  	v3 =	vld.idx.msk [tilespmem:v29+s12+$0x0], $0xffff  }
0x25c: {  	[tilespmem:$0x1F310] =	vst v63;
	v59 =	vor.u32 v4, v62;
	v4 =	vld [tilespmem:$0x1FEE0]  }
0x25d: {  	[tilespmem:$0x1F2E0] =	vst v1;
	v0 =	vld.idx.msk [tilespmem:v29+s14+$0x0], $0xffff  }
0x25e: {  	[tilespmem:$0x1F2D0] =	vst v5;
	v16 =	vld.idx.msk [tilespmem:v30+s12+$0x0], $0xffff  }
0x25f: {  	[tilespmem:$0x1F300] =	vst v2;
	v19 =	vld.idx.msk [tilespmem:v30+s14+$0x0], $0xffff  }
0x260: {  	[tilespmem:$0x1F340] =	vst v18;
	v21 =	vand.u32 $0x7FFFFFFF, v2;
	v2 =	vld.idx.msk [tilespmem:v58+s12+$0x0], $0xffff  }
0x261: {  	v17 =	vand.u32 $0x7FFFFFFF, v1;
	[tilespmem:$0x1F360] =	vst v22;
	v1 =	vor.u32 v4, v62;
	v4 =	vld [tilespmem:$0x1FF00]  }
0x262: {  	v27 =	vld.idx.msk [tilespmem:v58+s14+$0x0], $0xffff;
	[tilespmem:$0x1F2F0] =	vst v3  }
0x263: {  	[tilespmem:$0x1F330] =	vst v0  }
0x264: {  	[tilespmem:$0x1F320] =	vst v16;
	v26 =	vld.idx.msk [tilespmem:v59+s12+$0x0], $0xffff  }
0x265: {  	[tilespmem:$0x1F350] =	vst v19  }
0x266: {  	[tilespmem:$0x1F370] =	vst v2;
	v60 =	vor.u32 v4, v62;
	v4 =	vld [tilespmem:$0x1FF20]  }
0x267: {  	[tilespmem:$0x1F3A0] =	vst v27  }
0x268: {  	[tilespmem:$0x1F390] =	vst v1  }
0x269: {  	[tilespmem:$0x1F380] =	vst v26  }
0x26a: {  	v20 =	vand.u32 $0x7FFFFFFF, v3;
	v3 =	vld.idx.msk [tilespmem:v1+s12+$0x0], $0xffff  }
0x26b: {  	v28 =	vor.u32 v4, v62;
	v4 =	vld [tilespmem:$0x1FF40];
	_ =	sdelay $0x4  }
0x26c: {  	v61 =	vor.u32 v4, v62;
	v4 =	vld [tilespmem:$0x1FF50];
	_ =	sdelay $0x4  }
0x26d: {  	v25 =	vand.u32 $0x7FFFFFFF, v0;
	v0 =	vor.u32 v4, v62;
	v4 =	vld [tilespmem:$0x1FF60];
	_ =	sdelay $0x2  }
0x26e: {  	v5 =	vand.u32 $0x7FFFFFFF, v5  }
0x26f: {  	v5 =	vadd.f32 v17, v5;
	v40 =	vld.idx.msk [tilespmem:v1+s14+$0x0], $0xffff;
	v1 =	vmov v28  }
0x270: {  	v37 =	vand.u32 $0x7FFFFFFF, v2;
	v2 =	vor.u32 v4, v62;
	v4 =	vld [tilespmem:$0x1FF70]  }
0x271: {  	v5 =	vadd.f32 v20, v5  }
0x272: {  	v24 =	vand.u32 $0x7FFFFFFF, v16  }
0x273: {  	v5 =	vadd.f32 v24, v5  }
0x274: {  	v34 =	vand.u32 $0x7FFFFFFF, v18;
	v48 =	vld.idx.msk [tilespmem:v1+s14+$0x0], $0xffff  }
0x275: {  	v5 =	vadd.f32 v34, v5;
	v1 =	vor.u32 v4, v62;
	v4 =	vld [tilespmem:$0x1FF80];
	_ =	sdelay $0x1  }
0x276: {  	v5 =	vadd.f32 v37, v5;
	v39 =	vld.idx.msk [tilespmem:v60+s12+$0x0], $0xffff  }
0x277: {  	v41 =	vand.u32 $0x7FFFFFFF, v26  }
0x278: {  	v5 =	vadd.f32 v41, v5;
	v43 =	vld.idx.msk [tilespmem:v28+s12+$0x0], $0xffff  }
0x279: {  	[tilespmem:$0x1F3C0] =	vst v3;
	v45 =	vand.u32 $0x7FFFFFFF, v3;
	v3 =	vor.u32 v4, v62;
	v4 =	vld [tilespmem:$0x1FF90]  }
0x27a: {  	v5 =	vadd.f32 v45, v5  }
0x27b: {  	v49 =	vand.u32 $0x7FFFFFFF, v39  }
0x27c: {  	v5 =	vadd.f32 v49, v5  }
0x27d: {  	v53 =	vand.u32 $0x7FFFFFFF, v43  }
0x27e: {  	v7 =	vadd.f32 v53, v5;
	v5 =	vor.u32 v4, v62;
	v4 =	vld [tilespmem:$0x1FFC0];
	_ =	sdelay $0x4  }
0x27f: {  	v34 =	vor.u32 v4, v62;
	v4 =	vld [tilespmem:$0x1FFE0];
	_ =	sdelay $0x3  }
0x280: {  	v8 =	vand.u32 $0x7FFFFFFF, v63  }
0x281: {  	v23 =	vadd.f32 v8, v21;
	v21 =	vor.u32 v4, v62;
	v4 =	vld [tilespmem:$0x1FEF0]  }
0x282: {  	v47 =	vld.idx.msk [tilespmem:v61+s12+$0x0], $0xffff  }
0x283: {  	v36 =	vld.idx.msk [tilespmem:v59+s14+$0x0], $0xffff  }
0x284: {  	v6 =	vadd.f32 v25, v23;
	v51 =	vld.idx.msk [tilespmem:v0+s12+$0x0], $0xffff  }
0x285: {  	v35 =	vand.u32 $0x7FFFFFFF, v19;
	v55 =	vld.idx.msk [tilespmem:v2+s12+$0x0], $0xffff  }
0x286: {  	v6 =	vadd.f32 v35, v6;
	v35 =	vor.u32 v4, v62;
	v4 =	vld [tilespmem:$0x1FF10]  }
0x287: {  	v38 =	vand.u32 $0x7FFFFFFF, v22;
	v57 =	vand.u32 $0x7FFFFFFF, v47  }
0x288: {  	v6 =	vadd.f32 v38, v6;
	v7 =	vadd.f32 v57, v7;
	v16 =	vld.idx.msk [tilespmem:v1+s12+$0x0], $0xffff  }
0x289: {  	v42 =	vand.u32 $0x7FFFFFFF, v27;
	v44 =	vld.idx.msk [tilespmem:v60+s14+$0x0], $0xffff;
	v17 =	vand.u32 $0x7FFFFFFF, v51  }
0x28a: {  	v6 =	vadd.f32 v42, v6;
	v7 =	vadd.f32 v17, v7;
	v19 =	vld.idx.msk [tilespmem:v3+s12+$0x0], $0xffff  }
0x28b: {  	[tilespmem:$0x1F3E0] =	vst v28;
	v46 =	vand.u32 $0x7FFFFFFF, v36;
	v22 =	vand.u32 $0x7FFFFFFF, v55;
	v28 =	vor.u32 v4, v62;
	v4 =	vld [tilespmem:$0x1FF30]  }
0x28c: {  	v6 =	vadd.f32 v46, v6;
	v7 =	vadd.f32 v22, v7  }
0x28d: {  	v50 =	vand.u32 $0x7FFFFFFF, v40;
	v25 =	vand.u32 $0x7FFFFFFF, v16  }
0x28e: {  	v6 =	vadd.f32 v50, v6;
	v52 =	vld.idx.msk [tilespmem:v61+s14+$0x0], $0xffff;
	v9 =	vadd.f32 v25, v7  }
0x28f: {  	[tilespmem:$0x1F3B0] =	vst v36;
	v54 =	vand.u32 $0x7FFFFFFF, v44;
	v56 =	vld.idx.msk [tilespmem:v0+s14+$0x0], $0xffff;
	v36 =	vand.u32 $0x7FFFFFFF, v19  }
0x290: {  	v6 =	vadd.f32 v54, v6;
	[tilespmem:$0x1F430] =	vst v0;
	v9 =	vadd.f32 v36, v9;
	v36 =	vor.u32 v4, v62;
	v4 =	vld [tilespmem:$0x1FFF0]  }
0x291: {  	v63 =	vand.u32 $0x7FFFFFFF, v48;
	[tilespmem:$0x1F450] =	vst v2;
	v0 =	vld.idx.msk [tilespmem:v2+s14+$0x0], $0xffff;
	v2 =	vmov v3  }
0x292: {  	v6 =	vadd.f32 v63, v6  }
0x293: {  	v18 =	vand.u32 $0x7FFFFFFF, v52;
	[tilespmem:$0x1F490] =	vst v1;
	v1 =	vld.idx.msk [tilespmem:v1+s14+$0x0], $0xffff  }
0x294: {  	v20 =	vadd.f32 v18, v6;
	[tilespmem:$0x1F4B0] =	vst v3;
	v3 =	vld.idx.msk [tilespmem:v5+s12+$0x0], $0xffff  }
0x295: {  	v23 =	vand.u32 $0x7FFFFFFF, v56;
	v41 =	vor.u32 v4, v62;
	v4 =	vld [tilespmem:$0x1FB70]  }
0x296: {  	v8 =	vadd.f32 v23, v20;
	v24 =	vld.idx.msk [tilespmem:v2+s14+$0x0], $0xffff  }
0x297: {  	v26 =	vand.u32 $0x7FFFFFFF, v0;
	v27 =	vld.idx.msk [tilespmem:v34+s12+$0x0], $0xffff  }
0x298: {  	v8 =	vadd.f32 v26, v8;
	v2 =	vld.idx.msk [tilespmem:v5+s14+$0x0], $0xffff  }
0x299: {  	v37 =	vand.u32 $0x7FFFFFFF, v1;
	[tilespmem:$0x1F4F0] =	vst v5;
	v5 =	vld.idx.msk [tilespmem:v21+s12+$0x0], $0xffff  }
0x29a: {  	v8 =	vadd.f32 v37, v8;
	v38 =	vand.u32 $0x7FFFFFFF, v3;
	v37 =	vor.u32 v4, v62;
	v4 =	vld [tilespmem:$0x1FB80]  }
0x29b: {  	v9 =	vadd.f32 v38, v9  }
0x29c: {  	v42 =	vand.u32 $0x7FFFFFFF, v27  }
0x29d: {  	[tilespmem:$0x1F400] =	vst v44;
	v9 =	vadd.f32 v42, v9  }
0x29e: {  	[tilespmem:$0x1F500] =	vst v1;
	v1 =	vld.idx.msk [tilespmem:v34+s14+$0x0], $0xffff;
	v44 =	vand.u32 $0x7FFFFFFF, v5  }
0x29f: {  	v11 =	vadd.f32 v44, v9;
	v9 =	vor.u32 v4, v62;
	v4 =	vld [tilespmem:$0x1FB90]  }
0x2a0: {  	[tilespmem:$0x1F3D0] =	vst v39;
	v39 =	vand.u32 $0x7FFFFFFF, v24  }
0x2a1: {  	[tilespmem:$0x1F3F0] =	vst v40;
	v10 =	vadd.f32 v39, v8;
	v40 =	vld.idx.msk [tilespmem:v21+s14+$0x0], $0xffff  }
0x2a2: {  	[tilespmem:$0x1F410] =	vst v43;
	v43 =	vand.u32 $0x7FFFFFFF, v2  }
0x2a3: {  	[tilespmem:$0x1F550] =	vst v2;
	v10 =	vadd.f32 v43, v10;
	v2 =	vld.idx.msk [tilespmem:v35+s14+$0x0], $0xffff  }
0x2a4: {  	v45 =	vand.u32 $0x7FFFFFFF, v1;
	v38 =	vor.u32 v4, v62;
	v4 =	vld [tilespmem:$0x1FBA0]  }
0x2a5: {  	v10 =	vadd.f32 v45, v10  }
0x2a6: {  	[tilespmem:$0x1F440] =	vst v48;
	v48 =	vand.u32 $0x7FFFFFFF, v40  }
0x2a7: {  	[tilespmem:$0x1F4C0] =	vst v0;
	v0 =	vld.idx.msk [tilespmem:v35+s12+$0x0], $0xffff;
	v10 =	vadd.f32 v48, v10  }
0x2a8: {  	v7 =	vld.idx.msk [tilespmem:v28+s12+$0x0], $0xffff;
	v50 =	vand.u32 $0x7FFFFFFF, v2  }
0x2a9: {  	v12 =	vadd.f32 v50, v10;
	v10 =	vor.u32 v4, v62;
	v4 =	vld [tilespmem:$0x1FBB0];
	_ =	sdelay $0x1  }
0x2aa: {  	[tilespmem:$0x1F520] =	vst v3;
	v3 =	vmov v28;
	v46 =	vld.idx.msk [tilespmem:v36+s12+$0x0], $0xffff  }
0x2ab: {  	[tilespmem:$0x1F420] =	vst v47;
	v47 =	vand.u32 $0x7FFFFFFF, v0  }
0x2ac: {  	v11 =	vadd.f32 v47, v11;
	v6 =	vld.idx.msk [tilespmem:v41+s12+$0x0], $0xffff  }
0x2ad: {  	v49 =	vand.u32 $0x7FFFFFFF, v7;
	v39 =	vor.u32 v4, v62;
	v4 =	vld [tilespmem:$0x1FBC0]  }
0x2ae: {  	v11 =	vadd.f32 v49, v11  }
0x2af: {  	[tilespmem:$0x1F570] =	vst v5;
	v5 =	vld.idx.msk [tilespmem:v3+s14+$0x0], $0xffff;
	v3 =	vmov v41;
	v13 =	vand.u32 $0x7FFFFFFF, v46  }
0x2b0: {  	v11 =	vadd.f32 v13, v11  }
0x2b1: {  	[tilespmem:$0x1F560] =	vst v1;
	v1 =	vld.idx.msk [tilespmem:v36+s14+$0x0], $0xffff;
	v53 =	vand.u32 $0x7FFFFFFF, v6  }
0x2b2: {  	v13 =	vadd.f32 v53, v11;
	v11 =	vor.u32 v4, v62;
	v4 =	vld [tilespmem:$0x1FBD0];
	_ =	sdelay $0x1  }
0x2b3: {  	[tilespmem:$0x1F470] =	vst v51;
	v51 =	vld.idx.msk [tilespmem:v3+s14+$0x0], $0xffff  }
0x2b4: {  	[tilespmem:$0x1F460] =	vst v52;
	v52 =	vand.u32 $0x7FFFFFFF, v5  }
0x2b5: {  	[tilespmem:$0x1F5B0] =	vst v2;
	v12 =	vadd.f32 v52, v12;
	v2 =	vld.idx.msk [tilespmem:v37+s14+$0x0], $0xffff  }
0x2b6: {  	[tilespmem:$0x1F5A0] =	vst v40;
	v54 =	vand.u32 $0x7FFFFFFF, v1;
	v40 =	vor.u32 v4, v62;
	v4 =	vld [tilespmem:$0x1FBE0]  }
0x2b7: {  	v12 =	vadd.f32 v54, v12  }
0x2b8: {  	v57 =	vand.u32 $0x7FFFFFFF, v51  }
0x2b9: {  	[tilespmem:$0x1F580] =	vst v0;
	v0 =	vld.idx.msk [tilespmem:v37+s12+$0x0], $0xffff;
	v12 =	vadd.f32 v57, v12  }
0x2ba: {  	[tilespmem:$0x1F4E0] =	vst v19;
	v3 =	vld.idx.msk [tilespmem:v9+s12+$0x0], $0xffff;
	v19 =	vand.u32 $0x7FFFFFFF, v2  }
0x2bb: {  	v14 =	vadd.f32 v19, v12;
	v12 =	vor.u32 v4, v62;
	v4 =	vld [tilespmem:$0x1FBF0];
	_ =	sdelay $0x1  }
0x2bc: {  	[tilespmem:$0x1F480] =	vst v55;
	v55 =	vld.idx.msk [tilespmem:v38+s12+$0x0], $0xffff  }
0x2bd: {  	[tilespmem:$0x1F4A0] =	vst v56;
	v56 =	vand.u32 $0x7FFFFFFF, v0  }
0x2be: {  	v13 =	vadd.f32 v56, v13;
	v63 =	vld.idx.msk [tilespmem:v10+s12+$0x0], $0xffff  }
0x2bf: {  	[tilespmem:$0x1F5E0] =	vst v41;
	v18 =	vand.u32 $0x7FFFFFFF, v3;
	v41 =	vor.u32 v4, v62;
	v4 =	vld [tilespmem:$0x1FC00]  }
0x2c0: {  	v13 =	vadd.f32 v18, v13  }
0x2c1: {  	[tilespmem:$0x1F540] =	vst v21;
	v21 =	vand.u32 $0x7FFFFFFF, v55  }
0x2c2: {  	[tilespmem:$0x1F5F0] =	vst v5;
	v5 =	vld.idx.msk [tilespmem:v9+s14+$0x0], $0xffff;
	v13 =	vadd.f32 v21, v13  }
0x2c3: {  	[tilespmem:$0x1F600] =	vst v1;
	v1 =	vld.idx.msk [tilespmem:v38+s14+$0x0], $0xffff;
	v23 =	vand.u32 $0x7FFFFFFF, v63  }
0x2c4: {  	v15 =	vadd.f32 v23, v13;
	v13 =	vor.u32 v4, v62;
	v4 =	vld [tilespmem:$0x1FC10];
	_ =	sdelay $0x1  }
0x2c5: {  	v20 =	vld.idx.msk [tilespmem:v10+s14+$0x0], $0xffff  }
0x2c6: {  	v22 =	vand.u32 $0x7FFFFFFF, v5  }
0x2c7: {  	[tilespmem:$0x1F640] =	vst v2;
	v14 =	vadd.f32 v22, v14;
	v2 =	vld.idx.msk [tilespmem:v39+s14+$0x0], $0xffff  }
0x2c8: {  	[tilespmem:$0x1F510] =	vst v24;
	v24 =	vand.u32 $0x7FFFFFFF, v1;
	v42 =	vor.u32 v4, v62;
	v4 =	vld [tilespmem:$0x1FC20]  }
0x2c9: {  	[tilespmem:$0x1F530] =	vst v27;
	v14 =	vadd.f32 v24, v14  }
0x2ca: {  	[tilespmem:$0x1F5D0] =	vst v46;
	v27 =	vand.u32 $0x7FFFFFFF, v20  }
0x2cb: {  	[tilespmem:$0x1F620] =	vst v0;
	v0 =	vld.idx.msk [tilespmem:v39+s12+$0x0], $0xffff;
	v14 =	vadd.f32 v27, v14  }
0x2cc: {  	[tilespmem:$0x1F650] =	vst v3;
	v3 =	vld.idx.msk [tilespmem:v11+s12+$0x0], $0xffff;
	v46 =	vand.u32 $0x7FFFFFFF, v2  }
0x2cd: {  	[tilespmem:$0x1F4D0] =	vst v16;
	v16 =	vadd.f32 v46, v14;
	v14 =	vor.u32 v4, v62;
	v4 =	vld [tilespmem:$0x1FC30];
	_ =	sdelay $0x1  }
0x2ce: {  	v25 =	vld.idx.msk [tilespmem:v40+s12+$0x0], $0xffff  }
0x2cf: {  	v26 =	vand.u32 $0x7FFFFFFF, v0  }
0x2d0: {  	[tilespmem:$0x1F590] =	vst v28;
	v15 =	vadd.f32 v26, v15;
	v28 =	vld.idx.msk [tilespmem:v12+s12+$0x0], $0xffff  }
0x2d1: {  	v45 =	vand.u32 $0x7FFFFFFF, v3;
	v43 =	vor.u32 v4, v62;
	v4 =	vld [tilespmem:$0x1FC40]  }
0x2d2: {  	v15 =	vadd.f32 v45, v15  }
0x2d3: {  	v48 =	vand.u32 $0x7FFFFFFF, v25  }
0x2d4: {  	[tilespmem:$0x1F670] =	vst v5;
	v5 =	vld.idx.msk [tilespmem:v11+s14+$0x0], $0xffff;
	v15 =	vadd.f32 v48, v15  }
0x2d5: {  	[tilespmem:$0x1F680] =	vst v1;
	v1 =	vld.idx.msk [tilespmem:v40+s14+$0x0], $0xffff;
	v50 =	vand.u32 $0x7FFFFFFF, v28  }
0x2d6: {  	v17 =	vadd.f32 v50, v15;
	v15 =	vor.u32 v4, v62;
	v4 =	vld [tilespmem:$0x1FC50];
	_ =	sdelay $0x1  }
0x2d7: {  	v47 =	vld.idx.msk [tilespmem:v12+s14+$0x0], $0xffff  }
0x2d8: {  	v49 =	vand.u32 $0x7FFFFFFF, v5  }
0x2d9: {  	[tilespmem:$0x1F6C0] =	vst v2;
	v16 =	vadd.f32 v49, v16;
	v2 =	vld.idx.msk [tilespmem:v41+s14+$0x0], $0xffff  }
0x2da: {  	[tilespmem:$0x1F630] =	vst v51;
	v51 =	vand.u32 $0x7FFFFFFF, v1;
	v44 =	vor.u32 v4, v62;
	v4 =	vld [tilespmem:$0x1FC80]  }
0x2db: {  	v16 =	vadd.f32 v51, v16  }
0x2dc: {  	v54 =	vand.u32 $0x7FFFFFFF, v47  }
0x2dd: {  	[tilespmem:$0x1F6A0] =	vst v0;
	v0 =	vld.idx.msk [tilespmem:v41+s12+$0x0], $0xffff;
	v16 =	vadd.f32 v54, v16  }
0x2de: {  	[tilespmem:$0x1F6D0] =	vst v3;
	v3 =	vld.idx.msk [tilespmem:v13+s12+$0x0], $0xffff;
	v57 =	vand.u32 $0x7FFFFFFF, v2  }
0x2df: {  	v18 =	vadd.f32 v57, v16;
	v16 =	vor.u32 v4, v62;
	v4 =	vld [tilespmem:$0x1FC90];
	_ =	sdelay $0x1  }
0x2e0: {  	v52 =	vld.idx.msk [tilespmem:v42+s12+$0x0], $0xffff  }
0x2e1: {  	v53 =	vand.u32 $0x7FFFFFFF, v0  }
0x2e2: {  	[tilespmem:$0x1F660] =	vst v55;
	v17 =	vadd.f32 v53, v17;
	v55 =	vld.idx.msk [tilespmem:v14+s12+$0x0], $0xffff  }
0x2e3: {  	v56 =	vand.u32 $0x7FFFFFFF, v3;
	v45 =	vor.u32 v4, v62;
	v4 =	vld [tilespmem:$0x1FE00]  }
0x2e4: {  	v17 =	vadd.f32 v56, v17  }
0x2e5: {  	v24 =	vand.u32 $0x7FFFFFFF, v52  }
0x2e6: {  	[tilespmem:$0x1F6F0] =	vst v5;
	v5 =	vld.idx.msk [tilespmem:v13+s14+$0x0], $0xffff;
	v17 =	vadd.f32 v24, v17  }
0x2e7: {  	[tilespmem:$0x1F700] =	vst v1;
	v1 =	vld.idx.msk [tilespmem:v42+s14+$0x0], $0xffff;
	v26 =	vand.u32 $0x7FFFFFFF, v55  }
0x2e8: {  	v19 =	vadd.f32 v26, v17;
	v17 =	vor.u32 v4, v62;
	v4 =	vld [tilespmem:$0x1FE10];
	_ =	sdelay $0x1  }
0x2e9: {  	[tilespmem:$0x1F690] =	vst v63;
	v63 =	vld.idx.msk [tilespmem:v14+s14+$0x0], $0xffff  }
0x2ea: {  	[tilespmem:$0x1F6E0] =	vst v25;
	v25 =	vand.u32 $0x7FFFFFFF, v5  }
0x2eb: {  	[tilespmem:$0x1F740] =	vst v2;
	v18 =	vadd.f32 v25, v18;
	v2 =	vld.idx.msk [tilespmem:v43+s14+$0x0], $0xffff  }
0x2ec: {  	v27 =	vand.u32 $0x7FFFFFFF, v1;
	v46 =	vor.u32 v4, v62;
	v4 =	vld [tilespmem:$0x1FE20]  }
0x2ed: {  	v18 =	vadd.f32 v27, v18  }
0x2ee: {  	[tilespmem:$0x1F720] =	vst v0;
	v49 =	vand.u32 $0x7FFFFFFF, v63  }
0x2ef: {  	[tilespmem:$0x1F750] =	vst v3;
	v0 =	vld.idx.msk [tilespmem:v43+s12+$0x0], $0xffff;
	v18 =	vadd.f32 v49, v18  }
0x2f0: {  	[tilespmem:$0x1F760] =	vst v52;
	v3 =	vld.idx.msk [tilespmem:v15+s12+$0x0], $0xffff;
	v52 =	vand.u32 $0x7FFFFFFF, v2  }
0x2f1: {  	[tilespmem:$0x1F6B0] =	vst v20;
	v20 =	vadd.f32 v52, v18;
	v18 =	vor.u32 v4, v62;
	v4 =	vld [tilespmem:$0x1FE30];
	_ =	sdelay $0x1  }
0x2f2: {  	[tilespmem:$0x1F710] =	vst v28;
	v28 =	vld.idx.msk [tilespmem:v44+s12+$0x0], $0xffff  }
0x2f3: {  	v48 =	vand.u32 $0x7FFFFFFF, v0  }
0x2f4: {  	v19 =	vadd.f32 v48, v19;
	v50 =	vld.idx.msk [tilespmem:v16+s12+$0x0], $0xffff  }
0x2f5: {  	[tilespmem:$0x1F730] =	vst v47;
	v51 =	vand.u32 $0x7FFFFFFF, v3;
	v47 =	vor.u32 v4, v62;
	v4 =	vld [tilespmem:$0x1FE40]  }
0x2f6: {  	v19 =	vadd.f32 v51, v19  }
0x2f7: {  	v54 =	vand.u32 $0x7FFFFFFF, v28  }
0x2f8: {  	[tilespmem:$0x1F770] =	vst v5;
	v5 =	vld.idx.msk [tilespmem:v15+s14+$0x0], $0xffff;
	v19 =	vadd.f32 v54, v19  }
0x2f9: {  	[tilespmem:$0x1F780] =	vst v1;
	v1 =	vld.idx.msk [tilespmem:v44+s14+$0x0], $0xffff;
	v56 =	vand.u32 $0x7FFFFFFF, v50  }
0x2fa: {  	v21 =	vadd.f32 v56, v19;
	v19 =	vor.u32 v4, v62;
	v4 =	vld [tilespmem:$0x1FE50];
	_ =	sdelay $0x1  }
0x2fb: {  	v53 =	vld.idx.msk [tilespmem:v16+s14+$0x0], $0xffff  }
0x2fc: {  	[tilespmem:$0x1F790] =	vst v55;
	v55 =	vand.u32 $0x7FFFFFFF, v5  }
0x2fd: {  	[tilespmem:$0x1F7C0] =	vst v2;
	v20 =	vadd.f32 v55, v20;
	v2 =	vld.idx.msk [tilespmem:v45+s14+$0x0], $0xffff  }
0x2fe: {  	v57 =	vand.u32 $0x7FFFFFFF, v1;
	v48 =	vor.u32 v4, v62;
	v4 =	vld [tilespmem:$0x1FE60]  }
0x2ff: {  	v20 =	vadd.f32 v57, v20  }
0x300: {  	v24 =	vand.u32 $0x7FFFFFFF, v53  }
0x301: {  	[tilespmem:$0x1F7A0] =	vst v0;
	v0 =	vld.idx.msk [tilespmem:v45+s12+$0x0], $0xffff;
	v20 =	vadd.f32 v24, v20  }
0x302: {  	[tilespmem:$0x1F7D0] =	vst v3;
	v3 =	vld.idx.msk [tilespmem:v17+s12+$0x0], $0xffff;
	v27 =	vand.u32 $0x7FFFFFFF, v2  }
0x303: {  	v22 =	vadd.f32 v27, v20;
	v20 =	vor.u32 v4, v62;
	v4 =	vld [tilespmem:$0x1FE70];
	_ =	sdelay $0x1  }
0x304: {  	[tilespmem:$0x1F7B0] =	vst v63;
	v63 =	vld.idx.msk [tilespmem:v46+s12+$0x0], $0xffff  }
0x305: {  	[tilespmem:$0x1F610] =	vst v6;
	v6 =	vand.u32 $0x7FFFFFFF, v0  }
0x306: {  	v21 =	vadd.f32 v6, v21;
	v25 =	vld.idx.msk [tilespmem:v18+s12+$0x0], $0xffff  }
0x307: {  	v26 =	vand.u32 $0x7FFFFFFF, v3;
	v49 =	vor.u32 v4, v62;
	v4 =	vld [tilespmem:$0x1FE80]  }
0x308: {  	v21 =	vadd.f32 v26, v21  }
0x309: {  	[tilespmem:$0x1F810] =	vst v50;
	v50 =	vand.u32 $0x7FFFFFFF, v63  }
0x30a: {  	[tilespmem:$0x1F7F0] =	vst v5;
	v5 =	vld.idx.msk [tilespmem:v17+s14+$0x0], $0xffff;
	v21 =	vadd.f32 v50, v21  }
0x30b: {  	[tilespmem:$0x1F800] =	vst v1;
	v1 =	vld.idx.msk [tilespmem:v46+s14+$0x0], $0xffff;
	v52 =	vand.u32 $0x7FFFFFFF, v25  }
0x30c: {  	v23 =	vadd.f32 v52, v21;
	v21 =	vor.u32 v4, v62;
	v4 =	vld [tilespmem:$0x1FE90];
	_ =	sdelay $0x1  }
0x30d: {  	[tilespmem:$0x1F7E0] =	vst v28;
	v28 =	vld.idx.msk [tilespmem:v18+s14+$0x0], $0xffff  }
0x30e: {  	v51 =	vand.u32 $0x7FFFFFFF, v5  }
0x30f: {  	[tilespmem:$0x1F840] =	vst v2;
	v22 =	vadd.f32 v51, v22;
	v2 =	vld.idx.msk [tilespmem:v47+s14+$0x0], $0xffff  }
0x310: {  	[tilespmem:$0x1F830] =	vst v53;
	v53 =	vand.u32 $0x7FFFFFFF, v1;
	v50 =	vor.u32 v4, v62;
	v4 =	vld [tilespmem:$0x1FCA0]  }
0x311: {  	v22 =	vadd.f32 v53, v22  }
0x312: {  	[tilespmem:$0x1F5C0] =	vst v7;
	v56 =	vand.u32 $0x7FFFFFFF, v28  }
0x313: {  	[tilespmem:$0x1F820] =	vst v0;
	v0 =	vld.idx.msk [tilespmem:v47+s12+$0x0], $0xffff;
	v22 =	vadd.f32 v56, v22  }
0x314: {  	[tilespmem:$0x1F850] =	vst v3;
	v3 =	vld.idx.msk [tilespmem:v19+s12+$0x0], $0xffff;
	v7 =	vand.u32 $0x7FFFFFFF, v2  }
0x315: {  	v24 =	vadd.f32 v7, v22;
	v22 =	vor.u32 v4, v62;
	v4 =	vld [tilespmem:$0x1FCD0];
	_ =	sdelay $0x1  }
0x316: {  	v54 =	vld.idx.msk [tilespmem:v48+s12+$0x0], $0xffff  }
0x317: {  	v55 =	vand.u32 $0x7FFFFFFF, v0  }
0x318: {  	v23 =	vadd.f32 v55, v23;
	v57 =	vld.idx.msk [tilespmem:v20+s12+$0x0], $0xffff  }
0x319: {  	[tilespmem:$0x1F860] =	vst v63;
	v63 =	vand.u32 $0x7FFFFFFF, v3;
	v51 =	vor.u32 v4, v62;
	v4 =	vld [tilespmem:$0x1F270]  }
0x31a: {  	v23 =	vadd.f32 v63, v23  }
0x31b: {  	[tilespmem:$0x1F870] =	vst v5;
	v52 =	vand.u32 $0x7FFFFFFF, v54  }
0x31c: {  	[tilespmem:$0x1F880] =	vst v1;
	v5 =	vld.idx.msk [tilespmem:v19+s14+$0x0], $0xffff;
	v23 =	vadd.f32 v52, v23  }
0x31d: {  	v1 =	vld.idx.msk [tilespmem:v48+s14+$0x0], $0xffff;
	[tilespmem:$0x1F8E0] =	vst v54;
	v54 =	vand.u32 $0x7FFFFFFF, v57  }
0x31e: {  	[tilespmem:$0x1F890] =	vst v25;
	v25 =	vadd.f32 v54, v23;
	v23 =	vor.u32 v4, v62;
	v4 =	vld [tilespmem:$0x1FCF0];
	_ =	sdelay $0x1  }
0x31f: {  	[tilespmem:$0x1F8B0] =	vst v28;
	v28 =	vld.idx.msk [tilespmem:v20+s14+$0x0], $0xffff  }
0x320: {  	v53 =	vand.u32 $0x7FFFFFFF, v5  }
0x321: {  	[tilespmem:$0x1F8C0] =	vst v2;
	v24 =	vadd.f32 v53, v24;
	v2 =	vld.idx.msk [tilespmem:v49+s14+$0x0], $0xffff  }
0x322: {  	v55 =	vand.u32 $0x7FFFFFFF, v1;
	v52 =	vor.u32 v4, v62;
	v4 =	vld [tilespmem:$0x1F280]  }
0x323: {  	v24 =	vadd.f32 v55, v24  }
0x324: {  	[tilespmem:$0x1F910] =	vst v57;
	v57 =	vand.u32 $0x7FFFFFFF, v28  }
0x325: {  	[tilespmem:$0x1F8A0] =	vst v0;
	v0 =	vld.idx.msk [tilespmem:v49+s12+$0x0], $0xffff;
	v24 =	vadd.f32 v57, v24  }
0x326: {  	[tilespmem:$0x1F8D0] =	vst v3;
	v3 =	vld.idx.msk [tilespmem:v21+s12+$0x0], $0xffff;
	v53 =	vand.u32 $0x7FFFFFFF, v2  }
0x327: {  	v26 =	vadd.f32 v53, v24;
	v24 =	vor.u32 v4, v62;
	v4 =	vld [tilespmem:$0x1F290];
	_ =	sdelay $0x1  }
0x328: {  	v8 =	vld.idx.msk [tilespmem:v50+s12+$0x0], $0xffff  }
0x329: {  	[tilespmem:$0x1F8F0] =	vst v5;
	v5 =	vld.idx.msk [tilespmem:v21+s14+$0x0], $0xffff;
	v56 =	vand.u32 $0x7FFFFFFF, v0  }
0x32a: {  	v25 =	vadd.f32 v56, v25;
	v63 =	vld.idx.msk [tilespmem:v22+s12+$0x0], $0xffff  }
0x32b: {  	[tilespmem:$0x1F930] =	vst v28;
	v28 =	vand.u32 $0x7FFFFFFF, v3;
	v53 =	vor.u32 v4, v62;
	v4 =	vld [tilespmem:$0x1F2A0]  }
0x32c: {  	v25 =	vadd.f32 v28, v25  }
0x32d: {  	[tilespmem:$0x1F900] =	vst v1;
	v1 =	vld.idx.msk [tilespmem:v50+s14+$0x0], $0xffff;
	v54 =	vand.u32 $0x7FFFFFFF, v8  }
0x32e: {  	v25 =	vadd.f32 v54, v25  }
0x32f: {  	v7 =	vld.idx.msk [tilespmem:v22+s14+$0x0], $0xffff;
	v56 =	vand.u32 $0x7FFFFFFF, v63  }
0x330: {  	v55 =	vand.u32 $0x7FFFFFFF, v5;
	v27 =	vadd.f32 v56, v25;
	v25 =	vor.u32 v4, v62;
	v4 =	vld [tilespmem:$0x1F2B0]  }
0x331: {  	v26 =	vadd.f32 v55, v26  }
0x332: {  	v57 =	vand.u32 $0x7FFFFFFF, v1  }
0x333: {  	v26 =	vadd.f32 v57, v26  }
0x334: {  	[tilespmem:$0x1F940] =	vst v2;
	v2 =	vld.idx.msk [tilespmem:v51+s14+$0x0], $0xffff;
	v54 =	vand.u32 $0x7FFFFFFF, v7  }
0x335: {  	v26 =	vadd.f32 v54, v26;
	v54 =	vor.u32 v4, v62;
	v4 =	vld [tilespmem:$0x1FD20];
	_ =	sdelay $0x1  }
0x336: {  	[tilespmem:$0x1F920] =	vst v0;
	v0 =	vld.idx.msk [tilespmem:v51+s12+$0x0], $0xffff;
	_ =	sdelay $0x1  }
0x337: {  	[tilespmem:$0x1F950] =	vst v3;
	v3 =	vld.idx.msk [tilespmem:v23+s12+$0x0], $0xffff;
	v56 =	vand.u32 $0x7FFFFFFF, v2  }
0x338: {  	v28 =	vadd.f32 v56, v26;
	v26 =	vor.u32 v4, v62;
	v4 =	vld [tilespmem:$0x1FD40];
	_ =	sdelay $0x1  }
0x339: {  	[tilespmem:$0x1F990] =	vst v63;
	v6 =	vand.u32 $0x7FFFFFFF, v0;
	v63 =	vld.idx.msk [tilespmem:v52+s12+$0x0], $0xffff  }
0x33a: {  	v27 =	vadd.f32 v6, v27  }
0x33b: {  	v55 =	vand.u32 $0x7FFFFFFF, v3;
	v6 =	vld.idx.msk [tilespmem:v24+s12+$0x0], $0xffff  }
0x33c: {  	v27 =	vadd.f32 v55, v27;
	v55 =	vor.u32 v4, v62;
	v4 =	vld [tilespmem:$0x1F2C0]  }
0x33d: {  	[tilespmem:$0x1F970] =	vst v5  }
0x33e: {  	[tilespmem:$0x1F960] =	vst v8;
	v5 =	vld.idx.msk [tilespmem:v23+s14+$0x0], $0xffff;
	v57 =	vand.u32 $0x7FFFFFFF, v63  }
0x33f: {  	[tilespmem:$0x1F980] =	vst v1;
	v1 =	vld.idx.msk [tilespmem:v52+s14+$0x0], $0xffff;
	v27 =	vadd.f32 v57, v27  }
0x340: {  	[tilespmem:$0x1F9A0] =	vst v0;
	v0 =	vld.idx.msk [tilespmem:v53+s12+$0x0], $0xffff;
	v8 =	vand.u32 $0x7FFFFFFF, v6  }
0x341: {  	v56 =	vadd.f32 v8, v27;
	v27 =	vor.u32 v4, v62;
	v4 =	vld [tilespmem:$0x1FD50]  }
0x342: {  	[tilespmem:$0x1F9B0] =	vst v7  }
0x343: {  	[tilespmem:$0x1F9D0] =	vst v3;
	v7 =	vld.idx.msk [tilespmem:v24+s14+$0x0], $0xffff  }
0x344: {  	[tilespmem:$0x1F9E0] =	vst v63;
	v63 =	vand.u32 $0x7FFFFFFF, v5;
	v3 =	vld.idx.msk [tilespmem:v25+s12+$0x0], $0xffff  }
0x345: {  	[tilespmem:$0x1F9C0] =	vst v2;
	v28 =	vadd.f32 v63, v28;
	v2 =	vld.idx.msk [tilespmem:v53+s14+$0x0], $0xffff;
	v8 =	vand.u32 $0x7FFFFFFF, v0  }
0x346: {  	v63 =	vand.u32 $0x7FFFFFFF, v1;
	v57 =	vadd.f32 v8, v56;
	v56 =	vor.u32 v4, v62;
	v4 =	vld [tilespmem:$0x1FD60]  }
0x347: {  	v28 =	vadd.f32 v63, v28  }
0x348: {  	v63 =	vand.u32 $0x7FFFFFFF, v7  }
0x349: {  	[tilespmem:$0x1F9F0] =	vst v5;
	v28 =	vadd.f32 v63, v28;
	v5 =	vld.idx.msk [tilespmem:v54+s12+$0x0], $0xffff;
	v8 =	vand.u32 $0x7FFFFFFF, v3  }
0x34a: {  	[tilespmem:$0x1FA10] =	vst v6;
	v6 =	vld.idx.msk [tilespmem:v25+s14+$0x0], $0xffff;
	v57 =	vadd.f32 v8, v57;
	v8 =	vand.u32 $0x7FFFFFFF, v2  }
0x34b: {  	v63 =	vadd.f32 v8, v28;
	v28 =	vor.u32 v4, v62;
	v4 =	vld [tilespmem:$0x1FD70]  }
0x34c: {  	[tilespmem:$0x1FA00] =	vst v1  }
0x34d: {  	[tilespmem:$0x1FA30] =	vst v7;
	v1 =	vld.idx.msk [tilespmem:v54+s14+$0x0], $0xffff  }
0x34e: {  	[tilespmem:$0x1FA60] =	vst v5;
	v7 =	vld.idx.msk [tilespmem:v26+s12+$0x0], $0xffff;
	v5 =	vand.u32 $0x7FFFFFFF, v5  }
0x34f: {  	[tilespmem:$0x1FA40] =	vst v2;
	v5 =	vadd.f32 v5, v57;
	v57 =	vand.u32 $0x7FFFFFFF, v6;
	v2 =	vld.idx.msk [tilespmem:v55+s12+$0x0], $0xffff  }
0x350: {  	v63 =	vadd.f32 v57, v63;
	v57 =	vor.u32 v4, v62;
	v4 =	vld [tilespmem:$0x1FD80]  }
0x351: {  	[tilespmem:$0x1FA50] =	vst v3;
	v3 =	vld.idx.msk [tilespmem:v26+s14+$0x0], $0xffff  }
0x352: {  	[tilespmem:$0x1FA20] =	vst v0;
	v8 =	vld.idx.msk [tilespmem:v27+s12+$0x0], $0xffff  }
0x353: {  	[tilespmem:$0x1FA70] =	vst v6;
	v0 =	vld.idx.msk [tilespmem:v55+s14+$0x0], $0xffff;
	v6 =	vand.u32 $0x7FFFFFFF, v7  }
0x354: {  	[tilespmem:$0x1FA80] =	vst v1;
	v5 =	vadd.f32 v6, v5;
	v6 =	vand.u32 $0x7FFFFFFF, v1;
	v1 =	vld.idx.msk [tilespmem:v56+s12+$0x0], $0xffff  }
0x355: {  	[tilespmem:$0x1FA90] =	vst v7;
	v6 =	vadd.f32 v6, v63;
	v7 =	vld.idx.msk [tilespmem:v27+s14+$0x0], $0xffff;
	v63 =	vand.u32 $0x7FFFFFFF, v2;
	v62 =	vor.u32 v4, v62  }
0x356: {  	[tilespmem:$0x1FAA0] =	vst v2;
	v5 =	vadd.f32 v63, v5;
	v63 =	vand.u32 $0x7FFFFFFF, v3;
	v4 =	vld.idx.msk [tilespmem:v28+s12+$0x0], $0xffff  }
0x357: {  	v6 =	vadd.f32 v63, v6;
	[tilespmem:$0x1FAD0] =	vst v8;
	v2 =	vld.idx.msk [tilespmem:v56+s14+$0x0], $0xffff;
	v8 =	vand.u32 $0x7FFFFFFF, v8  }
0x358: {  	[tilespmem:$0x1FAC0] =	vst v0;
	v5 =	vadd.f32 v8, v5;
	v8 =	vand.u32 $0x7FFFFFFF, v0;
	v0 =	vld.idx.msk [tilespmem:v57+s12+$0x0], $0xffff  }
0x359: {  	[tilespmem:$0x1FAB0] =	vst v3;
	v6 =	vadd.f32 v8, v6;
	v63 =	vand.u32 $0x7FFFFFFF, v1  }
0x35a: {  	[tilespmem:$0x1FAF0] =	vst v7;
	v7 =	vand.u32 $0x7FFFFFFF, v7;
	v5 =	vadd.f32 v63, v5;
	v3 =	vld.idx.msk [tilespmem:v62+s12+$0x0], $0xffff  }
0x35b: {  	v6 =	vadd.f32 v7, v6;
	v7 =	vand.u32 $0x7FFFFFFF, v4  }
0x35c: {  	v5 =	vadd.f32 v7, v5;
	v7 =	vand.u32 $0x7FFFFFFF, v2  }
0x35d: {  	v8 =	vld.idx.msk [tilespmem:v28+s14+$0x0], $0xffff;
	v6 =	vadd.f32 v7, v6;
	v7 =	vand.u32 $0x7FFFFFFF, v0  }
0x35e: {  	v5 =	vadd.f32 v7, v5  }
0x35f: {  	[tilespmem:$0x1FAE0] =	vst v1;
	v1 =	vld.idx.msk [tilespmem:v57+s14+$0x0], $0xffff;
	v7 =	vand.u32 $0x7FFFFFFF, v3  }
0x360: {  	v5 =	vadd.f32 v7, v5  }
0x361: {  	[tilespmem:$0x1FB00] =	vst v2;
	v2 =	vld.idx.msk [tilespmem:v62+s14+$0x0], $0xffff  }
0x362: {  	[tilespmem:$0x1FB30] =	vst v8;
	v8 =	vand.u32 $0x7FFFFFFF, v8;
	(erf) = vrcp.f32 v5  }
0x363: {  	v6 =	vadd.f32 v8, v6  }
0x364: {  	v8 =	vand.u32 $0x7FFFFFFF, v1  }
0x365: {  	v6 =	vadd.f32 v8, v6  }
0x366: {  	v5 =	vand.u32 $0x7FFFFFFF, v2  }
0x367: {  	[tilespmem:$0x1FB40] =	vst v1;
	v1 =	vld [tilespmem:$0x1F2D0];
	v5 =	vadd.f32 v5, v6;
	_ =	sdelay $0x1  }
0x368: {  	(erf) = vrcp.f32 v5;
	v5 =	vld.idx.msk [tilespmem:v31+s13+$0x0], $0xffff;
	_ =	sdelay $0x1  }
0x369: {  	[tilespmem:$0x1FB20] =	vst v0;
	v0 =	vpop (erf)  }
0x36a: {  	v1 =	vmul.f32 v0, v1  }
0x36b: {  	[tilespmem:$0x1FB60] =	vst v2;
	v2 =	vld [tilespmem:$0x1F2E0]  }
0x36c: {  	v7 =	vadd.f32 v1, v5;
	v1 =	vld [tilespmem:$0x1F2F0]  }
0x36d: {  	[tilespmem:$0x1FB50] =	vst v3;
	v3 =	vld.idx.msk [tilespmem:v32+s13+$0x0], $0xffff  }
0x36e: {  	v32 =	vld.idx.msk [tilespmem:v29+s13+$0x0], $0xffff;
	_ =	sdelay $0x2  }
0x36f: {  	v31 =	vmul.f32 v0, v2;
	v2 =	vmul.f32 v0, v1;
	_ =	sdelay $0x1  }
0x370: {  	[tilespmem:$0x1FB10] =	vst v4;
	v4 =	vadd.f32 v32, v2;
	v2 =	vld [tilespmem:$0x1F320];
	_ =	sdelay $0x4  }
0x371: {  	v32 =	vmul.f32 v0, v2;
	v2 =	vld [tilespmem:$0x1F330];
	_ =	sdelay $0x3  }
0x372: {  	v5 =	vadd.f32 v31, v3;
	v3 =	vld [tilespmem:$0x1F300];
	v1 =	vpop (erf)  }
0x373: {  	v2 =	vmul.f32 v1, v2;
	_ =	sdelay $0x1  }
0x374: {  	v2 =	vsub.f32 v4, v2;
	v4 =	vld [tilespmem:$0x1F340]  }
0x375: {  	v29 =	vld.idx.msk [tilespmem:v33+s13+$0x0], $0xffff  }
0x376: {  	v63 =	vmul.f32 v1, v3;
	v3 =	vld [tilespmem:$0x1F310];
	_ =	sdelay $0x1  }
0x377: {  	v33 =	vld.idx.msk [tilespmem:v58+s13+$0x0], $0xffff  }
0x378: {  	v58 =	vld [tilespmem:$0x1F350];
	v4 =	vmul.f32 v0, v4  }
0x379: {  	v8 =	vld.idx.msk [tilespmem:v30+s13+$0x0], $0xffff  }
0x37a: {  	v3 =	vmul.f32 v1, v3;
	v4 =	vadd.f32 v29, v4;
	v29 =	vld [tilespmem:$0x1F360]  }
0x37b: {  	v7 =	vsub.f32 v7, v63  }
0x37c: {  	v3 =	vsub.f32 v5, v3  }
0x37d: {  	v7 =	vand.u32 $0x7FFFFFFF, v7  }
0x37e: {  	v5 =	vadd.f32 v8, v32;
	v8 =	vmul.f32 v1, v58;
	v3 =	vand.u32 $0x7FFFFFFF, v3  }
0x37f: {  	v3 =	vadd.f32 v3, v7;
	v7 =	vmul.f32 v1, v29  }
0x380: {  	v30 =	vld [tilespmem:$0x1F370];
	v5 =	vsub.f32 v5, v8;
	v2 =	vand.u32 $0x7FFFFFFF, v2  }
0x381: {  	v2 =	vadd.f32 v3, v2;
	v3 =	vsub.f32 v4, v7;
	v4 =	vld [tilespmem:$0x1F380]  }
0x382: {  	v63 =	vld.idx.msk [tilespmem:v59+s13+$0x0], $0xffff;
	v5 =	vand.u32 $0x7FFFFFFF, v5  }
0x383: {  	v2 =	vadd.f32 v2, v5;
	v5 =	vld [tilespmem:$0x1F3B0];
	_ =	sdelay $0x2  }
0x384: {  	v61 =	vld.idx.msk [tilespmem:v61+s13+$0x0], $0xffff;
	v4 =	vmul.f32 v0, v4  }
0x385: {  	v32 =	vld [tilespmem:$0x1F3A0];
	v8 =	vmul.f32 v0, v30  }
0x386: {  	v31 =	vld [tilespmem:$0x1F390];
	v5 =	vmul.f32 v1, v5;
	v4 =	vadd.f32 v63, v4  }
0x387: {  	v6 =	vadd.f32 v33, v8;
	v33 =	vld.idx.msk [tilespmem:v60+s13+$0x0], $0xffff;
	v3 =	vand.u32 $0x7FFFFFFF, v3  }
0x388: {  	v2 =	vadd.f32 v2, v3;
	v3 =	vsub.f32 v4, v5;
	v4 =	vld [tilespmem:$0x1F3D0]  }
0x389: {  	v63 =	vld [tilespmem:$0x1F400]  }
0x38a: {  	v8 =	vmul.f32 v1, v32;
	v5 =	vld [tilespmem:$0x1F3E0]  }
0x38b: {  	v59 =	vld [tilespmem:$0x1F3C0]  }
0x38c: {  	v58 =	vld [tilespmem:$0x1F460];
	v6 =	vsub.f32 v6, v8  }
0x38d: {  	v60 =	vld [tilespmem:$0x1F3F0];
	v4 =	vmul.f32 v0, v4  }
0x38e: {  	v6 =	vand.u32 $0x7FFFFFFF, v6;
	v7 =	vld.idx.msk [tilespmem:v31+s13+$0x0], $0xffff  }
0x38f: {  	v32 =	vld [tilespmem:$0x1F440];
	v2 =	vadd.f32 v2, v6;
	v6 =	vmul.f32 v1, v63;
	v4 =	vadd.f32 v33, v4  }
0x390: {  	v29 =	vld [tilespmem:$0x1F410];
	v3 =	vand.u32 $0x7FFFFFFF, v3  }
0x391: {  	v8 =	vmul.f32 v0, v59;
	v2 =	vadd.f32 v2, v3;
	v3 =	vsub.f32 v4, v6;
	v4 =	vld [tilespmem:$0x1F420]  }
0x392: {  	v5 =	vld.idx.msk [tilespmem:v5+s13+$0x0], $0xffff  }
0x393: {  	v7 =	vadd.f32 v7, v8;
	v8 =	vmul.f32 v1, v60;
	v33 =	vld [tilespmem:$0x1F450];
	_ =	sdelay $0x1  }
0x394: {  	v7 =	vsub.f32 v7, v8;
	v8 =	vmul.f32 v0, v29  }
0x395: {  	v4 =	vmul.f32 v0, v4  }
0x396: {  	v31 =	vld [tilespmem:$0x1F430];
	v7 =	vand.u32 $0x7FFFFFFF, v7;
	v5 =	vadd.f32 v5, v8;
	v8 =	vmul.f32 v1, v32  }
0x397: {  	v2 =	vadd.f32 v2, v7;
	v7 =	vmul.f32 v1, v58;
	v4 =	vadd.f32 v61, v4  }
0x398: {  	v63 =	vld [tilespmem:$0x1F4B0];
	v3 =	vand.u32 $0x7FFFFFFF, v3;
	v5 =	vsub.f32 v5, v8  }
0x399: {  	v2 =	vadd.f32 v2, v3;
	v3 =	vsub.f32 v4, v7;
	v4 =	vld [tilespmem:$0x1F480]  }
0x39a: {  	v29 =	vld.idx.msk [tilespmem:v33+s13+$0x0], $0xffff;
	v5 =	vand.u32 $0x7FFFFFFF, v5  }
0x39b: {  	v2 =	vadd.f32 v2, v5;
	v5 =	vld [tilespmem:$0x1F4C0];
	_ =	sdelay $0x1  }
0x39c: {  	v59 =	vld [tilespmem:$0x1F470]  }
0x39d: {  	v6 =	vld.idx.msk [tilespmem:v31+s13+$0x0], $0xffff;
	v4 =	vmul.f32 v0, v4  }
0x39e: {  	v61 =	vld [tilespmem:$0x1F4A0]  }
0x39f: {  	v60 =	vld [tilespmem:$0x1F490];
	v5 =	vmul.f32 v1, v5;
	v4 =	vadd.f32 v29, v4  }
0x3a0: {  	v58 =	vld [tilespmem:$0x1F510];
	v3 =	vand.u32 $0x7FFFFFFF, v3  }
0x3a1: {  	v8 =	vmul.f32 v0, v59;
	v2 =	vadd.f32 v2, v3;
	v3 =	vsub.f32 v4, v5;
	v4 =	vld [tilespmem:$0x1F4E0]  }
0x3a2: {  	v30 =	vld.idx.msk [tilespmem:v63+s13+$0x0], $0xffff  }
0x3a3: {  	v6 =	vadd.f32 v6, v8;
	v8 =	vmul.f32 v1, v61;
	v5 =	vld [tilespmem:$0x1F4F0]  }
0x3a4: {  	v34 =	vld.idx.msk [tilespmem:v34+s13+$0x0], $0xffff  }
0x3a5: {  	v32 =	vld [tilespmem:$0x1F4D0];
	v6 =	vsub.f32 v6, v8  }
0x3a6: {  	v33 =	vld [tilespmem:$0x1F500];
	v4 =	vmul.f32 v0, v4  }
0x3a7: {  	v7 =	vld.idx.msk [tilespmem:v60+s13+$0x0], $0xffff;
	v6 =	vand.u32 $0x7FFFFFFF, v6  }
0x3a8: {  	v59 =	vld [tilespmem:$0x1F520];
	v2 =	vadd.f32 v2, v6;
	v6 =	vmul.f32 v1, v58;
	v4 =	vadd.f32 v30, v4  }
0x3a9: {  	v61 =	vld [tilespmem:$0x1F550];
	v3 =	vand.u32 $0x7FFFFFFF, v3  }
0x3aa: {  	v8 =	vmul.f32 v0, v32;
	v2 =	vadd.f32 v2, v3;
	v3 =	vsub.f32 v4, v6;
	v4 =	vld [tilespmem:$0x1F530]  }
0x3ab: {  	v5 =	vld.idx.msk [tilespmem:v5+s13+$0x0], $0xffff  }
0x3ac: {  	v7 =	vadd.f32 v7, v8;
	v8 =	vmul.f32 v1, v33;
	v29 =	vld [tilespmem:$0x1F560];
	_ =	sdelay $0x1  }
0x3ad: {  	v7 =	vsub.f32 v7, v8;
	v8 =	vmul.f32 v0, v59  }
0x3ae: {  	v4 =	vmul.f32 v0, v4  }
0x3af: {  	v7 =	vand.u32 $0x7FFFFFFF, v7;
	v5 =	vadd.f32 v5, v8;
	v8 =	vmul.f32 v1, v61  }
0x3b0: {  	v60 =	vld [tilespmem:$0x1F540];
	v2 =	vadd.f32 v2, v7;
	v7 =	vmul.f32 v1, v29;
	v4 =	vadd.f32 v34, v4  }
0x3b1: {  	v3 =	vand.u32 $0x7FFFFFFF, v3;
	v5 =	vsub.f32 v5, v8  }
0x3b2: {  	v2 =	vadd.f32 v2, v3;
	v3 =	vsub.f32 v4, v7;
	v4 =	vld [tilespmem:$0x1F580]  }
0x3b3: {  	v63 =	vld.idx.msk [tilespmem:v35+s13+$0x0], $0xffff;
	v5 =	vand.u32 $0x7FFFFFFF, v5  }
0x3b4: {  	v2 =	vadd.f32 v2, v5;
	v5 =	vld [tilespmem:$0x1F5B0];
	_ =	sdelay $0x1  }
0x3b5: {  	v31 =	vld [tilespmem:$0x1F570]  }
0x3b6: {  	v33 =	vld [tilespmem:$0x1F5A0];
	v4 =	vmul.f32 v0, v4  }
0x3b7: {  	v6 =	vld.idx.msk [tilespmem:v60+s13+$0x0], $0xffff  }
0x3b8: {  	v32 =	vld [tilespmem:$0x1F590];
	v5 =	vmul.f32 v1, v5;
	v4 =	vadd.f32 v63, v4  }
0x3b9: {  	v58 =	vld [tilespmem:$0x1F600];
	v3 =	vand.u32 $0x7FFFFFFF, v3  }
0x3ba: {  	v8 =	vmul.f32 v0, v31;
	v2 =	vadd.f32 v2, v3;
	v3 =	vsub.f32 v4, v5;
	v4 =	vld [tilespmem:$0x1F5D0]  }
0x3bb: {  	v34 =	vld.idx.msk [tilespmem:v36+s13+$0x0], $0xffff  }
0x3bc: {  	v6 =	vadd.f32 v6, v8;
	v8 =	vmul.f32 v1, v33;
	v5 =	vld [tilespmem:$0x1F5E0]  }
0x3bd: {  	v37 =	vld.idx.msk [tilespmem:v37+s13+$0x0], $0xffff  }
0x3be: {  	v35 =	vld [tilespmem:$0x1F5C0];
	v6 =	vsub.f32 v6, v8  }
0x3bf: {  	v36 =	vld [tilespmem:$0x1F5F0];
	v4 =	vmul.f32 v0, v4  }
0x3c0: {  	v7 =	vld.idx.msk [tilespmem:v32+s13+$0x0], $0xffff;
	v6 =	vand.u32 $0x7FFFFFFF, v6  }
0x3c1: {  	v59 =	vld [tilespmem:$0x1F610];
	v2 =	vadd.f32 v2, v6;
	v6 =	vmul.f32 v1, v58;
	v4 =	vadd.f32 v34, v4  }
0x3c2: {  	v61 =	vld [tilespmem:$0x1F630];
	v3 =	vand.u32 $0x7FFFFFFF, v3  }
0x3c3: {  	v8 =	vmul.f32 v0, v35;
	v2 =	vadd.f32 v2, v3;
	v3 =	vsub.f32 v4, v6;
	v4 =	vld [tilespmem:$0x1F620]  }
0x3c4: {  	v5 =	vld.idx.msk [tilespmem:v5+s13+$0x0], $0xffff  }
0x3c5: {  	v29 =	vld [tilespmem:$0x1F640];
	v7 =	vadd.f32 v7, v8;
	v8 =	vmul.f32 v1, v36;
	_ =	sdelay $0x1  }
0x3c6: {  	v7 =	vsub.f32 v7, v8;
	v8 =	vmul.f32 v0, v59  }
0x3c7: {  	v4 =	vmul.f32 v0, v4  }
0x3c8: {  	v7 =	vand.u32 $0x7FFFFFFF, v7;
	v5 =	vadd.f32 v5, v8;
	v8 =	vmul.f32 v1, v61  }
0x3c9: {  	v2 =	vadd.f32 v2, v7;
	v7 =	vmul.f32 v1, v29;
	v4 =	vadd.f32 v37, v4  }
0x3ca: {  	v3 =	vand.u32 $0x7FFFFFFF, v3;
	v5 =	vsub.f32 v5, v8  }
0x3cb: {  	v2 =	vadd.f32 v2, v3;
	v3 =	vsub.f32 v4, v7;
	v4 =	vld [tilespmem:$0x1F660]  }
0x3cc: {  	v63 =	vld.idx.msk [tilespmem:v38+s13+$0x0], $0xffff;
	v5 =	vand.u32 $0x7FFFFFFF, v5  }
0x3cd: {  	v2 =	vadd.f32 v2, v5;
	v5 =	vld [tilespmem:$0x1F680];
	_ =	sdelay $0x1  }
0x3ce: {  	v30 =	vld [tilespmem:$0x1F650]  }
0x3cf: {  	v60 =	vld.idx.msk [tilespmem:v9+s13+$0x0], $0xffff;
	v4 =	vmul.f32 v0, v4  }
0x3d0: {  	v32 =	vld [tilespmem:$0x1F670]  }
0x3d1: {  	v5 =	vmul.f32 v1, v5;
	v4 =	vadd.f32 v63, v4  }
0x3d2: {  	v3 =	vand.u32 $0x7FFFFFFF, v3  }
0x3d3: {  	v8 =	vmul.f32 v0, v30;
	v2 =	vadd.f32 v2, v3;
	v3 =	vsub.f32 v4, v5;
	v4 =	vld [tilespmem:$0x1F6A0]  }
0x3d4: {  	v33 =	vld.idx.msk [tilespmem:v39+s13+$0x0], $0xffff  }
0x3d5: {  	v37 =	vld [tilespmem:$0x1F6C0];
	v6 =	vadd.f32 v60, v8;
	v8 =	vmul.f32 v1, v32  }
0x3d6: {  	v31 =	vld.idx.msk [tilespmem:v10+s13+$0x0], $0xffff  }
0x3d7: {  	v34 =	vld [tilespmem:$0x1F690];
	v6 =	vsub.f32 v6, v8  }
0x3d8: {  	v35 =	vld [tilespmem:$0x1F6B0];
	v4 =	vmul.f32 v0, v4  }
0x3d9: {  	v36 =	vld.idx.msk [tilespmem:v40+s13+$0x0], $0xffff;
	v6 =	vand.u32 $0x7FFFFFFF, v6  }
0x3da: {  	v40 =	vld [tilespmem:$0x1F6F0];
	v2 =	vadd.f32 v2, v6;
	v6 =	vmul.f32 v1, v37;
	v4 =	vadd.f32 v33, v4  }
0x3db: {  	v38 =	vld [tilespmem:$0x1F6D0];
	v3 =	vand.u32 $0x7FFFFFFF, v3  }
0x3dc: {  	v8 =	vmul.f32 v0, v34;
	v2 =	vadd.f32 v2, v3;
	v3 =	vsub.f32 v4, v6;
	v4 =	vld [tilespmem:$0x1F6E0]  }
0x3dd: {  	v5 =	vld.idx.msk [tilespmem:v11+s13+$0x0], $0xffff  }
0x3de: {  	v59 =	vld [tilespmem:$0x1F700];
	v7 =	vadd.f32 v31, v8;
	v8 =	vmul.f32 v1, v35;
	_ =	sdelay $0x1  }
0x3df: {  	v7 =	vsub.f32 v7, v8;
	v8 =	vmul.f32 v0, v38  }
0x3e0: {  	v4 =	vmul.f32 v0, v4  }
0x3e1: {  	v7 =	vand.u32 $0x7FFFFFFF, v7;
	v5 =	vadd.f32 v5, v8;
	v8 =	vmul.f32 v1, v40  }
0x3e2: {  	v2 =	vadd.f32 v2, v7;
	v7 =	vmul.f32 v1, v59;
	v4 =	vadd.f32 v36, v4  }
0x3e3: {  	v5 =	vsub.f32 v5, v8;
	v3 =	vand.u32 $0x7FFFFFFF, v3  }
0x3e4: {  	v2 =	vadd.f32 v2, v3;
	v3 =	vsub.f32 v4, v7;
	v4 =	vld [tilespmem:$0x1F720]  }
0x3e5: {  	v58 =	vld.idx.msk [tilespmem:v41+s13+$0x0], $0xffff;
	v5 =	vand.u32 $0x7FFFFFFF, v5  }
0x3e6: {  	v2 =	vadd.f32 v2, v5;
	v5 =	vld [tilespmem:$0x1F740];
	_ =	sdelay $0x1  }
0x3e7: {  	v60 =	vld [tilespmem:$0x1F710]  }
0x3e8: {  	v39 =	vld.idx.msk [tilespmem:v12+s13+$0x0], $0xffff;
	v4 =	vmul.f32 v0, v4  }
0x3e9: {  	v63 =	vld [tilespmem:$0x1F730]  }
0x3ea: {  	v5 =	vmul.f32 v1, v5;
	v4 =	vadd.f32 v58, v4  }
0x3eb: {  	v3 =	vand.u32 $0x7FFFFFFF, v3  }
0x3ec: {  	v8 =	vmul.f32 v0, v60;
	v2 =	vadd.f32 v2, v3;
	v3 =	vsub.f32 v4, v5;
	v4 =	vld [tilespmem:$0x1F760]  }
0x3ed: {  	v12 =	vld.idx.msk [tilespmem:v42+s13+$0x0], $0xffff  }
0x3ee: {  	v30 =	vld [tilespmem:$0x1F780];
	v6 =	vadd.f32 v39, v8;
	v8 =	vmul.f32 v1, v63  }
0x3ef: {  	v61 =	vld.idx.msk [tilespmem:v13+s13+$0x0], $0xffff  }
0x3f0: {  	v13 =	vld [tilespmem:$0x1F750];
	v6 =	vsub.f32 v6, v8  }
0x3f1: {  	v5 =	vld.idx.msk [tilespmem:v14+s13+$0x0], $0xffff;
	v4 =	vmul.f32 v0, v4  }
0x3f2: {  	v6 =	vand.u32 $0x7FFFFFFF, v6;
	v14 =	vld [tilespmem:$0x1F770]  }
0x3f3: {  	v29 =	vld.idx.msk [tilespmem:v43+s13+$0x0], $0xffff;
	v2 =	vadd.f32 v2, v6;
	v6 =	vmul.f32 v1, v30;
	v4 =	vadd.f32 v12, v4  }
0x3f4: {  	v31 =	vld [tilespmem:$0x1F790];
	v3 =	vand.u32 $0x7FFFFFFF, v3  }
0x3f5: {  	v8 =	vmul.f32 v0, v13;
	v2 =	vadd.f32 v2, v3;
	v3 =	vsub.f32 v4, v6;
	v4 =	vld [tilespmem:$0x1F7A0]  }
0x3f6: {  	v33 =	vld [tilespmem:$0x1F7B0]  }
0x3f7: {  	v35 =	vld [tilespmem:$0x1F7C0];
	v7 =	vadd.f32 v61, v8;
	v8 =	vmul.f32 v1, v14;
	_ =	sdelay $0x1  }
0x3f8: {  	v7 =	vsub.f32 v7, v8;
	v8 =	vmul.f32 v0, v31  }
0x3f9: {  	v4 =	vmul.f32 v0, v4  }
0x3fa: {  	v5 =	vadd.f32 v5, v8;
	v8 =	vmul.f32 v1, v33;
	v7 =	vand.u32 $0x7FFFFFFF, v7  }
0x3fb: {  	v2 =	vadd.f32 v2, v7;
	v7 =	vmul.f32 v1, v35;
	v4 =	vadd.f32 v29, v4  }
0x3fc: {  	v5 =	vsub.f32 v5, v8;
	v3 =	vand.u32 $0x7FFFFFFF, v3  }
0x3fd: {  	v2 =	vadd.f32 v2, v3;
	v3 =	vsub.f32 v4, v7;
	v4 =	vld [tilespmem:$0x1F7E0]  }
0x3fe: {  	v34 =	vld.idx.msk [tilespmem:v44+s13+$0x0], $0xffff;
	v5 =	vand.u32 $0x7FFFFFFF, v5  }
0x3ff: {  	v2 =	vadd.f32 v2, v5;
	v5 =	vld [tilespmem:$0x1F800];
	_ =	sdelay $0x1  }
0x400: {  	v36 =	vld [tilespmem:$0x1F7D0]  }
0x401: {  	v32 =	vld.idx.msk [tilespmem:v15+s13+$0x0], $0xffff;
	v4 =	vmul.f32 v0, v4  }
0x402: {  	v38 =	vld [tilespmem:$0x1F7F0]  }
0x403: {  	v5 =	vmul.f32 v1, v5;
	v4 =	vadd.f32 v34, v4  }
0x404: {  	v3 =	vand.u32 $0x7FFFFFFF, v3  }
0x405: {  	v8 =	vmul.f32 v0, v36;
	v2 =	vadd.f32 v2, v3;
	v3 =	vsub.f32 v4, v5;
	v4 =	vld [tilespmem:$0x1F820]  }
0x406: {  	v43 =	vld [tilespmem:$0x1F840]  }
0x407: {  	v39 =	vld.idx.msk [tilespmem:v45+s13+$0x0], $0xffff;
	v6 =	vadd.f32 v32, v8;
	v8 =	vmul.f32 v1, v38  }
0x408: {  	v42 =	vld.idx.msk [tilespmem:v46+s13+$0x0], $0xffff  }
0x409: {  	v40 =	vld [tilespmem:$0x1F810];
	v6 =	vsub.f32 v6, v8  }
0x40a: {  	v41 =	vld [tilespmem:$0x1F830];
	v4 =	vmul.f32 v0, v4  }
0x40b: {  	v37 =	vld.idx.msk [tilespmem:v16+s13+$0x0], $0xffff;
	v6 =	vand.u32 $0x7FFFFFFF, v6  }
0x40c: {  	v46 =	vld [tilespmem:$0x1F870];
	v2 =	vadd.f32 v2, v6;
	v6 =	vmul.f32 v1, v43;
	v4 =	vadd.f32 v39, v4  }
0x40d: {  	v44 =	vld [tilespmem:$0x1F850];
	v3 =	vand.u32 $0x7FFFFFFF, v3  }
0x40e: {  	v8 =	vmul.f32 v0, v40;
	v2 =	vadd.f32 v2, v3;
	v3 =	vsub.f32 v4, v6;
	v4 =	vld [tilespmem:$0x1F860]  }
0x40f: {  	v5 =	vld.idx.msk [tilespmem:v17+s13+$0x0], $0xffff  }
0x410: {  	v58 =	vld [tilespmem:$0x1F880];
	v7 =	vadd.f32 v37, v8;
	v8 =	vmul.f32 v1, v41;
	_ =	sdelay $0x1  }
0x411: {  	v7 =	vsub.f32 v7, v8;
	v8 =	vmul.f32 v0, v44  }
0x412: {  	v4 =	vmul.f32 v0, v4  }
0x413: {  	v7 =	vand.u32 $0x7FFFFFFF, v7;
	v5 =	vadd.f32 v5, v8;
	v8 =	vmul.f32 v1, v46  }
0x414: {  	v2 =	vadd.f32 v2, v7;
	v7 =	vmul.f32 v1, v58;
	v4 =	vadd.f32 v42, v4  }
0x415: {  	v5 =	vsub.f32 v5, v8;
	v3 =	vand.u32 $0x7FFFFFFF, v3  }
0x416: {  	v2 =	vadd.f32 v2, v3;
	v3 =	vsub.f32 v4, v7;
	v4 =	vld [tilespmem:$0x1F8A0]  }
0x417: {  	v47 =	vld.idx.msk [tilespmem:v47+s13+$0x0], $0xffff;
	v5 =	vand.u32 $0x7FFFFFFF, v5  }
0x418: {  	v2 =	vadd.f32 v2, v5;
	v5 =	vld [tilespmem:$0x1F8C0];
	_ =	sdelay $0x1  }
0x419: {  	v59 =	vld [tilespmem:$0x1F890]  }
0x41a: {  	v45 =	vld.idx.msk [tilespmem:v18+s13+$0x0], $0xffff;
	v4 =	vmul.f32 v0, v4  }
0x41b: {  	v61 =	vld [tilespmem:$0x1F8B0]  }
0x41c: {  	v5 =	vmul.f32 v1, v5;
	v4 =	vadd.f32 v47, v4  }
0x41d: {  	v3 =	vand.u32 $0x7FFFFFFF, v3  }
0x41e: {  	v8 =	vmul.f32 v0, v59;
	v2 =	vadd.f32 v2, v3;
	v3 =	vsub.f32 v4, v5;
	v4 =	vld [tilespmem:$0x1F8E0]  }
0x41f: {  	v15 =	vld [tilespmem:$0x1F900]  }
0x420: {  	v63 =	vld.idx.msk [tilespmem:v48+s13+$0x0], $0xffff;
	v6 =	vadd.f32 v45, v8;
	v8 =	vmul.f32 v1, v61  }
0x421: {  	v16 =	vld [tilespmem:$0x1F910]  }
0x422: {  	v12 =	vld [tilespmem:$0x1F8D0];
	v6 =	vsub.f32 v6, v8  }
0x423: {  	v60 =	vld.idx.msk [tilespmem:v19+s13+$0x0], $0xffff;
	v4 =	vmul.f32 v0, v4  }
0x424: {  	v13 =	vld [tilespmem:$0x1F8F0];
	v6 =	vand.u32 $0x7FFFFFFF, v6  }
0x425: {  	v18 =	vld [tilespmem:$0x1F930];
	v2 =	vadd.f32 v2, v6;
	v6 =	vmul.f32 v1, v15;
	v4 =	vadd.f32 v63, v4  }
0x426: {  	v14 =	vld.idx.msk [tilespmem:v49+s13+$0x0], $0xffff;
	v3 =	vand.u32 $0x7FFFFFFF, v3  }
0x427: {  	v8 =	vmul.f32 v0, v12;
	v2 =	vadd.f32 v2, v3;
	v3 =	vsub.f32 v4, v6;
	v4 =	vld [tilespmem:$0x1F920]  }
0x428: {  	v5 =	vld.idx.msk [tilespmem:v20+s13+$0x0], $0xffff  }
0x429: {  	v7 =	vadd.f32 v60, v8;
	v8 =	vmul.f32 v1, v13;
	v20 =	vld [tilespmem:$0x1F940];
	_ =	sdelay $0x1  }
0x42a: {  	v7 =	vsub.f32 v7, v8;
	v8 =	vmul.f32 v0, v16  }
0x42b: {  	v4 =	vmul.f32 v0, v4  }
0x42c: {  	v7 =	vand.u32 $0x7FFFFFFF, v7;
	v5 =	vadd.f32 v5, v8;
	v8 =	vmul.f32 v1, v18  }
0x42d: {  	v2 =	vadd.f32 v2, v7;
	v7 =	vmul.f32 v1, v20;
	v4 =	vadd.f32 v14, v4  }
0x42e: {  	v5 =	vsub.f32 v5, v8;
	v3 =	vand.u32 $0x7FFFFFFF, v3  }
0x42f: {  	v2 =	vadd.f32 v2, v3;
	v3 =	vsub.f32 v4, v7;
	v4 =	vld [tilespmem:$0x1F960]  }
0x430: {  	v19 =	vld.idx.msk [tilespmem:v50+s13+$0x0], $0xffff;
	v5 =	vand.u32 $0x7FFFFFFF, v5  }
0x431: {  	v2 =	vadd.f32 v2, v5;
	v5 =	vld [tilespmem:$0x1F980]  }
0x432: {  	v17 =	vld.idx.msk [tilespmem:v21+s13+$0x0], $0xffff  }
0x433: {  	v21 =	vld [tilespmem:$0x1F950]  }
0x434: {  	v4 =	vmul.f32 v0, v4  }
0x435: {  	v30 =	vld [tilespmem:$0x1F970]  }
0x436: {  	v5 =	vmul.f32 v1, v5;
	v4 =	vadd.f32 v19, v4  }
0x437: {  	v3 =	vand.u32 $0x7FFFFFFF, v3  }
0x438: {  	v8 =	vmul.f32 v0, v21;
	v2 =	vadd.f32 v2, v3;
	v3 =	vsub.f32 v4, v5;
	v4 =	vld [tilespmem:$0x1F9A0]  }
0x439: {  	v31 =	vld.idx.msk [tilespmem:v51+s13+$0x0], $0xffff  }
0x43a: {  	v35 =	vld [tilespmem:$0x1F9C0];
	v6 =	vadd.f32 v17, v8;
	v8 =	vmul.f32 v1, v30  }
0x43b: {  	v33 =	vld [tilespmem:$0x1F9B0]  }
0x43c: {  	v32 =	vld [tilespmem:$0x1F990];
	v6 =	vsub.f32 v6, v8  }
0x43d: {  	v36 =	vld [tilespmem:$0x1F9D0];
	v4 =	vmul.f32 v0, v4  }
0x43e: {  	v29 =	vld.idx.msk [tilespmem:v22+s13+$0x0], $0xffff;
	v6 =	vand.u32 $0x7FFFFFFF, v6  }
0x43f: {  	v38 =	vld [tilespmem:$0x1F9F0];
	v2 =	vadd.f32 v2, v6;
	v6 =	vmul.f32 v1, v35;
	v4 =	vadd.f32 v31, v4  }
0x440: {  	v40 =	vld [tilespmem:$0x1FA00];
	v3 =	vand.u32 $0x7FFFFFFF, v3  }
0x441: {  	v8 =	vmul.f32 v0, v32;
	v2 =	vadd.f32 v2, v3;
	v3 =	vsub.f32 v4, v6;
	v4 =	vld [tilespmem:$0x1F9E0]  }
0x442: {  	v5 =	vld.idx.msk [tilespmem:v23+s13+$0x0], $0xffff  }
0x443: {  	v34 =	vld.idx.msk [tilespmem:v52+s13+$0x0], $0xffff;
	v7 =	vadd.f32 v29, v8;
	v8 =	vmul.f32 v1, v33;
	_ =	sdelay $0x1  }
0x444: {  	v7 =	vsub.f32 v7, v8;
	v8 =	vmul.f32 v0, v36  }
0x445: {  	v4 =	vmul.f32 v0, v4  }
0x446: {  	v7 =	vand.u32 $0x7FFFFFFF, v7;
	v5 =	vadd.f32 v5, v8;
	v8 =	vmul.f32 v1, v38  }
0x447: {  	v2 =	vadd.f32 v2, v7;
	v7 =	vmul.f32 v1, v40;
	v4 =	vadd.f32 v34, v4  }
0x448: {  	v5 =	vsub.f32 v5, v8;
	v3 =	vand.u32 $0x7FFFFFFF, v3  }
0x449: {  	v2 =	vadd.f32 v2, v3;
	v3 =	vsub.f32 v4, v7;
	v4 =	vld [tilespmem:$0x1FA20]  }
0x44a: {  	v39 =	vld.idx.msk [tilespmem:v53+s13+$0x0], $0xffff;
	v5 =	vand.u32 $0x7FFFFFFF, v5  }
0x44b: {  	v2 =	vadd.f32 v2, v5;
	v5 =	vld [tilespmem:$0x1FA40];
	_ =	sdelay $0x1  }
0x44c: {  	v41 =	vld [tilespmem:$0x1FA10]  }
0x44d: {  	v37 =	vld.idx.msk [tilespmem:v24+s13+$0x0], $0xffff;
	v4 =	vmul.f32 v0, v4  }
0x44e: {  	v43 =	vld [tilespmem:$0x1FA30]  }
0x44f: {  	v5 =	vmul.f32 v1, v5;
	v4 =	vadd.f32 v39, v4  }
0x450: {  	v3 =	vand.u32 $0x7FFFFFFF, v3  }
0x451: {  	v8 =	vmul.f32 v0, v41;
	v2 =	vadd.f32 v2, v3;
	v3 =	vsub.f32 v4, v5;
	v4 =	vld [tilespmem:$0x1FA60]  }
0x452: {  	v48 =	vld [tilespmem:$0x1FA80]  }
0x453: {  	v44 =	vld.idx.msk [tilespmem:v54+s13+$0x0], $0xffff;
	v6 =	vadd.f32 v37, v8;
	v8 =	vmul.f32 v1, v43  }
0x454: {  	v49 =	vld [tilespmem:$0x1FA90]  }
0x455: {  	v45 =	vld [tilespmem:$0x1FA50];
	v6 =	vsub.f32 v6, v8  }
0x456: {  	v46 =	vld [tilespmem:$0x1FA70];
	v4 =	vmul.f32 v0, v4  }
0x457: {  	v42 =	vld.idx.msk [tilespmem:v25+s13+$0x0], $0xffff;
	v6 =	vand.u32 $0x7FFFFFFF, v6  }
0x458: {  	v51 =	vld [tilespmem:$0x1FAB0];
	v2 =	vadd.f32 v2, v6;
	v6 =	vmul.f32 v1, v48;
	v4 =	vadd.f32 v44, v4  }
0x459: {  	v53 =	vld [tilespmem:$0x1FAC0];
	v3 =	vand.u32 $0x7FFFFFFF, v3  }
0x45a: {  	v8 =	vmul.f32 v0, v45;
	v2 =	vadd.f32 v2, v3;
	v3 =	vsub.f32 v4, v6;
	v4 =	vld [tilespmem:$0x1FAA0]  }
0x45b: {  	v5 =	vld.idx.msk [tilespmem:v26+s13+$0x0], $0xffff  }
0x45c: {  	v47 =	vld.idx.msk [tilespmem:v55+s13+$0x0], $0xffff;
	v7 =	vadd.f32 v42, v8;
	v8 =	vmul.f32 v1, v46;
	_ =	sdelay $0x1  }
0x45d: {  	v7 =	vsub.f32 v7, v8;
	v8 =	vmul.f32 v0, v49  }
0x45e: {  	v4 =	vmul.f32 v0, v4  }
0x45f: {  	v7 =	vand.u32 $0x7FFFFFFF, v7;
	v5 =	vadd.f32 v5, v8;
	v8 =	vmul.f32 v1, v51  }
0x460: {  	v50 =	vld.idx.msk [tilespmem:v27+s13+$0x0], $0xffff;
	v2 =	vadd.f32 v2, v7;
	v7 =	vmul.f32 v1, v53;
	v4 =	vadd.f32 v47, v4  }
0x461: {  	v54 =	vld [tilespmem:$0x1FAD0];
	v5 =	vsub.f32 v5, v8;
	v3 =	vand.u32 $0x7FFFFFFF, v3  }
0x462: {  	v2 =	vadd.f32 v2, v3;
	v3 =	vsub.f32 v4, v7;
	v4 =	vld [tilespmem:$0x1FAE0]  }
0x463: {  	v52 =	vld.idx.msk [tilespmem:v56+s13+$0x0], $0xffff;
	v5 =	vand.u32 $0x7FFFFFFF, v5  }
0x464: {  	v2 =	vadd.f32 v2, v5;
	v5 =	vld [tilespmem:$0x1FB00]  }
0x465: {  	v56 =	vld [tilespmem:$0x1FAF0]  }
0x466: {  	v58 =	vld.idx.msk [tilespmem:v57+s13+$0x0], $0xffff  }
0x467: {  	v59 =	vld [tilespmem:$0x1FB10];
	v4 =	vmul.f32 v0, v4  }
0x468: {  	v61 =	vld [tilespmem:$0x1FB40]  }
0x469: {  	v60 =	vld [tilespmem:$0x1FB30];
	v5 =	vmul.f32 v1, v5;
	v4 =	vadd.f32 v52, v4  }
0x46a: {  	v55 =	vld.idx.msk [tilespmem:v28+s13+$0x0], $0xffff;
	v8 =	vmul.f32 v0, v54;
	v3 =	vand.u32 $0x7FFFFFFF, v3  }
0x46b: {  	v2 =	vadd.f32 v2, v3;
	v3 =	vsub.f32 v4, v5;
	v4 =	vld [tilespmem:$0x1FB20]  }
0x46c: {  	v6 =	vadd.f32 v50, v8;
	v8 =	vmul.f32 v1, v56;
	v5 =	vld.idx.msk [tilespmem:v62+s13+$0x0], $0xffff  }
0x46d: {  	v62 =	vld [tilespmem:$0x1FB50]  }
0x46e: {  	v6 =	vsub.f32 v6, v8;
	v8 =	vmul.f32 v0, v59  }
0x46f: {  	v63 =	vld [tilespmem:$0x1FB60]  }
0x470: {  	v6 =	vand.u32 $0x7FFFFFFF, v6;
	v7 =	vadd.f32 v55, v8;
	v4 =	vmul.f32 v0, v4  }
0x471: {  	v8 =	vmul.f32 v1, v60;
	v2 =	vadd.f32 v2, v6;
	v6 =	vmul.f32 v1, v61  }
0x472: {  	v3 =	vand.u32 $0x7FFFFFFF, v3;
	v0 =	vmul.f32 v0, v62;
	v4 =	vadd.f32 v58, v4  }
0x473: {  	v7 =	vsub.f32 v7, v8;
	v2 =	vadd.f32 v2, v3  }
0x474: {  	v1 =	vmul.f32 v1, v63;
	v3 =	vsub.f32 v4, v6;
	v4 =	vadd.f32 v5, v0  }
0x475: {  	v0 =	vand.u32 $0x7FFFFFFF, v7  }
0x476: {  	v0 =	vadd.f32 v2, v0;
	v2 =	vsub.f32 v4, v1;
	v1 =	vld [tilespmem:$0x1FFA0];
	_ =	sdelay $0x1  }
0x477: {  	s31 =	simm.s32 $0x20  }
0x478: {  	v5 =	vmov s31  }
0x479: {  	v5 =	vshll.u32 v5, $0x6  }
0x47a: {  	s23 =	simm.s32 $0x30;
	s22 =	smov.u32 s20;
	v3 =	vand.u32 $0x7FFFFFFF, v3;
	v1 =	vor.u32 v1, v5  }
.LBB2_3:
0x47b: {  	v0 =	vadd.f32 v0, v3  }
0x47c: {  	v2 =	vand.u32 $0x7FFFFFFF, v2  }
0x47d: {  	v0 =	vadd.f32 v0, v2  }
0x47e: {  	s22 =	sadd.s32 $0x10, s22  }
0x47f: {  	[tilespmem:s22+$0x0] =	vst v0;
	v0 =	vld [tilespmem:$0x1FEA0];
	_ =	sdelay $0x3  }
0x480: {  	v4 =	vld [tilespmem:$0x1FFB0]  }
0x481: {  	v44 =	vor.u32 v0, v1;
	v0 =	vld [tilespmem:$0x1FEB0]  }
0x482: {  	v3 =	vlaneseq.u32  }
0x483: {  	v43 =	vor.u32 v3, v1;
	v2 =	vld [tilespmem:$0x1FFD0];
	_ =	sdelay $0x1  }
0x484: {  	v63 =	vor.u32 v4, v1  }
0x485: {  	v45 =	vor.u32 v0, v1;
	v0 =	vld [tilespmem:$0x1FEC0];
	_ =	sdelay $0x1  }
0x486: {  	v5 =	vld.idx.msk [tilespmem:v43+s12+$0x0], $0xffff;
	v42 =	vor.u32 v2, v1  }
0x487: {  	v7 =	vld.idx.msk [tilespmem:v43+s14+$0x0], $0xffff  }
0x488: {  	v4 =	vld.idx.msk [tilespmem:v63+s14+$0x0], $0xffff  }
0x489: {  	v62 =	vor.u32 v0, v1;
	v0 =	vld [tilespmem:$0x1FED0]  }
0x48a: {  	v2 =	vld.idx.msk [tilespmem:v63+s12+$0x0], $0xffff  }
0x48b: {  	v8 =	vld.idx.msk [tilespmem:v42+s12+$0x0], $0xffff  }
0x48c: {  	v9 =	vld.idx.msk [tilespmem:v42+s14+$0x0], $0xffff  }
0x48d: {  	[tilespmem:$0x1E110] =	vst v5;
	v12 =	vld.idx.msk [tilespmem:v44+s12+$0x0], $0xffff  }
0x48e: {  	[tilespmem:$0x1E130] =	vst v7;
	v3 =	vor.u32 v0, v1;
	v0 =	vld [tilespmem:$0x1FEE0]  }
0x48f: {  	v10 =	vld.idx.msk [tilespmem:v44+s14+$0x0], $0xffff;
	[tilespmem:$0x1E150] =	vst v4  }
0x490: {  	v5 =	vand.u32 $0x7FFFFFFF, v5;
	[tilespmem:$0x1E120] =	vst v2;
	v6 =	vand.u32 $0x7FFFFFFF, v2;
	v14 =	vld.idx.msk [tilespmem:v45+s12+$0x0], $0xffff  }
0x491: {  	v7 =	vand.u32 $0x7FFFFFFF, v7;
	v24 =	vand.u32 $0x7FFFFFFF, v4;
	v5 =	vadd.f32 v6, v5;
	[tilespmem:$0x1E140] =	vst v8;
	v11 =	vld.idx.msk [tilespmem:v45+s14+$0x0], $0xffff  }
0x492: {  	v6 =	vadd.f32 v24, v7;
	[tilespmem:$0x1E180] =	vst v9;
	v25 =	vand.u32 $0x7FFFFFFF, v8;
	v15 =	vld.idx.msk [tilespmem:v62+s12+$0x0], $0xffff  }
0x493: {  	v7 =	vadd.f32 v25, v5;
	[tilespmem:$0x1E160] =	vst v12;
	v5 =	vld.idx.msk [tilespmem:v62+s14+$0x0], $0xffff;
	v2 =	vor.u32 v0, v1  }
0x494: {  	[tilespmem:$0x1E190] =	vst v10;
	v0 =	vld [tilespmem:$0x1FF00]  }
0x495: {  	[tilespmem:$0x1E170] =	vst v14  }
0x496: {  	[tilespmem:$0x1E1C0] =	vst v11;
	v28 =	vld.idx.msk [tilespmem:v3+s12+$0x0], $0xffff  }
0x497: {  	[tilespmem:$0x1E1B0] =	vst v3;
	v13 =	vld.idx.msk [tilespmem:v3+s14+$0x0], $0xffff  }
0x498: {  	[tilespmem:$0x1E1A0] =	vst v15;
	v31 =	vld.idx.msk [tilespmem:v2+s12+$0x0], $0xffff  }
0x499: {  	[tilespmem:$0x1E1F0] =	vst v5;
	v4 =	vor.u32 v0, v1;
	v0 =	vld [tilespmem:$0x1FF20]  }
0x49a: {  	[tilespmem:$0x1E1E0] =	vst v2  }
0x49b: {  	[tilespmem:$0x1E1D0] =	vst v28  }
0x49c: {  	[tilespmem:$0x1E220] =	vst v13  }
0x49d: {  	[tilespmem:$0x1E200] =	vst v31  }
0x49e: {  	v3 =	vor.u32 v0, v1;
	v0 =	vld [tilespmem:$0x1FF40];
	_ =	sdelay $0x4  }
0x49f: {  	v33 =	vor.u32 v0, v1;
	v0 =	vld [tilespmem:$0x1FF50];
	_ =	sdelay $0x4  }
0x4a0: {  	v36 =	vand.u32 $0x7FFFFFFF, v5;
	v5 =	vor.u32 v0, v1;
	v0 =	vld [tilespmem:$0x1FF60];
	_ =	sdelay $0x4  }
0x4a1: {  	v2 =	vld.idx.msk [tilespmem:v2+s14+$0x0], $0xffff;
	v40 =	vor.u32 v0, v1;
	v0 =	vmov v33;
	_ =	sdelay $0x4  }
0x4a2: {  	[tilespmem:$0x1E250] =	vst v2;
	v46 =	vand.u32 $0x7FFFFFFF, v2;
	v2 =	vld.idx.msk [tilespmem:v0+s14+$0x0], $0xffff  }
0x4a3: {  	v0 =	vld [tilespmem:$0x1FF70];
	_ =	sdelay $0x3  }
0x4a4: {  	v35 =	vld.idx.msk [tilespmem:v4+s12+$0x0], $0xffff  }
0x4a5: {  	[tilespmem:$0x1E210] =	vst v4;
	v4 =	vld.idx.msk [tilespmem:v4+s14+$0x0], $0xffff;
	v47 =	vor.u32 v0, v1;
	v0 =	vmov v5;
	_ =	sdelay $0x4  }
0x4a6: {  	[tilespmem:$0x1E280] =	vst v4;
	v49 =	vand.u32 $0x7FFFFFFF, v4;
	v4 =	vld.idx.msk [tilespmem:v0+s14+$0x0], $0xffff  }
0x4a7: {  	v0 =	vld [tilespmem:$0x1FF80];
	_ =	sdelay $0x2  }
0x4a8: {  	v26 =	vand.u32 $0x7FFFFFFF, v9  }
0x4a9: {  	v8 =	vadd.f32 v26, v6;
	v38 =	vld.idx.msk [tilespmem:v3+s12+$0x0], $0xffff  }
0x4aa: {  	v29 =	vand.u32 $0x7FFFFFFF, v10;
	[tilespmem:$0x1E240] =	vst v3;
	v3 =	vld.idx.msk [tilespmem:v3+s14+$0x0], $0xffff;
	v50 =	vor.u32 v0, v1;
	v0 =	vmov v40  }
0x4ab: {  	v27 =	vand.u32 $0x7FFFFFFF, v12;
	v8 =	vadd.f32 v29, v8  }
0x4ac: {  	v7 =	vadd.f32 v27, v7;
	v32 =	vand.u32 $0x7FFFFFFF, v11  }
0x4ad: {  	v30 =	vand.u32 $0x7FFFFFFF, v14;
	v10 =	vadd.f32 v32, v8  }
0x4ae: {  	v9 =	vadd.f32 v30, v7  }
0x4af: {  	v34 =	vand.u32 $0x7FFFFFFF, v15;
	v10 =	vadd.f32 v36, v10;
	[tilespmem:$0x1E2B0] =	vst v3;
	v52 =	vand.u32 $0x7FFFFFFF, v3;
	v3 =	vld.idx.msk [tilespmem:v0+s14+$0x0], $0xffff  }
0x4b0: {  	v9 =	vadd.f32 v34, v9;
	v39 =	vand.u32 $0x7FFFFFFF, v13;
	v0 =	vld [tilespmem:$0x1FF90]  }
0x4b1: {  	v37 =	vand.u32 $0x7FFFFFFF, v28;
	v12 =	vadd.f32 v39, v10  }
0x4b2: {  	v11 =	vadd.f32 v37, v9  }
0x4b3: {  	v41 =	vand.u32 $0x7FFFFFFF, v31;
	v12 =	vadd.f32 v46, v12  }
0x4b4: {  	v11 =	vadd.f32 v41, v11;
	v6 =	vld.idx.msk [tilespmem:v33+s12+$0x0], $0xffff  }
0x4b5: {  	v48 =	vand.u32 $0x7FFFFFFF, v35;
	v14 =	vadd.f32 v49, v12;
	v12 =	vor.u32 v0, v1;
	v0 =	vld [tilespmem:$0x1FFC0]  }
0x4b6: {  	v13 =	vadd.f32 v48, v11  }
0x4b7: {  	v51 =	vand.u32 $0x7FFFFFFF, v38  }
0x4b8: {  	v13 =	vadd.f32 v51, v13  }
0x4b9: {  	v53 =	vand.u32 $0x7FFFFFFF, v6  }
0x4ba: {  	v15 =	vadd.f32 v53, v13;
	v13 =	vor.u32 v0, v1;
	v0 =	vld [tilespmem:$0x1FFE0];
	_ =	sdelay $0x1  }
0x4bb: {  	[tilespmem:$0x1E2A0] =	vst v5;
	v5 =	vld.idx.msk [tilespmem:v5+s12+$0x0], $0xffff  }
0x4bc: {  	v14 =	vadd.f32 v52, v14  }
0x4bd: {  	v7 =	vld.idx.msk [tilespmem:v40+s12+$0x0], $0xffff;
	v16 =	vand.u32 $0x7FFFFFFF, v2  }
0x4be: {  	v16 =	vadd.f32 v16, v14;
	v14 =	vor.u32 v0, v1;
	v0 =	vld [tilespmem:$0x1FEF0];
	_ =	sdelay $0x1  }
0x4bf: {  	v55 =	vand.u32 $0x7FFFFFFF, v5  }
0x4c0: {  	v15 =	vadd.f32 v55, v15  }
0x4c1: {  	v56 =	vand.u32 $0x7FFFFFFF, v7;
	v17 =	vand.u32 $0x7FFFFFFF, v4  }
0x4c2: {  	v16 =	vadd.f32 v17, v16;
	v17 =	vadd.f32 v56, v15;
	v15 =	vor.u32 v0, v1;
	v0 =	vld [tilespmem:$0x1FF10];
	_ =	sdelay $0x1  }
0x4c3: {  	v54 =	vld.idx.msk [tilespmem:v47+s12+$0x0], $0xffff  }
0x4c4: {  	[tilespmem:$0x1E2E0] =	vst v2;
	v2 =	vld.idx.msk [tilespmem:v47+s14+$0x0], $0xffff  }
0x4c5: {  	[tilespmem:$0x1E2C0] =	vst v5;
	v5 =	vld.idx.msk [tilespmem:v50+s12+$0x0], $0xffff;
	v18 =	vand.u32 $0x7FFFFFFF, v3  }
0x4c6: {  	v18 =	vadd.f32 v18, v16;
	v16 =	vor.u32 v0, v1;
	v0 =	vld [tilespmem:$0x1FF30];
	_ =	sdelay $0x1  }
0x4c7: {  	v58 =	vand.u32 $0x7FFFFFFF, v54  }
0x4c8: {  	v17 =	vadd.f32 v58, v17  }
0x4c9: {  	[tilespmem:$0x1E310] =	vst v4;
	v19 =	vand.u32 $0x7FFFFFFF, v2;
	v4 =	vld.idx.msk [tilespmem:v50+s14+$0x0], $0xffff;
	v60 =	vand.u32 $0x7FFFFFFF, v5  }
0x4ca: {  	v18 =	vadd.f32 v19, v18;
	v19 =	vadd.f32 v60, v17;
	v17 =	vor.u32 v0, v1;
	v0 =	vld [tilespmem:$0x1FFF0];
	_ =	sdelay $0x1  }
0x4cb: {  	v57 =	vld.idx.msk [tilespmem:v12+s12+$0x0], $0xffff  }
0x4cc: {  	[tilespmem:$0x1E340] =	vst v3;
	v3 =	vld.idx.msk [tilespmem:v12+s14+$0x0], $0xffff  }
0x4cd: {  	v20 =	vand.u32 $0x7FFFFFFF, v4;
	v59 =	vld.idx.msk [tilespmem:v13+s12+$0x0], $0xffff  }
0x4ce: {  	v20 =	vadd.f32 v20, v18;
	v18 =	vor.u32 v0, v1;
	v0 =	vld [tilespmem:$0x1FB70];
	_ =	sdelay $0x1  }
0x4cf: {  	v61 =	vand.u32 $0x7FFFFFFF, v57  }
0x4d0: {  	v19 =	vadd.f32 v61, v19  }
0x4d1: {  	[tilespmem:$0x1E360] =	vst v2;
	v2 =	vld.idx.msk [tilespmem:v13+s14+$0x0], $0xffff;
	v21 =	vand.u32 $0x7FFFFFFF, v3;
	v10 =	vand.u32 $0x7FFFFFFF, v59  }
0x4d2: {  	v20 =	vadd.f32 v21, v20;
	v21 =	vadd.f32 v10, v19;
	v19 =	vor.u32 v0, v1;
	v0 =	vld [tilespmem:$0x1FB80];
	_ =	sdelay $0x1  }
0x4d3: {  	[tilespmem:$0x1E350] =	vst v5;
	v5 =	vld.idx.msk [tilespmem:v14+s12+$0x0], $0xffff  }
0x4d4: {  	[tilespmem:$0x1E380] =	vst v4;
	v4 =	vld.idx.msk [tilespmem:v14+s14+$0x0], $0xffff  }
0x4d5: {  	v22 =	vand.u32 $0x7FFFFFFF, v2;
	v9 =	vld.idx.msk [tilespmem:v15+s12+$0x0], $0xffff  }
0x4d6: {  	v22 =	vadd.f32 v22, v20;
	v20 =	vor.u32 v0, v1;
	v0 =	vld [tilespmem:$0x1FB90];
	_ =	sdelay $0x1  }
0x4d7: {  	v26 =	vand.u32 $0x7FFFFFFF, v5  }
0x4d8: {  	v21 =	vadd.f32 v26, v21  }
0x4d9: {  	[tilespmem:$0x1E3A0] =	vst v3;
	v3 =	vld.idx.msk [tilespmem:v15+s14+$0x0], $0xffff;
	v23 =	vand.u32 $0x7FFFFFFF, v4;
	v27 =	vand.u32 $0x7FFFFFFF, v9  }
0x4da: {  	v22 =	vadd.f32 v23, v22;
	v23 =	vadd.f32 v27, v21;
	v21 =	vor.u32 v0, v1;
	v0 =	vld [tilespmem:$0x1FBA0];
	_ =	sdelay $0x1  }
0x4db: {  	v11 =	vld.idx.msk [tilespmem:v16+s12+$0x0], $0xffff  }
0x4dc: {  	[tilespmem:$0x1E3C0] =	vst v2;
	v2 =	vld.idx.msk [tilespmem:v16+s14+$0x0], $0xffff  }
0x4dd: {  	[tilespmem:$0x1E3B0] =	vst v5;
	v24 =	vand.u32 $0x7FFFFFFF, v3;
	v5 =	vld.idx.msk [tilespmem:v17+s12+$0x0], $0xffff  }
0x4de: {  	v24 =	vadd.f32 v24, v22;
	v22 =	vor.u32 v0, v1;
	v0 =	vld [tilespmem:$0x1FBB0];
	_ =	sdelay $0x1  }
0x4df: {  	v29 =	vand.u32 $0x7FFFFFFF, v11  }
0x4e0: {  	v23 =	vadd.f32 v29, v23  }
0x4e1: {  	[tilespmem:$0x1E3E0] =	vst v4;
	v4 =	vld.idx.msk [tilespmem:v17+s14+$0x0], $0xffff;
	v25 =	vand.u32 $0x7FFFFFFF, v2;
	v31 =	vand.u32 $0x7FFFFFFF, v5  }
0x4e2: {  	v24 =	vadd.f32 v25, v24;
	v25 =	vadd.f32 v31, v23;
	v23 =	vor.u32 v0, v1;
	v0 =	vld [tilespmem:$0x1FBC0];
	_ =	sdelay $0x1  }
0x4e3: {  	v28 =	vld.idx.msk [tilespmem:v18+s12+$0x0], $0xffff  }
0x4e4: {  	[tilespmem:$0x1E400] =	vst v3;
	v3 =	vld.idx.msk [tilespmem:v18+s14+$0x0], $0xffff  }
0x4e5: {  	v26 =	vand.u32 $0x7FFFFFFF, v4;
	v30 =	vld.idx.msk [tilespmem:v19+s12+$0x0], $0xffff  }
0x4e6: {  	v26 =	vadd.f32 v26, v24;
	v24 =	vor.u32 v0, v1;
	v0 =	vld [tilespmem:$0x1FBD0];
	_ =	sdelay $0x1  }
0x4e7: {  	v32 =	vand.u32 $0x7FFFFFFF, v28  }
0x4e8: {  	v25 =	vadd.f32 v32, v25  }
0x4e9: {  	[tilespmem:$0x1E420] =	vst v2;
	v2 =	vld.idx.msk [tilespmem:v19+s14+$0x0], $0xffff;
	v27 =	vand.u32 $0x7FFFFFFF, v3;
	v34 =	vand.u32 $0x7FFFFFFF, v30  }
0x4ea: {  	v26 =	vadd.f32 v27, v26;
	v27 =	vadd.f32 v34, v25;
	v25 =	vor.u32 v0, v1;
	v0 =	vld [tilespmem:$0x1FBE0]  }
0x4eb: {  	[tilespmem:$0x1E270] =	vst v33  }
0x4ec: {  	[tilespmem:$0x1E410] =	vst v5;
	v5 =	vld.idx.msk [tilespmem:v20+s12+$0x0], $0xffff  }
0x4ed: {  	[tilespmem:$0x1E440] =	vst v4;
	v4 =	vld.idx.msk [tilespmem:v20+s14+$0x0], $0xffff  }
0x4ee: {  	[tilespmem:$0x1E430] =	vst v28;
	v28 =	vand.u32 $0x7FFFFFFF, v2;
	v33 =	vld.idx.msk [tilespmem:v21+s12+$0x0], $0xffff  }
0x4ef: {  	v28 =	vadd.f32 v28, v26;
	v26 =	vor.u32 v0, v1;
	v0 =	vld [tilespmem:$0x1FBF0];
	_ =	sdelay $0x1  }
0x4f0: {  	v36 =	vand.u32 $0x7FFFFFFF, v5  }
0x4f1: {  	v27 =	vadd.f32 v36, v27  }
0x4f2: {  	[tilespmem:$0x1E460] =	vst v3;
	v3 =	vld.idx.msk [tilespmem:v21+s14+$0x0], $0xffff;
	v29 =	vand.u32 $0x7FFFFFFF, v4;
	v37 =	vand.u32 $0x7FFFFFFF, v33  }
0x4f3: {  	v28 =	vadd.f32 v29, v28;
	v29 =	vadd.f32 v37, v27;
	v27 =	vor.u32 v0, v1;
	v0 =	vld [tilespmem:$0x1FC00]  }
0x4f4: {  	[tilespmem:$0x1E230] =	vst v35  }
0x4f5: {  	[tilespmem:$0x1E450] =	vst v30;
	v35 =	vld.idx.msk [tilespmem:v22+s12+$0x0], $0xffff  }
0x4f6: {  	[tilespmem:$0x1E480] =	vst v2;
	v2 =	vld.idx.msk [tilespmem:v22+s14+$0x0], $0xffff  }
0x4f7: {  	[tilespmem:$0x1E470] =	vst v5;
	v30 =	vand.u32 $0x7FFFFFFF, v3;
	v5 =	vld.idx.msk [tilespmem:v23+s12+$0x0], $0xffff  }
0x4f8: {  	v30 =	vadd.f32 v30, v28;
	v28 =	vor.u32 v0, v1;
	v0 =	vld [tilespmem:$0x1FC10];
	_ =	sdelay $0x1  }
0x4f9: {  	v39 =	vand.u32 $0x7FFFFFFF, v35  }
0x4fa: {  	v29 =	vadd.f32 v39, v29  }
0x4fb: {  	[tilespmem:$0x1E4A0] =	vst v4;
	v4 =	vld.idx.msk [tilespmem:v23+s14+$0x0], $0xffff;
	v31 =	vand.u32 $0x7FFFFFFF, v2;
	v41 =	vand.u32 $0x7FFFFFFF, v5  }
0x4fc: {  	v30 =	vadd.f32 v31, v30;
	v31 =	vadd.f32 v41, v29;
	v29 =	vor.u32 v0, v1;
	v0 =	vld [tilespmem:$0x1FC20];
	_ =	sdelay $0x1  }
0x4fd: {  	[tilespmem:$0x1E260] =	vst v38;
	v38 =	vld.idx.msk [tilespmem:v24+s12+$0x0], $0xffff  }
0x4fe: {  	[tilespmem:$0x1E4C0] =	vst v3;
	v3 =	vld.idx.msk [tilespmem:v24+s14+$0x0], $0xffff  }
0x4ff: {  	[tilespmem:$0x1E2D0] =	vst v40;
	v32 =	vand.u32 $0x7FFFFFFF, v4;
	v40 =	vld.idx.msk [tilespmem:v25+s12+$0x0], $0xffff  }
0x500: {  	v32 =	vadd.f32 v32, v30;
	v30 =	vor.u32 v0, v1;
	v0 =	vld [tilespmem:$0x1FC30];
	_ =	sdelay $0x1  }
0x501: {  	v46 =	vand.u32 $0x7FFFFFFF, v38  }
0x502: {  	[tilespmem:$0x1E490] =	vst v33;
	v31 =	vadd.f32 v46, v31  }
0x503: {  	[tilespmem:$0x1E4E0] =	vst v2;
	v2 =	vld.idx.msk [tilespmem:v25+s14+$0x0], $0xffff;
	v33 =	vand.u32 $0x7FFFFFFF, v3;
	v48 =	vand.u32 $0x7FFFFFFF, v40  }
0x504: {  	v32 =	vadd.f32 v33, v32;
	v33 =	vadd.f32 v48, v31;
	v31 =	vor.u32 v0, v1;
	v0 =	vld [tilespmem:$0x1FC40];
	_ =	sdelay $0x1  }
0x505: {  	[tilespmem:$0x1E4D0] =	vst v5;
	v5 =	vld.idx.msk [tilespmem:v26+s12+$0x0], $0xffff  }
0x506: {  	[tilespmem:$0x1E500] =	vst v4;
	v4 =	vld.idx.msk [tilespmem:v26+s14+$0x0], $0xffff  }
0x507: {  	[tilespmem:$0x1E300] =	vst v47;
	v34 =	vand.u32 $0x7FFFFFFF, v2;
	v47 =	vld.idx.msk [tilespmem:v27+s12+$0x0], $0xffff  }
0x508: {  	v34 =	vadd.f32 v34, v32;
	v32 =	vor.u32 v0, v1;
	v0 =	vld [tilespmem:$0x1FC50];
	_ =	sdelay $0x1  }
0x509: {  	[tilespmem:$0x1E330] =	vst v50;
	v50 =	vand.u32 $0x7FFFFFFF, v5  }
0x50a: {  	[tilespmem:$0x1E4B0] =	vst v35;
	v33 =	vadd.f32 v50, v33  }
0x50b: {  	[tilespmem:$0x1E520] =	vst v3;
	v3 =	vld.idx.msk [tilespmem:v27+s14+$0x0], $0xffff;
	v35 =	vand.u32 $0x7FFFFFFF, v4;
	v51 =	vand.u32 $0x7FFFFFFF, v47  }
0x50c: {  	v34 =	vadd.f32 v35, v34;
	v35 =	vadd.f32 v51, v33;
	v33 =	vor.u32 v0, v1;
	v0 =	vld [tilespmem:$0x1FC80];
	_ =	sdelay $0x1  }
0x50d: {  	v49 =	vld.idx.msk [tilespmem:v28+s12+$0x0], $0xffff  }
0x50e: {  	[tilespmem:$0x1E540] =	vst v2;
	v2 =	vld.idx.msk [tilespmem:v28+s14+$0x0], $0xffff  }
0x50f: {  	[tilespmem:$0x1E530] =	vst v5;
	v36 =	vand.u32 $0x7FFFFFFF, v3;
	v5 =	vld.idx.msk [tilespmem:v29+s12+$0x0], $0xffff  }
0x510: {  	v36 =	vadd.f32 v36, v34;
	v34 =	vor.u32 v0, v1;
	v0 =	vld [tilespmem:$0x1FC90];
	_ =	sdelay $0x1  }
0x511: {  	v53 =	vand.u32 $0x7FFFFFFF, v49  }
0x512: {  	v35 =	vadd.f32 v53, v35  }
0x513: {  	[tilespmem:$0x1E560] =	vst v4;
	v4 =	vld.idx.msk [tilespmem:v29+s14+$0x0], $0xffff;
	v37 =	vand.u32 $0x7FFFFFFF, v2;
	v55 =	vand.u32 $0x7FFFFFFF, v5  }
0x514: {  	v36 =	vadd.f32 v37, v36;
	v37 =	vadd.f32 v55, v35;
	v35 =	vor.u32 v0, v1;
	v0 =	vld [tilespmem:$0x1FE00];
	_ =	sdelay $0x2  }
0x515: {  	[tilespmem:$0x1E4F0] =	vst v38  }
0x516: {  	[tilespmem:$0x1E580] =	vst v3;
	v3 =	vld.idx.msk [tilespmem:v30+s14+$0x0], $0xffff;
	v38 =	vand.u32 $0x7FFFFFFF, v4  }
0x517: {  	v38 =	vadd.f32 v38, v36;
	v36 =	vor.u32 v0, v1;
	v0 =	vld [tilespmem:$0x1FE10];
	_ =	sdelay $0x3  }
0x518: {  	v39 =	vand.u32 $0x7FFFFFFF, v3  }
0x519: {  	v38 =	vadd.f32 v39, v38;
	v39 =	vor.u32 v0, v1;
	v0 =	vld [tilespmem:$0x1FE20];
	_ =	sdelay $0x3  }
0x51a: {  	[tilespmem:$0x1E5A0] =	vst v2;
	v2 =	vld.idx.msk [tilespmem:v31+s14+$0x0], $0xffff  }
0x51b: {  	v60 =	vor.u32 v0, v1;
	v0 =	vld [tilespmem:$0x1FE30];
	_ =	sdelay $0x1  }
0x51c: {  	[tilespmem:$0x1E320] =	vst v54  }
0x51d: {  	[tilespmem:$0x1E510] =	vst v40;
	v54 =	vld.idx.msk [tilespmem:v31+s12+$0x0], $0xffff  }
0x51e: {  	[tilespmem:$0x1E600] =	vst v2;
	v40 =	vand.u32 $0x7FFFFFFF, v2;
	v2 =	vld.idx.msk [tilespmem:v34+s14+$0x0], $0xffff  }
0x51f: {  	v61 =	vor.u32 v0, v1;
	v0 =	vld [tilespmem:$0x1FE40];
	_ =	sdelay $0x2  }
0x520: {  	[tilespmem:$0x1E5E0] =	vst v3  }
0x521: {  	[tilespmem:$0x1E5D0] =	vst v54;
	v3 =	vld.idx.msk [tilespmem:v33+s14+$0x0], $0xffff  }
0x522: {  	v58 =	vand.u32 $0x7FFFFFFF, v54;
	[tilespmem:$0x1E660] =	vst v2;
	v54 =	vand.u32 $0x7FFFFFFF, v2;
	v2 =	vor.u32 v0, v1;
	v0 =	vld [tilespmem:$0x1FE50];
	_ =	sdelay $0x1  }
0x523: {  	v52 =	vld.idx.msk [tilespmem:v30+s12+$0x0], $0xffff  }
0x524: {  	[tilespmem:$0x1E5C0] =	vst v4;
	v4 =	vld.idx.msk [tilespmem:v32+s14+$0x0], $0xffff  }
0x525: {  	v50 =	vld.idx.msk [tilespmem:v36+s12+$0x0], $0xffff  }
0x526: {  	[tilespmem:$0x1E640] =	vst v3;
	v51 =	vand.u32 $0x7FFFFFFF, v3;
	v3 =	vor.u32 v0, v1;
	v0 =	vld [tilespmem:$0x1FE60];
	_ =	sdelay $0x1  }
0x527: {  	[tilespmem:$0x1E370] =	vst v57;
	v56 =	vand.u32 $0x7FFFFFFF, v52;
	v38 =	vadd.f32 v40, v38;
	v57 =	vld.idx.msk [tilespmem:v33+s12+$0x0], $0xffff  }
0x528: {  	v37 =	vadd.f32 v56, v37;
	[tilespmem:$0x1E620] =	vst v4;
	v48 =	vand.u32 $0x7FFFFFFF, v4;
	v4 =	vld.idx.msk [tilespmem:v35+s14+$0x0], $0xffff  }
0x529: {  	v38 =	vadd.f32 v48, v38;
	v53 =	vld.idx.msk [tilespmem:v39+s12+$0x0], $0xffff  }
0x52a: {  	v37 =	vadd.f32 v58, v37;
	[tilespmem:$0x1E670] =	vst v50;
	v58 =	vand.u32 $0x7FFFFFFF, v50;
	v50 =	vor.u32 v0, v1;
	v0 =	vld [tilespmem:$0x1FE70]  }
0x52b: {  	v38 =	vadd.f32 v51, v38;
	_ =	sdelay $0x1  }
0x52c: {  	[tilespmem:$0x1E570] =	vst v49;
	v38 =	vadd.f32 v54, v38  }
0x52d: {  	[tilespmem:$0x1E610] =	vst v57;
	v49 =	vand.u32 $0x7FFFFFFF, v57;
	v57 =	vand.u32 $0x7FFFFFFF, v4  }
0x52e: {  	v38 =	vadd.f32 v57, v38;
	[tilespmem:$0x1E690] =	vst v53;
	v57 =	vand.u32 $0x7FFFFFFF, v53;
	v53 =	vor.u32 v0, v1;
	v0 =	vld [tilespmem:$0x1FE80];
	_ =	sdelay $0x1  }
0x52f: {  	[tilespmem:$0x1E590] =	vst v5;
	v5 =	vld.idx.msk [tilespmem:v32+s12+$0x0], $0xffff;
	_ =	sdelay $0x1  }
0x530: {  	v55 =	vld.idx.msk [tilespmem:v39+s14+$0x0], $0xffff  }
0x531: {  	v54 =	vor.u32 v0, v1;
	v0 =	vld [tilespmem:$0x1FE90]  }
0x532: {  	[tilespmem:$0x1E390] =	vst v59;
	v59 =	vld.idx.msk [tilespmem:v34+s12+$0x0], $0xffff  }
0x533: {  	[tilespmem:$0x1E3F0] =	vst v11;
	v46 =	vand.u32 $0x7FFFFFFF, v5  }
0x534: {  	[tilespmem:$0x1E550] =	vst v47;
	v37 =	vadd.f32 v46, v37;
	v47 =	vld.idx.msk [tilespmem:v35+s12+$0x0], $0xffff  }
0x535: {  	[tilespmem:$0x1E5F0] =	vst v5;
	v5 =	vld.idx.msk [tilespmem:v36+s14+$0x0], $0xffff  }
0x536: {  	v37 =	vadd.f32 v49, v37;
	[tilespmem:$0x1E6C0] =	vst v55;
	v11 =	vand.u32 $0x7FFFFFFF, v55;
	v55 =	vor.u32 v0, v1;
	v0 =	vld [tilespmem:$0x1FCA0]  }
0x537: {  	[tilespmem:$0x1E5B0] =	vst v52;
	v52 =	vand.u32 $0x7FFFFFFF, v59  }
0x538: {  	v37 =	vadd.f32 v52, v37  }
0x539: {  	[tilespmem:$0x1E650] =	vst v47;
	v46 =	vand.u32 $0x7FFFFFFF, v47;
	v47 =	vld.idx.msk [tilespmem:v60+s12+$0x0], $0xffff  }
0x53a: {  	[tilespmem:$0x1E680] =	vst v4;
	v37 =	vadd.f32 v46, v37;
	v56 =	vand.u32 $0x7FFFFFFF, v5;
	v4 =	vld.idx.msk [tilespmem:v60+s14+$0x0], $0xffff  }
0x53b: {  	v38 =	vadd.f32 v56, v38;
	v56 =	vor.u32 v0, v1;
	v0 =	vld [tilespmem:$0x1FCD0]  }
0x53c: {  	[tilespmem:$0x1E630] =	vst v59;
	v37 =	vadd.f32 v58, v37;
	v59 =	vld.idx.msk [tilespmem:v61+s12+$0x0], $0xffff  }
0x53d: {  	[tilespmem:$0x1E6A0] =	vst v5;
	v5 =	vld.idx.msk [tilespmem:v61+s14+$0x0], $0xffff  }
0x53e: {  	v37 =	vadd.f32 v57, v37;
	v58 =	vld.idx.msk [tilespmem:v2+s12+$0x0], $0xffff  }
0x53f: {  	[tilespmem:$0x1E6B0] =	vst v47;
	v46 =	vand.u32 $0x7FFFFFFF, v47;
	v47 =	vld.idx.msk [tilespmem:v3+s12+$0x0], $0xffff  }
0x540: {  	[tilespmem:$0x1E3D0] =	vst v9;
	v37 =	vadd.f32 v46, v37;
	v57 =	vor.u32 v0, v1;
	v0 =	vld [tilespmem:$0x1F270]  }
0x541: {  	[tilespmem:$0x1E6E0] =	vst v2;
	v2 =	vld.idx.msk [tilespmem:v2+s14+$0x0], $0xffff;
	v49 =	vand.u32 $0x7FFFFFFF, v59  }
0x542: {  	[tilespmem:$0x1E6D0] =	vst v59;
	v37 =	vadd.f32 v49, v37;
	v51 =	vld.idx.msk [tilespmem:v50+s12+$0x0], $0xffff  }
0x543: {  	v38 =	vadd.f32 v11, v38;
	[tilespmem:$0x1E710] =	vst v3;
	v3 =	vld.idx.msk [tilespmem:v3+s14+$0x0], $0xffff;
	v9 =	vand.u32 $0x7FFFFFFF, v58  }
0x544: {  	v48 =	vand.u32 $0x7FFFFFFF, v4;
	[tilespmem:$0x1E720] =	vst v5;
	v59 =	vand.u32 $0x7FFFFFFF, v5;
	v37 =	vadd.f32 v9, v37;
	v5 =	vld.idx.msk [tilespmem:v53+s12+$0x0], $0xffff  }
0x545: {  	v38 =	vadd.f32 v48, v38;
	[tilespmem:$0x1E700] =	vst v58;
	v11 =	vand.u32 $0x7FFFFFFF, v47;
	v58 =	vor.u32 v0, v1;
	v0 =	vld [tilespmem:$0x1FCF0]  }
0x546: {  	v37 =	vadd.f32 v11, v37  }
0x547: {  	[tilespmem:$0x1E6F0] =	vst v4;
	v38 =	vadd.f32 v59, v38;
	v4 =	vld.idx.msk [tilespmem:v50+s14+$0x0], $0xffff;
	v48 =	vand.u32 $0x7FFFFFFF, v51  }
0x548: {  	v10 =	vand.u32 $0x7FFFFFFF, v2;
	v37 =	vadd.f32 v48, v37  }
0x549: {  	[tilespmem:$0x1E740] =	vst v2;
	v38 =	vadd.f32 v10, v38;
	v2 =	vld.idx.msk [tilespmem:v53+s14+$0x0], $0xffff;
	v52 =	vand.u32 $0x7FFFFFFF, v5  }
0x54a: {  	[tilespmem:$0x1E730] =	vst v47;
	v47 =	vand.u32 $0x7FFFFFFF, v3;
	v40 =	vadd.f32 v52, v37;
	v37 =	vor.u32 v0, v1;
	v0 =	vld [tilespmem:$0x1F280]  }
0x54b: {  	v38 =	vadd.f32 v47, v38  }
0x54c: {  	[tilespmem:$0x1E750] =	vst v51;
	v51 =	vand.u32 $0x7FFFFFFF, v4;
	v46 =	vld.idx.msk [tilespmem:v54+s12+$0x0], $0xffff  }
0x54d: {  	[tilespmem:$0x1E760] =	vst v3;
	v38 =	vadd.f32 v51, v38;
	v3 =	vld.idx.msk [tilespmem:v54+s14+$0x0], $0xffff  }
0x54e: {  	v41 =	vand.u32 $0x7FFFFFFF, v2;
	v49 =	vld.idx.msk [tilespmem:v55+s12+$0x0], $0xffff  }
0x54f: {  	v41 =	vadd.f32 v41, v38;
	v38 =	vor.u32 v0, v1;
	v0 =	vld [tilespmem:$0x1F290];
	_ =	sdelay $0x1  }
0x550: {  	v59 =	vand.u32 $0x7FFFFFFF, v46  }
0x551: {  	[tilespmem:$0x1E780] =	vst v4;
	v40 =	vadd.f32 v59, v40  }
0x552: {  	[tilespmem:$0x1E790] =	vst v46;
	v4 =	vld.idx.msk [tilespmem:v55+s14+$0x0], $0xffff;
	v46 =	vand.u32 $0x7FFFFFFF, v3;
	v10 =	vand.u32 $0x7FFFFFFF, v49  }
0x553: {  	v41 =	vadd.f32 v46, v41;
	v46 =	vadd.f32 v10, v40;
	v40 =	vor.u32 v0, v1;
	v0 =	vld [tilespmem:$0x1F2A0];
	_ =	sdelay $0x3  }
0x554: {  	[tilespmem:$0x1E7A0] =	vst v2;
	v2 =	vld.idx.msk [tilespmem:v56+s14+$0x0], $0xffff;
	v47 =	vand.u32 $0x7FFFFFFF, v4  }
0x555: {  	v47 =	vadd.f32 v47, v41;
	v41 =	vor.u32 v0, v1;
	v0 =	vld [tilespmem:$0x1F2B0]  }
0x556: {  	[tilespmem:$0x1E770] =	vst v5;
	v5 =	vld.idx.msk [tilespmem:v56+s12+$0x0], $0xffff  }
0x557: {  	v9 =	vld.idx.msk [tilespmem:v57+s12+$0x0], $0xffff  }
0x558: {  	[tilespmem:$0x1E7C0] =	vst v3;
	v3 =	vld.idx.msk [tilespmem:v57+s14+$0x0], $0xffff  }
0x559: {  	v48 =	vand.u32 $0x7FFFFFFF, v2;
	v11 =	vld.idx.msk [tilespmem:v58+s12+$0x0], $0xffff  }
0x55a: {  	[tilespmem:$0x1E7B0] =	vst v49;
	v48 =	vadd.f32 v48, v47;
	v47 =	vor.u32 v0, v1;
	v0 =	vld [tilespmem:$0x1FD20]  }
0x55b: {  	[tilespmem:$0x1E7E0] =	vst v4;
	v4 =	vld.idx.msk [tilespmem:v58+s14+$0x0], $0xffff  }
0x55c: {  	[tilespmem:$0x1E800] =	vst v2;
	v49 =	vand.u32 $0x7FFFFFFF, v5;
	v2 =	vld.idx.msk [tilespmem:v37+s14+$0x0], $0xffff  }
0x55d: {  	[tilespmem:$0x1E7D0] =	vst v5;
	v46 =	vadd.f32 v49, v46;
	v5 =	vld.idx.msk [tilespmem:v37+s12+$0x0], $0xffff  }
0x55e: {  	[tilespmem:$0x1E290] =	vst v6;
	v51 =	vand.u32 $0x7FFFFFFF, v9;
	v49 =	vand.u32 $0x7FFFFFFF, v3;
	v6 =	vld.idx.msk [tilespmem:v38+s12+$0x0], $0xffff  }
0x55f: {  	v46 =	vadd.f32 v51, v46;
	v49 =	vadd.f32 v49, v48;
	v48 =	vor.u32 v0, v1;
	v0 =	vld [tilespmem:$0x1FD40]  }
0x560: {  	[tilespmem:$0x1E820] =	vst v3;
	v52 =	vand.u32 $0x7FFFFFFF, v11;
	v3 =	vld.idx.msk [tilespmem:v38+s14+$0x0], $0xffff  }
0x561: {  	v46 =	vadd.f32 v52, v46;
	[tilespmem:$0x1E860] =	vst v2;
	v52 =	vand.u32 $0x7FFFFFFF, v2;
	v2 =	vld [tilespmem:$0x1FD50]  }
0x562: {  	[tilespmem:$0x1E2F0] =	vst v7;
	v7 =	vld.idx.msk [tilespmem:v40+s12+$0x0], $0xffff  }
0x563: {  	[tilespmem:$0x1E840] =	vst v4;
	v51 =	vand.u32 $0x7FFFFFFF, v4;
	v59 =	vand.u32 $0x7FFFFFFF, v5;
	v4 =	vld.idx.msk [tilespmem:v40+s14+$0x0], $0xffff  }
0x564: {  	v49 =	vadd.f32 v51, v49;
	v51 =	vadd.f32 v59, v46;
	v46 =	vor.u32 v0, v1;
	v0 =	vld [tilespmem:$0x1F2C0]  }
0x565: {  	[tilespmem:$0x1E880] =	vst v3;
	v59 =	vand.u32 $0x7FFFFFFF, v3;
	v3 =	vld [tilespmem:$0x1FD60]  }
0x566: {  	[tilespmem:$0x1E830] =	vst v5;
	v52 =	vadd.f32 v52, v49;
	v8 =	vld.idx.msk [tilespmem:v41+s12+$0x0], $0xffff  }
0x567: {  	[tilespmem:$0x1E850] =	vst v6;
	v6 =	vand.u32 $0x7FFFFFFF, v6;
	v5 =	vld.idx.msk [tilespmem:v41+s14+$0x0], $0xffff  }
0x568: {  	v51 =	vadd.f32 v6, v51;
	v52 =	vadd.f32 v59, v52;
	[tilespmem:$0x1E870] =	vst v7;
	v10 =	vld.idx.msk [tilespmem:v47+s12+$0x0], $0xffff  }
0x569: {  	[tilespmem:$0x1E8A0] =	vst v4;
	v7 =	vand.u32 $0x7FFFFFFF, v7;
	v49 =	vor.u32 v0, v1;
	v0 =	vand.u32 $0x7FFFFFFF, v4;
	v4 =	vld [tilespmem:$0x1FD70]  }
0x56a: {  	v59 =	vadd.f32 v7, v51;
	v6 =	vld.idx.msk [tilespmem:v47+s14+$0x0], $0xffff  }
0x56b: {  	[tilespmem:$0x1E810] =	vst v11;
	v51 =	vor.u32 v2, v1;
	v11 =	vld.idx.msk [tilespmem:v48+s12+$0x0], $0xffff;
	v2 =	vadd.f32 v0, v52;
	v52 =	vand.u32 $0x7FFFFFFF, v8  }
0x56c: {  	v7 =	vld.idx.msk [tilespmem:v48+s14+$0x0], $0xffff;
	v0 =	vand.u32 $0x7FFFFFFF, v5;
	v59 =	vadd.f32 v52, v59  }
0x56d: {  	[tilespmem:$0x1E890] =	vst v8;
	v8 =	vld.idx.msk [tilespmem:v46+s12+$0x0], $0xffff;
	v52 =	vor.u32 v3, v1;
	v3 =	vadd.f32 v0, v2;
	v2 =	vand.u32 $0x7FFFFFFF, v10  }
0x56e: {  	[tilespmem:$0x1E7F0] =	vst v9;
	v2 =	vadd.f32 v2, v59;
	v59 =	vor.u32 v4, v1;
	v4 =	vld [tilespmem:$0x1FD80]  }
0x56f: {  	[tilespmem:$0x1E8C0] =	vst v5;
	v9 =	vld.idx.msk [tilespmem:v46+s14+$0x0], $0xffff  }
0x570: {  	[tilespmem:$0x1E8B0] =	vst v10;
	v0 =	vand.u32 $0x7FFFFFFF, v6;
	v10 =	vld.idx.msk [tilespmem:v49+s12+$0x0], $0xffff  }
0x571: {  	[tilespmem:$0x1E8E0] =	vst v6;
	v5 =	vld.idx.msk [tilespmem:v49+s14+$0x0], $0xffff;
	v0 =	vadd.f32 v0, v3;
	v3 =	vand.u32 $0x7FFFFFFF, v11  }
0x572: {  	[tilespmem:$0x1E8D0] =	vst v11;
	v11 =	vld.idx.msk [tilespmem:v51+s12+$0x0], $0xffff;
	v2 =	vadd.f32 v3, v2;
	v3 =	vand.u32 $0x7FFFFFFF, v7  }
0x573: {  	[tilespmem:$0x1E900] =	vst v7;
	v7 =	vld.idx.msk [tilespmem:v51+s14+$0x0], $0xffff;
	v0 =	vadd.f32 v3, v0;
	v3 =	vand.u32 $0x7FFFFFFF, v8;
	v1 =	vor.u32 v4, v1  }
0x574: {  	[tilespmem:$0x1E8F0] =	vst v8;
	v8 =	vld.idx.msk [tilespmem:v52+s12+$0x0], $0xffff;
	v6 =	vadd.f32 v3, v2;
	v3 =	vand.u32 $0x7FFFFFFF, v9  }
0x575: {  	[tilespmem:$0x1E920] =	vst v9;
	v0 =	vadd.f32 v3, v0;
	v4 =	vld.idx.msk [tilespmem:v52+s14+$0x0], $0xffff;
	v3 =	vand.u32 $0x7FFFFFFF, v10  }
0x576: {  	[tilespmem:$0x1E910] =	vst v10;
	v2 =	vld.idx.msk [tilespmem:v59+s12+$0x0], $0xffff;
	v6 =	vadd.f32 v3, v6;
	v3 =	vand.u32 $0x7FFFFFFF, v5  }
0x577: {  	[tilespmem:$0x1E940] =	vst v5;
	v5 =	vld.idx.msk [tilespmem:v59+s14+$0x0], $0xffff;
	v10 =	vadd.f32 v3, v0;
	v3 =	vand.u32 $0x7FFFFFFF, v11  }
0x578: {  	[tilespmem:$0x1E930] =	vst v11;
	v9 =	vadd.f32 v3, v6;
	v3 =	vand.u32 $0x7FFFFFFF, v7;
	v0 =	vld.idx.msk [tilespmem:v1+s12+$0x0], $0xffff  }
0x579: {  	[tilespmem:$0x1E980] =	vst v1;
	v11 =	vld.idx.msk [tilespmem:v1+s14+$0x0], $0xffff;
	v1 =	vadd.f32 v3, v10;
	v3 =	vand.u32 $0x7FFFFFFF, v8  }
0x57a: {  	v10 =	vadd.f32 v3, v9;
	v3 =	vand.u32 $0x7FFFFFFF, v4  }
0x57b: {  	v1 =	vadd.f32 v3, v1;
	v3 =	vand.u32 $0x7FFFFFFF, v2  }
0x57c: {  	[tilespmem:$0x1E970] =	vst v2;
	v2 =	vadd.f32 v3, v10;
	v3 =	vand.u32 $0x7FFFFFFF, v5  }
0x57d: {  	v1 =	vadd.f32 v3, v1;
	v3 =	vand.u32 $0x7FFFFFFF, v0  }
0x57e: {  	v2 =	vadd.f32 v3, v2;
	_ =	sdelay $0x1  }
0x57f: {  	(erf) = vrcp.f32 v2;
	_ =	sdelay $0x1  }
0x580: {  	v3 =	vand.u32 $0x7FFFFFFF, v11  }
0x581: {  	[tilespmem:$0x1E9A0] =	vst v0;
	v0 =	vadd.f32 v3, v1;
	_ =	sdelay $0x1  }
0x582: {  	(erf) = vrcp.f32 v0;
	v0 =	vld [tilespmem:$0x1E110];
	_ =	sdelay $0x3  }
0x583: {  	[tilespmem:$0x1E9B0] =	vst v5;
	v5 =	vld.idx.msk [tilespmem:v43+s13+$0x0], $0xffff;
	v2 =	vpop (erf)  }
0x584: {  	[tilespmem:$0x1E950] =	vst v8;
	v8 =	vmul.f32 v2, v0;
	v0 =	vld [tilespmem:$0x1E120]  }
0x585: {  	v3 =	vld [tilespmem:$0x1E130];
	_ =	sdelay $0x1  }
0x586: {  	v9 =	vld [tilespmem:$0x1E150]  }
0x587: {  	v10 =	vld [tilespmem:$0x1E160]  }
0x588: {  	[tilespmem:$0x1E9C0] =	vst v11;
	v11 =	vld.idx.msk [tilespmem:v63+s13+$0x0], $0xffff;
	v1 =	vmul.f32 v2, v0;
	v0 =	vpop (erf)  }
0x589: {  	[tilespmem:$0x1E990] =	vst v4;
	v5 =	vadd.f32 v8, v5;
	v4 =	vmul.f32 v0, v3;
	v3 =	vld [tilespmem:$0x1E140]  }
0x58a: {  	v42 =	vld.idx.msk [tilespmem:v42+s13+$0x0], $0xffff  }
0x58b: {  	v4 =	vsub.f32 v5, v4;
	v5 =	vld [tilespmem:$0x1E180]  }
0x58c: {  	v44 =	vld.idx.msk [tilespmem:v44+s13+$0x0], $0xffff  }
0x58d: {  	v43 =	vmul.f32 v0, v9;
	v1 =	vadd.f32 v1, v11;
	v11 =	vmul.f32 v2, v10;
	v10 =	vld [tilespmem:$0x1E190]  }
0x58e: {  	v45 =	vld.idx.msk [tilespmem:v45+s13+$0x0], $0xffff;
	v3 =	vmul.f32 v2, v3  }
0x58f: {  	v63 =	vld [tilespmem:$0x1E170];
	v1 =	vsub.f32 v1, v43  }
0x590: {  	v43 =	vld.idx.msk [tilespmem:v62+s13+$0x0], $0xffff;
	v3 =	vadd.f32 v42, v3;
	v5 =	vmul.f32 v0, v5  }
0x591: {  	v62 =	vld [tilespmem:$0x1E1A0];
	v4 =	vand.u32 $0x7FFFFFFF, v4;
	v1 =	vand.u32 $0x7FFFFFFF, v1  }
0x592: {  	v42 =	vadd.f32 v44, v11;
	v11 =	vmul.f32 v0, v10;
	v3 =	vsub.f32 v3, v5;
	v5 =	vld [tilespmem:$0x1E1B0]  }
0x593: {  	v1 =	vadd.f32 v1, v4;
	v4 =	vld [tilespmem:$0x1E1C0]  }
0x594: {  	v42 =	vsub.f32 v42, v11;
	v11 =	vld [tilespmem:$0x1E200]  }
0x595: {  	v10 =	vld [tilespmem:$0x1E1E0];
	_ =	sdelay $0x1  }
0x596: {  	v44 =	vld [tilespmem:$0x1E210];
	v3 =	vand.u32 $0x7FFFFFFF, v3  }
0x597: {  	v9 =	vmul.f32 v2, v63;
	v1 =	vadd.f32 v1, v3;
	v3 =	vld [tilespmem:$0x1E1F0]  }
0x598: {  	v63 =	vmul.f32 v2, v11;
	v11 =	vld [tilespmem:$0x1E240]  }
0x599: {  	v9 =	vadd.f32 v45, v9;
	v62 =	vmul.f32 v2, v62;
	v4 =	vmul.f32 v0, v4;
	v6 =	vld.idx.msk [tilespmem:v5+s13+$0x0], $0xffff  }
0x59a: {  	v5 =	vld [tilespmem:$0x1E1D0]  }
0x59b: {  	v43 =	vadd.f32 v43, v62;
	v62 =	vld [tilespmem:$0x1E220];
	v42 =	vand.u32 $0x7FFFFFFF, v42;
	v4 =	vsub.f32 v9, v4  }
0x59c: {  	v1 =	vadd.f32 v1, v42;
	v45 =	vld.idx.msk [tilespmem:v10+s13+$0x0], $0xffff  }
0x59d: {  	v10 =	vld [tilespmem:$0x1E230];
	v4 =	vand.u32 $0x7FFFFFFF, v4  }
0x59e: {  	v1 =	vadd.f32 v1, v4;
	v4 =	vld [tilespmem:$0x1E250]  }
0x59f: {  	v3 =	vmul.f32 v0, v3;
	v5 =	vmul.f32 v2, v5  }
0x5a0: {  	v44 =	vld.idx.msk [tilespmem:v44+s13+$0x0], $0xffff  }
0x5a1: {  	v3 =	vsub.f32 v43, v3;
	v5 =	vadd.f32 v6, v5;
	v6 =	vld.idx.msk [tilespmem:v11+s13+$0x0], $0xffff  }
0x5a2: {  	v9 =	vmul.f32 v0, v62;
	v62 =	vmul.f32 v2, v10;
	v11 =	vld [tilespmem:$0x1E270]  }
0x5a3: {  	v63 =	vadd.f32 v45, v63;
	v4 =	vmul.f32 v0, v4;
	v3 =	vand.u32 $0x7FFFFFFF, v3  }
0x5a4: {  	v1 =	vadd.f32 v1, v3;
	v3 =	vld [tilespmem:$0x1E280];
	v5 =	vsub.f32 v5, v9  }
0x5a5: {  	v4 =	vsub.f32 v63, v4;
	v63 =	vadd.f32 v44, v62;
	v44 =	vld [tilespmem:$0x1E2A0]  }
0x5a6: {  	v43 =	vld [tilespmem:$0x1E260];
	v5 =	vand.u32 $0x7FFFFFFF, v5  }
0x5a7: {  	v45 =	vld [tilespmem:$0x1E290];
	v1 =	vadd.f32 v1, v5  }
0x5a8: {  	v4 =	vand.u32 $0x7FFFFFFF, v4;
	v5 =	vld [tilespmem:$0x1E2B0]  }
0x5a9: {  	v3 =	vmul.f32 v0, v3;
	v1 =	vadd.f32 v1, v4;
	v4 =	vld [tilespmem:$0x1E2E0]  }
0x5aa: {  	[tilespmem:$0x1E960] =	vst v7;
	v7 =	vld.idx.msk [tilespmem:v11+s13+$0x0], $0xffff  }
0x5ab: {  	v3 =	vsub.f32 v63, v3;
	v63 =	vld [tilespmem:$0x1E2D0]  }
0x5ac: {  	v62 =	vld [tilespmem:$0x1E2C0];
	v43 =	vmul.f32 v2, v43  }
0x5ad: {  	v45 =	vmul.f32 v2, v45;
	v8 =	vld.idx.msk [tilespmem:v44+s13+$0x0], $0xffff;
	v3 =	vand.u32 $0x7FFFFFFF, v3  }
0x5ae: {  	v6 =	vadd.f32 v6, v43;
	v1 =	vadd.f32 v1, v3;
	v3 =	vld [tilespmem:$0x1E310]  }
0x5af: {  	v5 =	vmul.f32 v0, v5;
	v4 =	vmul.f32 v0, v4;
	v43 =	vadd.f32 v7, v45;
	v45 =	vld [tilespmem:$0x1E300]  }
0x5b0: {  	v42 =	vld [tilespmem:$0x1E2F0]  }
0x5b1: {  	v44 =	vmul.f32 v2, v62;
	v5 =	vsub.f32 v6, v5;
	v4 =	vsub.f32 v43, v4;
	v43 =	vld [tilespmem:$0x1E330]  }
0x5b2: {  	v62 =	vld [tilespmem:$0x1E320]  }
0x5b3: {  	v9 =	vld.idx.msk [tilespmem:v63+s13+$0x0], $0xffff;
	v63 =	vadd.f32 v8, v44;
	v3 =	vmul.f32 v0, v3;
	v5 =	vand.u32 $0x7FFFFFFF, v5  }
0x5b4: {  	v44 =	vld [tilespmem:$0x1E350];
	v1 =	vadd.f32 v1, v5  }
0x5b5: {  	v5 =	vld [tilespmem:$0x1E340];
	v3 =	vsub.f32 v63, v3;
	v4 =	vand.u32 $0x7FFFFFFF, v4  }
0x5b6: {  	v1 =	vadd.f32 v1, v4;
	v4 =	vld [tilespmem:$0x1E360]  }
0x5b7: {  	v3 =	vand.u32 $0x7FFFFFFF, v3;
	v7 =	vld.idx.msk [tilespmem:v45+s13+$0x0], $0xffff  }
0x5b8: {  	v42 =	vmul.f32 v2, v42;
	v1 =	vadd.f32 v1, v3;
	v3 =	vld [tilespmem:$0x1E380]  }
0x5b9: {  	v8 =	vld.idx.msk [tilespmem:v43+s13+$0x0], $0xffff  }
0x5ba: {  	v10 =	vmul.f32 v2, v62;
	v5 =	vmul.f32 v0, v5;
	v45 =	vadd.f32 v9, v42  }
0x5bb: {  	v62 =	vld [tilespmem:$0x1E370];
	v11 =	vmul.f32 v2, v44  }
0x5bc: {  	v9 =	vld.idx.msk [tilespmem:v12+s13+$0x0], $0xffff;
	v4 =	vmul.f32 v0, v4;
	v5 =	vsub.f32 v45, v5;
	v63 =	vadd.f32 v7, v10  }
0x5bd: {  	v42 =	vld [tilespmem:$0x1E390];
	v3 =	vmul.f32 v0, v3  }
0x5be: {  	v45 =	vld [tilespmem:$0x1E3B0];
	v5 =	vand.u32 $0x7FFFFFFF, v5;
	v4 =	vsub.f32 v63, v4;
	v43 =	vadd.f32 v8, v11  }
0x5bf: {  	v1 =	vadd.f32 v1, v5;
	v5 =	vld [tilespmem:$0x1E3A0]  }
0x5c0: {  	v7 =	vld.idx.msk [tilespmem:v13+s13+$0x0], $0xffff;
	v4 =	vand.u32 $0x7FFFFFFF, v4;
	v3 =	vsub.f32 v43, v3  }
0x5c1: {  	v1 =	vadd.f32 v1, v4;
	v4 =	vld [tilespmem:$0x1E3C0]  }
0x5c2: {  	v44 =	vld.idx.msk [tilespmem:v14+s13+$0x0], $0xffff;
	v12 =	vmul.f32 v2, v62;
	v3 =	vand.u32 $0x7FFFFFFF, v3  }
0x5c3: {  	v1 =	vadd.f32 v1, v3;
	v3 =	vld [tilespmem:$0x1E3E0]  }
0x5c4: {  	v10 =	vmul.f32 v2, v42;
	v62 =	vadd.f32 v9, v12;
	v5 =	vmul.f32 v0, v5  }
0x5c5: {  	v9 =	vld.idx.msk [tilespmem:v15+s13+$0x0], $0xffff;
	v11 =	vmul.f32 v2, v45  }
0x5c6: {  	v42 =	vld.idx.msk [tilespmem:v16+s13+$0x0], $0xffff;
	v15 =	vadd.f32 v7, v10;
	v5 =	vsub.f32 v62, v5;
	v4 =	vmul.f32 v0, v4  }
0x5c7: {  	v63 =	vld [tilespmem:$0x1E3D0];
	v44 =	vadd.f32 v44, v11  }
0x5c8: {  	v43 =	vld [tilespmem:$0x1E3F0];
	v5 =	vand.u32 $0x7FFFFFFF, v5;
	v3 =	vmul.f32 v0, v3;
	v4 =	vsub.f32 v15, v4  }
0x5c9: {  	v1 =	vadd.f32 v1, v5;
	v5 =	vld [tilespmem:$0x1E400]  }
0x5ca: {  	v62 =	vld [tilespmem:$0x1E410];
	v4 =	vand.u32 $0x7FFFFFFF, v4;
	v3 =	vsub.f32 v44, v3  }
0x5cb: {  	v1 =	vadd.f32 v1, v4;
	v4 =	vld [tilespmem:$0x1E420]  }
0x5cc: {  	v45 =	vld.idx.msk [tilespmem:v17+s13+$0x0], $0xffff;
	v12 =	vmul.f32 v2, v63;
	v3 =	vand.u32 $0x7FFFFFFF, v3  }
0x5cd: {  	v1 =	vadd.f32 v1, v3;
	v3 =	vld [tilespmem:$0x1E440]  }
0x5ce: {  	v10 =	vmul.f32 v2, v43;
	v63 =	vadd.f32 v9, v12;
	v5 =	vmul.f32 v0, v5  }
0x5cf: {  	v19 =	vld.idx.msk [tilespmem:v19+s13+$0x0], $0xffff;
	v11 =	vmul.f32 v2, v62  }
0x5d0: {  	v16 =	vld.idx.msk [tilespmem:v18+s13+$0x0], $0xffff;
	v18 =	vadd.f32 v42, v10;
	v5 =	vsub.f32 v63, v5;
	v4 =	vmul.f32 v0, v4  }
0x5d1: {  	v17 =	vld [tilespmem:$0x1E430];
	v43 =	vadd.f32 v45, v11  }
0x5d2: {  	v42 =	vld [tilespmem:$0x1E450];
	v5 =	vand.u32 $0x7FFFFFFF, v5;
	v3 =	vmul.f32 v0, v3;
	v4 =	vsub.f32 v18, v4  }
0x5d3: {  	v1 =	vadd.f32 v1, v5;
	v5 =	vld [tilespmem:$0x1E460]  }
0x5d4: {  	v45 =	vld [tilespmem:$0x1E470];
	v4 =	vand.u32 $0x7FFFFFFF, v4;
	v3 =	vsub.f32 v43, v3  }
0x5d5: {  	v1 =	vadd.f32 v1, v4;
	v4 =	vld [tilespmem:$0x1E480]  }
0x5d6: {  	v12 =	vmul.f32 v2, v17;
	v44 =	vld.idx.msk [tilespmem:v20+s13+$0x0], $0xffff;
	v3 =	vand.u32 $0x7FFFFFFF, v3  }
0x5d7: {  	v1 =	vadd.f32 v1, v3;
	v3 =	vld [tilespmem:$0x1E4A0]  }
0x5d8: {  	v62 =	vadd.f32 v16, v12;
	v10 =	vmul.f32 v2, v42;
	v5 =	vmul.f32 v0, v5  }
0x5d9: {  	v16 =	vld [tilespmem:$0x1E490];
	v11 =	vmul.f32 v2, v45  }
0x5da: {  	v63 =	vld.idx.msk [tilespmem:v21+s13+$0x0], $0xffff;
	v17 =	vadd.f32 v19, v10;
	v5 =	vsub.f32 v62, v5;
	v4 =	vmul.f32 v0, v4  }
0x5db: {  	v19 =	vld [tilespmem:$0x1E4B0];
	v20 =	vadd.f32 v44, v11  }
0x5dc: {  	v18 =	vld.idx.msk [tilespmem:v22+s13+$0x0], $0xffff;
	v5 =	vand.u32 $0x7FFFFFFF, v5;
	v3 =	vmul.f32 v0, v3;
	v4 =	vsub.f32 v17, v4  }
0x5dd: {  	v1 =	vadd.f32 v1, v5;
	v5 =	vld [tilespmem:$0x1E4C0]  }
0x5de: {  	v22 =	vld [tilespmem:$0x1E4D0];
	v4 =	vand.u32 $0x7FFFFFFF, v4;
	v3 =	vsub.f32 v20, v3  }
0x5df: {  	v1 =	vadd.f32 v1, v4;
	v4 =	vld [tilespmem:$0x1E4E0]  }
0x5e0: {  	v12 =	vmul.f32 v2, v16;
	v21 =	vld.idx.msk [tilespmem:v23+s13+$0x0], $0xffff;
	v3 =	vand.u32 $0x7FFFFFFF, v3  }
0x5e1: {  	v1 =	vadd.f32 v1, v3;
	v3 =	vld [tilespmem:$0x1E500]  }
0x5e2: {  	v23 =	vadd.f32 v63, v12;
	v10 =	vmul.f32 v2, v19;
	v5 =	vmul.f32 v0, v5  }
0x5e3: {  	v24 =	vld.idx.msk [tilespmem:v24+s13+$0x0], $0xffff;
	v11 =	vmul.f32 v2, v22  }
0x5e4: {  	v15 =	vld [tilespmem:$0x1E530];
	v43 =	vadd.f32 v18, v10;
	v5 =	vsub.f32 v23, v5;
	v4 =	vmul.f32 v0, v4  }
0x5e5: {  	v42 =	vld [tilespmem:$0x1E4F0];
	v62 =	vadd.f32 v21, v11  }
0x5e6: {  	v45 =	vld [tilespmem:$0x1E510];
	v5 =	vand.u32 $0x7FFFFFFF, v5;
	v3 =	vmul.f32 v0, v3;
	v4 =	vsub.f32 v43, v4  }
0x5e7: {  	v1 =	vadd.f32 v1, v5;
	v5 =	vld [tilespmem:$0x1E520]  }
0x5e8: {  	v44 =	vld.idx.msk [tilespmem:v25+s13+$0x0], $0xffff;
	v4 =	vand.u32 $0x7FFFFFFF, v4;
	v3 =	vsub.f32 v62, v3  }
0x5e9: {  	v1 =	vadd.f32 v1, v4;
	v4 =	vld [tilespmem:$0x1E540]  }
0x5ea: {  	v12 =	vmul.f32 v2, v42;
	v63 =	vld.idx.msk [tilespmem:v26+s13+$0x0], $0xffff;
	v3 =	vand.u32 $0x7FFFFFFF, v3  }
0x5eb: {  	v1 =	vadd.f32 v1, v3;
	v3 =	vld [tilespmem:$0x1E560]  }
0x5ec: {  	v16 =	vadd.f32 v24, v12;
	v10 =	vmul.f32 v2, v45;
	v5 =	vmul.f32 v0, v5  }
0x5ed: {  	v24 =	vld [tilespmem:$0x1E590];
	v11 =	vmul.f32 v2, v15  }
0x5ee: {  	v18 =	vld [tilespmem:$0x1E550];
	v19 =	vadd.f32 v44, v10;
	v5 =	vsub.f32 v16, v5;
	v4 =	vmul.f32 v0, v4  }
0x5ef: {  	v21 =	vld [tilespmem:$0x1E570];
	v22 =	vadd.f32 v63, v11  }
0x5f0: {  	v17 =	vld.idx.msk [tilespmem:v27+s13+$0x0], $0xffff;
	v5 =	vand.u32 $0x7FFFFFFF, v5;
	v3 =	vmul.f32 v0, v3;
	v4 =	vsub.f32 v19, v4  }
0x5f1: {  	v1 =	vadd.f32 v1, v5;
	v5 =	vld [tilespmem:$0x1E580]  }
0x5f2: {  	v20 =	vld.idx.msk [tilespmem:v28+s13+$0x0], $0xffff;
	v4 =	vand.u32 $0x7FFFFFFF, v4;
	v3 =	vsub.f32 v22, v3  }
0x5f3: {  	v1 =	vadd.f32 v1, v4;
	v4 =	vld [tilespmem:$0x1E5A0]  }
0x5f4: {  	v12 =	vmul.f32 v2, v18;
	v23 =	vld.idx.msk [tilespmem:v29+s13+$0x0], $0xffff;
	v3 =	vand.u32 $0x7FFFFFFF, v3  }
0x5f5: {  	v1 =	vadd.f32 v1, v3;
	v3 =	vld [tilespmem:$0x1E5C0]  }
0x5f6: {  	v10 =	vmul.f32 v2, v21;
	v25 =	vadd.f32 v17, v12;
	v5 =	vmul.f32 v0, v5  }
0x5f7: {  	v26 =	vld.idx.msk [tilespmem:v30+s13+$0x0], $0xffff;
	v11 =	vmul.f32 v2, v24  }
0x5f8: {  	v27 =	vld [tilespmem:$0x1E5B0];
	v28 =	vadd.f32 v20, v10;
	v5 =	vsub.f32 v25, v5;
	v4 =	vmul.f32 v0, v4  }
0x5f9: {  	v29 =	vld.idx.msk [tilespmem:v31+s13+$0x0], $0xffff;
	v31 =	vadd.f32 v23, v11  }
0x5fa: {  	v30 =	vld [tilespmem:$0x1E5D0];
	v5 =	vand.u32 $0x7FFFFFFF, v5;
	v3 =	vmul.f32 v0, v3;
	v4 =	vsub.f32 v28, v4  }
0x5fb: {  	v1 =	vadd.f32 v1, v5;
	v5 =	vld [tilespmem:$0x1E5E0]  }
0x5fc: {  	v42 =	vld [tilespmem:$0x1E5F0];
	v4 =	vand.u32 $0x7FFFFFFF, v4;
	v3 =	vsub.f32 v31, v3  }
0x5fd: {  	v1 =	vadd.f32 v1, v4;
	v4 =	vld [tilespmem:$0x1E600]  }
0x5fe: {  	v32 =	vld.idx.msk [tilespmem:v32+s13+$0x0], $0xffff;
	v12 =	vmul.f32 v2, v27;
	v3 =	vand.u32 $0x7FFFFFFF, v3  }
0x5ff: {  	v1 =	vadd.f32 v1, v3;
	v3 =	vld [tilespmem:$0x1E620]  }
0x600: {  	v10 =	vmul.f32 v2, v30;
	v43 =	vadd.f32 v26, v12;
	v5 =	vmul.f32 v0, v5  }
0x601: {  	v45 =	vld [tilespmem:$0x1E610];
	v11 =	vmul.f32 v2, v42  }
0x602: {  	v44 =	vld.idx.msk [tilespmem:v33+s13+$0x0], $0xffff;
	v62 =	vadd.f32 v29, v10;
	v5 =	vsub.f32 v43, v5;
	v4 =	vmul.f32 v0, v4  }
0x603: {  	v15 =	vld [tilespmem:$0x1E630];
	v16 =	vadd.f32 v32, v11  }
0x604: {  	v63 =	vld.idx.msk [tilespmem:v34+s13+$0x0], $0xffff;
	v5 =	vand.u32 $0x7FFFFFFF, v5;
	v3 =	vmul.f32 v0, v3;
	v4 =	vsub.f32 v62, v4  }
0x605: {  	v1 =	vadd.f32 v1, v5;
	v5 =	vld [tilespmem:$0x1E640]  }
0x606: {  	v18 =	vld [tilespmem:$0x1E650];
	v4 =	vand.u32 $0x7FFFFFFF, v4;
	v3 =	vsub.f32 v16, v3  }
0x607: {  	v1 =	vadd.f32 v1, v4;
	v4 =	vld [tilespmem:$0x1E660]  }
0x608: {  	v17 =	vld.idx.msk [tilespmem:v35+s13+$0x0], $0xffff;
	v12 =	vmul.f32 v2, v45;
	v3 =	vand.u32 $0x7FFFFFFF, v3  }
0x609: {  	v1 =	vadd.f32 v1, v3;
	v3 =	vld [tilespmem:$0x1E680]  }
0x60a: {  	v24 =	vld [tilespmem:$0x1E690];
	v10 =	vmul.f32 v2, v15;
	v19 =	vadd.f32 v44, v12;
	v5 =	vmul.f32 v0, v5  }
0x60b: {  	v21 =	vld [tilespmem:$0x1E670];
	v11 =	vmul.f32 v2, v18  }
0x60c: {  	v27 =	vld [tilespmem:$0x1E6B0];
	v22 =	vadd.f32 v63, v10;
	v5 =	vsub.f32 v19, v5;
	v4 =	vmul.f32 v0, v4  }
0x60d: {  	v20 =	vld.idx.msk [tilespmem:v36+s13+$0x0], $0xffff;
	v25 =	vadd.f32 v17, v11  }
0x60e: {  	v23 =	vld.idx.msk [tilespmem:v39+s13+$0x0], $0xffff;
	v5 =	vand.u32 $0x7FFFFFFF, v5;
	v3 =	vmul.f32 v0, v3;
	v4 =	vsub.f32 v22, v4  }
0x60f: {  	v1 =	vadd.f32 v1, v5;
	v5 =	vld [tilespmem:$0x1E6A0]  }
0x610: {  	v26 =	vld.idx.msk [tilespmem:v60+s13+$0x0], $0xffff;
	v4 =	vand.u32 $0x7FFFFFFF, v4;
	v3 =	vsub.f32 v25, v3  }
0x611: {  	v1 =	vadd.f32 v1, v4;
	v4 =	vld [tilespmem:$0x1E6C0]  }
0x612: {  	v32 =	vld [tilespmem:$0x1E6E0];
	v12 =	vmul.f32 v2, v21;
	v3 =	vand.u32 $0x7FFFFFFF, v3  }
0x613: {  	v1 =	vadd.f32 v1, v3;
	v3 =	vld [tilespmem:$0x1E6F0]  }
0x614: {  	v35 =	vld [tilespmem:$0x1E710];
	v10 =	vmul.f32 v2, v24;
	v28 =	vadd.f32 v20, v12;
	v5 =	vmul.f32 v0, v5  }
0x615: {  	v33 =	vld [tilespmem:$0x1E700];
	v11 =	vmul.f32 v2, v27  }
0x616: {  	v30 =	vld [tilespmem:$0x1E6D0];
	v31 =	vadd.f32 v23, v10;
	v5 =	vsub.f32 v28, v5;
	v4 =	vmul.f32 v0, v4  }
0x617: {  	v36 =	vld [tilespmem:$0x1E730];
	v34 =	vadd.f32 v26, v11  }
0x618: {  	v29 =	vld.idx.msk [tilespmem:v61+s13+$0x0], $0xffff;
	v5 =	vand.u32 $0x7FFFFFFF, v5;
	v3 =	vmul.f32 v0, v3;
	v4 =	vsub.f32 v31, v4  }
0x619: {  	v1 =	vadd.f32 v1, v5;
	v5 =	vld [tilespmem:$0x1E720]  }
0x61a: {  	v7 =	vld.idx.msk [tilespmem:v32+s13+$0x0], $0xffff;
	v4 =	vand.u32 $0x7FFFFFFF, v4;
	v3 =	vsub.f32 v34, v3  }
0x61b: {  	v1 =	vadd.f32 v1, v4;
	v4 =	vld [tilespmem:$0x1E740]  }
0x61c: {  	v8 =	vld.idx.msk [tilespmem:v35+s13+$0x0], $0xffff;
	v12 =	vmul.f32 v2, v30;
	v3 =	vand.u32 $0x7FFFFFFF, v3  }
0x61d: {  	v1 =	vadd.f32 v1, v3;
	v3 =	vld [tilespmem:$0x1E760]  }
0x61e: {  	v10 =	vmul.f32 v2, v33;
	v39 =	vadd.f32 v29, v12;
	v5 =	vmul.f32 v0, v5  }
0x61f: {  	v42 =	vld.idx.msk [tilespmem:v50+s13+$0x0], $0xffff;
	v11 =	vmul.f32 v2, v36  }
0x620: {  	v45 =	vld.idx.msk [tilespmem:v53+s13+$0x0], $0xffff;
	v44 =	vadd.f32 v7, v10;
	v5 =	vsub.f32 v39, v5;
	v4 =	vmul.f32 v0, v4  }
0x621: {  	v53 =	vadd.f32 v8, v11;
	v43 =	vld [tilespmem:$0x1E750]  }
0x622: {  	v50 =	vld [tilespmem:$0x1E770];
	v5 =	vand.u32 $0x7FFFFFFF, v5;
	v3 =	vmul.f32 v0, v3;
	v4 =	vsub.f32 v44, v4  }
0x623: {  	v1 =	vadd.f32 v1, v5;
	v5 =	vld [tilespmem:$0x1E780]  }
0x624: {  	v60 =	vld [tilespmem:$0x1E790];
	v4 =	vand.u32 $0x7FFFFFFF, v4;
	v3 =	vsub.f32 v53, v3  }
0x625: {  	v1 =	vadd.f32 v1, v4;
	v4 =	vld [tilespmem:$0x1E7A0]  }
0x626: {  	v54 =	vld.idx.msk [tilespmem:v54+s13+$0x0], $0xffff;
	v12 =	vmul.f32 v2, v43;
	v3 =	vand.u32 $0x7FFFFFFF, v3  }
0x627: {  	v1 =	vadd.f32 v1, v3;
	v3 =	vld [tilespmem:$0x1E7C0]  }
0x628: {  	v10 =	vmul.f32 v2, v50;
	v61 =	vadd.f32 v42, v12;
	v5 =	vmul.f32 v0, v5  }
0x629: {  	v63 =	vld [tilespmem:$0x1E7B0];
	v11 =	vmul.f32 v2, v60  }
0x62a: {  	v17 =	vld [tilespmem:$0x1E7D0];
	v15 =	vadd.f32 v45, v10;
	v5 =	vsub.f32 v61, v5;
	v4 =	vmul.f32 v0, v4  }
0x62b: {  	v20 =	vld [tilespmem:$0x1E7F0];
	v18 =	vadd.f32 v54, v11  }
0x62c: {  	v62 =	vld.idx.msk [tilespmem:v55+s13+$0x0], $0xffff;
	v5 =	vand.u32 $0x7FFFFFFF, v5;
	v3 =	vmul.f32 v0, v3;
	v4 =	vsub.f32 v15, v4  }
0x62d: {  	v1 =	vadd.f32 v1, v5;
	v5 =	vld [tilespmem:$0x1E7E0]  }
0x62e: {  	v16 =	vld.idx.msk [tilespmem:v56+s13+$0x0], $0xffff;
	v4 =	vand.u32 $0x7FFFFFFF, v4;
	v3 =	vsub.f32 v18, v3  }
0x62f: {  	v1 =	vadd.f32 v1, v4;
	v4 =	vld [tilespmem:$0x1E800]  }
0x630: {  	v12 =	vmul.f32 v2, v63;
	v19 =	vld.idx.msk [tilespmem:v57+s13+$0x0], $0xffff;
	v3 =	vand.u32 $0x7FFFFFFF, v3  }
0x631: {  	v1 =	vadd.f32 v1, v3;
	v3 =	vld [tilespmem:$0x1E820]  }
0x632: {  	v10 =	vmul.f32 v2, v17;
	v21 =	vadd.f32 v62, v12;
	v5 =	vmul.f32 v0, v5  }
0x633: {  	v26 =	vld [tilespmem:$0x1E830];
	v11 =	vmul.f32 v2, v20  }
0x634: {  	v23 =	vld [tilespmem:$0x1E810];
	v24 =	vadd.f32 v16, v10;
	v5 =	vsub.f32 v21, v5;
	v4 =	vmul.f32 v0, v4  }
0x635: {  	v29 =	vld [tilespmem:$0x1E850];
	v27 =	vadd.f32 v19, v11  }
0x636: {  	v22 =	vld.idx.msk [tilespmem:v58+s13+$0x0], $0xffff;
	v5 =	vand.u32 $0x7FFFFFFF, v5;
	v3 =	vmul.f32 v0, v3;
	v4 =	vsub.f32 v24, v4  }
0x637: {  	v1 =	vadd.f32 v1, v5;
	v5 =	vld [tilespmem:$0x1E840]  }
0x638: {  	v25 =	vld.idx.msk [tilespmem:v37+s13+$0x0], $0xffff;
	v4 =	vand.u32 $0x7FFFFFFF, v4;
	v3 =	vsub.f32 v27, v3  }
0x639: {  	v1 =	vadd.f32 v1, v4;
	v4 =	vld [tilespmem:$0x1E860]  }
0x63a: {  	v12 =	vmul.f32 v2, v23;
	v28 =	vld.idx.msk [tilespmem:v38+s13+$0x0], $0xffff;
	v3 =	vand.u32 $0x7FFFFFFF, v3  }
0x63b: {  	v1 =	vadd.f32 v1, v3;
	v3 =	vld [tilespmem:$0x1E880]  }
0x63c: {  	v10 =	vmul.f32 v2, v26;
	v30 =	vadd.f32 v22, v12;
	v5 =	vmul.f32 v0, v5  }
0x63d: {  	v35 =	vld [tilespmem:$0x1E890];
	v11 =	vmul.f32 v2, v29  }
0x63e: {  	v32 =	vld [tilespmem:$0x1E870];
	v33 =	vadd.f32 v25, v10;
	v5 =	vsub.f32 v30, v5;
	v4 =	vmul.f32 v0, v4  }
0x63f: {  	v38 =	vld [tilespmem:$0x1E8B0];
	v36 =	vadd.f32 v28, v11  }
0x640: {  	v31 =	vld.idx.msk [tilespmem:v40+s13+$0x0], $0xffff;
	v5 =	vand.u32 $0x7FFFFFFF, v5;
	v3 =	vmul.f32 v0, v3;
	v4 =	vsub.f32 v33, v4  }
0x641: {  	v1 =	vadd.f32 v1, v5;
	v5 =	vld [tilespmem:$0x1E8A0]  }
0x642: {  	v34 =	vld.idx.msk [tilespmem:v41+s13+$0x0], $0xffff;
	v4 =	vand.u32 $0x7FFFFFFF, v4;
	v3 =	vsub.f32 v36, v3  }
0x643: {  	v1 =	vadd.f32 v1, v4;
	v4 =	vld [tilespmem:$0x1E8C0]  }
0x644: {  	v37 =	vld.idx.msk [tilespmem:v47+s13+$0x0], $0xffff;
	v12 =	vmul.f32 v2, v32;
	v3 =	vand.u32 $0x7FFFFFFF, v3  }
0x645: {  	v1 =	vadd.f32 v1, v3;
	v3 =	vld [tilespmem:$0x1E8E0]  }
0x646: {  	v10 =	vmul.f32 v2, v35;
	v39 =	vadd.f32 v31, v12;
	v5 =	vmul.f32 v0, v5  }
0x647: {  	v43 =	vld.idx.msk [tilespmem:v46+s13+$0x0], $0xffff;
	v11 =	vmul.f32 v2, v38  }
0x648: {  	v40 =	vld.idx.msk [tilespmem:v48+s13+$0x0], $0xffff;
	v42 =	vadd.f32 v34, v10;
	v5 =	vsub.f32 v39, v5;
	v4 =	vmul.f32 v0, v4  }
0x649: {  	v41 =	vld [tilespmem:$0x1E8D0];
	v45 =	vadd.f32 v37, v11  }
0x64a: {  	v44 =	vld [tilespmem:$0x1E8F0];
	v5 =	vand.u32 $0x7FFFFFFF, v5;
	v3 =	vmul.f32 v0, v3;
	v4 =	vsub.f32 v42, v4  }
0x64b: {  	v1 =	vadd.f32 v1, v5;
	v5 =	vld [tilespmem:$0x1E900]  }
0x64c: {  	v47 =	vld [tilespmem:$0x1E910];
	v4 =	vand.u32 $0x7FFFFFFF, v4;
	v3 =	vsub.f32 v45, v3  }
0x64d: {  	v1 =	vadd.f32 v1, v4;
	v4 =	vld [tilespmem:$0x1E920]  }
0x64e: {  	v46 =	vld.idx.msk [tilespmem:v49+s13+$0x0], $0xffff;
	v12 =	vmul.f32 v2, v41;
	v3 =	vand.u32 $0x7FFFFFFF, v3  }
0x64f: {  	v1 =	vadd.f32 v1, v3;
	v3 =	vld [tilespmem:$0x1E940]  }
0x650: {  	v54 =	vld [tilespmem:$0x1E950];
	v48 =	vadd.f32 v40, v12;
	v10 =	vmul.f32 v2, v44;
	v5 =	vmul.f32 v0, v5  }
0x651: {  	v50 =	vld [tilespmem:$0x1E930];
	v11 =	vmul.f32 v2, v47  }
0x652: {  	v49 =	vld.idx.msk [tilespmem:v51+s13+$0x0], $0xffff;
	v51 =	vadd.f32 v43, v10;
	v5 =	vsub.f32 v48, v5;
	v4 =	vmul.f32 v0, v4  }
0x653: {  	v56 =	vld.idx.msk [tilespmem:v59+s13+$0x0], $0xffff;
	v55 =	vadd.f32 v46, v11  }
0x654: {  	v59 =	vld [tilespmem:$0x1E980];
	v5 =	vand.u32 $0x7FFFFFFF, v5;
	v3 =	vmul.f32 v0, v3;
	v4 =	vsub.f32 v51, v4  }
0x655: {  	v1 =	vadd.f32 v1, v5;
	v5 =	vld [tilespmem:$0x1E960]  }
0x656: {  	v53 =	vld.idx.msk [tilespmem:v52+s13+$0x0], $0xffff;
	v4 =	vand.u32 $0x7FFFFFFF, v4;
	v3 =	vsub.f32 v55, v3  }
0x657: {  	v1 =	vadd.f32 v1, v4;
	v4 =	vld [tilespmem:$0x1E990]  }
0x658: {  	v62 =	vld [tilespmem:$0x1E9C0];
	v12 =	vmul.f32 v2, v50;
	v3 =	vand.u32 $0x7FFFFFFF, v3  }
0x659: {  	v1 =	vadd.f32 v1, v3;
	v3 =	vld [tilespmem:$0x1E9B0]  }
0x65a: {  	v58 =	vadd.f32 v49, v12;
	v10 =	vmul.f32 v2, v54;
	v5 =	vmul.f32 v0, v5  }
0x65b: {  	v57 =	vld [tilespmem:$0x1E970]  }
0x65c: {  	v61 =	vadd.f32 v53, v10;
	v5 =	vsub.f32 v58, v5;
	v4 =	vmul.f32 v0, v4  }
0x65d: {  	v60 =	vld [tilespmem:$0x1E9A0];
	v7 =	vmul.f32 v0, v62  }
0x65e: {  	v3 =	vmul.f32 v0, v3;
	v0 =	vand.u32 $0x7FFFFFFF, v5;
	v4 =	vsub.f32 v61, v4  }
0x65f: {  	v9 =	vld.idx.msk [tilespmem:v59+s13+$0x0], $0xffff;
	v0 =	vadd.f32 v1, v0  }
0x660: {  	v11 =	vmul.f32 v2, v57;
	v1 =	vand.u32 $0x7FFFFFFF, v4  }
0x661: {  	p0 =	sne.s32 s23, $0x70;
	v0 =	vadd.f32 v0, v1;
	v1 =	vld [tilespmem:$0x1FFA0]  }
.Ltmp0:
0x662: {  	v2 =	vmul.f32 v2, v60;
	v5 =	vadd.f32 v56, v11;
	(pc) =	sbr.rel @p0 .LBB2_3-.Ltmp0, $4  }
0x663: {  	_ = 	snop  }
0x664: {  	v63 =	vmov s23;
	v2 =	vadd.f32 v9, v2;
	v3 =	vsub.f32 v5, v3  }
0x665: {  	v4 =	vshll.u32 v63, $0x6  }
0x666: {  	s23 =	sadd.s32 $0x10, s23;
	v2 =	vsub.f32 v2, v7;
	v3 =	vand.u32 $0x7FFFFFFF, v3;
	v1 =	vor.u32 v1, v4  }
0x667: {  	v4 =	vld [tilespmem:$0x1FFB0]  }
0x668: {  	v46 =	vld [tilespmem:$0x1FFD0]  }
0x669: {  	v47 =	vld [tilespmem:$0x1FEA0]  }
0x66a: {  	v5 =	vld [tilespmem:$0x1FEB0]  }
0x66b: {  	v50 =	vld [tilespmem:$0x1FEC0]  }
0x66c: {  	v52 =	vld [tilespmem:$0x1FED0]  }
0x66d: {  	v54 =	vld [tilespmem:$0x1FEE0]  }
0x66e: {  	v45 =	vlaneseq.u32;
	v17 =	vld [tilespmem:$0x1FF00]  }
0x66f: {  	v0 =	vadd.f32 v0, v3;
	v23 =	vld [tilespmem:$0x1FF20];
	v33 =	vor.u32 v45, v1  }
0x670: {  	v27 =	vld [tilespmem:$0x1FF40];
	v2 =	vand.u32 $0x7FFFFFFF, v2  }
0x671: {  	v40 =	vld [tilespmem:$0x1FF50];
	v2 =	vadd.f32 v0, v2;
	v35 =	vor.u32 v4, v1  }
0x672: {  	s22 =	sadd.s32 $0x10, s22;
	v45 =	vld [tilespmem:$0x1FF60]  }
0x673: {  	[tilespmem:s22+$0x0] =	vst v2;
	v30 =	vor.u32 v46, v1;
	v58 =	vor.u32 v50, v1;
	v50 =	vld [tilespmem:$0x1FF70]  }
0x674: {  	v31 =	vor.u32 v47, v1;
	v10 =	vor.u32 v52, v1;
	v6 =	vld.idx.msk [tilespmem:v33+s12+$0x0], $0xffff  }
0x675: {  	v18 =	vor.u32 v17, v1;
	v49 =	vld.idx.msk [tilespmem:v33+s14+$0x0], $0xffff;
	[tilespmem:$0x1D8F0] =	vst v10  }
0x676: {  	v36 =	vor.u32 v5, v1;
	v28 =	vor.u32 v27, v1;
	[tilespmem:$0x1D940] =	vst v18;
	v4 =	vld.idx.msk [tilespmem:v35+s12+$0x0], $0xffff  }
0x677: {  	v46 =	vor.u32 v45, v1;
	[tilespmem:$0x1D990] =	vst v28;
	v48 =	vld.idx.msk [tilespmem:v35+s14+$0x0], $0xffff  }
0x678: {  	[tilespmem:$0x1D9E0] =	vst v46;
	v8 =	vld.idx.msk [tilespmem:v30+s12+$0x0], $0xffff  }
0x679: {  	v11 =	vld.idx.msk [tilespmem:v31+s12+$0x0], $0xffff;
	[tilespmem:$0x1D850] =	vst v6  }
0x67a: {  	v51 =	vld.idx.msk [tilespmem:v30+s14+$0x0], $0xffff;
	[tilespmem:$0x1D880] =	vst v49  }
0x67b: {  	v53 =	vld.idx.msk [tilespmem:v36+s12+$0x0], $0xffff;
	[tilespmem:$0x1D860] =	vst v4  }
0x67c: {  	v59 =	vor.u32 v54, v1;
	v13 =	vld.idx.msk [tilespmem:v31+s14+$0x0], $0xffff;
	[tilespmem:$0x1D890] =	vst v48  }
0x67d: {  	v12 =	vld.idx.msk [tilespmem:v58+s12+$0x0], $0xffff;
	[tilespmem:$0x1D870] =	vst v8  }
0x67e: {  	v57 =	vld.idx.msk [tilespmem:v36+s14+$0x0], $0xffff;
	[tilespmem:$0x1D8A0] =	vst v11  }
0x67f: {  	v21 =	vld.idx.msk [tilespmem:v10+s12+$0x0], $0xffff;
	[tilespmem:$0x1D8B0] =	vst v51  }
0x680: {  	v60 =	vor.u32 v23, v1;
	v22 =	vld.idx.msk [tilespmem:v58+s14+$0x0], $0xffff;
	[tilespmem:$0x1D8D0] =	vst v53  }
0x681: {  	v26 =	vld.idx.msk [tilespmem:v59+s12+$0x0], $0xffff;
	[tilespmem:$0x1D8C0] =	vst v13  }
0x682: {  	v10 =	vld.idx.msk [tilespmem:v10+s14+$0x0], $0xffff;
	[tilespmem:$0x1D8E0] =	vst v12  }
0x683: {  	v34 =	vld.idx.msk [tilespmem:v18+s12+$0x0], $0xffff;
	[tilespmem:$0x1D900] =	vst v57  }
0x684: {  	v61 =	vor.u32 v40, v1;
	v14 =	vld.idx.msk [tilespmem:v59+s14+$0x0], $0xffff;
	[tilespmem:$0x1D920] =	vst v21  }
0x685: {  	v43 =	vld.idx.msk [tilespmem:v60+s12+$0x0], $0xffff;
	[tilespmem:$0x1D910] =	vst v22  }
0x686: {  	v44 =	vld.idx.msk [tilespmem:v18+s14+$0x0], $0xffff;
	[tilespmem:$0x1D930] =	vst v26  }
0x687: {  	v56 =	vand.u32 $0x7FFFFFFF, v49;
	v49 =	vld.idx.msk [tilespmem:v60+s14+$0x0], $0xffff;
	[tilespmem:$0x1D950] =	vst v10  }
0x688: {  	v9 =	vand.u32 $0x7FFFFFFF, v48;
	[tilespmem:$0x1D970] =	vst v34;
	v48 =	vld.idx.msk [tilespmem:v28+s12+$0x0], $0xffff  }
0x689: {  	v24 =	vand.u32 $0x7FFFFFFF, v53;
	[tilespmem:$0x1D960] =	vst v14;
	v53 =	vld.idx.msk [tilespmem:v61+s12+$0x0], $0xffff  }
0x68a: {  	v15 =	vld.idx.msk [tilespmem:v28+s14+$0x0], $0xffff;
	[tilespmem:$0x1D980] =	vst v43  }
0x68b: {  	[tilespmem:$0x1D9A0] =	vst v44  }
0x68c: {  	[tilespmem:$0x1D9B0] =	vst v49  }
0x68d: {  	v6 =	vand.u32 $0x7FFFFFFF, v6;
	v7 =	vand.u32 $0x7FFFFFFF, v4;
	[tilespmem:$0x1D9C0] =	vst v48  }
0x68e: {  	v6 =	vadd.f32 v7, v6;
	[tilespmem:$0x1D9D0] =	vst v53  }
0x68f: {  	v37 =	vor.u32 v50, v1;
	v55 =	vand.u32 $0x7FFFFFFF, v8;
	[tilespmem:$0x1D9F0] =	vst v15  }
0x690: {  	v16 =	vadd.f32 v9, v56;
	v6 =	vadd.f32 v55, v6;
	v55 =	vld [tilespmem:$0x1FF80]  }
0x691: {  	v20 =	vand.u32 $0x7FFFFFFF, v51;
	v63 =	vld.idx.msk [tilespmem:v46+s12+$0x0], $0xffff  }
0x692: {  	v7 =	vadd.f32 v20, v16;
	v16 =	vld.idx.msk [tilespmem:v61+s14+$0x0], $0xffff  }
0x693: {  	v17 =	vld [tilespmem:$0x1FF90]  }
0x694: {  	v25 =	vand.u32 $0x7FFFFFFF, v13;
	v20 =	vld.idx.msk [tilespmem:v37+s12+$0x0], $0xffff  }
0x695: {  	v41 =	vand.u32 $0x7FFFFFFF, v21;
	v7 =	vadd.f32 v25, v7;
	v21 =	vld.idx.msk [tilespmem:v46+s14+$0x0], $0xffff  }
0x696: {  	v32 =	vand.u32 $0x7FFFFFFF, v57;
	v42 =	vand.u32 $0x7FFFFFFF, v22;
	v22 =	vld [tilespmem:$0x1FFC0]  }
0x697: {  	v19 =	vand.u32 $0x7FFFFFFF, v11;
	v27 =	vld.idx.msk [tilespmem:v37+s14+$0x0], $0xffff;
	v7 =	vadd.f32 v32, v7  }
0x698: {  	v6 =	vadd.f32 v19, v6;
	v28 =	vld [tilespmem:$0x1FFE0]  }
0x699: {  	v50 =	vld [tilespmem:$0x1FF10];
	v7 =	vadd.f32 v42, v7  }
0x69a: {  	v10 =	vand.u32 $0x7FFFFFFF, v10;
	v62 =	vand.u32 $0x7FFFFFFF, v44;
	v44 =	vld [tilespmem:$0x1FEF0];
	v6 =	vadd.f32 v24, v6  }
0x69b: {  	v29 =	vand.u32 $0x7FFFFFFF, v12;
	v0 =	vld [tilespmem:$0x1FE40];
	v7 =	vadd.f32 v10, v7;
	v56 =	vor.u32 v55, v1  }
0x69c: {  	v52 =	vand.u32 $0x7FFFFFFF, v14;
	v2 =	vld [tilespmem:$0x1FCA0];
	v6 =	vadd.f32 v29, v6;
	v38 =	vor.u32 v17, v1  }
0x69d: {  	[tilespmem:$0x1DA10] =	vst v63;
	v23 =	vor.u32 v22, v1;
	v29 =	vand.u32 $0x7FFFFFFF, v63;
	v63 =	vld [tilespmem:$0x1FFF0];
	v54 =	vadd.f32 v52, v7  }
0x69e: {  	v40 =	vor.u32 v50, v1;
	v50 =	vld [tilespmem:$0x1FBA0]  }
0x69f: {  	v39 =	vor.u32 v28, v1;
	v9 =	vadd.f32 v62, v54;
	v54 =	vld [tilespmem:$0x1FF30]  }
0x6a0: {  	v7 =	vld.idx.msk [tilespmem:v56+s12+$0x0], $0xffff  }
0x6a1: {  	v51 =	vand.u32 $0x7FFFFFFF, v34;
	v34 =	vld.idx.msk [tilespmem:v38+s12+$0x0], $0xffff  }
0x6a2: {  	v18 =	vand.u32 $0x7FFFFFFF, v48;
	v48 =	vld.idx.msk [tilespmem:v23+s12+$0x0], $0xffff  }
0x6a3: {  	v19 =	vand.u32 $0x7FFFFFFF, v49;
	v8 =	vadd.f32 v41, v6;
	v49 =	vld.idx.msk [tilespmem:v38+s14+$0x0], $0xffff  }
0x6a4: {  	v47 =	vand.u32 $0x7FFFFFFF, v26;
	v24 =	vand.u32 $0x7FFFFFFF, v53;
	v26 =	vmov v56;
	v53 =	vld.idx.msk [tilespmem:v39+s12+$0x0], $0xffff  }
0x6a5: {  	[tilespmem:$0x1DA00] =	vst v16;
	v32 =	vand.u32 $0x7FFFFFFF, v16;
	v8 =	vadd.f32 v47, v8;
	v16 =	vld.idx.msk [tilespmem:v23+s14+$0x0], $0xffff  }
0x6a6: {  	v45 =	vor.u32 v44, v1;
	v62 =	vld.idx.msk [tilespmem:v39+s14+$0x0], $0xffff  }
0x6a7: {  	v8 =	vadd.f32 v51, v8;
	v17 =	vld.idx.msk [tilespmem:v40+s12+$0x0], $0xffff  }
0x6a8: {  	v57 =	vand.u32 $0x7FFFFFFF, v43;
	v9 =	vadd.f32 v19, v9;
	v19 =	vld [tilespmem:$0x1FB70]  }
0x6a9: {  	v25 =	vand.u32 $0x7FFFFFFF, v15;
	v8 =	vadd.f32 v57, v8;
	v6 =	vld.idx.msk [tilespmem:v26+s14+$0x0], $0xffff  }
0x6aa: {  	v9 =	vadd.f32 v25, v9;
	v25 =	vld [tilespmem:$0x1FB80]  }
0x6ab: {  	v41 =	vor.u32 v63, v1;
	v57 =	vld.idx.msk [tilespmem:v45+s12+$0x0], $0xffff;
	v10 =	vadd.f32 v18, v8  }
0x6ac: {  	[tilespmem:$0x1DA20] =	vst v20;
	v18 =	vld.idx.msk [tilespmem:v45+s14+$0x0], $0xffff  }
0x6ad: {  	[tilespmem:$0x1DA40] =	vst v21;
	v46 =	vand.u32 $0x7FFFFFFF, v20;
	v8 =	vld [tilespmem:$0x1FE10];
	v10 =	vadd.f32 v24, v10;
	v20 =	vor.u32 v19, v1  }
0x6ae: {  	[tilespmem:$0x1DA30] =	vst v56;
	v43 =	vadd.f32 v32, v9;
	v32 =	vld [tilespmem:$0x1FB90]  }
0x6af: {  	v47 =	vand.u32 $0x7FFFFFFF, v21;
	[tilespmem:$0x1DA70] =	vst v34;
	v24 =	vld.idx.msk [tilespmem:v40+s14+$0x0], $0xffff;
	v10 =	vadd.f32 v29, v10;
	v42 =	vor.u32 v25, v1  }
0x6b0: {  	v52 =	vand.u32 $0x7FFFFFFF, v27;
	[tilespmem:$0x1DAB0] =	vst v48;
	v51 =	vand.u32 $0x7FFFFFFF, v7;
	v28 =	vld.idx.msk [tilespmem:v41+s12+$0x0], $0xffff;
	v11 =	vadd.f32 v47, v43  }
0x6b1: {  	[tilespmem:$0x1DAA0] =	vst v49;
	v55 =	vand.u32 $0x7FFFFFFF, v34;
	v9 =	vand.u32 $0x7FFFFFFF, v49;
	v49 =	vld.idx.msk [tilespmem:v41+s14+$0x0], $0xffff;
	v10 =	vadd.f32 v46, v10  }
0x6b2: {  	[tilespmem:$0x1DA90] =	vst v6;
	v56 =	vand.u32 $0x7FFFFFFF, v6;
	v6 =	vand.u32 $0x7FFFFFFF, v48;
	v11 =	vadd.f32 v52, v11;
	v48 =	vld.idx.msk [tilespmem:v20+s12+$0x0], $0xffff  }
0x6b3: {  	v34 =	vor.u32 v32, v1;
	v12 =	vadd.f32 v51, v10;
	v10 =	vor.u32 v54, v1;
	v54 =	vld.idx.msk [tilespmem:v20+s14+$0x0], $0xffff  }
0x6b4: {  	[tilespmem:$0x1DAC0] =	vst v53;
	v21 =	vand.u32 $0x7FFFFFFF, v53;
	v53 =	vld.idx.msk [tilespmem:v42+s12+$0x0], $0xffff  }
0x6b5: {  	v11 =	vadd.f32 v56, v11;
	v12 =	vadd.f32 v55, v12;
	v55 =	vld [tilespmem:$0x1FBB0]  }
0x6b6: {  	v63 =	vld.idx.msk [tilespmem:v42+s14+$0x0], $0xffff  }
0x6b7: {  	[tilespmem:$0x1DA50] =	vst v27;
	v43 =	vor.u32 v50, v1;
	v13 =	vadd.f32 v9, v11;
	v11 =	vld [tilespmem:$0x1FBC0]  }
0x6b8: {  	[tilespmem:$0x1DAF0] =	vst v62;
	v22 =	vand.u32 $0x7FFFFFFF, v16;
	v27 =	vand.u32 $0x7FFFFFFF, v62;
	v62 =	vld.idx.msk [tilespmem:v34+s12+$0x0], $0xffff  }
0x6b9: {  	v13 =	vadd.f32 v22, v13;
	v22 =	vld.idx.msk [tilespmem:v34+s14+$0x0], $0xffff  }
0x6ba: {  	[tilespmem:$0x1DA80] =	vst v23;
	v12 =	vadd.f32 v6, v12;
	v23 =	vld.idx.msk [tilespmem:v10+s12+$0x0], $0xffff  }
0x6bb: {  	v29 =	vld.idx.msk [tilespmem:v10+s14+$0x0], $0xffff  }
0x6bc: {  	v12 =	vadd.f32 v21, v12;
	v13 =	vadd.f32 v27, v13;
	v21 =	vld.idx.msk [tilespmem:v43+s12+$0x0], $0xffff  }
0x6bd: {  	v26 =	vand.u32 $0x7FFFFFFF, v57;
	v47 =	vand.u32 $0x7FFFFFFF, v18;
	v27 =	vld [tilespmem:$0x1FBE0];
	v44 =	vor.u32 v11, v1  }
0x6be: {  	v14 =	vadd.f32 v26, v12;
	v13 =	vadd.f32 v47, v13;
	v26 =	vld.idx.msk [tilespmem:v43+s14+$0x0], $0xffff  }
0x6bf: {  	v46 =	vand.u32 $0x7FFFFFFF, v17;
	v52 =	vand.u32 $0x7FFFFFFF, v24;
	[tilespmem:$0x1DB90] =	vst v48;
	v12 =	vand.u32 $0x7FFFFFFF, v48;
	v48 =	vld [tilespmem:$0x1FBF0]  }
0x6c0: {  	[tilespmem:$0x1DB40] =	vst v23;
	v51 =	vand.u32 $0x7FFFFFFF, v23;
	v15 =	vadd.f32 v52, v13;
	v13 =	vor.u32 v55, v1;
	v23 =	vld [tilespmem:$0x1FBD0]  }
0x6c1: {  	[tilespmem:$0x1DAD0] =	vst v45;
	v14 =	vadd.f32 v46, v14;
	v52 =	vld [tilespmem:$0x1FC00]  }
0x6c2: {  	[tilespmem:$0x1DAE0] =	vst v16;
	v32 =	vld.idx.msk [tilespmem:v44+s12+$0x0], $0xffff  }
0x6c3: {  	[tilespmem:$0x1DB00] =	vst v57;
	v57 =	vand.u32 $0x7FFFFFFF, v29;
	v45 =	vor.u32 v27, v1;
	v14 =	vadd.f32 v51, v14;
	v51 =	vld.idx.msk [tilespmem:v44+s14+$0x0], $0xffff  }
0x6c4: {  	[tilespmem:$0x1DB10] =	vst v17;
	v15 =	vadd.f32 v57, v15;
	v57 =	vld [tilespmem:$0x1FC10]  }
0x6c5: {  	[tilespmem:$0x1DB60] =	vst v20;
	v56 =	vand.u32 $0x7FFFFFFF, v28;
	v25 =	vld.idx.msk [tilespmem:v13+s12+$0x0], $0xffff  }
0x6c6: {  	[tilespmem:$0x1DBB0] =	vst v34;
	v14 =	vadd.f32 v56, v14;
	v34 =	vld.idx.msk [tilespmem:v13+s14+$0x0], $0xffff;
	v46 =	vor.u32 v52, v1  }
0x6c7: {  	[tilespmem:$0x1DB30] =	vst v24;
	v20 =	vand.u32 $0x7FFFFFFF, v49;
	v52 =	vld [tilespmem:$0x1FC40]  }
0x6c8: {  	[tilespmem:$0x1DB50] =	vst v28;
	v15 =	vadd.f32 v20, v15;
	v16 =	vadd.f32 v12, v14;
	v55 =	vld.idx.msk [tilespmem:v45+s12+$0x0], $0xffff  }
0x6c9: {  	[tilespmem:$0x1DBC0] =	vst v54;
	v24 =	vand.u32 $0x7FFFFFFF, v54;
	v17 =	vand.u32 $0x7FFFFFFF, v53;
	v12 =	vld.idx.msk [tilespmem:v45+s14+$0x0], $0xffff  }
0x6ca: {  	[tilespmem:$0x1DB70] =	vst v29;
	v14 =	vor.u32 v23, v1;
	v15 =	vadd.f32 v24, v15;
	v23 =	vld [tilespmem:$0x1FC20];
	v16 =	vadd.f32 v17, v16  }
0x6cb: {  	v28 =	vand.u32 $0x7FFFFFFF, v62;
	v29 =	vand.u32 $0x7FFFFFFF, v63;
	[tilespmem:$0x1DC10] =	vst v26;
	v54 =	vand.u32 $0x7FFFFFFF, v26;
	v26 =	vld.idx.msk [tilespmem:v46+s12+$0x0], $0xffff  }
0x6cc: {  	[tilespmem:$0x1DBE0] =	vst v62;
	v17 =	vadd.f32 v29, v15;
	v15 =	vor.u32 v48, v1;
	v16 =	vadd.f32 v28, v16;
	v28 =	vld [tilespmem:$0x1FC30]  }
0x6cd: {  	[tilespmem:$0x1DC40] =	vst v34;
	v62 =	vand.u32 $0x7FFFFFFF, v34;
	v34 =	vld.idx.msk [tilespmem:v46+s14+$0x0], $0xffff  }
0x6ce: {  	[tilespmem:$0x1DB20] =	vst v18;
	v48 =	vor.u32 v52, v1;
	v52 =	vor.u32 v0, v1;
	v0 =	vld [tilespmem:$0x1F2A0]  }
0x6cf: {  	[tilespmem:$0x1DB80] =	vst v49;
	v49 =	vand.u32 $0x7FFFFFFF, v22;
	v18 =	vand.u32 $0x7FFFFFFF, v21;
	v50 =	vld.idx.msk [tilespmem:v14+s12+$0x0], $0xffff;
	v47 =	vor.u32 v23, v1  }
0x6d0: {  	[tilespmem:$0x1DBA0] =	vst v53;
	v17 =	vadd.f32 v49, v17;
	v56 =	vld.idx.msk [tilespmem:v14+s14+$0x0], $0xffff;
	v16 =	vadd.f32 v18, v16  }
0x6d1: {  	[tilespmem:$0x1DBD0] =	vst v63;
	v53 =	vand.u32 $0x7FFFFFFF, v25;
	v63 =	vld.idx.msk [tilespmem:v15+s12+$0x0], $0xffff  }
0x6d2: {  	[tilespmem:$0x1DC00] =	vst v22;
	v17 =	vadd.f32 v54, v17;
	v27 =	vld.idx.msk [tilespmem:v15+s14+$0x0], $0xffff;
	v18 =	vadd.f32 v53, v16  }
0x6d3: {  	v19 =	vand.u32 $0x7FFFFFFF, v32;
	[tilespmem:$0x1DC20] =	vst v25;
	v16 =	vor.u32 v57, v1;
	v57 =	vld [tilespmem:$0x1FC50]  }
0x6d4: {  	[tilespmem:$0x1DC70] =	vst v55;
	v20 =	vand.u32 $0x7FFFFFFF, v55;
	v17 =	vadd.f32 v62, v17;
	v18 =	vadd.f32 v19, v18;
	v55 =	vld.idx.msk [tilespmem:v47+s12+$0x0], $0xffff  }
0x6d5: {  	v25 =	vand.u32 $0x7FFFFFFF, v51;
	[tilespmem:$0x1DC90] =	vst v12;
	v54 =	vand.u32 $0x7FFFFFFF, v12;
	v24 =	vand.u32 $0x7FFFFFFF, v50;
	v12 =	vld.idx.msk [tilespmem:v47+s14+$0x0], $0xffff  }
0x6d6: {  	[tilespmem:$0x1DBF0] =	vst v21;
	v19 =	vadd.f32 v25, v17;
	v18 =	vadd.f32 v24, v18;
	v24 =	vld [tilespmem:$0x1FC80]  }
0x6d7: {  	v17 =	vor.u32 v28, v1;
	v29 =	vand.u32 $0x7FFFFFFF, v56;
	[tilespmem:$0x1DCC0] =	vst v27;
	v62 =	vand.u32 $0x7FFFFFFF, v27;
	v27 =	vld.idx.msk [tilespmem:v48+s12+$0x0], $0xffff  }
0x6d8: {  	[tilespmem:$0x1DC30] =	vst v32;
	v19 =	vadd.f32 v29, v19;
	v29 =	vld [tilespmem:$0x1FC90]  }
0x6d9: {  	[tilespmem:$0x1DCB0] =	vst v26;
	v32 =	vld.idx.msk [tilespmem:v16+s12+$0x0], $0xffff  }
0x6da: {  	[tilespmem:$0x1DC80] =	vst v56;
	v56 =	vld.idx.msk [tilespmem:v16+s14+$0x0], $0xffff;
	v18 =	vadd.f32 v20, v18  }
0x6db: {  	[tilespmem:$0x1DCD0] =	vst v34;
	v53 =	vand.u32 $0x7FFFFFFF, v63;
	v19 =	vadd.f32 v54, v19;
	v54 =	vld.idx.msk [tilespmem:v48+s14+$0x0], $0xffff  }
0x6dc: {  	[tilespmem:$0x1DCA0] =	vst v63;
	v63 =	vld.idx.msk [tilespmem:v17+s12+$0x0], $0xffff;
	v20 =	vadd.f32 v53, v18;
	v18 =	vor.u32 v57, v1  }
0x6dd: {  	v21 =	vand.u32 $0x7FFFFFFF, v26;
	[tilespmem:$0x1DCF0] =	vst v55;
	v28 =	vld.idx.msk [tilespmem:v17+s14+$0x0], $0xffff  }
0x6de: {  	v22 =	vand.u32 $0x7FFFFFFF, v55;
	v55 =	vld [tilespmem:$0x1FE00];
	v19 =	vadd.f32 v62, v19;
	v49 =	vor.u32 v24, v1;
	[tilespmem:$0x1DD30] =	vst v27  }
0x6df: {  	v26 =	vand.u32 $0x7FFFFFFF, v34;
	v23 =	vand.u32 $0x7FFFFFFF, v27;
	v27 =	vld [tilespmem:$0x1FE20];
	[tilespmem:$0x1DCE0] =	vst v32;
	v20 =	vadd.f32 v21, v20  }
0x6e0: {  	v21 =	vadd.f32 v26, v19;
	v19 =	vor.u32 v29, v1;
	[tilespmem:$0x1DD50] =	vst v54;
	v29 =	vand.u32 $0x7FFFFFFF, v54;
	v54 =	vld [tilespmem:$0x1FE60]  }
0x6e1: {  	[tilespmem:$0x1DD00] =	vst v56;
	v34 =	vld.idx.msk [tilespmem:v18+s12+$0x0], $0xffff  }
0x6e2: {  	v25 =	vand.u32 $0x7FFFFFFF, v32;
	v32 =	vand.u32 $0x7FFFFFFF, v56;
	[tilespmem:$0x1DD20] =	vst v63;
	v56 =	vand.u32 $0x7FFFFFFF, v63;
	v63 =	vld.idx.msk [tilespmem:v18+s14+$0x0], $0xffff  }
0x6e3: {  	[tilespmem:$0x1DC60] =	vst v50;
	v20 =	vadd.f32 v25, v20;
	v62 =	vld.idx.msk [tilespmem:v49+s12+$0x0], $0xffff  }
0x6e4: {  	[tilespmem:$0x1DD10] =	vst v12;
	v57 =	vand.u32 $0x7FFFFFFF, v12;
	v50 =	vor.u32 v55, v1;
	v12 =	vld.idx.msk [tilespmem:v49+s14+$0x0], $0xffff  }
0x6e5: {  	[tilespmem:$0x1DC50] =	vst v51;
	v20 =	vadd.f32 v22, v20;
	v51 =	vor.u32 v27, v1;
	v27 =	vld [tilespmem:$0x1FE80]  }
0x6e6: {  	[tilespmem:$0x1DA60] =	vst v7;
	v21 =	vadd.f32 v32, v21;
	v7 =	vld.idx.msk [tilespmem:v19+s12+$0x0], $0xffff  }
0x6e7: {  	v22 =	vadd.f32 v56, v20;
	v56 =	vld [tilespmem:$0x1FE30]  }
0x6e8: {  	v21 =	vadd.f32 v57, v21;
	v20 =	vor.u32 v8, v1;
	v8 =	vld [tilespmem:$0x1FCF0]  }
0x6e9: {  	[tilespmem:$0x1DD40] =	vst v28;
	v11 =	vand.u32 $0x7FFFFFFF, v28;
	v32 =	vld.idx.msk [tilespmem:v50+s12+$0x0], $0xffff  }
0x6ea: {  	v21 =	vadd.f32 v11, v21;
	[tilespmem:$0x1DD60] =	vst v34;
	v28 =	vand.u32 $0x7FFFFFFF, v34;
	v34 =	vld.idx.msk [tilespmem:v19+s14+$0x0], $0xffff  }
0x6eb: {  	[tilespmem:$0x1DD80] =	vst v63;
	v22 =	vadd.f32 v23, v22;
	v57 =	vand.u32 $0x7FFFFFFF, v63;
	v63 =	vld.idx.msk [tilespmem:v50+s14+$0x0], $0xffff  }
0x6ec: {  	v23 =	vadd.f32 v29, v21;
	v3 =	vld.idx.msk [tilespmem:v51+s12+$0x0], $0xffff  }
0x6ed: {  	v22 =	vadd.f32 v28, v22;
	v28 =	vld [tilespmem:$0x1FE50]  }
0x6ee: {  	v53 =	vor.u32 v54, v1;
	v54 =	vor.u32 v27, v1;
	v23 =	vadd.f32 v57, v23;
	v57 =	vld.idx.msk [tilespmem:v52+s12+$0x0], $0xffff  }
0x6ef: {  	[tilespmem:$0x1DD70] =	vst v62;
	v24 =	vand.u32 $0x7FFFFFFF, v62;
	v21 =	vor.u32 v56, v1;
	v62 =	vld.idx.msk [tilespmem:v20+s12+$0x0], $0xffff  }
0x6f0: {  	[tilespmem:$0x1DD90] =	vst v12;
	v11 =	vand.u32 $0x7FFFFFFF, v12;
	v12 =	vld.idx.msk [tilespmem:v20+s14+$0x0], $0xffff  }
0x6f1: {  	[tilespmem:$0x1DDC0] =	vst v34;
	v29 =	vand.u32 $0x7FFFFFFF, v34;
	v34 =	vld.idx.msk [tilespmem:v51+s14+$0x0], $0xffff  }
0x6f2: {  	v22 =	vadd.f32 v24, v22;
	[tilespmem:$0x1DDD0] =	vst v63;
	v56 =	vand.u32 $0x7FFFFFFF, v63;
	v63 =	vld [tilespmem:$0x1FE70]  }
0x6f3: {  	[tilespmem:$0x1DDA0] =	vst v7;
	v7 =	vand.u32 $0x7FFFFFFF, v7;
	v23 =	vadd.f32 v11, v23;
	v4 =	vld.idx.msk [tilespmem:v54+s14+$0x0], $0xffff  }
0x6f4: {  	[tilespmem:$0x1DDB0] =	vst v32;
	v25 =	vand.u32 $0x7FFFFFFF, v32;
	v24 =	vadd.f32 v7, v22;
	v22 =	vor.u32 v28, v1;
	v32 =	vld.idx.msk [tilespmem:v21+s12+$0x0], $0xffff  }
0x6f5: {  	v23 =	vadd.f32 v29, v23;
	[tilespmem:$0x1DDE0] =	vst v62;
	v55 =	vand.u32 $0x7FFFFFFF, v62;
	v62 =	vld.idx.msk [tilespmem:v21+s14+$0x0], $0xffff  }
0x6f6: {  	[tilespmem:$0x1DE00] =	vst v12;
	v24 =	vadd.f32 v25, v24;
	v11 =	vand.u32 $0x7FFFFFFF, v12;
	v12 =	vld.idx.msk [tilespmem:v52+s14+$0x0], $0xffff  }
0x6f7: {  	v25 =	vadd.f32 v56, v23;
	v56 =	vld [tilespmem:$0x1FE90]  }
0x6f8: {  	v24 =	vadd.f32 v55, v24;
	v23 =	vor.u32 v63, v1;
	v63 =	vld.idx.msk [tilespmem:v53+s14+$0x0], $0xffff  }
0x6f9: {  	v26 =	vand.u32 $0x7FFFFFFF, v3;
	v25 =	vadd.f32 v11, v25;
	v6 =	vld.idx.msk [tilespmem:v22+s12+$0x0], $0xffff  }
0x6fa: {  	[tilespmem:$0x1DE10] =	vst v34;
	v29 =	vand.u32 $0x7FFFFFFF, v34;
	v24 =	vadd.f32 v26, v24;
	v34 =	vld.idx.msk [tilespmem:v22+s14+$0x0], $0xffff  }
0x6fb: {  	v27 =	vand.u32 $0x7FFFFFFF, v57;
	v25 =	vadd.f32 v29, v25;
	[tilespmem:$0x1DE20] =	vst v32;
	v28 =	vand.u32 $0x7FFFFFFF, v32;
	v32 =	vld.idx.msk [tilespmem:v53+s12+$0x0], $0xffff  }
0x6fc: {  	[tilespmem:$0x1DE30] =	vst v57;
	v29 =	vld [tilespmem:$0x1FCD0];
	v57 =	vand.u32 $0x7FFFFFFF, v62;
	v26 =	vadd.f32 v28, v24;
	v24 =	vor.u32 v56, v1  }
0x6fd: {  	v55 =	vor.u32 v2, v1;
	v2 =	vld.idx.msk [tilespmem:v54+s12+$0x0], $0xffff;
	[tilespmem:$0x1DE40] =	vst v62;
	v25 =	vadd.f32 v57, v25  }
0x6fe: {  	[tilespmem:$0x1DE50] =	vst v12;
	v11 =	vand.u32 $0x7FFFFFFF, v12;
	v62 =	vld.idx.msk [tilespmem:v23+s12+$0x0], $0xffff  }
0x6ff: {  	v12 =	vld.idx.msk [tilespmem:v23+s14+$0x0], $0xffff;
	v26 =	vadd.f32 v27, v26;
	v27 =	vadd.f32 v11, v25;
	[tilespmem:$0x1DE80] =	vst v34  }
0x700: {  	v9 =	vand.u32 $0x7FFFFFFF, v6;
	[tilespmem:$0x1DE70] =	vst v32;
	v28 =	vand.u32 $0x7FFFFFFF, v32;
	v32 =	vand.u32 $0x7FFFFFFF, v34;
	v34 =	vld [tilespmem:$0x1F270]  }
0x701: {  	[tilespmem:$0x1DE60] =	vst v6;
	v25 =	vor.u32 v29, v1;
	v26 =	vadd.f32 v9, v26;
	v6 =	vld.idx.msk [tilespmem:v24+s12+$0x0], $0xffff  }
0x702: {  	[tilespmem:$0x1DE90] =	vst v63;
	v57 =	vand.u32 $0x7FFFFFFF, v63;
	v63 =	vld.idx.msk [tilespmem:v24+s14+$0x0], $0xffff  }
0x703: {  	v27 =	vadd.f32 v32, v27;
	v32 =	vld [tilespmem:$0x1F280];
	v26 =	vadd.f32 v28, v26  }
0x704: {  	[tilespmem:$0x1DEA0] =	vst v62;
	v56 =	vand.u32 $0x7FFFFFFF, v62;
	v62 =	vld.idx.msk [tilespmem:v55+s12+$0x0], $0xffff  }
0x705: {  	v27 =	vadd.f32 v57, v27;
	v57 =	vld [tilespmem:$0x1F290];
	v28 =	vadd.f32 v56, v26;
	v26 =	vor.u32 v8, v1  }
0x706: {  	[tilespmem:$0x1DEC0] =	vst v12;
	v12 =	vand.u32 $0x7FFFFFFF, v12;
	v7 =	vld.idx.msk [tilespmem:v25+s12+$0x0], $0xffff  }
0x707: {  	v8 =	vld.idx.msk [tilespmem:v55+s14+$0x0], $0xffff;
	v27 =	vadd.f32 v12, v27  }
0x708: {  	[tilespmem:$0x1DEB0] =	vst v2;
	v29 =	vand.u32 $0x7FFFFFFF, v2;
	v56 =	vand.u32 $0x7FFFFFFF, v4;
	v2 =	vld.idx.msk [tilespmem:v25+s14+$0x0], $0xffff;
	v11 =	vor.u32 v34, v1  }
0x709: {  	[tilespmem:$0x1DDF0] =	vst v3;
	v27 =	vadd.f32 v56, v27;
	v56 =	vld [tilespmem:$0x1F2B0]  }
0x70a: {  	[tilespmem:$0x1DEE0] =	vst v6;
	v28 =	vadd.f32 v29, v28;
	v32 =	vor.u32 v32, v1;
	v34 =	vand.u32 $0x7FFFFFFF, v6;
	v6 =	vld.idx.msk [tilespmem:v26+s12+$0x0], $0xffff  }
0x70b: {  	[tilespmem:$0x1DF00] =	vst v63;
	v63 =	vand.u32 $0x7FFFFFFF, v63;
	v3 =	vld.idx.msk [tilespmem:v26+s14+$0x0], $0xffff  }
0x70c: {  	[tilespmem:$0x1DED0] =	vst v4;
	v28 =	vadd.f32 v34, v28;
	v4 =	vor.u32 v57, v1;
	v27 =	vadd.f32 v63, v27;
	v63 =	vld [tilespmem:$0x1FD20]  }
0x70d: {  	v12 =	vor.u32 v0, v1;
	[tilespmem:$0x1DEF0] =	vst v62;
	v62 =	vand.u32 $0x7FFFFFFF, v62;
	v9 =	vld.idx.msk [tilespmem:v11+s12+$0x0], $0xffff  }
0x70e: {  	[tilespmem:$0x1DF10] =	vst v8;
	v8 =	vand.u32 $0x7FFFFFFF, v8;
	v28 =	vadd.f32 v62, v28;
	v0 =	vld.idx.msk [tilespmem:v11+s14+$0x0], $0xffff;
	v62 =	vand.u32 $0x7FFFFFFF, v2  }
0x70f: {  	[tilespmem:$0x1DF20] =	vst v7;
	v7 =	vand.u32 $0x7FFFFFFF, v7;
	v34 =	vld.idx.msk [tilespmem:v32+s12+$0x0], $0xffff;
	v27 =	vadd.f32 v8, v27  }
0x710: {  	[tilespmem:$0x1DF40] =	vst v2;
	v2 =	vld.idx.msk [tilespmem:v32+s14+$0x0], $0xffff;
	v28 =	vadd.f32 v7, v28;
	v7 =	vor.u32 v56, v1  }
0x711: {  	v8 =	vld.idx.msk [tilespmem:v4+s12+$0x0], $0xffff;
	v27 =	vadd.f32 v62, v27;
	v62 =	vmov v7  }
0x712: {  	[tilespmem:$0x1DF60] =	vst v6;
	v56 =	vor.u32 v63, v1;
	v63 =	vld [tilespmem:$0x1F2C0]  }
0x713: {  	v5 =	vand.u32 $0x7FFFFFFF, v6;
	[tilespmem:$0x1DF30] =	vst v9;
	v57 =	vand.u32 $0x7FFFFFFF, v9;
	v6 =	vand.u32 $0x7FFFFFFF, v0;
	v9 =	vld.idx.msk [tilespmem:v12+s12+$0x0], $0xffff  }
0x714: {  	[tilespmem:$0x1DF50] =	vst v0;
	v0 =	vld.idx.msk [tilespmem:v4+s14+$0x0], $0xffff;
	v29 =	vadd.f32 v6, v27  }
0x715: {  	v28 =	vadd.f32 v57, v28;
	[tilespmem:$0x1DFA0] =	vst v2;
	v27 =	vld [tilespmem:$0x1FD40];
	v57 =	vand.u32 $0x7FFFFFFF, v3  }
0x716: {  	[tilespmem:$0x1DFB0] =	vst v8;
	v29 =	vadd.f32 v57, v29;
	v57 =	vand.u32 $0x7FFFFFFF, v8;
	v8 =	vand.u32 $0x7FFFFFFF, v2;
	v2 =	vld.idx.msk [tilespmem:v62+s14+$0x0], $0xffff  }
0x717: {  	[tilespmem:$0x1DF90] =	vst v3;
	v28 =	vadd.f32 v5, v28;
	v62 =	vld [tilespmem:$0x1FD50]  }
0x718: {  	[tilespmem:$0x1DF70] =	vst v34;
	v34 =	vand.u32 $0x7FFFFFFF, v34;
	v3 =	vld.idx.msk [tilespmem:v12+s14+$0x0], $0xffff  }
0x719: {  	[tilespmem:$0x1DFD0] =	vst v7;
	v7 =	vld.idx.msk [tilespmem:v7+s12+$0x0], $0xffff;
	v28 =	vadd.f32 v34, v28  }
0x71a: {  	[tilespmem:$0x1DF80] =	vst v4;
	v34 =	vor.u32 v63, v1  }
0x71b: {  	v4 =	vld.idx.msk [tilespmem:v56+s12+$0x0], $0xffff;
	v29 =	vadd.f32 v8, v29;
	v27 =	vor.u32 v27, v1;
	v57 =	vadd.f32 v57, v28  }
0x71c: {  	v63 =	vand.u32 $0x7FFFFFFF, v0;
	v28 =	vor.u32 v62, v1;
	v62 =	vand.u32 $0x7FFFFFFF, v9  }
0x71d: {  	[tilespmem:$0x1DFE0] =	vst v0;
	v0 =	vld [tilespmem:$0x1FD60];
	v29 =	vadd.f32 v63, v29;
	v62 =	vadd.f32 v62, v57  }
0x71e: {  	[tilespmem:$0x1E000] =	vst v7;
	v63 =	vand.u32 $0x7FFFFFFF, v7;
	v7 =	vand.u32 $0x7FFFFFFF, v3  }
0x71f: {  	v62 =	vadd.f32 v63, v62;
	v63 =	vadd.f32 v7, v29;
	v29 =	vld [tilespmem:$0x1FD70]  }
0x720: {  	[tilespmem:$0x1E020] =	vst v2;
	v2 =	vand.u32 $0x7FFFFFFF, v2;
	v6 =	vand.u32 $0x7FFFFFFF, v4;
	v8 =	vld.idx.msk [tilespmem:v27+s12+$0x0], $0xffff  }
0x721: {  	[tilespmem:$0x1E010] =	vst v4;
	v4 =	vadd.f32 v6, v62;
	v62 =	vadd.f32 v2, v63;
	v2 =	vld [tilespmem:$0x1FD80]  }
0x722: {  	[tilespmem:$0x1DFC0] =	vst v9;
	v9 =	vld.idx.msk [tilespmem:v56+s14+$0x0], $0xffff;
	v57 =	vor.u32 v0, v1  }
0x723: {  	[tilespmem:$0x1DFF0] =	vst v3;
	v3 =	vld.idx.msk [tilespmem:v34+s12+$0x0], $0xffff  }
0x724: {  	v0 =	vld.idx.msk [tilespmem:v27+s14+$0x0], $0xffff;
	v29 =	vor.u32 v29, v1  }
0x725: {  	v7 =	vld.idx.msk [tilespmem:v28+s12+$0x0], $0xffff  }
0x726: {  	v6 =	vld.idx.msk [tilespmem:v34+s14+$0x0], $0xffff;
	v5 =	vand.u32 $0x7FFFFFFF, v8;
	v1 =	vor.u32 v2, v1  }
0x727: {  	[tilespmem:$0x1E030] =	vst v9;
	v5 =	vadd.f32 v5, v4;
	v4 =	vld.idx.msk [tilespmem:v57+s12+$0x0], $0xffff  }
0x728: {  	[tilespmem:$0x1E040] =	vst v8;
	v8 =	vand.u32 $0x7FFFFFFF, v9;
	v9 =	vand.u32 $0x7FFFFFFF, v3  }
0x729: {  	v62 =	vadd.f32 v8, v62;
	v8 =	vadd.f32 v9, v5;
	v5 =	vld.idx.msk [tilespmem:v29+s12+$0x0], $0xffff  }
0x72a: {  	[tilespmem:$0x1E060] =	vst v0;
	v9 =	vand.u32 $0x7FFFFFFF, v7  }
0x72b: {  	v0 =	vand.u32 $0x7FFFFFFF, v0;
	[tilespmem:$0x1E080] =	vst v7;
	v8 =	vadd.f32 v9, v8;
	v7 =	vld.idx.msk [tilespmem:v1+s12+$0x0], $0xffff  }
0x72c: {  	[tilespmem:$0x1E070] =	vst v6;
	v2 =	vld.idx.msk [tilespmem:v28+s14+$0x0], $0xffff;
	v62 =	vadd.f32 v0, v62;
	v0 =	vand.u32 $0x7FFFFFFF, v6;
	v6 =	vand.u32 $0x7FFFFFFF, v4  }
0x72d: {  	[tilespmem:$0x1E050] =	vst v3;
	v6 =	vadd.f32 v6, v8  }
0x72e: {  	v3 =	vld.idx.msk [tilespmem:v57+s14+$0x0], $0xffff;
	[tilespmem:$0x1E090] =	vst v4;
	v4 =	vand.u32 $0x7FFFFFFF, v5  }
0x72f: {  	v6 =	vadd.f32 v4, v6  }
0x730: {  	v62 =	vadd.f32 v0, v62;
	v0 =	vld.idx.msk [tilespmem:v29+s14+$0x0], $0xffff;
	[tilespmem:$0x1E0E0] =	vst v7;
	v7 =	vand.u32 $0x7FFFFFFF, v7  }
0x731: {  	v8 =	vand.u32 $0x7FFFFFFF, v2;
	v6 =	vadd.f32 v7, v6  }
0x732: {  	v9 =	vld.idx.msk [tilespmem:v1+s14+$0x0], $0xffff;
	v62 =	vadd.f32 v8, v62  }
0x733: {  	[tilespmem:$0x1E0D0] =	vst v5;
	v5 =	vand.u32 $0x7FFFFFFF, v3;
	(erf) = vrcp.f32 v6  }
0x734: {  	v62 =	vadd.f32 v5, v62  }
0x735: {  	v8 =	vand.u32 $0x7FFFFFFF, v0  }
0x736: {  	v62 =	vadd.f32 v8, v62  }
0x737: {  	[tilespmem:$0x1E100] =	vst v9;
	v9 =	vand.u32 $0x7FFFFFFF, v9  }
0x738: {  	v5 =	vld [tilespmem:$0x1D850];
	v6 =	vadd.f32 v9, v62  }
0x739: {  	v33 =	vld.idx.msk [tilespmem:v33+s13+$0x0], $0xffff  }
0x73a: {  	v35 =	vld.idx.msk [tilespmem:v35+s13+$0x0], $0xffff;
	(erf) = vrcp.f32 v6  }
0x73b: {  	v63 =	vld.idx.msk [tilespmem:v31+s13+$0x0], $0xffff  }
0x73c: {  	[tilespmem:$0x1E0F0] =	vst v0;
	v9 =	vld [tilespmem:$0x1D870];
	v0 =	vpop (erf)  }
0x73d: {  	v8 =	vld [tilespmem:$0x1D860];
	v7 =	vmul.f32 v0, v5  }
0x73e: {  	v6 =	vld.idx.msk [tilespmem:v30+s13+$0x0], $0xffff  }
0x73f: {  	v7 =	vadd.f32 v7, v33;
	v33 =	vld [tilespmem:$0x1D890]  }
0x740: {  	v31 =	vld [tilespmem:$0x1D880]  }
0x741: {  	v30 =	vmul.f32 v0, v9;
	v9 =	vld [tilespmem:$0x1D8A0]  }
0x742: {  	[tilespmem:$0x1E0B0] =	vst v1;
	v1 =	vmul.f32 v0, v8  }
0x743: {  	[tilespmem:$0x1E0A0] =	vst v2;
	v2 =	vpop (erf);
	v6 =	vadd.f32 v6, v30;
	v30 =	vld.idx.msk [tilespmem:v36+s13+$0x0], $0xffff  }
0x744: {  	v5 =	vadd.f32 v1, v35;
	v36 =	vld [tilespmem:$0x1D8C0];
	v35 =	vmul.f32 v2, v33  }
0x745: {  	[tilespmem:$0x1E0C0] =	vst v3;
	v33 =	vld [tilespmem:$0x1D8B0]  }
0x746: {  	v4 =	vmul.f32 v2, v31;
	v31 =	vmul.f32 v0, v9;
	v3 =	vsub.f32 v5, v35;
	v5 =	vld.idx.msk [tilespmem:v58+s13+$0x0], $0xffff  }
0x747: {  	v58 =	vld [tilespmem:$0x1D8D0]  }
0x748: {  	v35 =	vadd.f32 v63, v31;
	v31 =	vld [tilespmem:$0x1D900]  }
0x749: {  	v63 =	vld [tilespmem:$0x1D8E0]  }
0x74a: {  	v4 =	vsub.f32 v7, v4;
	v9 =	vld [tilespmem:$0x1D8F0];
	v1 =	vmul.f32 v2, v33  }
0x74b: {  	v59 =	vld.idx.msk [tilespmem:v59+s13+$0x0], $0xffff  }
0x74c: {  	v4 =	vand.u32 $0x7FFFFFFF, v4;
	v1 =	vsub.f32 v6, v1;
	v6 =	vmul.f32 v2, v36;
	v36 =	vld [tilespmem:$0x1D910]  }
0x74d: {  	v3 =	vand.u32 $0x7FFFFFFF, v3;
	v62 =	vmul.f32 v0, v58;
	v33 =	vmul.f32 v2, v31;
	v31 =	vld [tilespmem:$0x1D930]  }
0x74e: {  	v50 =	vld.idx.msk [tilespmem:v50+s13+$0x0], $0xffff;
	v3 =	vadd.f32 v3, v4;
	v4 =	vsub.f32 v35, v6;
	v6 =	vmul.f32 v0, v63  }
0x74f: {  	v8 =	vld [tilespmem:$0x1D980];
	v30 =	vadd.f32 v30, v62;
	v1 =	vand.u32 $0x7FFFFFFF, v1  }
0x750: {  	v63 =	vld [tilespmem:$0x1D920];
	v1 =	vadd.f32 v3, v1;
	v35 =	vadd.f32 v5, v6  }
0x751: {  	v62 =	vsub.f32 v30, v33;
	v4 =	vand.u32 $0x7FFFFFFF, v4;
	v33 =	vld [tilespmem:$0x1D940];
	v5 =	vmul.f32 v2, v36  }
0x752: {  	v7 =	vld.idx.msk [tilespmem:v9+s13+$0x0], $0xffff;
	v1 =	vadd.f32 v1, v4;
	v4 =	vmul.f32 v0, v31  }
0x753: {  	v3 =	vsub.f32 v35, v5;
	v35 =	vld [tilespmem:$0x1D950]  }
0x754: {  	v4 =	vadd.f32 v59, v4;
	v59 =	vld [tilespmem:$0x1D960]  }
0x755: {  	v58 =	vld.idx.msk [tilespmem:v60+s13+$0x0], $0xffff;
	v9 =	vmul.f32 v0, v63  }
0x756: {  	v60 =	vld [tilespmem:$0x1D970]  }
0x757: {  	v7 =	vadd.f32 v7, v9;
	v9 =	vld [tilespmem:$0x1D990]  }
0x758: {  	v31 =	vld [tilespmem:$0x1D9A0];
	v6 =	vand.u32 $0x7FFFFFFF, v62  }
0x759: {  	v1 =	vadd.f32 v1, v6;
	v5 =	vld.idx.msk [tilespmem:v33+s13+$0x0], $0xffff;
	v36 =	vmul.f32 v2, v35;
	v6 =	vmul.f32 v2, v59  }
0x75a: {  	v35 =	vld [tilespmem:$0x1D9B0]  }
0x75b: {  	v7 =	vsub.f32 v7, v36;
	v63 =	vsub.f32 v4, v6;
	v4 =	vmul.f32 v0, v8;
	v36 =	vld.idx.msk [tilespmem:v61+s13+$0x0], $0xffff  }
0x75c: {  	v61 =	vld [tilespmem:$0x1D9D0]  }
0x75d: {  	v3 =	vand.u32 $0x7FFFFFFF, v3;
	v4 =	vadd.f32 v58, v4;
	v58 =	vld [tilespmem:$0x1D9C0]  }
0x75e: {  	v62 =	vmul.f32 v0, v60;
	v1 =	vadd.f32 v1, v3;
	v3 =	vand.u32 $0x7FFFFFFF, v63;
	v63 =	vld [tilespmem:$0x1D9F0]  }
0x75f: {  	v33 =	vmul.f32 v2, v31;
	v7 =	vand.u32 $0x7FFFFFFF, v7;
	v6 =	vld.idx.msk [tilespmem:v9+s13+$0x0], $0xffff  }
0x760: {  	v5 =	vadd.f32 v5, v62;
	v1 =	vadd.f32 v1, v7;
	v7 =	vmul.f32 v2, v35;
	v62 =	vld [tilespmem:$0x1D9E0]  }
0x761: {  	v35 =	vld.idx.msk [tilespmem:v37+s13+$0x0], $0xffff  }
0x762: {  	v5 =	vsub.f32 v5, v33;
	v60 =	vsub.f32 v4, v7;
	v4 =	vmul.f32 v0, v61;
	v33 =	vld [tilespmem:$0x1DA00]  }
0x763: {  	v61 =	vld [tilespmem:$0x1DA40]  }
0x764: {  	v4 =	vadd.f32 v36, v4;
	v36 =	vld [tilespmem:$0x1DA10]  }
0x765: {  	v1 =	vadd.f32 v1, v3;
	v59 =	vmul.f32 v0, v58;
	v3 =	vand.u32 $0x7FFFFFFF, v60;
	v60 =	vld [tilespmem:$0x1DA30]  }
0x766: {  	v9 =	vmul.f32 v2, v63;
	v63 =	vld.idx.msk [tilespmem:v38+s13+$0x0], $0xffff  }
0x767: {  	v5 =	vand.u32 $0x7FFFFFFF, v5;
	v6 =	vadd.f32 v6, v59;
	v59 =	vld [tilespmem:$0x1DA20]  }
0x768: {  	v1 =	vadd.f32 v1, v5;
	v5 =	vmul.f32 v2, v33;
	v33 =	vld [tilespmem:$0x1DA50]  }
0x769: {  	v7 =	vld.idx.msk [tilespmem:v62+s13+$0x0], $0xffff  }
0x76a: {  	v62 =	vmul.f32 v2, v61;
	v61 =	vld.idx.msk [tilespmem:v39+s13+$0x0], $0xffff  }
0x76b: {  	v39 =	vld [tilespmem:$0x1DB00];
	v58 =	vsub.f32 v4, v5  }
0x76c: {  	v37 =	vmul.f32 v0, v36;
	v36 =	vld [tilespmem:$0x1DAE0]  }
0x76d: {  	v1 =	vadd.f32 v1, v3;
	v6 =	vsub.f32 v6, v9;
	v3 =	vand.u32 $0x7FFFFFFF, v58;
	v58 =	vld [tilespmem:$0x1DA70]  }
0x76e: {  	v4 =	vmul.f32 v0, v59;
	v59 =	vld [tilespmem:$0x1DA80]  }
0x76f: {  	v6 =	vand.u32 $0x7FFFFFFF, v6;
	v5 =	vld.idx.msk [tilespmem:v60+s13+$0x0], $0xffff  }
0x770: {  	v1 =	vadd.f32 v1, v6;
	v60 =	vld [tilespmem:$0x1DA90]  }
0x771: {  	v6 =	vmul.f32 v2, v33;
	v33 =	vld [tilespmem:$0x1DAC0];
	v7 =	vadd.f32 v7, v37;
	v4 =	vadd.f32 v35, v4  }
0x772: {  	v35 =	vld [tilespmem:$0x1DA60]  }
0x773: {  	v7 =	vsub.f32 v7, v62;
	v38 =	vsub.f32 v4, v6;
	v62 =	vld [tilespmem:$0x1DAA0]  }
0x774: {  	v4 =	vmul.f32 v0, v58;
	v58 =	vld [tilespmem:$0x1DB10]  }
0x775: {  	v1 =	vadd.f32 v1, v3;
	v3 =	vand.u32 $0x7FFFFFFF, v38;
	v38 =	vld [tilespmem:$0x1DAF0]  }
0x776: {  	v8 =	vmul.f32 v2, v60;
	v60 =	vld [tilespmem:$0x1DB20]  }
0x777: {  	v4 =	vadd.f32 v63, v4;
	v63 =	vld [tilespmem:$0x1DAB0]  }
0x778: {  	v37 =	vmul.f32 v0, v35;
	v35 =	vld [tilespmem:$0x1DAD0]  }
0x779: {  	v6 =	vld.idx.msk [tilespmem:v59+s13+$0x0], $0xffff  }
0x77a: {  	v7 =	vand.u32 $0x7FFFFFFF, v7;
	v59 =	vld.idx.msk [tilespmem:v10+s13+$0x0], $0xffff  }
0x77b: {  	v1 =	vadd.f32 v1, v7;
	v5 =	vadd.f32 v5, v37;
	v7 =	vmul.f32 v2, v62;
	v37 =	vld.idx.msk [tilespmem:v40+s13+$0x0], $0xffff  }
0x77c: {  	v62 =	vld [tilespmem:$0x1DB30]  }
0x77d: {  	v31 =	vsub.f32 v4, v7;
	v4 =	vmul.f32 v0, v33;
	v33 =	vld [tilespmem:$0x1DB60]  }
0x77e: {  	v5 =	vsub.f32 v5, v8;
	v8 =	vmul.f32 v0, v63;
	v63 =	vld [tilespmem:$0x1DB40]  }
0x77f: {  	v4 =	vadd.f32 v61, v4;
	v61 =	vld.idx.msk [tilespmem:v41+s13+$0x0], $0xffff  }
0x780: {  	v1 =	vadd.f32 v1, v3;
	v3 =	vand.u32 $0x7FFFFFFF, v31;
	v31 =	vld [tilespmem:$0x1DB50]  }
0x781: {  	v41 =	vld [tilespmem:$0x1DBB0]  }
0x782: {  	v5 =	vand.u32 $0x7FFFFFFF, v5;
	v6 =	vadd.f32 v6, v8;
	v8 =	vmul.f32 v2, v36;
	v36 =	vld.idx.msk [tilespmem:v42+s13+$0x0], $0xffff  }
0x783: {  	v1 =	vadd.f32 v1, v5;
	v5 =	vmul.f32 v2, v38;
	v38 =	vld [tilespmem:$0x1DB90]  }
0x784: {  	v42 =	vld [tilespmem:$0x1DBC0]  }
0x785: {  	v7 =	vld.idx.msk [tilespmem:v35+s13+$0x0], $0xffff  }
0x786: {  	v35 =	vld [tilespmem:$0x1DB70]  }
0x787: {  	v40 =	vsub.f32 v4, v5;
	v4 =	vmul.f32 v0, v58;
	v58 =	vld.idx.msk [tilespmem:v43+s13+$0x0], $0xffff  }
0x788: {  	v6 =	vsub.f32 v6, v8;
	v43 =	vld [tilespmem:$0x1DC70]  }
0x789: {  	v1 =	vadd.f32 v1, v3;
	v4 =	vadd.f32 v37, v4;
	v37 =	vld [tilespmem:$0x1DB80]  }
0x78a: {  	v8 =	vmul.f32 v0, v39;
	v6 =	vand.u32 $0x7FFFFFFF, v6;
	v3 =	vand.u32 $0x7FFFFFFF, v40;
	v40 =	vld [tilespmem:$0x1DBA0]  }
0x78b: {  	v1 =	vadd.f32 v1, v6;
	v6 =	vmul.f32 v2, v62;
	v62 =	vld [tilespmem:$0x1DBF0]  }
0x78c: {  	v7 =	vadd.f32 v7, v8;
	v8 =	vmul.f32 v2, v60;
	v60 =	vld [tilespmem:$0x1DBE0]  }
0x78d: {  	v30 =	vsub.f32 v4, v6;
	v6 =	vld.idx.msk [tilespmem:v33+s13+$0x0], $0xffff  }
0x78e: {  	v4 =	vmul.f32 v0, v31;
	v31 =	vld [tilespmem:$0x1DC10]  }
0x78f: {  	v33 =	vld [tilespmem:$0x1DC20]  }
0x790: {  	v7 =	vsub.f32 v7, v8;
	v8 =	vmul.f32 v0, v63;
	v63 =	vld.idx.msk [tilespmem:v13+s13+$0x0], $0xffff  }
0x791: {  	v13 =	vld [tilespmem:$0x1DC00]  }
0x792: {  	v1 =	vadd.f32 v1, v3;
	v3 =	vand.u32 $0x7FFFFFFF, v30;
	v30 =	vld.idx.msk [tilespmem:v44+s13+$0x0], $0xffff  }
0x793: {  	v44 =	vld.idx.msk [tilespmem:v15+s13+$0x0], $0xffff  }
0x794: {  	v15 =	vld [tilespmem:$0x1DCD0]  }
0x795: {  	v5 =	vadd.f32 v59, v8;
	v7 =	vand.u32 $0x7FFFFFFF, v7;
	v59 =	vld [tilespmem:$0x1DBD0]  }
0x796: {  	v1 =	vadd.f32 v1, v7;
	v7 =	vmul.f32 v2, v37;
	v37 =	vld.idx.msk [tilespmem:v14+s13+$0x0], $0xffff  }
0x797: {  	v8 =	vmul.f32 v2, v35;
	v14 =	vld.idx.msk [tilespmem:v47+s13+$0x0], $0xffff  }
0x798: {  	v4 =	vadd.f32 v61, v4;
	v47 =	vld [tilespmem:$0x1DD70]  }
0x799: {  	v5 =	vsub.f32 v5, v8;
	v8 =	vmul.f32 v0, v38;
	v38 =	vld [tilespmem:$0x1DC40]  }
0x79a: {  	v39 =	vsub.f32 v4, v7;
	v7 =	vld.idx.msk [tilespmem:v41+s13+$0x0], $0xffff  }
0x79b: {  	v4 =	vmul.f32 v0, v40;
	v40 =	vld [tilespmem:$0x1DC50]  }
0x79c: {  	v41 =	vld [tilespmem:$0x1DC60]  }
0x79d: {  	v4 =	vadd.f32 v36, v4;
	v36 =	vld [tilespmem:$0x1DC30]  }
0x79e: {  	v1 =	vadd.f32 v1, v3;
	v3 =	vand.u32 $0x7FFFFFFF, v39;
	v39 =	vld.idx.msk [tilespmem:v45+s13+$0x0], $0xffff  }
0x79f: {  	v6 =	vadd.f32 v6, v8;
	v8 =	vmul.f32 v2, v42;
	v5 =	vand.u32 $0x7FFFFFFF, v5;
	v45 =	vld [tilespmem:$0x1DC80]  }
0x7a0: {  	v1 =	vadd.f32 v1, v5;
	v5 =	vmul.f32 v2, v59;
	v59 =	vld [tilespmem:$0x1DC90]  }
0x7a1: {  	v6 =	vsub.f32 v6, v8;
	v8 =	vmul.f32 v0, v60;
	v60 =	vld [tilespmem:$0x1DCA0]  }
0x7a2: {  	v61 =	vsub.f32 v4, v5;
	v4 =	vmul.f32 v0, v62;
	v62 =	vld [tilespmem:$0x1DCB0]  }
0x7a3: {  	v1 =	vadd.f32 v1, v3;
	v7 =	vadd.f32 v7, v8;
	v8 =	vmul.f32 v2, v13;
	v13 =	vld [tilespmem:$0x1DCC0]  }
0x7a4: {  	v6 =	vand.u32 $0x7FFFFFFF, v6;
	v4 =	vadd.f32 v58, v4;
	v58 =	vld.idx.msk [tilespmem:v46+s13+$0x0], $0xffff  }
0x7a5: {  	v1 =	vadd.f32 v1, v6;
	v6 =	vmul.f32 v2, v31;
	v31 =	vld [tilespmem:$0x1DCF0]  }
0x7a6: {  	v7 =	vsub.f32 v7, v8;
	v8 =	vmul.f32 v0, v33;
	v33 =	vld.idx.msk [tilespmem:v17+s13+$0x0], $0xffff  }
0x7a7: {  	v17 =	vld [tilespmem:$0x1DDF0]  }
0x7a8: {  	v35 =	vsub.f32 v4, v6;
	v4 =	vmul.f32 v0, v36;
	v36 =	vld.idx.msk [tilespmem:v48+s13+$0x0], $0xffff  }
0x7a9: {  	v48 =	vld.idx.msk [tilespmem:v19+s13+$0x0], $0xffff  }
0x7aa: {  	v19 =	vld [tilespmem:$0x1DE00]  }
0x7ab: {  	v5 =	vadd.f32 v63, v8;
	v63 =	vld.idx.msk [tilespmem:v16+s13+$0x0], $0xffff  }
0x7ac: {  	v3 =	vand.u32 $0x7FFFFFFF, v61;
	v16 =	vld [tilespmem:$0x1DCE0]  }
0x7ad: {  	v1 =	vadd.f32 v1, v3;
	v8 =	vmul.f32 v2, v38;
	v38 =	vld [tilespmem:$0x1DD20]  }
0x7ae: {  	v7 =	vand.u32 $0x7FFFFFFF, v7;
	v3 =	vand.u32 $0x7FFFFFFF, v35;
	v35 =	vld [tilespmem:$0x1DD00]  }
0x7af: {  	v1 =	vadd.f32 v1, v7;
	v7 =	vmul.f32 v2, v40;
	v40 =	vld [tilespmem:$0x1DD30]  }
0x7b0: {  	v5 =	vsub.f32 v5, v8;
	v8 =	vmul.f32 v0, v41;
	v41 =	vld.idx.msk [tilespmem:v18+s13+$0x0], $0xffff  }
0x7b1: {  	v4 =	vadd.f32 v30, v4;
	v18 =	vld.idx.msk [tilespmem:v21+s13+$0x0], $0xffff  }
0x7b2: {  	v21 =	vld [tilespmem:$0x1DE10]  }
0x7b3: {  	v42 =	vsub.f32 v4, v7;
	v4 =	vmul.f32 v0, v43;
	v43 =	vld.idx.msk [tilespmem:v49+s13+$0x0], $0xffff  }
0x7b4: {  	v1 =	vadd.f32 v1, v3;
	v49 =	vld [tilespmem:$0x1DD80]  }
0x7b5: {  	v6 =	vadd.f32 v37, v8;
	v5 =	vand.u32 $0x7FFFFFFF, v5;
	v37 =	vld [tilespmem:$0x1DD10]  }
0x7b6: {  	v8 =	vmul.f32 v2, v45;
	v45 =	vld [tilespmem:$0x1DD60];
	v1 =	vadd.f32 v1, v5  }
0x7b7: {  	v4 =	vadd.f32 v39, v4;
	v5 =	vmul.f32 v2, v59;
	v3 =	vand.u32 $0x7FFFFFFF, v42;
	v42 =	vld [tilespmem:$0x1DD40]  }
0x7b8: {  	v59 =	vld [tilespmem:$0x1DDA0]  }
0x7b9: {  	v61 =	vsub.f32 v4, v5;
	v4 =	vmul.f32 v0, v62;
	v62 =	vld.idx.msk [tilespmem:v20+s13+$0x0], $0xffff  }
0x7ba: {  	v6 =	vsub.f32 v6, v8;
	v8 =	vmul.f32 v0, v60;
	v20 =	vld.idx.msk [tilespmem:v52+s13+$0x0], $0xffff  }
0x7bb: {  	v52 =	vld [tilespmem:$0x1DED0]  }
0x7bc: {  	v7 =	vadd.f32 v44, v8;
	v44 =	vld [tilespmem:$0x1DD50]  }
0x7bd: {  	v8 =	vmul.f32 v2, v13;
	v13 =	vld.idx.msk [tilespmem:v51+s13+$0x0], $0xffff  }
0x7be: {  	v51 =	vld.idx.msk [tilespmem:v55+s13+$0x0], $0xffff  }
0x7bf: {  	v55 =	vld [tilespmem:$0x1DEF0]  }
0x7c0: {  	v1 =	vadd.f32 v1, v3;
	v6 =	vand.u32 $0x7FFFFFFF, v6;
	v4 =	vadd.f32 v58, v4;
	v58 =	vld [tilespmem:$0x1DD90]  }
0x7c1: {  	v3 =	vand.u32 $0x7FFFFFFF, v61;
	v61 =	vld [tilespmem:$0x1DDB0];
	v7 =	vsub.f32 v7, v8;
	v8 =	vmul.f32 v0, v16  }
0x7c2: {  	v1 =	vadd.f32 v1, v6;
	v6 =	vmul.f32 v2, v15;
	v15 =	vld [tilespmem:$0x1DDE0]  }
0x7c3: {  	v5 =	vadd.f32 v63, v8;
	v63 =	vld [tilespmem:$0x1DDC0]  }
0x7c4: {  	v30 =	vsub.f32 v4, v6;
	v4 =	vmul.f32 v0, v31;
	v8 =	vmul.f32 v2, v35;
	v35 =	vld.idx.msk [tilespmem:v22+s13+$0x0], $0xffff  }
0x7c5: {  	v22 =	vld [tilespmem:$0x1DF90]  }
0x7c6: {  	v1 =	vadd.f32 v1, v3;
	v4 =	vadd.f32 v14, v4;
	v14 =	vld [tilespmem:$0x1DDD0]  }
0x7c7: {  	v7 =	vand.u32 $0x7FFFFFFF, v7;
	v3 =	vand.u32 $0x7FFFFFFF, v30;
	v30 =	vld [tilespmem:$0x1DE20]  }
0x7c8: {  	v1 =	vadd.f32 v1, v7;
	v7 =	vmul.f32 v2, v37;
	v37 =	vld.idx.msk [tilespmem:v53+s13+$0x0], $0xffff  }
0x7c9: {  	v53 =	vld [tilespmem:$0x1DEE0];
	v5 =	vsub.f32 v5, v8;
	v8 =	vmul.f32 v0, v38  }
0x7ca: {  	v38 =	vld [tilespmem:$0x1DE50]  }
0x7cb: {  	v6 =	vadd.f32 v33, v8;
	v33 =	vld [tilespmem:$0x1DE30]  }
0x7cc: {  	v39 =	vsub.f32 v4, v7;
	v4 =	vmul.f32 v0, v40;
	v8 =	vmul.f32 v2, v42;
	v42 =	vld.idx.msk [tilespmem:v23+s13+$0x0], $0xffff  }
0x7cd: {  	v1 =	vadd.f32 v1, v3;
	v23 =	vld.idx.msk [tilespmem:v12+s13+$0x0], $0xffff  }
0x7ce: {  	v5 =	vand.u32 $0x7FFFFFFF, v5;
	v4 =	vadd.f32 v36, v4;
	v36 =	vld [tilespmem:$0x1DE40]  }
0x7cf: {  	v1 =	vadd.f32 v1, v5;
	v3 =	vand.u32 $0x7FFFFFFF, v39;
	v39 =	vld [tilespmem:$0x1DE60]  }
0x7d0: {  	v5 =	vmul.f32 v2, v44;
	v44 =	vld.idx.msk [tilespmem:v54+s13+$0x0], $0xffff;
	v6 =	vsub.f32 v6, v8;
	v8 =	vmul.f32 v0, v45  }
0x7d1: {  	v45 =	vld [tilespmem:$0x1DE90]  }
0x7d2: {  	v7 =	vadd.f32 v41, v8;
	v41 =	vld [tilespmem:$0x1DE70]  }
0x7d3: {  	v46 =	vsub.f32 v4, v5;
	v4 =	vmul.f32 v0, v47;
	v8 =	vmul.f32 v2, v49;
	v49 =	vld.idx.msk [tilespmem:v24+s13+$0x0], $0xffff  }
0x7d4: {  	v24 =	vld [tilespmem:$0x1DFA0]  }
0x7d5: {  	v1 =	vadd.f32 v1, v3;
	v4 =	vadd.f32 v43, v4;
	v43 =	vld [tilespmem:$0x1DE80]  }
0x7d6: {  	v6 =	vand.u32 $0x7FFFFFFF, v6;
	v3 =	vand.u32 $0x7FFFFFFF, v46;
	v46 =	vld [tilespmem:$0x1DEA0]  }
0x7d7: {  	v1 =	vadd.f32 v1, v6;
	v6 =	vmul.f32 v2, v58;
	v58 =	vld.idx.msk [tilespmem:v25+s13+$0x0], $0xffff  }
0x7d8: {  	v25 =	vld [tilespmem:$0x1DFB0]  }
0x7d9: {  	v7 =	vsub.f32 v7, v8;
	v8 =	vmul.f32 v0, v59;
	v59 =	vld [tilespmem:$0x1DF00]  }
0x7da: {  	v60 =	vsub.f32 v4, v6;
	v4 =	vmul.f32 v0, v61;
	v61 =	vld [tilespmem:$0x1DF10]  }
0x7db: {  	v5 =	vadd.f32 v48, v8;
	v48 =	vld [tilespmem:$0x1DEB0]  }
0x7dc: {  	v1 =	vadd.f32 v1, v3;
	v4 =	vadd.f32 v50, v4;
	v50 =	vld [tilespmem:$0x1DEC0]  }
0x7dd: {  	v8 =	vmul.f32 v2, v63;
	v7 =	vand.u32 $0x7FFFFFFF, v7;
	v3 =	vand.u32 $0x7FFFFFFF, v60;
	v60 =	vld.idx.msk [tilespmem:v11+s13+$0x0], $0xffff  }
0x7de: {  	v1 =	vadd.f32 v1, v7;
	v7 =	vmul.f32 v2, v14;
	v14 =	vld.idx.msk [tilespmem:v26+s13+$0x0], $0xffff  }
0x7df: {  	v5 =	vsub.f32 v5, v8;
	v8 =	vmul.f32 v0, v15;
	v15 =	vld [tilespmem:$0x1DF40]  }
0x7e0: {  	v16 =	vsub.f32 v4, v7;
	v4 =	vmul.f32 v0, v17;
	v17 =	vld [tilespmem:$0x1DF50]  }
0x7e1: {  	v6 =	vadd.f32 v62, v8;
	v62 =	vld [tilespmem:$0x1DF20]  }
0x7e2: {  	v1 =	vadd.f32 v1, v3;
	v4 =	vadd.f32 v13, v4;
	v13 =	vld [tilespmem:$0x1DF30]  }
0x7e3: {  	v5 =	vand.u32 $0x7FFFFFFF, v5;
	v3 =	vand.u32 $0x7FFFFFFF, v16;
	v16 =	vld.idx.msk [tilespmem:v32+s13+$0x0], $0xffff  }
0x7e4: {  	v8 =	vmul.f32 v2, v19;
	v1 =	vadd.f32 v1, v5;
	v5 =	vmul.f32 v2, v21;
	v21 =	vld [tilespmem:$0x1DF80]  }
0x7e5: {  	v32 =	vld [tilespmem:$0x1DFE0]  }
0x7e6: {  	v6 =	vsub.f32 v6, v8;
	v8 =	vmul.f32 v0, v30;
	v30 =	vld [tilespmem:$0x1DFC0]  }
0x7e7: {  	v31 =	vsub.f32 v4, v5;
	v4 =	vmul.f32 v0, v33;
	v33 =	vld.idx.msk [tilespmem:v56+s13+$0x0], $0xffff  }
0x7e8: {  	v1 =	vadd.f32 v1, v3;
	v56 =	vld [tilespmem:$0x1E0C0]  }
0x7e9: {  	v7 =	vadd.f32 v18, v8;
	v8 =	vmul.f32 v2, v36;
	v6 =	vand.u32 $0x7FFFFFFF, v6;
	v18 =	vld [tilespmem:$0x1DF60]  }
0x7ea: {  	v36 =	vld [tilespmem:$0x1E000];
	v1 =	vadd.f32 v1, v6;
	v4 =	vadd.f32 v20, v4;
	v6 =	vmul.f32 v2, v38  }
0x7eb: {  	v3 =	vand.u32 $0x7FFFFFFF, v31;
	v20 =	vld [tilespmem:$0x1DF70];
	v7 =	vsub.f32 v7, v8;
	v8 =	vmul.f32 v0, v39  }
0x7ec: {  	v31 =	vld [tilespmem:$0x1DFD0];
	v1 =	vadd.f32 v1, v3;
	v40 =	vsub.f32 v4, v6;
	v4 =	vmul.f32 v0, v41  }
0x7ed: {  	v38 =	vld [tilespmem:$0x1E010];
	v5 =	vadd.f32 v35, v8;
	v8 =	vmul.f32 v2, v43;
	v7 =	vand.u32 $0x7FFFFFFF, v7  }
0x7ee: {  	v39 =	vld.idx.msk [tilespmem:v27+s13+$0x0], $0xffff;
	v1 =	vadd.f32 v1, v7;
	v4 =	vadd.f32 v37, v4;
	v7 =	vmul.f32 v2, v45  }
0x7ef: {  	v41 =	vld.idx.msk [tilespmem:v34+s13+$0x0], $0xffff;
	v3 =	vand.u32 $0x7FFFFFFF, v40;
	v5 =	vsub.f32 v5, v8;
	v8 =	vmul.f32 v0, v46  }
0x7f0: {  	v35 =	vld [tilespmem:$0x1DFF0];
	v1 =	vadd.f32 v1, v3;
	v47 =	vsub.f32 v4, v7;
	v4 =	vmul.f32 v0, v48  }
0x7f1: {  	v43 =	vld [tilespmem:$0x1E040];
	v6 =	vadd.f32 v42, v8;
	v8 =	vmul.f32 v2, v50;
	v5 =	vand.u32 $0x7FFFFFFF, v5  }
0x7f2: {  	v40 =	vld [tilespmem:$0x1E020];
	v1 =	vadd.f32 v1, v5;
	v4 =	vadd.f32 v44, v4;
	v5 =	vmul.f32 v2, v52  }
0x7f3: {  	v45 =	vld [tilespmem:$0x1E050];
	v3 =	vand.u32 $0x7FFFFFFF, v47;
	v6 =	vsub.f32 v6, v8;
	v8 =	vmul.f32 v0, v53  }
0x7f4: {  	v46 =	vld.idx.msk [tilespmem:v28+s13+$0x0], $0xffff;
	v1 =	vadd.f32 v1, v3;
	v54 =	vsub.f32 v4, v5;
	v4 =	vmul.f32 v0, v55  }
0x7f5: {  	v48 =	vld.idx.msk [tilespmem:v57+s13+$0x0], $0xffff;
	v7 =	vadd.f32 v49, v8;
	v8 =	vmul.f32 v2, v59;
	v6 =	vand.u32 $0x7FFFFFFF, v6  }
0x7f6: {  	v57 =	vld [tilespmem:$0x1E0D0];
	v1 =	vadd.f32 v1, v6;
	v4 =	vadd.f32 v51, v4;
	v6 =	vmul.f32 v2, v61  }
0x7f7: {  	v42 =	vld [tilespmem:$0x1E030];
	v3 =	vand.u32 $0x7FFFFFFF, v54;
	v7 =	vsub.f32 v7, v8;
	v8 =	vmul.f32 v0, v62  }
0x7f8: {  	v50 =	vld [tilespmem:$0x1E080];
	v1 =	vadd.f32 v1, v3;
	v63 =	vsub.f32 v4, v6;
	v4 =	vmul.f32 v0, v13  }
0x7f9: {  	v47 =	vld [tilespmem:$0x1E060];
	v5 =	vadd.f32 v58, v8;
	v8 =	vmul.f32 v2, v15;
	v7 =	vand.u32 $0x7FFFFFFF, v7  }
0x7fa: {  	v52 =	vld [tilespmem:$0x1E090];
	v1 =	vadd.f32 v1, v7;
	v4 =	vadd.f32 v60, v4;
	v7 =	vmul.f32 v2, v17  }
0x7fb: {  	v53 =	vld.idx.msk [tilespmem:v29+s13+$0x0], $0xffff;
	v3 =	vand.u32 $0x7FFFFFFF, v63;
	v5 =	vsub.f32 v5, v8;
	v8 =	vmul.f32 v0, v18  }
0x7fc: {  	v1 =	vadd.f32 v1, v3;
	v19 =	vsub.f32 v4, v7;
	v4 =	vmul.f32 v0, v20;
	v7 =	vld.idx.msk [tilespmem:v21+s13+$0x0], $0xffff  }
0x7fd: {  	v55 =	vld [tilespmem:$0x1E0B0];
	v6 =	vadd.f32 v14, v8;
	v8 =	vmul.f32 v2, v22;
	v5 =	vand.u32 $0x7FFFFFFF, v5  }
0x7fe: {  	v49 =	vld [tilespmem:$0x1E070];
	v1 =	vadd.f32 v1, v5;
	v4 =	vadd.f32 v16, v4;
	v5 =	vmul.f32 v2, v24  }
0x7ff: {  	v54 =	vld [tilespmem:$0x1E0A0];
	v3 =	vand.u32 $0x7FFFFFFF, v19;
	v6 =	vsub.f32 v6, v8;
	v8 =	vmul.f32 v0, v25  }
0x800: {  	v1 =	vadd.f32 v1, v3;
	v26 =	vsub.f32 v4, v5;
	v4 =	vmul.f32 v0, v30;
	v5 =	vld.idx.msk [tilespmem:v31+s13+$0x0], $0xffff  }
0x801: {  	v61 =	vld [tilespmem:$0x1E0F0];
	v7 =	vadd.f32 v7, v8;
	v8 =	vmul.f32 v2, v32;
	v6 =	vand.u32 $0x7FFFFFFF, v6  }
0x802: {  	v62 =	vld [tilespmem:$0x1E100];
	v1 =	vadd.f32 v1, v6;
	v4 =	vadd.f32 v23, v4;
	v6 =	vmul.f32 v2, v35  }
0x803: {  	v58 =	vld [tilespmem:$0x1E0E0];
	v3 =	vand.u32 $0x7FFFFFFF, v26;
	v7 =	vsub.f32 v7, v8;
	v8 =	vmul.f32 v0, v36  }
0x804: {  	v1 =	vadd.f32 v1, v3;
	v37 =	vsub.f32 v4, v6;
	v4 =	vmul.f32 v0, v38;
	v38 =	vld [tilespmem:$0x1FFA0]  }
0x805: {  	v5 =	vadd.f32 v5, v8;
	v8 =	vmul.f32 v2, v40;
	v7 =	vand.u32 $0x7FFFFFFF, v7;
	v40 =	vld [tilespmem:$0x1FFD0]  }
0x806: {  	v1 =	vadd.f32 v1, v7;
	v4 =	vadd.f32 v33, v4;
	v7 =	vmul.f32 v2, v42;
	v42 =	vld [tilespmem:$0x1FEB0]  }
0x807: {  	v3 =	vand.u32 $0x7FFFFFFF, v37;
	v5 =	vsub.f32 v5, v8;
	v8 =	vmul.f32 v0, v43;
	v43 =	vld [tilespmem:$0x1FEC0]  }
0x808: {  	v1 =	vadd.f32 v1, v3;
	v44 =	vsub.f32 v4, v7;
	v4 =	vmul.f32 v0, v45;
	v45 =	vld [tilespmem:$0x1FEE0]  }
0x809: {  	v6 =	vadd.f32 v39, v8;
	v8 =	vmul.f32 v2, v47;
	v5 =	vand.u32 $0x7FFFFFFF, v5;
	v39 =	vld [tilespmem:$0x1FFB0]  }
0x80a: {  	v47 =	vld [tilespmem:$0x1FF20];
	v1 =	vadd.f32 v1, v5;
	v4 =	vadd.f32 v41, v4;
	v5 =	vmul.f32 v2, v49  }
0x80b: {  	v3 =	vand.u32 $0x7FFFFFFF, v44;
	v41 =	vld [tilespmem:$0x1FEA0];
	v6 =	vsub.f32 v6, v8;
	v8 =	vmul.f32 v0, v50  }
0x80c: {  	v44 =	vld [tilespmem:$0x1FED0];
	v1 =	vadd.f32 v1, v3;
	v51 =	vsub.f32 v4, v5;
	v4 =	vmul.f32 v0, v52  }
0x80d: {  	v49 =	vld [tilespmem:$0x1FF50];
	v7 =	vadd.f32 v46, v8;
	v8 =	vmul.f32 v2, v54;
	v6 =	vand.u32 $0x7FFFFFFF, v6  }
0x80e: {  	v9 =	vmul.f32 v2, v56;
	v1 =	vadd.f32 v1, v6;
	v4 =	vadd.f32 v48, v4;
	v6 =	vld.idx.msk [tilespmem:v55+s13+$0x0], $0xffff  }
0x80f: {  	v50 =	vld [tilespmem:$0x1FF60];
	v3 =	vand.u32 $0x7FFFFFFF, v51;
	v7 =	vsub.f32 v7, v8;
	v8 =	vmul.f32 v0, v57  }
0x810: {  	v5 =	vmul.f32 v2, v61;
	v52 =	vld [tilespmem:$0x1FF80];
	v0 =	vmul.f32 v0, v58;
	v1 =	vadd.f32 v1, v3  }
0x811: {  	v61 =	vld [tilespmem:$0x1FF10];
	v59 =	vsub.f32 v4, v9;
	v60 =	vadd.f32 v53, v8;
	v7 =	vand.u32 $0x7FFFFFFF, v7  }
0x812: {  	v2 =	vmul.f32 v2, v62;
	v46 =	vld [tilespmem:$0x1FF00];
	v1 =	vadd.f32 v1, v7  }
0x813: {  	v54 =	vld [tilespmem:$0x1FFC0];
	v3 =	vand.u32 $0x7FFFFFFF, v59;
	v4 =	vsub.f32 v60, v5;
	v0 =	vadd.f32 v6, v0  }
0x814: {  	s21 =	sadd.s32 $0x1, s21;
	v62 =	vld [tilespmem:$0x1FF30];
	v1 =	vadd.f32 v1, v3  }
0x815: {  	p0 =	sne.s32 s21, $0x8;
	v48 =	vld [tilespmem:$0x1FF40];
	v0 =	vsub.f32 v0, v2;
	v63 =	vand.u32 $0x7FFFFFFF, v4  }
.Ltmp1:
0x816: {  	v51 =	vld [tilespmem:$0x1FF70];
	v1 =	vadd.f32 v1, v63;
	(pc) =	sbr.rel @p0 .LBB2_2-.Ltmp1, $4  }
0x817: {  	v55 =	vld [tilespmem:$0x1FFE0];
	v0 =	vand.u32 $0x7FFFFFFF, v0  }
0x818: {  	v53 =	vld [tilespmem:$0x1FF90];
	v0 =	vadd.f32 v1, v0  }
0x819: {  	s22 =	sadd.s32 $0x10, s22;
	v60 =	vld [tilespmem:$0x1FEF0]  }
0x81a: {  	s20 =	sadd.s32 $0x80, s20;
	v37 =	vlaneseq.u32;
	v63 =	vld [tilespmem:$0x1FFF0];
	[tilespmem:s22+$0x0] =	vst v0  }
0x81b: {  	v0 =	vld [tilespmem:$0x6C00]  }
0x81c: {  	v1 =	vld [tilespmem:$0x6E00]  }
0x81d: {  	v2 =	vld [tilespmem:$0x6C10]  }
0x81e: {  	v3 =	vld [tilespmem:$0x6E10]  }
0x81f: {  	v4 =	vld [tilespmem:$0x6C20]  }
0x820: {  	v5 =	vld [tilespmem:$0x6E20]  }
0x821: {  	v6 =	vld [tilespmem:$0x6C30]  }
0x822: {  	v7 =	vld [tilespmem:$0x6E30]  }
0x823: {  	v8 =	vld [tilespmem:$0x6C40]  }
0x824: {  	v9 =	vld [tilespmem:$0x6E40]  }
0x825: {  	v10 =	vld [tilespmem:$0x6C50]  }
0x826: {  	v11 =	vld [tilespmem:$0x6E50]  }
0x827: {  	v12 =	vld [tilespmem:$0x6C60]  }
0x828: {  	v13 =	vld [tilespmem:$0x6E60]  }
0x829: {  	v14 =	vld [tilespmem:$0x6C70]  }
0x82a: {  	v15 =	vld [tilespmem:$0x6E70]  }
0x82b: {  	v16 =	vld [tilespmem:$0x6C80]  }
0x82c: {  	v17 =	vld [tilespmem:$0x6E80]  }
0x82d: {  	v18 =	vld [tilespmem:$0x6C90]  }
0x82e: {  	v19 =	vld [tilespmem:$0x6E90]  }
0x82f: {  	v20 =	vld [tilespmem:$0x6CA0]  }
0x830: {  	v21 =	vld [tilespmem:$0x6EA0]  }
0x831: {  	v22 =	vld [tilespmem:$0x6CB0]  }
0x832: {  	v23 =	vld [tilespmem:$0x6EB0]  }
0x833: {  	v24 =	vld [tilespmem:$0x6CC0]  }
0x834: {  	v25 =	vld [tilespmem:$0x6EC0]  }
0x835: {  	v26 =	vld [tilespmem:$0x6CD0]  }
0x836: {  	v27 =	vld [tilespmem:$0x6ED0]  }
0x837: {  	v28 =	vld [tilespmem:$0x6CE0]  }
0x838: {  	v29 =	vld [tilespmem:$0x6EE0]  }
0x839: {  	v30 =	vld [tilespmem:$0x6CF0]  }
0x83a: {  	v31 =	vld [tilespmem:$0x6EF0]  }
0x83b: {  	v32 =	vld [tilespmem:$0x6D00]  }
0x83c: {  	v33 =	vld [tilespmem:$0x6F00]  }
0x83d: {  	v34 =	vld [tilespmem:$0x6D10]  }
0x83e: {  	v35 =	vld [tilespmem:$0x6F10]  }
0x83f: {  	v36 =	vld [tilespmem:$0x6D20]  }
0x840: {  	v0 =	vsub.f32 v0, v1;
	v1 =	vld [tilespmem:$0x6F20];
	v2 =	vsub.f32 v2, v3  }
0x841: {  	v3 =	vld [tilespmem:$0x6D30];
	v4 =	vsub.f32 v4, v5;
	v6 =	vsub.f32 v6, v7  }
0x842: {  	v5 =	vld [tilespmem:$0x6F30];
	v8 =	vsub.f32 v8, v9;
	v0 =	vadd.f32 $1.000000000e+00, v0  }
0x843: {  	v7 =	vld [tilespmem:$0x6D40];
	v56 =	vsub.f32 v10, v11;
	v2 =	vadd.f32 $1.000000000e+00, v2  }
0x844: {  	v9 =	vld [tilespmem:$0x6F40];
	v16 =	vsub.f32 v16, v17;
	v4 =	vadd.f32 $1.000000000e+00, v4;
	v0 =	vmax.f32 v0, $0.0e+00  }
0x845: {  	v10 =	vld [tilespmem:$0x6D50];
	v59 =	vadd.f32 $1.000000000e+00, v6;
	v56 =	vadd.f32 $1.000000000e+00, v56;
	v58 =	vmax.f32 v2, $0.0e+00;
	[tilespmem:$0x7000] =	vst v0  }
0x846: {  	v11 =	vld [tilespmem:$0x6F50];
	v57 =	vmax.f32 v4, $0.0e+00;
	[tilespmem:$0x7010] =	vst v58;
	v58 =	vadd.f32 $1.000000000e+00, v8;
	v8 =	vsub.f32 v12, v13  }
0x847: {  	v6 =	vld [tilespmem:$0x6FC0];
	v59 =	vmax.f32 v59, $0.0e+00;
	v17 =	vmax.f32 v56, $0.0e+00;
	[tilespmem:$0x7020] =	vst v57;
	v57 =	vsub.f32 v14, v15  }
0x848: {  	v56 =	vsub.f32 v18, v19;
	v18 =	vld [tilespmem:$0x6D90];
	[tilespmem:$0x7030] =	vst v59;
	v58 =	vmax.f32 v58, $0.0e+00;
	v59 =	vadd.f32 $1.000000000e+00, v8  }
0x849: {  	v19 =	vld [tilespmem:$0x6F90];
	v2 =	vadd.f32 $1.000000000e+00, v57;
	[tilespmem:$0x7040] =	vst v58;
	v58 =	vadd.f32 $1.000000000e+00, v16  }
0x84a: {  	v12 =	vld [tilespmem:$0x6D60];
	[tilespmem:$0x7050] =	vst v17;
	v57 =	vmax.f32 v59, $0.0e+00;
	v59 =	vsub.f32 v20, v21;
	v21 =	vadd.f32 $1.000000000e+00, v56  }
0x84b: {  	v13 =	vld [tilespmem:$0x6F60];
	v20 =	vmax.f32 v2, $0.0e+00;
	v56 =	vsub.f32 v22, v23;
	v23 =	vsub.f32 v26, v27;
	[tilespmem:$0x7060] =	vst v57  }
0x84c: {  	v14 =	vld [tilespmem:$0x6D70];
	v26 =	vsub.f32 v28, v29;
	[tilespmem:$0x7070] =	vst v20;
	v57 =	vmax.f32 v58, $0.0e+00;
	v58 =	vadd.f32 $1.000000000e+00, v59  }
0x84d: {  	v15 =	vld [tilespmem:$0x6F70];
	v29 =	vsub.f32 v30, v31;
	[tilespmem:$0x7080] =	vst v57;
	v21 =	vmax.f32 v21, $0.0e+00;
	v22 =	vadd.f32 $1.000000000e+00, v56  }
0x84e: {  	v17 =	vld [tilespmem:$0x6F80];
	v59 =	vsub.f32 v24, v25;
	v28 =	vadd.f32 $1.000000000e+00, v23;
	[tilespmem:$0x7090] =	vst v21;
	v24 =	vmax.f32 v58, $0.0e+00  }
0x84f: {  	v3 =	vsub.f32 v3, v5;
	v5 =	vld [tilespmem:$0x6DC0];
	v31 =	vadd.f32 $1.000000000e+00, v26;
	v27 =	vmax.f32 v22, $0.0e+00;
	[tilespmem:$0x70A0] =	vst v24  }
0x850: {  	v32 =	vsub.f32 v32, v33;
	v8 =	vld [tilespmem:$0x6FB0];
	v56 =	vadd.f32 $1.000000000e+00, v29;
	v33 =	vmax.f32 v28, $0.0e+00;
	[tilespmem:$0x70B0] =	vst v27  }
0x851: {  	v1 =	vsub.f32 v36, v1;
	v16 =	vld [tilespmem:$0x6D80];
	v25 =	vadd.f32 $1.000000000e+00, v59;
	v58 =	vmax.f32 v31, $0.0e+00;
	[tilespmem:$0x70D0] =	vst v33  }
0x852: {  	v20 =	vld [tilespmem:$0x6DA0];
	v26 =	vsub.f32 v7, v9;
	v59 =	vadd.f32 $1.000000000e+00, v32;
	v23 =	vmax.f32 v56, $0.0e+00;
	[tilespmem:$0x70E0] =	vst v58  }
0x853: {  	v29 =	vsub.f32 v10, v11;
	v7 =	vld [tilespmem:$0x6DD0];
	v28 =	vadd.f32 $1.000000000e+00, v3;
	[tilespmem:$0x70F0] =	vst v23;
	v30 =	vmax.f32 v25, $0.0e+00  }
0x854: {  	v57 =	vsub.f32 v34, v35;
	v21 =	vld [tilespmem:$0x6FA0];
	v31 =	vadd.f32 $1.000000000e+00, v26;
	v25 =	vmax.f32 v59, $0.0e+00;
	[tilespmem:$0x70C0] =	vst v30  }
0x855: {  	v1 =	vadd.f32 $1.000000000e+00, v1;
	v22 =	vld [tilespmem:$0x6DB0];
	v35 =	vadd.f32 $1.000000000e+00, v29;
	v34 =	vmax.f32 v28, $0.0e+00;
	[tilespmem:$0x7100] =	vst v25  }
0x856: {  	v36 =	vsub.f32 v14, v15;
	v56 =	vld [tilespmem:$0x6DE0];
	v24 =	vadd.f32 $1.000000000e+00, v57;
	v57 =	vmax.f32 v31, $0.0e+00;
	[tilespmem:$0x7130] =	vst v34  }
0x857: {  	v32 =	vsub.f32 v12, v13;
	v29 =	vld [tilespmem:$0x6FF0];
	v59 =	vsub.f32 v16, v17;
	v17 =	vmax.f32 v35, $0.0e+00;
	[tilespmem:$0x7140] =	vst v57  }
0x858: {  	v33 =	vld [tilespmem:$0x6FD0];
	v23 =	vadd.f32 $1.000000000e+00, v36;
	v27 =	vmax.f32 v24, $0.0e+00;
	[tilespmem:$0x7150] =	vst v17  }
0x859: {  	v58 =	vadd.f32 $1.000000000e+00, v32;
	v16 =	vld [tilespmem:$0x6FE0];
	v31 =	vsub.f32 v5, v6;
	v30 =	vmax.f32 v1, $0.0e+00;
	[tilespmem:$0x7110] =	vst v27  }
0x85a: {  	v24 =	vsub.f32 v18, v19;
	v25 =	vld [tilespmem:$0x6DF0];
	v2 =	vmax.f32 v23, $0.0e+00;
	[tilespmem:$0x7120] =	vst v30;
	v27 =	vadd.f32 $1.000000000e+00, v59  }
0x85b: {  	v26 =	vmax.f32 v58, $0.0e+00;
	v28 =	vsub.f32 v20, v21;
	[tilespmem:$0x7170] =	vst v2;
	v2 =	vadd.f32 $1.000000000e+00, v31  }
0x85c: {  	[tilespmem:$0x7160] =	vst v26;
	v30 =	vsub.f32 v22, v8;
	v3 =	vadd.f32 $1.000000000e+00, v24;
	v1 =	vmax.f32 v27, $0.0e+00  }
0x85d: {  	v4 =	vadd.f32 $1.000000000e+00, v28;
	v32 =	vsub.f32 v7, v33;
	v35 =	vmax.f32 v2, $0.0e+00;
	[tilespmem:$0x7180] =	vst v1  }
0x85e: {  	v3 =	vmax.f32 v3, $0.0e+00;
	v0 =	vadd.f32 $1.000000000e+00, v30;
	v33 =	vsub.f32 v56, v16;
	[tilespmem:$0x71C0] =	vst v35  }
0x85f: {  	[tilespmem:$0x7190] =	vst v3;
	v4 =	vmax.f32 v4, $0.0e+00;
	v34 =	vsub.f32 v25, v29;
	v1 =	vadd.f32 $1.000000000e+00, v32  }
0x860: {  	[tilespmem:$0x71A0] =	vst v4;
	v0 =	vmax.f32 v0, $0.0e+00;
	v36 =	vadd.f32 $1.000000000e+00, v33  }
0x861: {  	[tilespmem:$0x71B0] =	vst v0;
	v56 =	vmax.f32 v1, $0.0e+00;
	v57 =	vadd.f32 $1.000000000e+00, v34  }
0x862: {  	[tilespmem:$0x71D0] =	vst v56;
	v58 =	vmax.f32 v36, $0.0e+00  }
0x863: {  	[tilespmem:$0x71E0] =	vst v58;
	v59 =	vmax.f32 v57, $0.0e+00  }
0x864: {  	[tilespmem:$0x71F0] =	vst v59  }
0x865: {  	[hbm4b:s6+s2] =	stream.linear.scatter [tilespmem:s16], [sflag:$0x2], $0x200, $0x38;
	[tilespmem:$0x7200] =	vst v63  }
0x866: {  	_ =	swait.ge [sflag:s10], $0x200  }
0x867: {  	[sflag:s10] =	ssyncset.done $0x0  }
0x868: {  	[sflag:s10] =	ssyncadd.s32 $0xFFFFFE00  }
0x869: {  	[hbm4b:s7+s2] =	stream.linear.scatter [tilespmem:s17], [sflag:$0x2], $0x200, $0x38;
	[tilespmem:$0x7200] =	vst v63  }
0x86a: {  	s19 =	sadd.s32 $0x1, s19;
	_ =	swait.ge [sflag:s10], $0x200  }
0x86b: {  	p0 =	sne.s32 s19, s9;
	[sflag:s10] =	ssyncset.done $0x0  }
.Ltmp2:
0x86c: {  	[sflag:s10] =	ssyncadd.s32 $0xFFFFFE00;
	(pc) =	sbr.rel @p0 .LBB2_1-.Ltmp2, $4  }
0x86d: {  	[hbm4b:s8+s2] =	stream.linear.scatter [tilespmem:s18], [sflag:$0x2], $0x200, $0x38;
	[tilespmem:$0x7200] =	vst v63  }
0x86e: {  	_ =	swait.ge [sflag:s10], $0x200  }
0x86f: {  	[sflag:s10] =	ssyncset.done $0x0  }
0x870: {  	[sflag:s10] =	ssyncadd.s32 $0xFFFFFE00  }
0x871: {  	_ =	sfence.sel $0x180000  }
0x872: {  	[bflag:$0x0] =	sbarrier.arrive $0xFFFF  }
0x873: {  	p0 =	sne.s32 s0, $0x0;
	_ =	strace $0x90000047  }
0x874: {  	s0 =	sadd.s32 @!p0 $0x100000, s1;
	[bflag:$0x2] =	sbarrier.arrive $0xFFFF  }
0x875: {  	[sflag:s0] =	ssyncadd.tile.s32 @!p0 $0x1;
	_ =	shalt  }
.Lfunc_end2:
_tile_overlayer_lowered:
.L_overlay_start_2:
0x876: {  	(tag) =	ssettag $0x2  }
0x877: {  	s0 =	rddreg [dreg:$0x0];
	s2 =	stileid.u32  }
0x878: {  	s1 =	rddreg [dreg:$0x1];
	p0 =	sne.s32 s2, $0x0  }
0x879: {  	s3 =	rddreg [dreg:$0x2];
	[bflag:$0x3] =	sbarrier.arrive $0xFFFF;
	s2 =	simm.s32 @!p0 $0x1C02  }
0x87a: {  	[timem:s3], [sflag:s2] =	dma.local @!p0 [hbm:s0], s1  }
0x87b: {  	s0 =	simm.s32 @!p0 $0x2  }
0x87c: {  	_ =	swait.ge @!p0 [sflag:s0], s1  }
0x87d: {  	s1 =	ssub.s32 @!p0 $0x0, s1;
	[sflag:s0] =	ssyncset.done @!p0 $0x0  }
0x87e: {  	[sflag:s0] =	ssyncadd.s32 @!p0 s1  }
0x87f: {  	[bflag:$0x3] =	sbarrier.arrive $0xFFFF  }
0x880: {  	_ =	shalt  }

</sc_bundles>
